<compile_context>
chip_gen: v7x
topology: tpu7x:2x2x1
jax: 0.10.2.dev20260603
libtpu: 0.0.44.dev20260713+nightly
codegen_flags: <defaults>
</compile_context>

<pallas_src>
import functools

import jax
import jax.numpy as jnp
from jax import lax
from jax.experimental import pallas as pl
from jax.experimental.pallas import tpu as pltpu
from jax.experimental.pallas import tpu_sc as plsc

EMB = 128
LANES = 16
COLS = EMB // LANES

def _swish(x):
    return x / (1.0 + jnp.exp(-x))


def _pack_cols(y):
    u = lax.bitcast_convert_type(y.astype(jnp.bfloat16), jnp.uint16)
    u = u.astype(jnp.uint32)
    lo = jnp.concatenate([u[..., 32 * t:32 * t + 16] for t in range(4)],
                         axis=-1)
    hi = jnp.concatenate([u[..., 32 * t + 16:32 * t + 32] for t in range(4)],
                         axis=-1)
    return lax.bitcast_convert_type(lo | (hi << 16), jnp.float32)


def _tables_body(emb_ref, wp_ref, b12_ref):
    e = emb_ref[...]
    b1 = jnp.dot(e, wp_ref[0:EMB, :], preferred_element_type=jnp.float32)
    b2 = jnp.dot(e, wp_ref[EMB:2 * EMB, :], preferred_element_type=jnp.float32)
    b12_ref[...] = b1[:, None, :] + b2[None, :, :]


def _y_body(rbft_ref, wr_ref, br_ref, w3_ref, b_ref, y2_ref):
    rt = rbft_ref[...]
    t = lax.dot_general(rt, wr_ref[...], (((0,), (0,)), ((), ())),
                        preferred_element_type=jnp.float32)
    t = t + br_ref[...]
    s = jax.nn.swish(t).astype(jnp.bfloat16)
    y = jnp.dot(s, w3_ref[...], preferred_element_type=jnp.float32)
    y = y + b_ref[...]
    y2_ref[...] = pltpu.bitcast(y.astype(jnp.bfloat16), jnp.float32)


def _sc_body(n_chunks, chunk, per_worker, nv_pad, b12_hbm, z_hbm, ii_hbm,
             ij_hbm, y2_hbm, out_hbm, z_v, ii_v, ij_v, zp_v, gb, yb, ob,
             si0, si1, sg0, sg1, so0, so1):
    wid = lax.axis_index("s") * 2 + lax.axis_index("c")
    base = wid * per_worker
    si = (si0, si1)
    sg = (sg0, sg1)
    so = (so0, so1)
    last = n_chunks - 1
    half = chunk // 2

    pltpu.sync_copy(z_hbm, z_v)

    def _off(c):
        loc = jnp.minimum(jnp.minimum(c, last) * chunk, per_worker - chunk)
        return pl.multiple_of(base + loc, 16)

    def fire_idx(c, b):
        off = _off(c)
        pltpu.make_async_copy(ii_hbm.at[pl.ds(off, chunk)], ii_v.at[b],
                              si[b]).start()
        pltpu.make_async_copy(ij_hbm.at[pl.ds(off, chunk)], ij_v.at[b],
                              si[b]).start()

    def wait_idx(b):
        pltpu.make_async_copy(ii_hbm.at[pl.ds(0, chunk)], ii_v.at[b],
                              si[b]).wait()
        pltpu.make_async_copy(ij_hbm.at[pl.ds(0, chunk)], ij_v.at[b],
                              si[b]).wait()

    def fire_y(c, b):
        off2 = pl.multiple_of(_off(c) // 2, 8)
        pltpu.make_async_copy(y2_hbm.at[pl.ds(off2, half)], yb.at[b],
                              sg[b]).start()

    def _z_lookup(idx):
        zr = plsc.load_gather(z_v, [lax.shift_right_logical(idx, 1)])
        odd = lax.bitwise_and(idx, 1)
        return jnp.where(odd == 1, lax.shift_right_logical(zr, 16),
                         lax.bitwise_and(zr, 0xFFFF))

    def index_and_fire_gathers(b):
        @plsc.parallel_loop(0, chunk // LANES)
        def index_body(g):
            sl = pl.ds(g * LANES, LANES)
            zi = _z_lookup(ii_v[b, sl])
            zj = _z_lookup(ij_v[b, sl])
            zp_v[b, sl] = zi * nv_pad + zj

        pltpu.make_async_copy(b12_hbm.at[zp_v.at[b]], gb.at[b], sg[b]).start()

    def wait_gy(b):
        pltpu.make_async_copy(y2_hbm.at[pl.ds(0, half)], yb.at[b],
                              sg[b]).wait()
        pltpu.make_async_copy(b12_hbm.at[zp_v.at[b]], gb.at[b], sg[b]).wait()

    def compute(b):
        @plsc.parallel_loop(0, half)
        def row_body(r):
            e0 = 2 * r
            e1 = e0 + 1
            for q in range(COLS):
                sl = pl.ds(q * LANES, LANES)
                y0, y1 = plsc.unpack(
                    plsc.bitcast(yb[b, r, sl], jnp.bfloat16),
                    format=plsc.PackFormat.INTERLEAVED,
                    preferred_element_type=jnp.float32)
                ob[b, e0, sl] = _swish(gb[b, e0, sl] + y0)
                ob[b, e1, sl] = _swish(gb[b, e1, sl] + y1)

    def fire_out(c, b):
        pltpu.make_async_copy(ob.at[b], out_hbm.at[pl.ds(_off(c), chunk)],
                              so[b]).start()

    def wait_out(b):
        pltpu.make_async_copy(ob.at[b], out_hbm.at[pl.ds(0, chunk)],
                              so[b]).wait()

    fire_idx(0, 0)
    fire_y(0, 0)
    fire_idx(1, 1)
    fire_y(1, 1)
    wait_idx(0)
    index_and_fire_gathers(0)

    n_pairs = n_chunks // 2

    def pair_body(p, _):
        c = 2 * p
        fire_idx(c + 2, 0)
        wait_idx(1)
        index_and_fire_gathers(1)
        wait_gy(0)

        @pl.when(p > 0)
        def _():
            wait_out(0)

        compute(0)
        fire_out(c, 0)
        fire_y(c + 2, 0)
        wait_idx(0)
        index_and_fire_gathers(0)
        wait_gy(1)

        @pl.when(p > 0)
        def _():
            wait_out(1)

        compute(1)
        fire_out(c + 1, 1)
        fire_idx(c + 3, 1)
        fire_y(c + 3, 1)
        return 0

    lax.fori_loop(0, n_pairs, pair_body, 0)

    wait_gy(0)
    wait_out(0)
    compute(0)
    fire_out(last, 0)
    wait_idx(1)
    pltpu.make_async_copy(y2_hbm.at[pl.ds(0, half)], yb.at[1], sg[1]).wait()
    wait_out(1)
    wait_out(0)


def kernel(Z, rbf, idnb_i, idnb_j, embeddings, W_rbf, b_rbf, W, b):
    n_edges = rbf.shape[0]
    n_atoms = Z.shape[0]
    nv = embeddings.shape[0]
    nr = rbf.shape[1]
    nv_pad = ((nv + 7) // 8) * 8
    emb_p = jnp.pad(embeddings, ((0, nv_pad - nv), (0, 0)))
    b12 = pl.pallas_call(
        _tables_body,
        out_shape=jax.ShapeDtypeStruct((nv_pad, nv_pad, EMB), jnp.float32),
    )(emb_p, W[0:2 * EMB])
    b12 = b12.reshape(nv_pad * nv_pad, EMB)

    blk = 6400
    grid = n_edges // blk
    rbf_t = rbf.T
    y2 = pl.pallas_call(
        _y_body,
        grid=(grid,),
        in_specs=[
            pl.BlockSpec((nr, blk), lambda i: (0, i)),
            pl.BlockSpec((nr, EMB), lambda i: (0, 0)),
            pl.BlockSpec((1, EMB), lambda i: (0, 0)),
            pl.BlockSpec((EMB, EMB), lambda i: (0, 0)),
            pl.BlockSpec((1, EMB), lambda i: (0, 0)),
        ],
        out_specs=pl.BlockSpec((blk // 2, EMB), lambda i: (i, 0)),
        out_shape=jax.ShapeDtypeStruct((n_edges // 2, EMB), jnp.float32),
    )(rbf_t, W_rbf, b_rbf.reshape(1, EMB),
      W[2 * EMB:3 * EMB, :].astype(jnp.bfloat16), b.reshape(1, EMB))

    n_workers = 32
    per_worker = n_edges // n_workers
    chunk = 128
    n_chunks = -(-per_worker // chunk)
    if n_chunks % 2 == 0:
        n_chunks += 1

    mesh = plsc.VectorSubcoreMesh(core_axis_name="c", subcore_axis_name="s",
                                  num_cores=2, num_subcores=16)
    sc = pl.kernel(
        functools.partial(_sc_body, n_chunks, chunk, per_worker, nv_pad),
        out_type=jax.ShapeDtypeStruct((n_edges, EMB), jnp.float32),
        mesh=mesh,
        scratch_types=[
            pltpu.VMEM((n_atoms // 2,), jnp.int32),
            pltpu.VMEM((2, chunk), jnp.int32),
            pltpu.VMEM((2, chunk), jnp.int32),
            pltpu.VMEM((2, chunk), jnp.int32),
            pltpu.VMEM((2, chunk, EMB), jnp.float32),
            pltpu.VMEM((2, chunk // 2, EMB), jnp.float32),
            pltpu.VMEM((2, chunk, EMB), jnp.float32),
            pltpu.SemaphoreType.DMA,
            pltpu.SemaphoreType.DMA,
            pltpu.SemaphoreType.DMA,
            pltpu.SemaphoreType.DMA,
            pltpu.SemaphoreType.DMA,
            pltpu.SemaphoreType.DMA,
        ],
        compiler_params=pltpu.CompilerParams(needs_layout_passes=False),
    )
    z32 = Z.astype(jnp.int32)
    z_pk = z32[0::2] | (z32[1::2] << 16)
    return sc(b12, z_pk, idnb_i.astype(jnp.int32),
              idnb_j.astype(jnp.int32), y2)

# --- scband reference (transcript-rebuilt; emitter-appended) ---
"""Pipeline reference for scband-embedding-block-57612691308553 (READ-ONLY COPY).

The authoritative reference and input builder live on the scoring server;
editing this copy changes nothing except your own understanding.
"""

import jax, jax.numpy as jnp
import numpy as np

N_ATOMS = 10000
N_EDGES = 320000
NUM_RADIAL = 16
EMB_SIZE = 128


def setup_inputs(seed: int = 0) -> dict:
    key = jax.random.key(seed)
    ks = jax.random.split(key, 9)
    Z = jax.random.randint(ks[0], (N_ATOMS,), 0, 95, dtype=jnp.int64 if jax.config.jax_enable_x64 else jnp.int32)
    rbf = jax.random.normal(ks[1], (N_EDGES, NUM_RADIAL), dtype=jnp.float32)
    idnb_i = jax.random.randint(ks[2], (N_EDGES,), 0, N_ATOMS)
    idnb_j = jax.random.randint(ks[3], (N_EDGES,), 0, N_ATOMS)
    s3 = float(np.sqrt(3.0))
    embeddings = jax.random.uniform(ks[4], (95, EMB_SIZE), minval=-s3, maxval=s3, dtype=jnp.float32)
    # Dense for rbf: NUM_RADIAL -> EMB_SIZE (glorot-orthogonal approximated by glorot-scaled normal)
    W_rbf = jax.random.normal(ks[5], (NUM_RADIAL, EMB_SIZE), dtype=jnp.float32) * np.sqrt(2.0 / (NUM_RADIAL + EMB_SIZE))
    b_rbf = jnp.zeros((EMB_SIZE,), dtype=jnp.float32)
    # Dense after concat: 3*EMB_SIZE -> EMB_SIZE
    W = jax.random.normal(ks[6], (3 * EMB_SIZE, EMB_SIZE), dtype=jnp.float32) * np.sqrt(2.0 / (3 * EMB_SIZE + EMB_SIZE))
    b = jnp.zeros((EMB_SIZE,), dtype=jnp.float32)
    return {"Z": Z, "rbf": rbf, "idnb_i": idnb_i, "idnb_j": idnb_j,
            "embeddings": embeddings, "W_rbf": W_rbf, "b_rbf": b_rbf, "W": W, "b": b}


def reference(Z, rbf, idnb_i, idnb_j, embeddings, W_rbf, b_rbf, W, b):
    rbf_t = jax.nn.swish(rbf @ W_rbf + b_rbf)
    x = jnp.take(embeddings, Z, axis=0)
    x1 = jnp.take(x, idnb_i, axis=0)
    x2 = jnp.take(x, idnb_j, axis=0)
    cat = jnp.concatenate([x1, x2, rbf_t], axis=-1)
    out = jax.nn.swish(cat @ W + b)
    return out

if __name__ == "__main__":
    import jax
    _d = setup_inputs()
    print(jax.jit(kernel)(*tuple(_d.values())))

</pallas_src>

<mosaic_0001>
#map = affine_map<(d0, d1) -> (0, 0)>
#map1 = affine_map<(d0, d1) -> (0)>
module attributes {stable_mosaic.version = 14 : i64} {
  func.func @_sc_body(%arg0: i32, %arg1: i32, %arg2: memref<9216x128xf32, #tpu.memory_space<hbm>>, %arg3: memref<5000xi32, #tpu.memory_space<hbm>>, %arg4: memref<320000xi32, #tpu.memory_space<hbm>>, %arg5: memref<320000xi32, #tpu.memory_space<hbm>>, %arg6: memref<160000x128xf32, #tpu.memory_space<hbm>>, %arg7: memref<320000x128xf32, #tpu.memory_space<hbm>>, %arg8: memref<5000xi32, #tpu.memory_space<vmem>>, %arg9: memref<2x128xi32, #tpu.memory_space<vmem>>, %arg10: memref<2x128xi32, #tpu.memory_space<vmem>>, %arg11: memref<2x128xi32, #tpu.memory_space<vmem>>, %arg12: memref<2x128x128xf32, #tpu.memory_space<vmem>>, %arg13: memref<2x64x128xf32, #tpu.memory_space<vmem>>, %arg14: memref<2x128x128xf32, #tpu.memory_space<vmem>>, %arg15: memref<!tpu.dma_semaphore, #tpu.memory_space<semaphore_mem>>, %arg16: memref<!tpu.dma_semaphore, #tpu.memory_space<semaphore_mem>>, %arg17: memref<!tpu.dma_semaphore, #tpu.memory_space<semaphore_mem>>, %arg18: memref<!tpu.dma_semaphore, #tpu.memory_space<semaphore_mem>>, %arg19: memref<!tpu.dma_semaphore, #tpu.memory_space<semaphore_mem>>, %arg20: memref<!tpu.dma_semaphore, #tpu.memory_space<semaphore_mem>>) attributes {dimension_semantics = [#tpu.dimension_semantics<core_parallel>, #tpu.dimension_semantics<subcore_parallel>], iteration_bounds = array<i64: 2, 16>, scalar_prefetch = 0 : i64, scratch_operands = 13 : i64, tpu.core_type = #tpu.core_type<sc_vector_subcore>, window_params = [{transform_indices = #map}, {transform_indices = #map1}, {transform_indices = #map1}, {transform_indices = #map1}, {transform_indices = #map}, {transform_indices = #map}]} {
    %mul3A = arith.constant 2 : i32
    %mul3A_0 = arith.muli %arg1, %mul3A : i32
    %add3A = arith.addi %mul3A_0, %arg0 : i32
    %mul3A_1 = arith.constant 10000 : i32
    %mul3A_2 = arith.muli %add3A, %mul3A_1 : i32
    "tpu.region"() ({
      %run_scoped3A = tpu.sem_alloc : memref<!tpu.dma_semaphore, #tpu.memory_space<semaphore_mem>>
      tpu.enqueue_dma source(%arg3 : memref<5000xi32, #tpu.memory_space<hbm>>) target(%arg8 : memref<5000xi32, #tpu.memory_space<vmem>>) target_semaphore(%run_scoped3A : memref<!tpu.dma_semaphore, #tpu.memory_space<semaphore_mem>>)
      tpu.wait_dma2 semaphore(%run_scoped3A : memref<!tpu.dma_semaphore, #tpu.memory_space<semaphore_mem>>) src(%arg3 : memref<5000xi32, #tpu.memory_space<hbm>>) dst(%arg8 : memref<5000xi32, #tpu.memory_space<vmem>>)
      tpu.yield
    }) : () -> ()
    %min3A = arith.constant 0 : i32
    %min3A_3 = arith.constant 78 : i32
    %min3A_4 = arith.minsi %min3A, %min3A_3 : i32
    %mul3A_5 = arith.constant 128 : i32
    %mul3A_6 = arith.muli %min3A_4, %mul3A_5 : i32
    %min3A_7 = arith.constant 9872 : i32
    %min3A_8 = arith.minsi %mul3A_6, %min3A_7 : i32
    %add3A_9 = arith.addi %mul3A_2, %min3A_8 : i32
    %multiple_of3A = tpu.assume_multiple %add3A_9, 16 : i32
    %dma_start3A = arith.constant 0 : i32
    %dma_start3A_10 = arith.constant 0 : i32
    %dma_start3A_11 = tpu.memref_slice %arg9[%dma_start3A, %dma_start3A_10] : memref<2x128xi32, #tpu.memory_space<vmem>> -> memref<1x128xi32, #tpu.memory_space<vmem>>
    %dma_start3A_12 = tpu.memref_squeeze %dma_start3A_11 : memref<1x128xi32, #tpu.memory_space<vmem>> -> memref<128xi32, #tpu.memory_space<vmem>>
    %dma_start3A_13 = tpu.memref_slice %arg4[%multiple_of3A] : memref<320000xi32, #tpu.memory_space<hbm>> -> memref<128xi32, #tpu.memory_space<hbm>>
    %dma_start3A_14 = arith.constant 0 : i32
    %dma_start3A_15 = tpu.memref_slice %arg9[%dma_start3A, %dma_start3A_14] : memref<2x128xi32, #tpu.memory_space<vmem>> -> memref<1x128xi32, #tpu.memory_space<vmem>>
    %dma_start3A_16 = tpu.memref_squeeze %dma_start3A_15 : memref<1x128xi32, #tpu.memory_space<vmem>> -> memref<128xi32, #tpu.memory_space<vmem>>
    %dma_start3A_17 = tpu.memref_slice %arg4[%multiple_of3A] : memref<320000xi32, #tpu.memory_space<hbm>> -> memref<128xi32, #tpu.memory_space<hbm>>
    tpu.enqueue_dma source(%dma_start3A_17 : memref<128xi32, #tpu.memory_space<hbm>>) target(%dma_start3A_16 : memref<128xi32, #tpu.memory_space<vmem>>) target_semaphore(%arg15 : memref<!tpu.dma_semaphore, #tpu.memory_space<semaphore_mem>>)
    %dma_start3A_18 = arith.constant 0 : i32
    %dma_start3A_19 = arith.constant 0 : i32
    %dma_start3A_20 = tpu.memref_slice %arg10[%dma_start3A_18, %dma_start3A_19] : memref<2x128xi32, #tpu.memory_space<vmem>> -> memref<1x128xi32, #tpu.memory_space<vmem>>
    %dma_start3A_21 = tpu.memref_squeeze %dma_start3A_20 : memref<1x128xi32, #tpu.memory_space<vmem>> -> memref<128xi32, #tpu.memory_space<vmem>>
    %dma_start3A_22 = tpu.memref_slice %arg5[%multiple_of3A] : memref<320000xi32, #tpu.memory_space<hbm>> -> memref<128xi32, #tpu.memory_space<hbm>>
    %dma_start3A_23 = arith.constant 0 : i32
    %dma_start3A_24 = tpu.memref_slice %arg10[%dma_start3A_18, %dma_start3A_23] : memref<2x128xi32, #tpu.memory_space<vmem>> -> memref<1x128xi32, #tpu.memory_space<vmem>>
    %dma_start3A_25 = tpu.memref_squeeze %dma_start3A_24 : memref<1x128xi32, #tpu.memory_space<vmem>> -> memref<128xi32, #tpu.memory_space<vmem>>
    %dma_start3A_26 = tpu.memref_slice %arg5[%multiple_of3A] : memref<320000xi32, #tpu.memory_space<hbm>> -> memref<128xi32, #tpu.memory_space<hbm>>
    tpu.enqueue_dma source(%dma_start3A_26 : memref<128xi32, #tpu.memory_space<hbm>>) target(%dma_start3A_25 : memref<128xi32, #tpu.memory_space<vmem>>) target_semaphore(%arg15 : memref<!tpu.dma_semaphore, #tpu.memory_space<semaphore_mem>>)
    %min3A_27 = arith.constant 0 : i32
    %min3A_28 = arith.constant 78 : i32
    %min3A_29 = arith.minsi %min3A_27, %min3A_28 : i32
    %mul3A_30 = arith.constant 128 : i32
    %mul3A_31 = arith.muli %min3A_29, %mul3A_30 : i32
    %min3A_32 = arith.constant 9872 : i32
    %min3A_33 = arith.minsi %mul3A_31, %min3A_32 : i32
    %add3A_34 = arith.addi %mul3A_2, %min3A_33 : i32
    %multiple_of3A_35 = tpu.assume_multiple %add3A_34, 16 : i32
    %jit3A = arith.constant 2 : i32
    %div3A = arith.divsi %multiple_of3A_35, %jit3A : i32
    %sign3A = arith.constant 0 : i32
    %sign3A_36 = arith.cmpi sgt, %multiple_of3A_35, %sign3A : i32
    %sign3A_37 = arith.extui %sign3A_36 : i1 to i32
    %sign3A_38 = arith.constant 0 : i32
    %sign3A_39 = arith.cmpi slt, %multiple_of3A_35, %sign3A_38 : i32
    %sign3A_40 = arith.extui %sign3A_39 : i1 to i32
    %sign3A_41 = arith.subi %sign3A_37, %sign3A_40 : i32
    %sign3A_42 = arith.constant 0 : i32
    %sign3A_43 = arith.cmpi sgt, %jit3A, %sign3A_42 : i32
    %sign3A_44 = arith.extui %sign3A_43 : i1 to i32
    %sign3A_45 = arith.constant 0 : i32
    %sign3A_46 = arith.cmpi slt, %jit3A, %sign3A_45 : i32
    %sign3A_47 = arith.extui %sign3A_46 : i1 to i32
    %sign3A_48 = arith.subi %sign3A_44, %sign3A_47 : i32
    %ne3A = arith.cmpi ne, %sign3A_41, %sign3A_48 : i32
    %rem3A = arith.remsi %multiple_of3A_35, %jit3A : i32
    %ne3A_49 = arith.constant 0 : i32
    %ne3A_50 = arith.cmpi ne, %rem3A, %ne3A_49 : i32
    %and3A = arith.andi %ne3A, %ne3A_50 : i1
    %sub3A = arith.constant 1 : i32
    %sub3A_51 = arith.subi %div3A, %sub3A : i32
    %select_n3A = arith.select %and3A, %sub3A_51, %div3A : i32
    %multiple_of3A_52 = tpu.assume_multiple %select_n3A, 8 : i32
    %dma_start3A_53 = arith.constant 0 : i32
    %dma_start3A_54 = arith.constant 0 : i32
    %dma_start3A_55 = arith.constant 0 : i32
    %dma_start3A_56 = tpu.memref_slice %arg13[%dma_start3A_53, %dma_start3A_54, %dma_start3A_55] : memref<2x64x128xf32, #tpu.memory_space<vmem>> -> memref<1x64x128xf32, #tpu.memory_space<vmem>>
    %dma_start3A_57 = tpu.memref_squeeze %dma_start3A_56 : memref<1x64x128xf32, #tpu.memory_space<vmem>> -> memref<64x128xf32, #tpu.memory_space<vmem>>
    %dma_start3A_58 = arith.constant 0 : i32
    %dma_start3A_59 = tpu.memref_slice %arg6[%multiple_of3A_52, %dma_start3A_58] : memref<160000x128xf32, #tpu.memory_space<hbm>> -> memref<64x128xf32, #tpu.memory_space<hbm>>
    %dma_start3A_60 = arith.constant 0 : i32
    %dma_start3A_61 = arith.constant 0 : i32
    %dma_start3A_62 = tpu.memref_slice %arg13[%dma_start3A_53, %dma_start3A_60, %dma_start3A_61] : memref<2x64x128xf32, #tpu.memory_space<vmem>> -> memref<1x64x128xf32, #tpu.memory_space<vmem>>
    %dma_start3A_63 = tpu.memref_squeeze %dma_start3A_62 : memref<1x64x128xf32, #tpu.memory_space<vmem>> -> memref<64x128xf32, #tpu.memory_space<vmem>>
    %dma_start3A_64 = arith.constant 0 : i32
    %dma_start3A_65 = tpu.memref_slice %arg6[%multiple_of3A_52, %dma_start3A_64] : memref<160000x128xf32, #tpu.memory_space<hbm>> -> memref<64x128xf32, #tpu.memory_space<hbm>>
    tpu.enqueue_dma source(%dma_start3A_65 : memref<64x128xf32, #tpu.memory_space<hbm>>) target(%dma_start3A_63 : memref<64x128xf32, #tpu.memory_space<vmem>>) target_semaphore(%arg17 : memref<!tpu.dma_semaphore, #tpu.memory_space<semaphore_mem>>)
    %min3A_66 = arith.constant 1 : i32
    %min3A_67 = arith.constant 78 : i32
    %min3A_68 = arith.minsi %min3A_66, %min3A_67 : i32
    %mul3A_69 = arith.constant 128 : i32
    %mul3A_70 = arith.muli %min3A_68, %mul3A_69 : i32
    %min3A_71 = arith.constant 9872 : i32
    %min3A_72 = arith.minsi %mul3A_70, %min3A_71 : i32
    %add3A_73 = arith.addi %mul3A_2, %min3A_72 : i32
    %multiple_of3A_74 = tpu.assume_multiple %add3A_73, 16 : i32
    %dma_start3A_75 = arith.constant 1 : i32
    %dma_start3A_76 = arith.constant 0 : i32
    %dma_start3A_77 = tpu.memref_slice %arg9[%dma_start3A_75, %dma_start3A_76] : memref<2x128xi32, #tpu.memory_space<vmem>> -> memref<1x128xi32, #tpu.memory_space<vmem>>
    %dma_start3A_78 = tpu.memref_squeeze %dma_start3A_77 : memref<1x128xi32, #tpu.memory_space<vmem>> -> memref<128xi32, #tpu.memory_space<vmem>>
    %dma_start3A_79 = tpu.memref_slice %arg4[%multiple_of3A_74] : memref<320000xi32, #tpu.memory_space<hbm>> -> memref<128xi32, #tpu.memory_space<hbm>>
    %dma_start3A_80 = arith.constant 0 : i32
    %dma_start3A_81 = tpu.memref_slice %arg9[%dma_start3A_75, %dma_start3A_80] : memref<2x128xi32, #tpu.memory_space<vmem>> -> memref<1x128xi32, #tpu.memory_space<vmem>>
    %dma_start3A_82 = tpu.memref_squeeze %dma_start3A_81 : memref<1x128xi32, #tpu.memory_space<vmem>> -> memref<128xi32, #tpu.memory_space<vmem>>
    %dma_start3A_83 = tpu.memref_slice %arg4[%multiple_of3A_74] : memref<320000xi32, #tpu.memory_space<hbm>> -> memref<128xi32, #tpu.memory_space<hbm>>
    tpu.enqueue_dma source(%dma_start3A_83 : memref<128xi32, #tpu.memory_space<hbm>>) target(%dma_start3A_82 : memref<128xi32, #tpu.memory_space<vmem>>) target_semaphore(%arg16 : memref<!tpu.dma_semaphore, #tpu.memory_space<semaphore_mem>>)
    %dma_start3A_84 = arith.constant 1 : i32
    %dma_start3A_85 = arith.constant 0 : i32
    %dma_start3A_86 = tpu.memref_slice %arg10[%dma_start3A_84, %dma_start3A_85] : memref<2x128xi32, #tpu.memory_space<vmem>> -> memref<1x128xi32, #tpu.memory_space<vmem>>
    %dma_start3A_87 = tpu.memref_squeeze %dma_start3A_86 : memref<1x128xi32, #tpu.memory_space<vmem>> -> memref<128xi32, #tpu.memory_space<vmem>>
    %dma_start3A_88 = tpu.memref_slice %arg5[%multiple_of3A_74] : memref<320000xi32, #tpu.memory_space<hbm>> -> memref<128xi32, #tpu.memory_space<hbm>>
    %dma_start3A_89 = arith.constant 0 : i32
    %dma_start3A_90 = tpu.memref_slice %arg10[%dma_start3A_84, %dma_start3A_89] : memref<2x128xi32, #tpu.memory_space<vmem>> -> memref<1x128xi32, #tpu.memory_space<vmem>>
    %dma_start3A_91 = tpu.memref_squeeze %dma_start3A_90 : memref<1x128xi32, #tpu.memory_space<vmem>> -> memref<128xi32, #tpu.memory_space<vmem>>
    %dma_start3A_92 = tpu.memref_slice %arg5[%multiple_of3A_74] : memref<320000xi32, #tpu.memory_space<hbm>> -> memref<128xi32, #tpu.memory_space<hbm>>
    tpu.enqueue_dma source(%dma_start3A_92 : memref<128xi32, #tpu.memory_space<hbm>>) target(%dma_start3A_91 : memref<128xi32, #tpu.memory_space<vmem>>) target_semaphore(%arg16 : memref<!tpu.dma_semaphore, #tpu.memory_space<semaphore_mem>>)
    %min3A_93 = arith.constant 1 : i32
    %min3A_94 = arith.constant 78 : i32
    %min3A_95 = arith.minsi %min3A_93, %min3A_94 : i32
    %mul3A_96 = arith.constant 128 : i32
    %mul3A_97 = arith.muli %min3A_95, %mul3A_96 : i32
    %min3A_98 = arith.constant 9872 : i32
    %min3A_99 = arith.minsi %mul3A_97, %min3A_98 : i32
    %add3A_100 = arith.addi %mul3A_2, %min3A_99 : i32
    %multiple_of3A_101 = tpu.assume_multiple %add3A_100, 16 : i32
    %jit3A_102 = arith.constant 2 : i32
    %div3A_103 = arith.divsi %multiple_of3A_101, %jit3A_102 : i32
    %sign3A_104 = arith.constant 0 : i32
    %sign3A_105 = arith.cmpi sgt, %multiple_of3A_101, %sign3A_104 : i32
    %sign3A_106 = arith.extui %sign3A_105 : i1 to i32
    %sign3A_107 = arith.constant 0 : i32
    %sign3A_108 = arith.cmpi slt, %multiple_of3A_101, %sign3A_107 : i32
    %sign3A_109 = arith.extui %sign3A_108 : i1 to i32
    %sign3A_110 = arith.subi %sign3A_106, %sign3A_109 : i32
    %sign3A_111 = arith.constant 0 : i32
    %sign3A_112 = arith.cmpi sgt, %jit3A_102, %sign3A_111 : i32
    %sign3A_113 = arith.extui %sign3A_112 : i1 to i32
    %sign3A_114 = arith.constant 0 : i32
    %sign3A_115 = arith.cmpi slt, %jit3A_102, %sign3A_114 : i32
    %sign3A_116 = arith.extui %sign3A_115 : i1 to i32
    %sign3A_117 = arith.subi %sign3A_113, %sign3A_116 : i32
    %ne3A_118 = arith.cmpi ne, %sign3A_110, %sign3A_117 : i32
    %rem3A_119 = arith.remsi %multiple_of3A_101, %jit3A_102 : i32
    %ne3A_120 = arith.constant 0 : i32
    %ne3A_121 = arith.cmpi ne, %rem3A_119, %ne3A_120 : i32
    %and3A_122 = arith.andi %ne3A_118, %ne3A_121 : i1
    %sub3A_123 = arith.constant 1 : i32
    %sub3A_124 = arith.subi %div3A_103, %sub3A_123 : i32
    %select_n3A_125 = arith.select %and3A_122, %sub3A_124, %div3A_103 : i32
    %multiple_of3A_126 = tpu.assume_multiple %select_n3A_125, 8 : i32
    %dma_start3A_127 = arith.constant 1 : i32
    %dma_start3A_128 = arith.constant 0 : i32
    %dma_start3A_129 = arith.constant 0 : i32
    %dma_start3A_130 = tpu.memref_slice %arg13[%dma_start3A_127, %dma_start3A_128, %dma_start3A_129] : memref<2x64x128xf32, #tpu.memory_space<vmem>> -> memref<1x64x128xf32, #tpu.memory_space<vmem>>
    %dma_start3A_131 = tpu.memref_squeeze %dma_start3A_130 : memref<1x64x128xf32, #tpu.memory_space<vmem>> -> memref<64x128xf32, #tpu.memory_space<vmem>>
    %dma_start3A_132 = arith.constant 0 : i32
    %dma_start3A_133 = tpu.memref_slice %arg6[%multiple_of3A_126, %dma_start3A_132] : memref<160000x128xf32, #tpu.memory_space<hbm>> -> memref<64x128xf32, #tpu.memory_space<hbm>>
    %dma_start3A_134 = arith.constant 0 : i32
    %dma_start3A_135 = arith.constant 0 : i32
    %dma_start3A_136 = tpu.memref_slice %arg13[%dma_start3A_127, %dma_start3A_134, %dma_start3A_135] : memref<2x64x128xf32, #tpu.memory_space<vmem>> -> memref<1x64x128xf32, #tpu.memory_space<vmem>>
    %dma_start3A_137 = tpu.memref_squeeze %dma_start3A_136 : memref<1x64x128xf32, #tpu.memory_space<vmem>> -> memref<64x128xf32, #tpu.memory_space<vmem>>
    %dma_start3A_138 = arith.constant 0 : i32
    %dma_start3A_139 = tpu.memref_slice %arg6[%multiple_of3A_126, %dma_start3A_138] : memref<160000x128xf32, #tpu.memory_space<hbm>> -> memref<64x128xf32, #tpu.memory_space<hbm>>
    tpu.enqueue_dma source(%dma_start3A_139 : memref<64x128xf32, #tpu.memory_space<hbm>>) target(%dma_start3A_137 : memref<64x128xf32, #tpu.memory_space<vmem>>) target_semaphore(%arg18 : memref<!tpu.dma_semaphore, #tpu.memory_space<semaphore_mem>>)
    %dma_wait3A = arith.constant 0 : i32
    %dma_wait3A_140 = arith.constant 0 : i32
    %dma_wait3A_141 = tpu.memref_slice %arg9[%dma_wait3A, %dma_wait3A_140] : memref<2x128xi32, #tpu.memory_space<vmem>> -> memref<1x128xi32, #tpu.memory_space<vmem>>
    %dma_wait3A_142 = tpu.memref_squeeze %dma_wait3A_141 : memref<1x128xi32, #tpu.memory_space<vmem>> -> memref<128xi32, #tpu.memory_space<vmem>>
    %dma_wait3A_143 = arith.constant 0 : i32
    %dma_wait3A_144 = tpu.memref_slice %arg4[%dma_wait3A_143] : memref<320000xi32, #tpu.memory_space<hbm>> -> memref<128xi32, #tpu.memory_space<hbm>>
    %dma_wait3A_145 = arith.constant 0 : i32
    %dma_wait3A_146 = tpu.memref_slice %arg9[%dma_wait3A, %dma_wait3A_145] : memref<2x128xi32, #tpu.memory_space<vmem>> -> memref<1x128xi32, #tpu.memory_space<vmem>>
    %dma_wait3A_147 = tpu.memref_squeeze %dma_wait3A_146 : memref<1x128xi32, #tpu.memory_space<vmem>> -> memref<128xi32, #tpu.memory_space<vmem>>
    %dma_wait3A_148 = arith.constant 0 : i32
    %dma_wait3A_149 = tpu.memref_slice %arg4[%dma_wait3A_148] : memref<320000xi32, #tpu.memory_space<hbm>> -> memref<128xi32, #tpu.memory_space<hbm>>
    tpu.wait_dma2 semaphore(%arg15 : memref<!tpu.dma_semaphore, #tpu.memory_space<semaphore_mem>>) src(%dma_wait3A_149 : memref<128xi32, #tpu.memory_space<hbm>>) dst(%dma_wait3A_147 : memref<128xi32, #tpu.memory_space<vmem>>)
    %dma_wait3A_150 = arith.constant 0 : i32
    %dma_wait3A_151 = arith.constant 0 : i32
    %dma_wait3A_152 = tpu.memref_slice %arg10[%dma_wait3A_150, %dma_wait3A_151] : memref<2x128xi32, #tpu.memory_space<vmem>> -> memref<1x128xi32, #tpu.memory_space<vmem>>
    %dma_wait3A_153 = tpu.memref_squeeze %dma_wait3A_152 : memref<1x128xi32, #tpu.memory_space<vmem>> -> memref<128xi32, #tpu.memory_space<vmem>>
    %dma_wait3A_154 = arith.constant 0 : i32
    %dma_wait3A_155 = tpu.memref_slice %arg5[%dma_wait3A_154] : memref<320000xi32, #tpu.memory_space<hbm>> -> memref<128xi32, #tpu.memory_space<hbm>>
    %dma_wait3A_156 = arith.constant 0 : i32
    %dma_wait3A_157 = tpu.memref_slice %arg10[%dma_wait3A_150, %dma_wait3A_156] : memref<2x128xi32, #tpu.memory_space<vmem>> -> memref<1x128xi32, #tpu.memory_space<vmem>>
    %dma_wait3A_158 = tpu.memref_squeeze %dma_wait3A_157 : memref<1x128xi32, #tpu.memory_space<vmem>> -> memref<128xi32, #tpu.memory_space<vmem>>
    %dma_wait3A_159 = arith.constant 0 : i32
    %dma_wait3A_160 = tpu.memref_slice %arg5[%dma_wait3A_159] : memref<320000xi32, #tpu.memory_space<hbm>> -> memref<128xi32, #tpu.memory_space<hbm>>
    tpu.wait_dma2 semaphore(%arg15 : memref<!tpu.dma_semaphore, #tpu.memory_space<semaphore_mem>>) src(%dma_wait3A_160 : memref<128xi32, #tpu.memory_space<hbm>>) dst(%dma_wait3A_158 : memref<128xi32, #tpu.memory_space<vmem>>)
    %parallel_loop3A = arith.constant 0 : i32
    %parallel_loop3A_161 = arith.constant 8 : i32
    %parallel_loop3A_162 = arith.constant 1 : i32
    scf.for %parallel_loop3A_315 = %parallel_loop3A to %parallel_loop3A_161 step %parallel_loop3A_162  : i32 {
      %parallel_loop3A_316 = arith.constant 16 : i32
      %parallel_loop3A_317 = arith.muli %parallel_loop3A_315, %parallel_loop3A_316 : i32
      %parallel_loop3A_318 = arith.constant 0 : i32
      %parallel_loop3A_319 = arith.index_cast %parallel_loop3A_318 : i32 to index
      %parallel_loop3A_320 = arith.index_cast %parallel_loop3A_317 : i32 to index
      %parallel_loop3A_321 = tpu.vector_load %arg9[%parallel_loop3A_319, %parallel_loop3A_320] {strides = array<i32>} : memref<2x128xi32, #tpu.memory_space<vmem>>, vector<16xi32>,
      %parallel_loop3A_322 = arith.constant 1 : i32
      %parallel_loop3A_323 = vector.broadcast %parallel_loop3A_322 : i32 to vector<16xi32>
      %parallel_loop3A_324 = arith.shrui %parallel_loop3A_321, %parallel_loop3A_323 : vector<16xi32>
      %parallel_loop3A_325 = tpu.vector_load_idx %arg8[%parallel_loop3A_324] : memref<5000xi32, #tpu.memory_space<vmem>>[vector<16xi32>], vector<16xi32>,
      %parallel_loop3A_326 = arith.constant 1 : i32
      %parallel_loop3A_327 = vector.broadcast %parallel_loop3A_326 : i32 to vector<16xi32>
      %parallel_loop3A_328 = arith.andi %parallel_loop3A_321, %parallel_loop3A_327 : vector<16xi32>
      %parallel_loop3A_329 = arith.constant 1 : i32
      %parallel_loop3A_330 = vector.broadcast %parallel_loop3A_329 : i32 to vector<16xi32>
      %parallel_loop3A_331 = arith.cmpi eq, %parallel_loop3A_328, %parallel_loop3A_330 : vector<16xi32>
      %parallel_loop3A_332 = arith.constant 16 : i32
      %parallel_loop3A_333 = vector.broadcast %parallel_loop3A_332 : i32 to vector<16xi32>
      %parallel_loop3A_334 = arith.shrui %parallel_loop3A_325, %parallel_loop3A_333 : vector<16xi32>
      %parallel_loop3A_335 = arith.constant 65535 : i32
      %parallel_loop3A_336 = vector.broadcast %parallel_loop3A_335 : i32 to vector<16xi32>
      %parallel_loop3A_337 = arith.andi %parallel_loop3A_325, %parallel_loop3A_336 : vector<16xi32>
      %parallel_loop3A_338 = arith.select %parallel_loop3A_331, %parallel_loop3A_334, %parallel_loop3A_337 : vector<16xi1>, vector<16xi32>
      %parallel_loop3A_339 = arith.constant 0 : i32
      %parallel_loop3A_340 = arith.index_cast %parallel_loop3A_339 : i32 to index
      %parallel_loop3A_341 = arith.index_cast %parallel_loop3A_317 : i32 to index
      %parallel_loop3A_342 = tpu.vector_load %arg10[%parallel_loop3A_340, %parallel_loop3A_341] {strides = array<i32>} : memref<2x128xi32, #tpu.memory_space<vmem>>, vector<16xi32>,
      %parallel_loop3A_343 = arith.constant 1 : i32
      %parallel_loop3A_344 = vector.broadcast %parallel_loop3A_343 : i32 to vector<16xi32>
      %parallel_loop3A_345 = arith.shrui %parallel_loop3A_342, %parallel_loop3A_344 : vector<16xi32>
      %parallel_loop3A_346 = tpu.vector_load_idx %arg8[%parallel_loop3A_345] : memref<5000xi32, #tpu.memory_space<vmem>>[vector<16xi32>], vector<16xi32>,
      %parallel_loop3A_347 = arith.constant 1 : i32
      %parallel_loop3A_348 = vector.broadcast %parallel_loop3A_347 : i32 to vector<16xi32>
      %parallel_loop3A_349 = arith.andi %parallel_loop3A_342, %parallel_loop3A_348 : vector<16xi32>
      %parallel_loop3A_350 = arith.constant 1 : i32
      %parallel_loop3A_351 = vector.broadcast %parallel_loop3A_350 : i32 to vector<16xi32>
      %parallel_loop3A_352 = arith.cmpi eq, %parallel_loop3A_349, %parallel_loop3A_351 : vector<16xi32>
      %parallel_loop3A_353 = arith.constant 16 : i32
      %parallel_loop3A_354 = vector.broadcast %parallel_loop3A_353 : i32 to vector<16xi32>
      %parallel_loop3A_355 = arith.shrui %parallel_loop3A_346, %parallel_loop3A_354 : vector<16xi32>
      %parallel_loop3A_356 = arith.constant 65535 : i32
      %parallel_loop3A_357 = vector.broadcast %parallel_loop3A_356 : i32 to vector<16xi32>
      %parallel_loop3A_358 = arith.andi %parallel_loop3A_346, %parallel_loop3A_357 : vector<16xi32>
      %parallel_loop3A_359 = arith.select %parallel_loop3A_352, %parallel_loop3A_355, %parallel_loop3A_358 : vector<16xi1>, vector<16xi32>
      %parallel_loop3A_360 = arith.constant 96 : i32
      %parallel_loop3A_361 = vector.broadcast %parallel_loop3A_360 : i32 to vector<16xi32>
      %parallel_loop3A_362 = arith.muli %parallel_loop3A_338, %parallel_loop3A_361 : vector<16xi32>
      %parallel_loop3A_363 = arith.addi %parallel_loop3A_362, %parallel_loop3A_359 : vector<16xi32>
      %parallel_loop3A_364 = arith.constant 0 : i32
      %parallel_loop3A_365 = arith.index_cast %parallel_loop3A_364 : i32 to index
      %parallel_loop3A_366 = arith.index_cast %parallel_loop3A_317 : i32 to index
      %parallel_loop3A_367 = tpu.vector_load %arg11[%parallel_loop3A_365, %parallel_loop3A_366] {strides = array<i32>} : memref<2x128xi32, #tpu.memory_space<vmem>>, vector<16xi32>,
      tpu.vector_store %arg11[%parallel_loop3A_365, %parallel_loop3A_366], %parallel_loop3A_363 {strides = array<i32>} : memref<2x128xi32, #tpu.memory_space<vmem>>, vector<16xi32>,
    } {sc.loop_unroll_factor = 1 : i64, sc.parallel_access}
    %dma_start3A_163 = arith.constant 0 : i32
    %dma_start3A_164 = arith.constant 0 : i32
    %dma_start3A_165 = arith.constant 0 : i32
    %dma_start3A_166 = arith.constant 0 : i32
    %dma_start3A_167 = tpu.memref_slice %arg12[%dma_start3A_164, %dma_start3A_165, %dma_start3A_166] : memref<2x128x128xf32, #tpu.memory_space<vmem>> -> memref<1x128x128xf32, #tpu.memory_space<vmem>>
    %dma_start3A_168 = tpu.memref_squeeze %dma_start3A_167 : memref<1x128x128xf32, #tpu.memory_space<vmem>> -> memref<128x128xf32, #tpu.memory_space<vmem>>
    %dma_start3A_169 = arith.constant 0 : i32
    %dma_start3A_170 = tpu.memref_slice %arg11[%dma_start3A_163, %dma_start3A_169] : memref<2x128xi32, #tpu.memory_space<vmem>> -> memref<1x128xi32, #tpu.memory_space<vmem>>
    %dma_start3A_171 = tpu.memref_squeeze %dma_start3A_170 : memref<1x128xi32, #tpu.memory_space<vmem>> -> memref<128xi32, #tpu.memory_space<vmem>>
    %dma_start3A_172 = arith.constant 0 : i32
    %dma_start3A_173 = arith.constant 0 : i32
    %dma_start3A_174 = tpu.memref_slice %arg2[%dma_start3A_172, %dma_start3A_173] : memref<9216x128xf32, #tpu.memory_space<hbm>> -> memref<9216x128xf32, #tpu.memory_space<hbm>>
    tpu.enqueue_indirect_dma source(%dma_start3A_174 : memref<9216x128xf32, #tpu.memory_space<hbm>>) target(%dma_start3A_168 : memref<128x128xf32, #tpu.memory_space<vmem>>) offsets(%dma_start3A_171 : memref<128xi32, #tpu.memory_space<vmem>>) semaphore(%arg17 : memref<!tpu.dma_semaphore, #tpu.memory_space<semaphore_mem>>)
    %scan3A = arith.constant 0 : i32
    %scan3A_175 = arith.constant 0 : i32
    %scan3A_176 = arith.constant 39 : i32
    %scan3A_177 = arith.addi %scan3A_175, %scan3A_176 : i32
    %scan3A_178 = arith.constant 1 : i32
    %scan3A_179 = scf.for %scan3A_315 = %scan3A_175 to %scan3A_177 step %scan3A_178 iter_args(%scan3A_316 = %scan3A) -> (i32)  : i32 {
      %mul3A_317 = arith.constant 2 : i32
      %mul3A_318 = arith.muli %mul3A_317, %scan3A_315 : i32
      %add3A_319 = arith.constant 2 : i32
      %add3A_320 = arith.addi %mul3A_318, %add3A_319 : i32
      %min3A_321 = arith.constant 78 : i32
      %min3A_322 = arith.minsi %add3A_320, %min3A_321 : i32
      %mul3A_323 = arith.constant 128 : i32
      %mul3A_324 = arith.muli %min3A_322, %mul3A_323 : i32
      %min3A_325 = arith.constant 9872 : i32
      %min3A_326 = arith.minsi %mul3A_324, %min3A_325 : i32
      %add3A_327 = arith.addi %mul3A_2, %min3A_326 : i32
      %multiple_of3A_328 = tpu.assume_multiple %add3A_327, 16 : i32
      %dma_start3A_329 = arith.constant 0 : i32
      %dma_start3A_330 = arith.constant 0 : i32
      %dma_start3A_331 = tpu.memref_slice %arg9[%dma_start3A_329, %dma_start3A_330] : memref<2x128xi32, #tpu.memory_space<vmem>> -> memref<1x128xi32, #tpu.memory_space<vmem>>
      %dma_start3A_332 = tpu.memref_squeeze %dma_start3A_331 : memref<1x128xi32, #tpu.memory_space<vmem>> -> memref<128xi32, #tpu.memory_space<vmem>>
      %dma_start3A_333 = tpu.memref_slice %arg4[%multiple_of3A_328] : memref<320000xi32, #tpu.memory_space<hbm>> -> memref<128xi32, #tpu.memory_space<hbm>>
      %dma_start3A_334 = arith.constant 0 : i32
      %dma_start3A_335 = tpu.memref_slice %arg9[%dma_start3A_329, %dma_start3A_334] : memref<2x128xi32, #tpu.memory_space<vmem>> -> memref<1x128xi32, #tpu.memory_space<vmem>>
      %dma_start3A_336 = tpu.memref_squeeze %dma_start3A_335 : memref<1x128xi32, #tpu.memory_space<vmem>> -> memref<128xi32, #tpu.memory_space<vmem>>
      %dma_start3A_337 = tpu.memref_slice %arg4[%multiple_of3A_328] : memref<320000xi32, #tpu.memory_space<hbm>> -> memref<128xi32, #tpu.memory_space<hbm>>
      tpu.enqueue_dma source(%dma_start3A_337 : memref<128xi32, #tpu.memory_space<hbm>>) target(%dma_start3A_336 : memref<128xi32, #tpu.memory_space<vmem>>) target_semaphore(%arg15 : memref<!tpu.dma_semaphore, #tpu.memory_space<semaphore_mem>>)
      %dma_start3A_338 = arith.constant 0 : i32
      %dma_start3A_339 = arith.constant 0 : i32
      %dma_start3A_340 = tpu.memref_slice %arg10[%dma_start3A_338, %dma_start3A_339] : memref<2x128xi32, #tpu.memory_space<vmem>> -> memref<1x128xi32, #tpu.memory_space<vmem>>
      %dma_start3A_341 = tpu.memref_squeeze %dma_start3A_340 : memref<1x128xi32, #tpu.memory_space<vmem>> -> memref<128xi32, #tpu.memory_space<vmem>>
      %dma_start3A_342 = tpu.memref_slice %arg5[%multiple_of3A_328] : memref<320000xi32, #tpu.memory_space<hbm>> -> memref<128xi32, #tpu.memory_space<hbm>>
      %dma_start3A_343 = arith.constant 0 : i32
      %dma_start3A_344 = tpu.memref_slice %arg10[%dma_start3A_338, %dma_start3A_343] : memref<2x128xi32, #tpu.memory_space<vmem>> -> memref<1x128xi32, #tpu.memory_space<vmem>>
      %dma_start3A_345 = tpu.memref_squeeze %dma_start3A_344 : memref<1x128xi32, #tpu.memory_space<vmem>> -> memref<128xi32, #tpu.memory_space<vmem>>
      %dma_start3A_346 = tpu.memref_slice %arg5[%multiple_of3A_328] : memref<320000xi32, #tpu.memory_space<hbm>> -> memref<128xi32, #tpu.memory_space<hbm>>
      tpu.enqueue_dma source(%dma_start3A_346 : memref<128xi32, #tpu.memory_space<hbm>>) target(%dma_start3A_345 : memref<128xi32, #tpu.memory_space<vmem>>) target_semaphore(%arg15 : memref<!tpu.dma_semaphore, #tpu.memory_space<semaphore_mem>>)
      %dma_wait3A_347 = arith.constant 1 : i32
      %dma_wait3A_348 = arith.constant 0 : i32
      %dma_wait3A_349 = tpu.memref_slice %arg9[%dma_wait3A_347, %dma_wait3A_348] : memref<2x128xi32, #tpu.memory_space<vmem>> -> memref<1x128xi32, #tpu.memory_space<vmem>>
      %dma_wait3A_350 = tpu.memref_squeeze %dma_wait3A_349 : memref<1x128xi32, #tpu.memory_space<vmem>> -> memref<128xi32, #tpu.memory_space<vmem>>
      %dma_wait3A_351 = arith.constant 0 : i32
      %dma_wait3A_352 = tpu.memref_slice %arg4[%dma_wait3A_351] : memref<320000xi32, #tpu.memory_space<hbm>> -> memref<128xi32, #tpu.memory_space<hbm>>
      %dma_wait3A_353 = arith.constant 0 : i32
      %dma_wait3A_354 = tpu.memref_slice %arg9[%dma_wait3A_347, %dma_wait3A_353] : memref<2x128xi32, #tpu.memory_space<vmem>> -> memref<1x128xi32, #tpu.memory_space<vmem>>
      %dma_wait3A_355 = tpu.memref_squeeze %dma_wait3A_354 : memref<1x128xi32, #tpu.memory_space<vmem>> -> memref<128xi32, #tpu.memory_space<vmem>>
      %dma_wait3A_356 = arith.constant 0 : i32
      %dma_wait3A_357 = tpu.memref_slice %arg4[%dma_wait3A_356] : memref<320000xi32, #tpu.memory_space<hbm>> -> memref<128xi32, #tpu.memory_space<hbm>>
      tpu.wait_dma2 semaphore(%arg16 : memref<!tpu.dma_semaphore, #tpu.memory_space<semaphore_mem>>) src(%dma_wait3A_357 : memref<128xi32, #tpu.memory_space<hbm>>) dst(%dma_wait3A_355 : memref<128xi32, #tpu.memory_space<vmem>>)
      %dma_wait3A_358 = arith.constant 1 : i32
      %dma_wait3A_359 = arith.constant 0 : i32
      %dma_wait3A_360 = tpu.memref_slice %arg10[%dma_wait3A_358, %dma_wait3A_359] : memref<2x128xi32, #tpu.memory_space<vmem>> -> memref<1x128xi32, #tpu.memory_space<vmem>>
      %dma_wait3A_361 = tpu.memref_squeeze %dma_wait3A_360 : memref<1x128xi32, #tpu.memory_space<vmem>> -> memref<128xi32, #tpu.memory_space<vmem>>
      %dma_wait3A_362 = arith.constant 0 : i32
      %dma_wait3A_363 = tpu.memref_slice %arg5[%dma_wait3A_362] : memref<320000xi32, #tpu.memory_space<hbm>> -> memref<128xi32, #tpu.memory_space<hbm>>
      %dma_wait3A_364 = arith.constant 0 : i32
      %dma_wait3A_365 = tpu.memref_slice %arg10[%dma_wait3A_358, %dma_wait3A_364] : memref<2x128xi32, #tpu.memory_space<vmem>> -> memref<1x128xi32, #tpu.memory_space<vmem>>
      %dma_wait3A_366 = tpu.memref_squeeze %dma_wait3A_365 : memref<1x128xi32, #tpu.memory_space<vmem>> -> memref<128xi32, #tpu.memory_space<vmem>>
      %dma_wait3A_367 = arith.constant 0 : i32
      %dma_wait3A_368 = tpu.memref_slice %arg5[%dma_wait3A_367] : memref<320000xi32, #tpu.memory_space<hbm>> -> memref<128xi32, #tpu.memory_space<hbm>>
      tpu.wait_dma2 semaphore(%arg16 : memref<!tpu.dma_semaphore, #tpu.memory_space<semaphore_mem>>) src(%dma_wait3A_368 : memref<128xi32, #tpu.memory_space<hbm>>) dst(%dma_wait3A_366 : memref<128xi32, #tpu.memory_space<vmem>>)
      %parallel_loop3A_369 = arith.constant 0 : i32
      %parallel_loop3A_370 = arith.constant 8 : i32
      %parallel_loop3A_371 = arith.constant 1 : i32
      scf.for %parallel_loop3A_657 = %parallel_loop3A_369 to %parallel_loop3A_370 step %parallel_loop3A_371  : i32 {
        %parallel_loop3A_658 = arith.constant 16 : i32
        %parallel_loop3A_659 = arith.muli %parallel_loop3A_657, %parallel_loop3A_658 : i32
        %parallel_loop3A_660 = arith.constant 1 : i32
        %parallel_loop3A_661 = arith.index_cast %parallel_loop3A_660 : i32 to index
        %parallel_loop3A_662 = arith.index_cast %parallel_loop3A_659 : i32 to index
        %parallel_loop3A_663 = tpu.vector_load %arg9[%parallel_loop3A_661, %parallel_loop3A_662] {strides = array<i32>} : memref<2x128xi32, #tpu.memory_space<vmem>>, vector<16xi32>,
        %parallel_loop3A_664 = arith.constant 1 : i32
        %parallel_loop3A_665 = vector.broadcast %parallel_loop3A_664 : i32 to vector<16xi32>
        %parallel_loop3A_666 = arith.shrui %parallel_loop3A_663, %parallel_loop3A_665 : vector<16xi32>
        %parallel_loop3A_667 = tpu.vector_load_idx %arg8[%parallel_loop3A_666] : memref<5000xi32, #tpu.memory_space<vmem>>[vector<16xi32>], vector<16xi32>,
        %parallel_loop3A_668 = arith.constant 1 : i32
        %parallel_loop3A_669 = vector.broadcast %parallel_loop3A_668 : i32 to vector<16xi32>
        %parallel_loop3A_670 = arith.andi %parallel_loop3A_663, %parallel_loop3A_669 : vector<16xi32>
        %parallel_loop3A_671 = arith.constant 1 : i32
        %parallel_loop3A_672 = vector.broadcast %parallel_loop3A_671 : i32 to vector<16xi32>
        %parallel_loop3A_673 = arith.cmpi eq, %parallel_loop3A_670, %parallel_loop3A_672 : vector<16xi32>
        %parallel_loop3A_674 = arith.constant 16 : i32
        %parallel_loop3A_675 = vector.broadcast %parallel_loop3A_674 : i32 to vector<16xi32>
        %parallel_loop3A_676 = arith.shrui %parallel_loop3A_667, %parallel_loop3A_675 : vector<16xi32>
        %parallel_loop3A_677 = arith.constant 65535 : i32
        %parallel_loop3A_678 = vector.broadcast %parallel_loop3A_677 : i32 to vector<16xi32>
        %parallel_loop3A_679 = arith.andi %parallel_loop3A_667, %parallel_loop3A_678 : vector<16xi32>
        %parallel_loop3A_680 = arith.select %parallel_loop3A_673, %parallel_loop3A_676, %parallel_loop3A_679 : vector<16xi1>, vector<16xi32>
        %parallel_loop3A_681 = arith.constant 1 : i32
        %parallel_loop3A_682 = arith.index_cast %parallel_loop3A_681 : i32 to index
        %parallel_loop3A_683 = arith.index_cast %parallel_loop3A_659 : i32 to index
        %parallel_loop3A_684 = tpu.vector_load %arg10[%parallel_loop3A_682, %parallel_loop3A_683] {strides = array<i32>} : memref<2x128xi32, #tpu.memory_space<vmem>>, vector<16xi32>,
        %parallel_loop3A_685 = arith.constant 1 : i32
        %parallel_loop3A_686 = vector.broadcast %parallel_loop3A_685 : i32 to vector<16xi32>
        %parallel_loop3A_687 = arith.shrui %parallel_loop3A_684, %parallel_loop3A_686 : vector<16xi32>
        %parallel_loop3A_688 = tpu.vector_load_idx %arg8[%parallel_loop3A_687] : memref<5000xi32, #tpu.memory_space<vmem>>[vector<16xi32>], vector<16xi32>,
        %parallel_loop3A_689 = arith.constant 1 : i32
        %parallel_loop3A_690 = vector.broadcast %parallel_loop3A_689 : i32 to vector<16xi32>
        %parallel_loop3A_691 = arith.andi %parallel_loop3A_684, %parallel_loop3A_690 : vector<16xi32>
        %parallel_loop3A_692 = arith.constant 1 : i32
        %parallel_loop3A_693 = vector.broadcast %parallel_loop3A_692 : i32 to vector<16xi32>
        %parallel_loop3A_694 = arith.cmpi eq, %parallel_loop3A_691, %parallel_loop3A_693 : vector<16xi32>
        %parallel_loop3A_695 = arith.constant 16 : i32
        %parallel_loop3A_696 = vector.broadcast %parallel_loop3A_695 : i32 to vector<16xi32>
        %parallel_loop3A_697 = arith.shrui %parallel_loop3A_688, %parallel_loop3A_696 : vector<16xi32>
        %parallel_loop3A_698 = arith.constant 65535 : i32
        %parallel_loop3A_699 = vector.broadcast %parallel_loop3A_698 : i32 to vector<16xi32>
        %parallel_loop3A_700 = arith.andi %parallel_loop3A_688, %parallel_loop3A_699 : vector<16xi32>
        %parallel_loop3A_701 = arith.select %parallel_loop3A_694, %parallel_loop3A_697, %parallel_loop3A_700 : vector<16xi1>, vector<16xi32>
        %parallel_loop3A_702 = arith.constant 96 : i32
        %parallel_loop3A_703 = vector.broadcast %parallel_loop3A_702 : i32 to vector<16xi32>
        %parallel_loop3A_704 = arith.muli %parallel_loop3A_680, %parallel_loop3A_703 : vector<16xi32>
        %parallel_loop3A_705 = arith.addi %parallel_loop3A_704, %parallel_loop3A_701 : vector<16xi32>
        %parallel_loop3A_706 = arith.constant 1 : i32
        %parallel_loop3A_707 = arith.index_cast %parallel_loop3A_706 : i32 to index
        %parallel_loop3A_708 = arith.index_cast %parallel_loop3A_659 : i32 to index
        %parallel_loop3A_709 = tpu.vector_load %arg11[%parallel_loop3A_707, %parallel_loop3A_708] {strides = array<i32>} : memref<2x128xi32, #tpu.memory_space<vmem>>, vector<16xi32>,
        tpu.vector_store %arg11[%parallel_loop3A_707, %parallel_loop3A_708], %parallel_loop3A_705 {strides = array<i32>} : memref<2x128xi32, #tpu.memory_space<vmem>>, vector<16xi32>,
      } {sc.loop_unroll_factor = 1 : i64, sc.parallel_access}
      %dma_start3A_372 = arith.constant 1 : i32
      %dma_start3A_373 = arith.constant 1 : i32
      %dma_start3A_374 = arith.constant 0 : i32
      %dma_start3A_375 = arith.constant 0 : i32
      %dma_start3A_376 = tpu.memref_slice %arg12[%dma_start3A_373, %dma_start3A_374, %dma_start3A_375] : memref<2x128x128xf32, #tpu.memory_space<vmem>> -> memref<1x128x128xf32, #tpu.memory_space<vmem>>
      %dma_start3A_377 = tpu.memref_squeeze %dma_start3A_376 : memref<1x128x128xf32, #tpu.memory_space<vmem>> -> memref<128x128xf32, #tpu.memory_space<vmem>>
      %dma_start3A_378 = arith.constant 0 : i32
      %dma_start3A_379 = tpu.memref_slice %arg11[%dma_start3A_372, %dma_start3A_378] : memref<2x128xi32, #tpu.memory_space<vmem>> -> memref<1x128xi32, #tpu.memory_space<vmem>>
      %dma_start3A_380 = tpu.memref_squeeze %dma_start3A_379 : memref<1x128xi32, #tpu.memory_space<vmem>> -> memref<128xi32, #tpu.memory_space<vmem>>
      %dma_start3A_381 = arith.constant 0 : i32
      %dma_start3A_382 = arith.constant 0 : i32
      %dma_start3A_383 = tpu.memref_slice %arg2[%dma_start3A_381, %dma_start3A_382] : memref<9216x128xf32, #tpu.memory_space<hbm>> -> memref<9216x128xf32, #tpu.memory_space<hbm>>
      tpu.enqueue_indirect_dma source(%dma_start3A_383 : memref<9216x128xf32, #tpu.memory_space<hbm>>) target(%dma_start3A_377 : memref<128x128xf32, #tpu.memory_space<vmem>>) offsets(%dma_start3A_380 : memref<128xi32, #tpu.memory_space<vmem>>) semaphore(%arg18 : memref<!tpu.dma_semaphore, #tpu.memory_space<semaphore_mem>>)
      %dma_wait3A_384 = arith.constant 0 : i32
      %dma_wait3A_385 = arith.constant 0 : i32
      %dma_wait3A_386 = arith.constant 0 : i32
      %dma_wait3A_387 = tpu.memref_slice %arg13[%dma_wait3A_384, %dma_wait3A_385, %dma_wait3A_386] : memref<2x64x128xf32, #tpu.memory_space<vmem>> -> memref<1x64x128xf32, #tpu.memory_space<vmem>>
      %dma_wait3A_388 = tpu.memref_squeeze %dma_wait3A_387 : memref<1x64x128xf32, #tpu.memory_space<vmem>> -> memref<64x128xf32, #tpu.memory_space<vmem>>
      %dma_wait3A_389 = arith.constant 0 : i32
      %dma_wait3A_390 = arith.constant 0 : i32
      %dma_wait3A_391 = tpu.memref_slice %arg6[%dma_wait3A_389, %dma_wait3A_390] : memref<160000x128xf32, #tpu.memory_space<hbm>> -> memref<64x128xf32, #tpu.memory_space<hbm>>
      %dma_wait3A_392 = arith.constant 0 : i32
      %dma_wait3A_393 = arith.constant 0 : i32
      %dma_wait3A_394 = tpu.memref_slice %arg13[%dma_wait3A_384, %dma_wait3A_392, %dma_wait3A_393] : memref<2x64x128xf32, #tpu.memory_space<vmem>> -> memref<1x64x128xf32, #tpu.memory_space<vmem>>
      %dma_wait3A_395 = tpu.memref_squeeze %dma_wait3A_394 : memref<1x64x128xf32, #tpu.memory_space<vmem>> -> memref<64x128xf32, #tpu.memory_space<vmem>>
      %dma_wait3A_396 = arith.constant 0 : i32
      %dma_wait3A_397 = arith.constant 0 : i32
      %dma_wait3A_398 = tpu.memref_slice %arg6[%dma_wait3A_396, %dma_wait3A_397] : memref<160000x128xf32, #tpu.memory_space<hbm>> -> memref<64x128xf32, #tpu.memory_space<hbm>>
      tpu.wait_dma2 semaphore(%arg17 : memref<!tpu.dma_semaphore, #tpu.memory_space<semaphore_mem>>) src(%dma_wait3A_398 : memref<64x128xf32, #tpu.memory_space<hbm>>) dst(%dma_wait3A_395 : memref<64x128xf32, #tpu.memory_space<vmem>>)
      %dma_wait3A_399 = arith.constant 0 : i32
      %dma_wait3A_400 = arith.constant 0 : i32
      %dma_wait3A_401 = arith.constant 0 : i32
      %dma_wait3A_402 = arith.constant 0 : i32
      %dma_wait3A_403 = tpu.memref_slice %arg12[%dma_wait3A_400, %dma_wait3A_401, %dma_wait3A_402] : memref<2x128x128xf32, #tpu.memory_space<vmem>> -> memref<1x128x128xf32, #tpu.memory_space<vmem>>
      %dma_wait3A_404 = tpu.memref_squeeze %dma_wait3A_403 : memref<1x128x128xf32, #tpu.memory_space<vmem>> -> memref<128x128xf32, #tpu.memory_space<vmem>>
      %dma_wait3A_405 = arith.constant 0 : i32
      %dma_wait3A_406 = tpu.memref_slice %arg11[%dma_wait3A_399, %dma_wait3A_405] : memref<2x128xi32, #tpu.memory_space<vmem>> -> memref<1x128xi32, #tpu.memory_space<vmem>>
      %dma_wait3A_407 = tpu.memref_squeeze %dma_wait3A_406 : memref<1x128xi32, #tpu.memory_space<vmem>> -> memref<128xi32, #tpu.memory_space<vmem>>
      %dma_wait3A_408 = arith.constant 0 : i32
      %dma_wait3A_409 = arith.constant 0 : i32
      %dma_wait3A_410 = tpu.memref_slice %arg2[%dma_wait3A_408, %dma_wait3A_409] : memref<9216x128xf32, #tpu.memory_space<hbm>> -> memref<9216x128xf32, #tpu.memory_space<hbm>>
      tpu.wait_indirect_dma semaphore(%arg17 : memref<!tpu.dma_semaphore, #tpu.memory_space<semaphore_mem>>) src(%dma_wait3A_410 : memref<9216x128xf32, #tpu.memory_space<hbm>>) dst(%dma_wait3A_404 : memref<128x128xf32, #tpu.memory_space<vmem>>)
      %gt3A = arith.constant 0 : i32
      %gt3A_411 = arith.cmpi sgt, %scan3A_315, %gt3A : i32
      %convert_element_type3A = arith.extui %gt3A_411 : i1 to i32
      %cond3A = arith.constant 0 : i32
      %cond3A_412 = arith.cmpi ne, %convert_element_type3A, %cond3A : i32
      scf.if %cond3A_412 {
        %dma_wait3A_657 = arith.constant 0 : i32
        %dma_wait3A_658 = arith.constant 0 : i32
        %dma_wait3A_659 = arith.constant 0 : i32
        %dma_wait3A_660 = tpu.memref_slice %arg14[%dma_wait3A_657, %dma_wait3A_658, %dma_wait3A_659] : memref<2x128x128xf32, #tpu.memory_space<vmem>> -> memref<1x128x128xf32, #tpu.memory_space<vmem>>
        %dma_wait3A_661 = tpu.memref_squeeze %dma_wait3A_660 : memref<1x128x128xf32, #tpu.memory_space<vmem>> -> memref<128x128xf32, #tpu.memory_space<vmem>>
        %dma_wait3A_662 = arith.constant 0 : i32
        %dma_wait3A_663 = arith.constant 0 : i32
        %dma_wait3A_664 = tpu.memref_slice %arg7[%dma_wait3A_662, %dma_wait3A_663] : memref<320000x128xf32, #tpu.memory_space<hbm>> -> memref<128x128xf32, #tpu.memory_space<hbm>>
        %dma_wait3A_665 = arith.constant 0 : i32
        %dma_wait3A_666 = arith.constant 0 : i32
        %dma_wait3A_667 = tpu.memref_slice %arg7[%dma_wait3A_665, %dma_wait3A_666] : memref<320000x128xf32, #tpu.memory_space<hbm>> -> memref<128x128xf32, #tpu.memory_space<hbm>>
        %dma_wait3A_668 = arith.constant 0 : i32
        %dma_wait3A_669 = arith.constant 0 : i32
        %dma_wait3A_670 = tpu.memref_slice %arg14[%dma_wait3A_657, %dma_wait3A_668, %dma_wait3A_669] : memref<2x128x128xf32, #tpu.memory_space<vmem>> -> memref<1x128x128xf32, #tpu.memory_space<vmem>>
        %dma_wait3A_671 = tpu.memref_squeeze %dma_wait3A_670 : memref<1x128x128xf32, #tpu.memory_space<vmem>> -> memref<128x128xf32, #tpu.memory_space<vmem>>
        tpu.wait_dma2 semaphore(%arg19 : memref<!tpu.dma_semaphore, #tpu.memory_space<semaphore_mem>>) src(%dma_wait3A_671 : memref<128x128xf32, #tpu.memory_space<vmem>>) dst(%dma_wait3A_667 : memref<128x128xf32, #tpu.memory_space<hbm>>)
      } else {
      }
      %parallel_loop3A_413 = arith.constant 0 : i32
      %parallel_loop3A_414 = arith.constant 64 : i32
      %parallel_loop3A_415 = arith.constant 1 : i32
      scf.for %parallel_loop3A_657 = %parallel_loop3A_413 to %parallel_loop3A_414 step %parallel_loop3A_415  : i32 {
        %parallel_loop3A_658 = arith.constant 2 : i32
        %parallel_loop3A_659 = arith.muli %parallel_loop3A_658, %parallel_loop3A_657 : i32
        %parallel_loop3A_660 = arith.constant 1 : i32
        %parallel_loop3A_661 = arith.addi %parallel_loop3A_659, %parallel_loop3A_660 : i32
        %parallel_loop3A_662 = arith.constant 0 : i32
        %parallel_loop3A_663 = arith.index_cast %parallel_loop3A_662 : i32 to index
        %parallel_loop3A_664 = arith.index_cast %parallel_loop3A_657 : i32 to index
        %parallel_loop3A_665 = arith.constant 0 : index
        %parallel_loop3A_666 = tpu.vector_load %arg13[%parallel_loop3A_663, %parallel_loop3A_664, %parallel_loop3A_665] {strides = array<i32>} : memref<2x64x128xf32, #tpu.memory_space<vmem>>, vector<16xf32>,
        %parallel_loop3A_667 = vector.bitcast %parallel_loop3A_666 : vector<16xf32> to vector<32xbf16>
        %parallel_loop3A_668 = tpu.unpack_subelements %parallel_loop3A_667, 0 {pack_format = #tpu.pack_format<interleaved>} : vector<32xbf16> -> vector<16xf32>
        %parallel_loop3A_669 = tpu.unpack_subelements %parallel_loop3A_667, 1 {pack_format = #tpu.pack_format<interleaved>} : vector<32xbf16> -> vector<16xf32>
        %parallel_loop3A_670 = arith.constant 0 : i32
        %parallel_loop3A_671 = arith.index_cast %parallel_loop3A_670 : i32 to index
        %parallel_loop3A_672 = arith.index_cast %parallel_loop3A_659 : i32 to index
        %parallel_loop3A_673 = arith.constant 0 : index
        %parallel_loop3A_674 = tpu.vector_load %arg12[%parallel_loop3A_671, %parallel_loop3A_672, %parallel_loop3A_673] {strides = array<i32>} : memref<2x128x128xf32, #tpu.memory_space<vmem>>, vector<16xf32>,
        %parallel_loop3A_675 = arith.addf %parallel_loop3A_674, %parallel_loop3A_668 : vector<16xf32>
        %parallel_loop3A_676 = arith.constant 0.000000e+00 : f32
        %parallel_loop3A_677 = vector.broadcast %parallel_loop3A_676 : f32 to vector<16xf32>
        %parallel_loop3A_678 = arith.subf %parallel_loop3A_677, %parallel_loop3A_675 : vector<16xf32>
        %parallel_loop3A_679 = math.exp %parallel_loop3A_678 : vector<16xf32>
        %parallel_loop3A_680 = arith.constant 1.000000e+00 : f32
        %parallel_loop3A_681 = vector.broadcast %parallel_loop3A_680 : f32 to vector<16xf32>
        %parallel_loop3A_682 = arith.addf %parallel_loop3A_681, %parallel_loop3A_679 : vector<16xf32>
        %parallel_loop3A_683 = arith.divf %parallel_loop3A_675, %parallel_loop3A_682 : vector<16xf32>
        %parallel_loop3A_684 = arith.constant 0 : i32
        %parallel_loop3A_685 = arith.index_cast %parallel_loop3A_684 : i32 to index
        %parallel_loop3A_686 = arith.index_cast %parallel_loop3A_659 : i32 to index
        %parallel_loop3A_687 = arith.constant 0 : index
        %parallel_loop3A_688 = tpu.vector_load %arg14[%parallel_loop3A_685, %parallel_loop3A_686, %parallel_loop3A_687] {strides = array<i32>} : memref<2x128x128xf32, #tpu.memory_space<vmem>>, vector<16xf32>,
        tpu.vector_store %arg14[%parallel_loop3A_685, %parallel_loop3A_686, %parallel_loop3A_687], %parallel_loop3A_683 {strides = array<i32>} : memref<2x128x128xf32, #tpu.memory_space<vmem>>, vector<16xf32>,
        %parallel_loop3A_689 = arith.constant 0 : i32
        %parallel_loop3A_690 = arith.index_cast %parallel_loop3A_689 : i32 to index
        %parallel_loop3A_691 = arith.index_cast %parallel_loop3A_661 : i32 to index
        %parallel_loop3A_692 = arith.constant 0 : index
        %parallel_loop3A_693 = tpu.vector_load %arg12[%parallel_loop3A_690, %parallel_loop3A_691, %parallel_loop3A_692] {strides = array<i32>} : memref<2x128x128xf32, #tpu.memory_space<vmem>>, vector<16xf32>,
        %parallel_loop3A_694 = arith.addf %parallel_loop3A_693, %parallel_loop3A_669 : vector<16xf32>
        %parallel_loop3A_695 = arith.constant 0.000000e+00 : f32
        %parallel_loop3A_696 = vector.broadcast %parallel_loop3A_695 : f32 to vector<16xf32>
        %parallel_loop3A_697 = arith.subf %parallel_loop3A_696, %parallel_loop3A_694 : vector<16xf32>
        %parallel_loop3A_698 = math.exp %parallel_loop3A_697 : vector<16xf32>
        %parallel_loop3A_699 = arith.constant 1.000000e+00 : f32
        %parallel_loop3A_700 = vector.broadcast %parallel_loop3A_699 : f32 to vector<16xf32>
        %parallel_loop3A_701 = arith.addf %parallel_loop3A_700, %parallel_loop3A_698 : vector<16xf32>
        %parallel_loop3A_702 = arith.divf %parallel_loop3A_694, %parallel_loop3A_701 : vector<16xf32>
        %parallel_loop3A_703 = arith.constant 0 : i32
        %parallel_loop3A_704 = arith.index_cast %parallel_loop3A_703 : i32 to index
        %parallel_loop3A_705 = arith.index_cast %parallel_loop3A_661 : i32 to index
        %parallel_loop3A_706 = arith.constant 0 : index
        %parallel_loop3A_707 = tpu.vector_load %arg14[%parallel_loop3A_704, %parallel_loop3A_705, %parallel_loop3A_706] {strides = array<i32>} : memref<2x128x128xf32, #tpu.memory_space<vmem>>, vector<16xf32>,
        tpu.vector_store %arg14[%parallel_loop3A_704, %parallel_loop3A_705, %parallel_loop3A_706], %parallel_loop3A_702 {strides = array<i32>} : memref<2x128x128xf32, #tpu.memory_space<vmem>>, vector<16xf32>,
        %parallel_loop3A_708 = arith.constant 0 : i32
        %parallel_loop3A_709 = arith.index_cast %parallel_loop3A_708 : i32 to index
        %parallel_loop3A_710 = arith.index_cast %parallel_loop3A_657 : i32 to index
        %parallel_loop3A_711 = arith.constant 16 : index
        %parallel_loop3A_712 = tpu.vector_load %arg13[%parallel_loop3A_709, %parallel_loop3A_710, %parallel_loop3A_711] {strides = array<i32>} : memref<2x64x128xf32, #tpu.memory_space<vmem>>, vector<16xf32>,
        %parallel_loop3A_713 = vector.bitcast %parallel_loop3A_712 : vector<16xf32> to vector<32xbf16>
        %parallel_loop3A_714 = tpu.unpack_subelements %parallel_loop3A_713, 0 {pack_format = #tpu.pack_format<interleaved>} : vector<32xbf16> -> vector<16xf32>
        %parallel_loop3A_715 = tpu.unpack_subelements %parallel_loop3A_713, 1 {pack_format = #tpu.pack_format<interleaved>} : vector<32xbf16> -> vector<16xf32>
        %parallel_loop3A_716 = arith.constant 0 : i32
        %parallel_loop3A_717 = arith.index_cast %parallel_loop3A_716 : i32 to index
        %parallel_loop3A_718 = arith.index_cast %parallel_loop3A_659 : i32 to index
        %parallel_loop3A_719 = arith.constant 16 : index
        %parallel_loop3A_720 = tpu.vector_load %arg12[%parallel_loop3A_717, %parallel_loop3A_718, %parallel_loop3A_719] {strides = array<i32>} : memref<2x128x128xf32, #tpu.memory_space<vmem>>, vector<16xf32>,
        %parallel_loop3A_721 = arith.addf %parallel_loop3A_720, %parallel_loop3A_714 : vector<16xf32>
        %parallel_loop3A_722 = arith.constant 0.000000e+00 : f32
        %parallel_loop3A_723 = vector.broadcast %parallel_loop3A_722 : f32 to vector<16xf32>
        %parallel_loop3A_724 = arith.subf %parallel_loop3A_723, %parallel_loop3A_721 : vector<16xf32>
        %parallel_loop3A_725 = math.exp %parallel_loop3A_724 : vector<16xf32>
        %parallel_loop3A_726 = arith.constant 1.000000e+00 : f32
        %parallel_loop3A_727 = vector.broadcast %parallel_loop3A_726 : f32 to vector<16xf32>
        %parallel_loop3A_728 = arith.addf %parallel_loop3A_727, %parallel_loop3A_725 : vector<16xf32>
        %parallel_loop3A_729 = arith.divf %parallel_loop3A_721, %parallel_loop3A_728 : vector<16xf32>
        %parallel_loop3A_730 = arith.constant 0 : i32
        %parallel_loop3A_731 = arith.index_cast %parallel_loop3A_730 : i32 to index
        %parallel_loop3A_732 = arith.index_cast %parallel_loop3A_659 : i32 to index
        %parallel_loop3A_733 = arith.constant 16 : index
        %parallel_loop3A_734 = tpu.vector_load %arg14[%parallel_loop3A_731, %parallel_loop3A_732, %parallel_loop3A_733] {strides = array<i32>} : memref<2x128x128xf32, #tpu.memory_space<vmem>>, vector<16xf32>,
        tpu.vector_store %arg14[%parallel_loop3A_731, %parallel_loop3A_732, %parallel_loop3A_733], %parallel_loop3A_729 {strides = array<i32>} : memref<2x128x128xf32, #tpu.memory_space<vmem>>, vector<16xf32>,
        %parallel_loop3A_735 = arith.constant 0 : i32
        %parallel_loop3A_736 = arith.index_cast %parallel_loop3A_735 : i32 to index
        %parallel_loop3A_737 = arith.index_cast %parallel_loop3A_661 : i32 to index
        %parallel_loop3A_738 = arith.constant 16 : index
        %parallel_loop3A_739 = tpu.vector_load %arg12[%parallel_loop3A_736, %parallel_loop3A_737, %parallel_loop3A_738] {strides = array<i32>} : memref<2x128x128xf32, #tpu.memory_space<vmem>>, vector<16xf32>,
        %parallel_loop3A_740 = arith.addf %parallel_loop3A_739, %parallel_loop3A_715 : vector<16xf32>
        %parallel_loop3A_741 = arith.constant 0.000000e+00 : f32
        %parallel_loop3A_742 = vector.broadcast %parallel_loop3A_741 : f32 to vector<16xf32>
        %parallel_loop3A_743 = arith.subf %parallel_loop3A_742, %parallel_loop3A_740 : vector<16xf32>
        %parallel_loop3A_744 = math.exp %parallel_loop3A_743 : vector<16xf32>
        %parallel_loop3A_745 = arith.constant 1.000000e+00 : f32
        %parallel_loop3A_746 = vector.broadcast %parallel_loop3A_745 : f32 to vector<16xf32>
        %parallel_loop3A_747 = arith.addf %parallel_loop3A_746, %parallel_loop3A_744 : vector<16xf32>
        %parallel_loop3A_748 = arith.divf %parallel_loop3A_740, %parallel_loop3A_747 : vector<16xf32>
        %parallel_loop3A_749 = arith.constant 0 : i32
        %parallel_loop3A_750 = arith.index_cast %parallel_loop3A_749 : i32 to index
        %parallel_loop3A_751 = arith.index_cast %parallel_loop3A_661 : i32 to index
        %parallel_loop3A_752 = arith.constant 16 : index
        %parallel_loop3A_753 = tpu.vector_load %arg14[%parallel_loop3A_750, %parallel_loop3A_751, %parallel_loop3A_752] {strides = array<i32>} : memref<2x128x128xf32, #tpu.memory_space<vmem>>, vector<16xf32>,
        tpu.vector_store %arg14[%parallel_loop3A_750, %parallel_loop3A_751, %parallel_loop3A_752], %parallel_loop3A_748 {strides = array<i32>} : memref<2x128x128xf32, #tpu.memory_space<vmem>>, vector<16xf32>,
        %parallel_loop3A_754 = arith.constant 0 : i32
        %parallel_loop3A_755 = arith.index_cast %parallel_loop3A_754 : i32 to index
        %parallel_loop3A_756 = arith.index_cast %parallel_loop3A_657 : i32 to index
        %parallel_loop3A_757 = arith.constant 32 : index
        %parallel_loop3A_758 = tpu.vector_load %arg13[%parallel_loop3A_755, %parallel_loop3A_756, %parallel_loop3A_757] {strides = array<i32>} : memref<2x64x128xf32, #tpu.memory_space<vmem>>, vector<16xf32>,
        %parallel_loop3A_759 = vector.bitcast %parallel_loop3A_758 : vector<16xf32> to vector<32xbf16>
        %parallel_loop3A_760 = tpu.unpack_subelements %parallel_loop3A_759, 0 {pack_format = #tpu.pack_format<interleaved>} : vector<32xbf16> -> vector<16xf32>
        %parallel_loop3A_761 = tpu.unpack_subelements %parallel_loop3A_759, 1 {pack_format = #tpu.pack_format<interleaved>} : vector<32xbf16> -> vector<16xf32>
        %parallel_loop3A_762 = arith.constant 0 : i32
        %parallel_loop3A_763 = arith.index_cast %parallel_loop3A_762 : i32 to index
        %parallel_loop3A_764 = arith.index_cast %parallel_loop3A_659 : i32 to index
        %parallel_loop3A_765 = arith.constant 32 : index
        %parallel_loop3A_766 = tpu.vector_load %arg12[%parallel_loop3A_763, %parallel_loop3A_764, %parallel_loop3A_765] {strides = array<i32>} : memref<2x128x128xf32, #tpu.memory_space<vmem>>, vector<16xf32>,
        %parallel_loop3A_767 = arith.addf %parallel_loop3A_766, %parallel_loop3A_760 : vector<16xf32>
        %parallel_loop3A_768 = arith.constant 0.000000e+00 : f32
        %parallel_loop3A_769 = vector.broadcast %parallel_loop3A_768 : f32 to vector<16xf32>
        %parallel_loop3A_770 = arith.subf %parallel_loop3A_769, %parallel_loop3A_767 : vector<16xf32>
        %parallel_loop3A_771 = math.exp %parallel_loop3A_770 : vector<16xf32>
        %parallel_loop3A_772 = arith.constant 1.000000e+00 : f32
        %parallel_loop3A_773 = vector.broadcast %parallel_loop3A_772 : f32 to vector<16xf32>
        %parallel_loop3A_774 = arith.addf %parallel_loop3A_773, %parallel_loop3A_771 : vector<16xf32>
        %parallel_loop3A_775 = arith.divf %parallel_loop3A_767, %parallel_loop3A_774 : vector<16xf32>
        %parallel_loop3A_776 = arith.constant 0 : i32
        %parallel_loop3A_777 = arith.index_cast %parallel_loop3A_776 : i32 to index
        %parallel_loop3A_778 = arith.index_cast %parallel_loop3A_659 : i32 to index
        %parallel_loop3A_779 = arith.constant 32 : index
        %parallel_loop3A_780 = tpu.vector_load %arg14[%parallel_loop3A_777, %parallel_loop3A_778, %parallel_loop3A_779] {strides = array<i32>} : memref<2x128x128xf32, #tpu.memory_space<vmem>>, vector<16xf32>,
        tpu.vector_store %arg14[%parallel_loop3A_777, %parallel_loop3A_778, %parallel_loop3A_779], %parallel_loop3A_775 {strides = array<i32>} : memref<2x128x128xf32, #tpu.memory_space<vmem>>, vector<16xf32>,
        %parallel_loop3A_781 = arith.constant 0 : i32
        %parallel_loop3A_782 = arith.index_cast %parallel_loop3A_781 : i32 to index
        %parallel_loop3A_783 = arith.index_cast %parallel_loop3A_661 : i32 to index
        %parallel_loop3A_784 = arith.constant 32 : index
        %parallel_loop3A_785 = tpu.vector_load %arg12[%parallel_loop3A_782, %parallel_loop3A_783, %parallel_loop3A_784] {strides = array<i32>} : memref<2x128x128xf32, #tpu.memory_space<vmem>>, vector<16xf32>,
        %parallel_loop3A_786 = arith.addf %parallel_loop3A_785, %parallel_loop3A_761 : vector<16xf32>
        %parallel_loop3A_787 = arith.constant 0.000000e+00 : f32
        %parallel_loop3A_788 = vector.broadcast %parallel_loop3A_787 : f32 to vector<16xf32>
        %parallel_loop3A_789 = arith.subf %parallel_loop3A_788, %parallel_loop3A_786 : vector<16xf32>
        %parallel_loop3A_790 = math.exp %parallel_loop3A_789 : vector<16xf32>
        %parallel_loop3A_791 = arith.constant 1.000000e+00 : f32
        %parallel_loop3A_792 = vector.broadcast %parallel_loop3A_791 : f32 to vector<16xf32>
        %parallel_loop3A_793 = arith.addf %parallel_loop3A_792, %parallel_loop3A_790 : vector<16xf32>
        %parallel_loop3A_794 = arith.divf %parallel_loop3A_786, %parallel_loop3A_793 : vector<16xf32>
        %parallel_loop3A_795 = arith.constant 0 : i32
        %parallel_loop3A_796 = arith.index_cast %parallel_loop3A_795 : i32 to index
        %parallel_loop3A_797 = arith.index_cast %parallel_loop3A_661 : i32 to index
        %parallel_loop3A_798 = arith.constant 32 : index
        %parallel_loop3A_799 = tpu.vector_load %arg14[%parallel_loop3A_796, %parallel_loop3A_797, %parallel_loop3A_798] {strides = array<i32>} : memref<2x128x128xf32, #tpu.memory_space<vmem>>, vector<16xf32>,
        tpu.vector_store %arg14[%parallel_loop3A_796, %parallel_loop3A_797, %parallel_loop3A_798], %parallel_loop3A_794 {strides = array<i32>} : memref<2x128x128xf32, #tpu.memory_space<vmem>>, vector<16xf32>,
        %parallel_loop3A_800 = arith.constant 0 : i32
        %parallel_loop3A_801 = arith.index_cast %parallel_loop3A_800 : i32 to index
        %parallel_loop3A_802 = arith.index_cast %parallel_loop3A_657 : i32 to index
        %parallel_loop3A_803 = arith.constant 48 : index
        %parallel_loop3A_804 = tpu.vector_load %arg13[%parallel_loop3A_801, %parallel_loop3A_802, %parallel_loop3A_803] {strides = array<i32>} : memref<2x64x128xf32, #tpu.memory_space<vmem>>, vector<16xf32>,
        %parallel_loop3A_805 = vector.bitcast %parallel_loop3A_804 : vector<16xf32> to vector<32xbf16>
        %parallel_loop3A_806 = tpu.unpack_subelements %parallel_loop3A_805, 0 {pack_format = #tpu.pack_format<interleaved>} : vector<32xbf16> -> vector<16xf32>
        %parallel_loop3A_807 = tpu.unpack_subelements %parallel_loop3A_805, 1 {pack_format = #tpu.pack_format<interleaved>} : vector<32xbf16> -> vector<16xf32>
        %parallel_loop3A_808 = arith.constant 0 : i32
        %parallel_loop3A_809 = arith.index_cast %parallel_loop3A_808 : i32 to index
        %parallel_loop3A_810 = arith.index_cast %parallel_loop3A_659 : i32 to index
        %parallel_loop3A_811 = arith.constant 48 : index
        %parallel_loop3A_812 = tpu.vector_load %arg12[%parallel_loop3A_809, %parallel_loop3A_810, %parallel_loop3A_811] {strides = array<i32>} : memref<2x128x128xf32, #tpu.memory_space<vmem>>, vector<16xf32>,
        %parallel_loop3A_813 = arith.addf %parallel_loop3A_812, %parallel_loop3A_806 : vector<16xf32>
        %parallel_loop3A_814 = arith.constant 0.000000e+00 : f32
        %parallel_loop3A_815 = vector.broadcast %parallel_loop3A_814 : f32 to vector<16xf32>
        %parallel_loop3A_816 = arith.subf %parallel_loop3A_815, %parallel_loop3A_813 : vector<16xf32>
        %parallel_loop3A_817 = math.exp %parallel_loop3A_816 : vector<16xf32>
        %parallel_loop3A_818 = arith.constant 1.000000e+00 : f32
        %parallel_loop3A_819 = vector.broadcast %parallel_loop3A_818 : f32 to vector<16xf32>
        %parallel_loop3A_820 = arith.addf %parallel_loop3A_819, %parallel_loop3A_817 : vector<16xf32>
        %parallel_loop3A_821 = arith.divf %parallel_loop3A_813, %parallel_loop3A_820 : vector<16xf32>
        %parallel_loop3A_822 = arith.constant 0 : i32
        %parallel_loop3A_823 = arith.index_cast %parallel_loop3A_822 : i32 to index
        %parallel_loop3A_824 = arith.index_cast %parallel_loop3A_659 : i32 to index
        %parallel_loop3A_825 = arith.constant 48 : index
        %parallel_loop3A_826 = tpu.vector_load %arg14[%parallel_loop3A_823, %parallel_loop3A_824, %parallel_loop3A_825] {strides = array<i32>} : memref<2x128x128xf32, #tpu.memory_space<vmem>>, vector<16xf32>,
        tpu.vector_store %arg14[%parallel_loop3A_823, %parallel_loop3A_824, %parallel_loop3A_825], %parallel_loop3A_821 {strides = array<i32>} : memref<2x128x128xf32, #tpu.memory_space<vmem>>, vector<16xf32>,
        %parallel_loop3A_827 = arith.constant 0 : i32
        %parallel_loop3A_828 = arith.index_cast %parallel_loop3A_827 : i32 to index
        %parallel_loop3A_829 = arith.index_cast %parallel_loop3A_661 : i32 to index
        %parallel_loop3A_830 = arith.constant 48 : index
        %parallel_loop3A_831 = tpu.vector_load %arg12[%parallel_loop3A_828, %parallel_loop3A_829, %parallel_loop3A_830] {strides = array<i32>} : memref<2x128x128xf32, #tpu.memory_space<vmem>>, vector<16xf32>,
        %parallel_loop3A_832 = arith.addf %parallel_loop3A_831, %parallel_loop3A_807 : vector<16xf32>
        %parallel_loop3A_833 = arith.constant 0.000000e+00 : f32
        %parallel_loop3A_834 = vector.broadcast %parallel_loop3A_833 : f32 to vector<16xf32>
        %parallel_loop3A_835 = arith.subf %parallel_loop3A_834, %parallel_loop3A_832 : vector<16xf32>
        %parallel_loop3A_836 = math.exp %parallel_loop3A_835 : vector<16xf32>
        %parallel_loop3A_837 = arith.constant 1.000000e+00 : f32
        %parallel_loop3A_838 = vector.broadcast %parallel_loop3A_837 : f32 to vector<16xf32>
        %parallel_loop3A_839 = arith.addf %parallel_loop3A_838, %parallel_loop3A_836 : vector<16xf32>
        %parallel_loop3A_840 = arith.divf %parallel_loop3A_832, %parallel_loop3A_839 : vector<16xf32>
        %parallel_loop3A_841 = arith.constant 0 : i32
        %parallel_loop3A_842 = arith.index_cast %parallel_loop3A_841 : i32 to index
        %parallel_loop3A_843 = arith.index_cast %parallel_loop3A_661 : i32 to index
        %parallel_loop3A_844 = arith.constant 48 : index
        %parallel_loop3A_845 = tpu.vector_load %arg14[%parallel_loop3A_842, %parallel_loop3A_843, %parallel_loop3A_844] {strides = array<i32>} : memref<2x128x128xf32, #tpu.memory_space<vmem>>, vector<16xf32>,
        tpu.vector_store %arg14[%parallel_loop3A_842, %parallel_loop3A_843, %parallel_loop3A_844], %parallel_loop3A_840 {strides = array<i32>} : memref<2x128x128xf32, #tpu.memory_space<vmem>>, vector<16xf32>,
        %parallel_loop3A_846 = arith.constant 0 : i32
        %parallel_loop3A_847 = arith.index_cast %parallel_loop3A_846 : i32 to index
        %parallel_loop3A_848 = arith.index_cast %parallel_loop3A_657 : i32 to index
        %parallel_loop3A_849 = arith.constant 64 : index
        %parallel_loop3A_850 = tpu.vector_load %arg13[%parallel_loop3A_847, %parallel_loop3A_848, %parallel_loop3A_849] {strides = array<i32>} : memref<2x64x128xf32, #tpu.memory_space<vmem>>, vector<16xf32>,
        %parallel_loop3A_851 = vector.bitcast %parallel_loop3A_850 : vector<16xf32> to vector<32xbf16>
        %parallel_loop3A_852 = tpu.unpack_subelements %parallel_loop3A_851, 0 {pack_format = #tpu.pack_format<interleaved>} : vector<32xbf16> -> vector<16xf32>
        %parallel_loop3A_853 = tpu.unpack_subelements %parallel_loop3A_851, 1 {pack_format = #tpu.pack_format<interleaved>} : vector<32xbf16> -> vector<16xf32>
        %parallel_loop3A_854 = arith.constant 0 : i32
        %parallel_loop3A_855 = arith.index_cast %parallel_loop3A_854 : i32 to index
        %parallel_loop3A_856 = arith.index_cast %parallel_loop3A_659 : i32 to index
        %parallel_loop3A_857 = arith.constant 64 : index
        %parallel_loop3A_858 = tpu.vector_load %arg12[%parallel_loop3A_855, %parallel_loop3A_856, %parallel_loop3A_857] {strides = array<i32>} : memref<2x128x128xf32, #tpu.memory_space<vmem>>, vector<16xf32>,
        %parallel_loop3A_859 = arith.addf %parallel_loop3A_858, %parallel_loop3A_852 : vector<16xf32>
        %parallel_loop3A_860 = arith.constant 0.000000e+00 : f32
        %parallel_loop3A_861 = vector.broadcast %parallel_loop3A_860 : f32 to vector<16xf32>
        %parallel_loop3A_862 = arith.subf %parallel_loop3A_861, %parallel_loop3A_859 : vector<16xf32>
        %parallel_loop3A_863 = math.exp %parallel_loop3A_862 : vector<16xf32>
        %parallel_loop3A_864 = arith.constant 1.000000e+00 : f32
        %parallel_loop3A_865 = vector.broadcast %parallel_loop3A_864 : f32 to vector<16xf32>
        %parallel_loop3A_866 = arith.addf %parallel_loop3A_865, %parallel_loop3A_863 : vector<16xf32>
        %parallel_loop3A_867 = arith.divf %parallel_loop3A_859, %parallel_loop3A_866 : vector<16xf32>
        %parallel_loop3A_868 = arith.constant 0 : i32
        %parallel_loop3A_869 = arith.index_cast %parallel_loop3A_868 : i32 to index
        %parallel_loop3A_870 = arith.index_cast %parallel_loop3A_659 : i32 to index
        %parallel_loop3A_871 = arith.constant 64 : index
        %parallel_loop3A_872 = tpu.vector_load %arg14[%parallel_loop3A_869, %parallel_loop3A_870, %parallel_loop3A_871] {strides = array<i32>} : memref<2x128x128xf32, #tpu.memory_space<vmem>>, vector<16xf32>,
        tpu.vector_store %arg14[%parallel_loop3A_869, %parallel_loop3A_870, %parallel_loop3A_871], %parallel_loop3A_867 {strides = array<i32>} : memref<2x128x128xf32, #tpu.memory_space<vmem>>, vector<16xf32>,
        %parallel_loop3A_873 = arith.constant 0 : i32
        %parallel_loop3A_874 = arith.index_cast %parallel_loop3A_873 : i32 to index
        %parallel_loop3A_875 = arith.index_cast %parallel_loop3A_661 : i32 to index
        %parallel_loop3A_876 = arith.constant 64 : index
        %parallel_loop3A_877 = tpu.vector_load %arg12[%parallel_loop3A_874, %parallel_loop3A_875, %parallel_loop3A_876] {strides = array<i32>} : memref<2x128x128xf32, #tpu.memory_space<vmem>>, vector<16xf32>,
        %parallel_loop3A_878 = arith.addf %parallel_loop3A_877, %parallel_loop3A_853 : vector<16xf32>
        %parallel_loop3A_879 = arith.constant 0.000000e+00 : f32
        %parallel_loop3A_880 = vector.broadcast %parallel_loop3A_879 : f32 to vector<16xf32>
        %parallel_loop3A_881 = arith.subf %parallel_loop3A_880, %parallel_loop3A_878 : vector<16xf32>
        %parallel_loop3A_882 = math.exp %parallel_loop3A_881 : vector<16xf32>
        %parallel_loop3A_883 = arith.constant 1.000000e+00 : f32
        %parallel_loop3A_884 = vector.broadcast %parallel_loop3A_883 : f32 to vector<16xf32>
        %parallel_loop3A_885 = arith.addf %parallel_loop3A_884, %parallel_loop3A_882 : vector<16xf32>
        %parallel_loop3A_886 = arith.divf %parallel_loop3A_878, %parallel_loop3A_885 : vector<16xf32>
        %parallel_loop3A_887 = arith.constant 0 : i32
        %parallel_loop3A_888 = arith.index_cast %parallel_loop3A_887 : i32 to index
        %parallel_loop3A_889 = arith.index_cast %parallel_loop3A_661 : i32 to index
        %parallel_loop3A_890 = arith.constant 64 : index
        %parallel_loop3A_891 = tpu.vector_load %arg14[%parallel_loop3A_888, %parallel_loop3A_889, %parallel_loop3A_890] {strides = array<i32>} : memref<2x128x128xf32, #tpu.memory_space<vmem>>, vector<16xf32>,
        tpu.vector_store %arg14[%parallel_loop3A_888, %parallel_loop3A_889, %parallel_loop3A_890], %parallel_loop3A_886 {strides = array<i32>} : memref<2x128x128xf32, #tpu.memory_space<vmem>>, vector<16xf32>,
        %parallel_loop3A_892 = arith.constant 0 : i32
        %parallel_loop3A_893 = arith.index_cast %parallel_loop3A_892 : i32 to index
        %parallel_loop3A_894 = arith.index_cast %parallel_loop3A_657 : i32 to index
        %parallel_loop3A_895 = arith.constant 80 : index
        %parallel_loop3A_896 = tpu.vector_load %arg13[%parallel_loop3A_893, %parallel_loop3A_894, %parallel_loop3A_895] {strides = array<i32>} : memref<2x64x128xf32, #tpu.memory_space<vmem>>, vector<16xf32>,
        %parallel_loop3A_897 = vector.bitcast %parallel_loop3A_896 : vector<16xf32> to vector<32xbf16>
        %parallel_loop3A_898 = tpu.unpack_subelements %parallel_loop3A_897, 0 {pack_format = #tpu.pack_format<interleaved>} : vector<32xbf16> -> vector<16xf32>
        %parallel_loop3A_899 = tpu.unpack_subelements %parallel_loop3A_897, 1 {pack_format = #tpu.pack_format<interleaved>} : vector<32xbf16> -> vector<16xf32>
        %parallel_loop3A_900 = arith.constant 0 : i32
        %parallel_loop3A_901 = arith.index_cast %parallel_loop3A_900 : i32 to index
        %parallel_loop3A_902 = arith.index_cast %parallel_loop3A_659 : i32 to index
        %parallel_loop3A_903 = arith.constant 80 : index
        %parallel_loop3A_904 = tpu.vector_load %arg12[%parallel_loop3A_901, %parallel_loop3A_902, %parallel_loop3A_903] {strides = array<i32>} : memref<2x128x128xf32, #tpu.memory_space<vmem>>, vector<16xf32>,
        %parallel_loop3A_905 = arith.addf %parallel_loop3A_904, %parallel_loop3A_898 : vector<16xf32>
        %parallel_loop3A_906 = arith.constant 0.000000e+00 : f32
        %parallel_loop3A_907 = vector.broadcast %parallel_loop3A_906 : f32 to vector<16xf32>
        %parallel_loop3A_908 = arith.subf %parallel_loop3A_907, %parallel_loop3A_905 : vector<16xf32>
        %parallel_loop3A_909 = math.exp %parallel_loop3A_908 : vector<16xf32>
        %parallel_loop3A_910 = arith.constant 1.000000e+00 : f32
        %parallel_loop3A_911 = vector.broadcast %parallel_loop3A_910 : f32 to vector<16xf32>
        %parallel_loop3A_912 = arith.addf %parallel_loop3A_911, %parallel_loop3A_909 : vector<16xf32>
        %parallel_loop3A_913 = arith.divf %parallel_loop3A_905, %parallel_loop3A_912 : vector<16xf32>
        %parallel_loop3A_914 = arith.constant 0 : i32
        %parallel_loop3A_915 = arith.index_cast %parallel_loop3A_914 : i32 to index
        %parallel_loop3A_916 = arith.index_cast %parallel_loop3A_659 : i32 to index
        %parallel_loop3A_917 = arith.constant 80 : index
        %parallel_loop3A_918 = tpu.vector_load %arg14[%parallel_loop3A_915, %parallel_loop3A_916, %parallel_loop3A_917] {strides = array<i32>} : memref<2x128x128xf32, #tpu.memory_space<vmem>>, vector<16xf32>,
        tpu.vector_store %arg14[%parallel_loop3A_915, %parallel_loop3A_916, %parallel_loop3A_917], %parallel_loop3A_913 {strides = array<i32>} : memref<2x128x128xf32, #tpu.memory_space<vmem>>, vector<16xf32>,
        %parallel_loop3A_919 = arith.constant 0 : i32
        %parallel_loop3A_920 = arith.index_cast %parallel_loop3A_919 : i32 to index
        %parallel_loop3A_921 = arith.index_cast %parallel_loop3A_661 : i32 to index
        %parallel_loop3A_922 = arith.constant 80 : index
        %parallel_loop3A_923 = tpu.vector_load %arg12[%parallel_loop3A_920, %parallel_loop3A_921, %parallel_loop3A_922] {strides = array<i32>} : memref<2x128x128xf32, #tpu.memory_space<vmem>>, vector<16xf32>,
        %parallel_loop3A_924 = arith.addf %parallel_loop3A_923, %parallel_loop3A_899 : vector<16xf32>
        %parallel_loop3A_925 = arith.constant 0.000000e+00 : f32
        %parallel_loop3A_926 = vector.broadcast %parallel_loop3A_925 : f32 to vector<16xf32>
        %parallel_loop3A_927 = arith.subf %parallel_loop3A_926, %parallel_loop3A_924 : vector<16xf32>
        %parallel_loop3A_928 = math.exp %parallel_loop3A_927 : vector<16xf32>
        %parallel_loop3A_929 = arith.constant 1.000000e+00 : f32
        %parallel_loop3A_930 = vector.broadcast %parallel_loop3A_929 : f32 to vector<16xf32>
        %parallel_loop3A_931 = arith.addf %parallel_loop3A_930, %parallel_loop3A_928 : vector<16xf32>
        %parallel_loop3A_932 = arith.divf %parallel_loop3A_924, %parallel_loop3A_931 : vector<16xf32>
        %parallel_loop3A_933 = arith.constant 0 : i32
        %parallel_loop3A_934 = arith.index_cast %parallel_loop3A_933 : i32 to index
        %parallel_loop3A_935 = arith.index_cast %parallel_loop3A_661 : i32 to index
        %parallel_loop3A_936 = arith.constant 80 : index
        %parallel_loop3A_937 = tpu.vector_load %arg14[%parallel_loop3A_934, %parallel_loop3A_935, %parallel_loop3A_936] {strides = array<i32>} : memref<2x128x128xf32, #tpu.memory_space<vmem>>, vector<16xf32>,
        tpu.vector_store %arg14[%parallel_loop3A_934, %parallel_loop3A_935, %parallel_loop3A_936], %parallel_loop3A_932 {strides = array<i32>} : memref<2x128x128xf32, #tpu.memory_space<vmem>>, vector<16xf32>,
        %parallel_loop3A_938 = arith.constant 0 : i32
        %parallel_loop3A_939 = arith.index_cast %parallel_loop3A_938 : i32 to index
        %parallel_loop3A_940 = arith.index_cast %parallel_loop3A_657 : i32 to index
        %parallel_loop3A_941 = arith.constant 96 : index
        %parallel_loop3A_942 = tpu.vector_load %arg13[%parallel_loop3A_939, %parallel_loop3A_940, %parallel_loop3A_941] {strides = array<i32>} : memref<2x64x128xf32, #tpu.memory_space<vmem>>, vector<16xf32>,
        %parallel_loop3A_943 = vector.bitcast %parallel_loop3A_942 : vector<16xf32> to vector<32xbf16>
        %parallel_loop3A_944 = tpu.unpack_subelements %parallel_loop3A_943, 0 {pack_format = #tpu.pack_format<interleaved>} : vector<32xbf16> -> vector<16xf32>
        %parallel_loop3A_945 = tpu.unpack_subelements %parallel_loop3A_943, 1 {pack_format = #tpu.pack_format<interleaved>} : vector<32xbf16> -> vector<16xf32>
        %parallel_loop3A_946 = arith.constant 0 : i32
        %parallel_loop3A_947 = arith.index_cast %parallel_loop3A_946 : i32 to index
        %parallel_loop3A_948 = arith.index_cast %parallel_loop3A_659 : i32 to index
        %parallel_loop3A_949 = arith.constant 96 : index
        %parallel_loop3A_950 = tpu.vector_load %arg12[%parallel_loop3A_947, %parallel_loop3A_948, %parallel_loop3A_949] {strides = array<i32>} : memref<2x128x128xf32, #tpu.memory_space<vmem>>, vector<16xf32>,
        %parallel_loop3A_951 = arith.addf %parallel_loop3A_950, %parallel_loop3A_944 : vector<16xf32>
        %parallel_loop3A_952 = arith.constant 0.000000e+00 : f32
        %parallel_loop3A_953 = vector.broadcast %parallel_loop3A_952 : f32 to vector<16xf32>
        %parallel_loop3A_954 = arith.subf %parallel_loop3A_953, %parallel_loop3A_951 : vector<16xf32>
        %parallel_loop3A_955 = math.exp %parallel_loop3A_954 : vector<16xf32>
        %parallel_loop3A_956 = arith.constant 1.000000e+00 : f32
        %parallel_loop3A_957 = vector.broadcast %parallel_loop3A_956 : f32 to vector<16xf32>
        %parallel_loop3A_958 = arith.addf %parallel_loop3A_957, %parallel_loop3A_955 : vector<16xf32>
        %parallel_loop3A_959 = arith.divf %parallel_loop3A_951, %parallel_loop3A_958 : vector<16xf32>
        %parallel_loop3A_960 = arith.constant 0 : i32
        %parallel_loop3A_961 = arith.index_cast %parallel_loop3A_960 : i32 to index
        %parallel_loop3A_962 = arith.index_cast %parallel_loop3A_659 : i32 to index
        %parallel_loop3A_963 = arith.constant 96 : index
        %parallel_loop3A_964 = tpu.vector_load %arg14[%parallel_loop3A_961, %parallel_loop3A_962, %parallel_loop3A_963] {strides = array<i32>} : memref<2x128x128xf32, #tpu.memory_space<vmem>>, vector<16xf32>,
        tpu.vector_store %arg14[%parallel_loop3A_961, %parallel_loop3A_962, %parallel_loop3A_963], %parallel_loop3A_959 {strides = array<i32>} : memref<2x128x128xf32, #tpu.memory_space<vmem>>, vector<16xf32>,
        %parallel_loop3A_965 = arith.constant 0 : i32
        %parallel_loop3A_966 = arith.index_cast %parallel_loop3A_965 : i32 to index
        %parallel_loop3A_967 = arith.index_cast %parallel_loop3A_661 : i32 to index
        %parallel_loop3A_968 = arith.constant 96 : index
        %parallel_loop3A_969 = tpu.vector_load %arg12[%parallel_loop3A_966, %parallel_loop3A_967, %parallel_loop3A_968] {strides = array<i32>} : memref<2x128x128xf32, #tpu.memory_space<vmem>>, vector<16xf32>,
        %parallel_loop3A_970 = arith.addf %parallel_loop3A_969, %parallel_loop3A_945 : vector<16xf32>
        %parallel_loop3A_971 = arith.constant 0.000000e+00 : f32
        %parallel_loop3A_972 = vector.broadcast %parallel_loop3A_971 : f32 to vector<16xf32>
        %parallel_loop3A_973 = arith.subf %parallel_loop3A_972, %parallel_loop3A_970 : vector<16xf32>
        %parallel_loop3A_974 = math.exp %parallel_loop3A_973 : vector<16xf32>
        %parallel_loop3A_975 = arith.constant 1.000000e+00 : f32
        %parallel_loop3A_976 = vector.broadcast %parallel_loop3A_975 : f32 to vector<16xf32>
        %parallel_loop3A_977 = arith.addf %parallel_loop3A_976, %parallel_loop3A_974 : vector<16xf32>
        %parallel_loop3A_978 = arith.divf %parallel_loop3A_970, %parallel_loop3A_977 : vector<16xf32>
        %parallel_loop3A_979 = arith.constant 0 : i32
        %parallel_loop3A_980 = arith.index_cast %parallel_loop3A_979 : i32 to index
        %parallel_loop3A_981 = arith.index_cast %parallel_loop3A_661 : i32 to index
        %parallel_loop3A_982 = arith.constant 96 : index
        %parallel_loop3A_983 = tpu.vector_load %arg14[%parallel_loop3A_980, %parallel_loop3A_981, %parallel_loop3A_982] {strides = array<i32>} : memref<2x128x128xf32, #tpu.memory_space<vmem>>, vector<16xf32>,
        tpu.vector_store %arg14[%parallel_loop3A_980, %parallel_loop3A_981, %parallel_loop3A_982], %parallel_loop3A_978 {strides = array<i32>} : memref<2x128x128xf32, #tpu.memory_space<vmem>>, vector<16xf32>,
        %parallel_loop3A_984 = arith.constant 0 : i32
        %parallel_loop3A_985 = arith.index_cast %parallel_loop3A_984 : i32 to index
        %parallel_loop3A_986 = arith.index_cast %parallel_loop3A_657 : i32 to index
        %parallel_loop3A_987 = arith.constant 112 : index
        %parallel_loop3A_988 = tpu.vector_load %arg13[%parallel_loop3A_985, %parallel_loop3A_986, %parallel_loop3A_987] {strides = array<i32>} : memref<2x64x128xf32, #tpu.memory_space<vmem>>, vector<16xf32>,
        %parallel_loop3A_989 = vector.bitcast %parallel_loop3A_988 : vector<16xf32> to vector<32xbf16>
        %parallel_loop3A_990 = tpu.unpack_subelements %parallel_loop3A_989, 0 {pack_format = #tpu.pack_format<interleaved>} : vector<32xbf16> -> vector<16xf32>
        %parallel_loop3A_991 = tpu.unpack_subelements %parallel_loop3A_989, 1 {pack_format = #tpu.pack_format<interleaved>} : vector<32xbf16> -> vector<16xf32>
        %parallel_loop3A_992 = arith.constant 0 : i32
        %parallel_loop3A_993 = arith.index_cast %parallel_loop3A_992 : i32 to index
        %parallel_loop3A_994 = arith.index_cast %parallel_loop3A_659 : i32 to index
        %parallel_loop3A_995 = arith.constant 112 : index
        %parallel_loop3A_996 = tpu.vector_load %arg12[%parallel_loop3A_993, %parallel_loop3A_994, %parallel_loop3A_995] {strides = array<i32>} : memref<2x128x128xf32, #tpu.memory_space<vmem>>, vector<16xf32>,
        %parallel_loop3A_997 = arith.addf %parallel_loop3A_996, %parallel_loop3A_990 : vector<16xf32>
        %parallel_loop3A_998 = arith.constant 0.000000e+00 : f32
        %parallel_loop3A_999 = vector.broadcast %parallel_loop3A_998 : f32 to vector<16xf32>
        %parallel_loop3A_1000 = arith.subf %parallel_loop3A_999, %parallel_loop3A_997 : vector<16xf32>
        %parallel_loop3A_1001 = math.exp %parallel_loop3A_1000 : vector<16xf32>
        %parallel_loop3A_1002 = arith.constant 1.000000e+00 : f32
        %parallel_loop3A_1003 = vector.broadcast %parallel_loop3A_1002 : f32 to vector<16xf32>
        %parallel_loop3A_1004 = arith.addf %parallel_loop3A_1003, %parallel_loop3A_1001 : vector<16xf32>
        %parallel_loop3A_1005 = arith.divf %parallel_loop3A_997, %parallel_loop3A_1004 : vector<16xf32>
        %parallel_loop3A_1006 = arith.constant 0 : i32
        %parallel_loop3A_1007 = arith.index_cast %parallel_loop3A_1006 : i32 to index
        %parallel_loop3A_1008 = arith.index_cast %parallel_loop3A_659 : i32 to index
        %parallel_loop3A_1009 = arith.constant 112 : index
        %parallel_loop3A_1010 = tpu.vector_load %arg14[%parallel_loop3A_1007, %parallel_loop3A_1008, %parallel_loop3A_1009] {strides = array<i32>} : memref<2x128x128xf32, #tpu.memory_space<vmem>>, vector<16xf32>,
        tpu.vector_store %arg14[%parallel_loop3A_1007, %parallel_loop3A_1008, %parallel_loop3A_1009], %parallel_loop3A_1005 {strides = array<i32>} : memref<2x128x128xf32, #tpu.memory_space<vmem>>, vector<16xf32>,
        %parallel_loop3A_1011 = arith.constant 0 : i32
        %parallel_loop3A_1012 = arith.index_cast %parallel_loop3A_1011 : i32 to index
        %parallel_loop3A_1013 = arith.index_cast %parallel_loop3A_661 : i32 to index
        %parallel_loop3A_1014 = arith.constant 112 : index
        %parallel_loop3A_1015 = tpu.vector_load %arg12[%parallel_loop3A_1012, %parallel_loop3A_1013, %parallel_loop3A_1014] {strides = array<i32>} : memref<2x128x128xf32, #tpu.memory_space<vmem>>, vector<16xf32>,
        %parallel_loop3A_1016 = arith.addf %parallel_loop3A_1015, %parallel_loop3A_991 : vector<16xf32>
        %parallel_loop3A_1017 = arith.constant 0.000000e+00 : f32
        %parallel_loop3A_1018 = vector.broadcast %parallel_loop3A_1017 : f32 to vector<16xf32>
        %parallel_loop3A_1019 = arith.subf %parallel_loop3A_1018, %parallel_loop3A_1016 : vector<16xf32>
        %parallel_loop3A_1020 = math.exp %parallel_loop3A_1019 : vector<16xf32>
        %parallel_loop3A_1021 = arith.constant 1.000000e+00 : f32
        %parallel_loop3A_1022 = vector.broadcast %parallel_loop3A_1021 : f32 to vector<16xf32>
        %parallel_loop3A_1023 = arith.addf %parallel_loop3A_1022, %parallel_loop3A_1020 : vector<16xf32>
        %parallel_loop3A_1024 = arith.divf %parallel_loop3A_1016, %parallel_loop3A_1023 : vector<16xf32>
        %parallel_loop3A_1025 = arith.constant 0 : i32
        %parallel_loop3A_1026 = arith.index_cast %parallel_loop3A_1025 : i32 to index
        %parallel_loop3A_1027 = arith.index_cast %parallel_loop3A_661 : i32 to index
        %parallel_loop3A_1028 = arith.constant 112 : index
        %parallel_loop3A_1029 = tpu.vector_load %arg14[%parallel_loop3A_1026, %parallel_loop3A_1027, %parallel_loop3A_1028] {strides = array<i32>} : memref<2x128x128xf32, #tpu.memory_space<vmem>>, vector<16xf32>,
        tpu.vector_store %arg14[%parallel_loop3A_1026, %parallel_loop3A_1027, %parallel_loop3A_1028], %parallel_loop3A_1024 {strides = array<i32>} : memref<2x128x128xf32, #tpu.memory_space<vmem>>, vector<16xf32>,
      } {sc.loop_unroll_factor = 1 : i64, sc.parallel_access}
      %min3A_416 = arith.constant 78 : i32
      %min3A_417 = arith.minsi %mul3A_318, %min3A_416 : i32
      %mul3A_418 = arith.constant 128 : i32
      %mul3A_419 = arith.muli %min3A_417, %mul3A_418 : i32
      %min3A_420 = arith.constant 9872 : i32
      %min3A_421 = arith.minsi %mul3A_419, %min3A_420 : i32
      %add3A_422 = arith.addi %mul3A_2, %min3A_421 : i32
      %multiple_of3A_423 = tpu.assume_multiple %add3A_422, 16 : i32
      %dma_start3A_424 = arith.constant 0 : i32
      %dma_start3A_425 = arith.constant 0 : i32
      %dma_start3A_426 = arith.constant 0 : i32
      %dma_start3A_427 = tpu.memref_slice %arg14[%dma_start3A_424, %dma_start3A_425, %dma_start3A_426] : memref<2x128x128xf32, #tpu.memory_space<vmem>> -> memref<1x128x128xf32, #tpu.memory_space<vmem>>
      %dma_start3A_428 = tpu.memref_squeeze %dma_start3A_427 : memref<1x128x128xf32, #tpu.memory_space<vmem>> -> memref<128x128xf32, #tpu.memory_space<vmem>>
      %dma_start3A_429 = arith.constant 0 : i32
      %dma_start3A_430 = tpu.memref_slice %arg7[%multiple_of3A_423, %dma_start3A_429] : memref<320000x128xf32, #tpu.memory_space<hbm>> -> memref<128x128xf32, #tpu.memory_space<hbm>>
      %dma_start3A_431 = arith.constant 0 : i32
      %dma_start3A_432 = tpu.memref_slice %arg7[%multiple_of3A_423, %dma_start3A_431] : memref<320000x128xf32, #tpu.memory_space<hbm>> -> memref<128x128xf32, #tpu.memory_space<hbm>>
      %dma_start3A_433 = arith.constant 0 : i32
      %dma_start3A_434 = arith.constant 0 : i32
      %dma_start3A_435 = tpu.memref_slice %arg14[%dma_start3A_424, %dma_start3A_433, %dma_start3A_434] : memref<2x128x128xf32, #tpu.memory_space<vmem>> -> memref<1x128x128xf32, #tpu.memory_space<vmem>>
      %dma_start3A_436 = tpu.memref_squeeze %dma_start3A_435 : memref<1x128x128xf32, #tpu.memory_space<vmem>> -> memref<128x128xf32, #tpu.memory_space<vmem>>
      tpu.enqueue_dma source(%dma_start3A_436 : memref<128x128xf32, #tpu.memory_space<vmem>>) target(%dma_start3A_432 : memref<128x128xf32, #tpu.memory_space<hbm>>) target_semaphore(%arg19 : memref<!tpu.dma_semaphore, #tpu.memory_space<semaphore_mem>>)
      %add3A_437 = arith.constant 2 : i32
      %add3A_438 = arith.addi %mul3A_318, %add3A_437 : i32
      %min3A_439 = arith.constant 78 : i32
      %min3A_440 = arith.minsi %add3A_438, %min3A_439 : i32
      %mul3A_441 = arith.constant 128 : i32
      %mul3A_442 = arith.muli %min3A_440, %mul3A_441 : i32
      %min3A_443 = arith.constant 9872 : i32
      %min3A_444 = arith.minsi %mul3A_442, %min3A_443 : i32
      %add3A_445 = arith.addi %mul3A_2, %min3A_444 : i32
      %multiple_of3A_446 = tpu.assume_multiple %add3A_445, 16 : i32
      %jit3A_447 = arith.constant 2 : i32
      %div3A_448 = arith.divsi %multiple_of3A_446, %jit3A_447 : i32
      %sign3A_449 = arith.constant 0 : i32
      %sign3A_450 = arith.cmpi sgt, %multiple_of3A_446, %sign3A_449 : i32
      %sign3A_451 = arith.extui %sign3A_450 : i1 to i32
      %sign3A_452 = arith.constant 0 : i32
      %sign3A_453 = arith.cmpi slt, %multiple_of3A_446, %sign3A_452 : i32
      %sign3A_454 = arith.extui %sign3A_453 : i1 to i32
      %sign3A_455 = arith.subi %sign3A_451, %sign3A_454 : i32
      %sign3A_456 = arith.constant 0 : i32
      %sign3A_457 = arith.cmpi sgt, %jit3A_447, %sign3A_456 : i32
      %sign3A_458 = arith.extui %sign3A_457 : i1 to i32
      %sign3A_459 = arith.constant 0 : i32
      %sign3A_460 = arith.cmpi slt, %jit3A_447, %sign3A_459 : i32
      %sign3A_461 = arith.extui %sign3A_460 : i1 to i32
      %sign3A_462 = arith.subi %sign3A_458, %sign3A_461 : i32
      %ne3A_463 = arith.cmpi ne, %sign3A_455, %sign3A_462 : i32
      %rem3A_464 = arith.remsi %multiple_of3A_446, %jit3A_447 : i32
      %ne3A_465 = arith.constant 0 : i32
      %ne3A_466 = arith.cmpi ne, %rem3A_464, %ne3A_465 : i32
      %and3A_467 = arith.andi %ne3A_463, %ne3A_466 : i1
      %sub3A_468 = arith.constant 1 : i32
      %sub3A_469 = arith.subi %div3A_448, %sub3A_468 : i32
      %select_n3A_470 = arith.select %and3A_467, %sub3A_469, %div3A_448 : i32
      %multiple_of3A_471 = tpu.assume_multiple %select_n3A_470, 8 : i32
      %dma_start3A_472 = arith.constant 0 : i32
      %dma_start3A_473 = arith.constant 0 : i32
      %dma_start3A_474 = arith.constant 0 : i32
      %dma_start3A_475 = tpu.memref_slice %arg13[%dma_start3A_472, %dma_start3A_473, %dma_start3A_474] : memref<2x64x128xf32, #tpu.memory_space<vmem>> -> memref<1x64x128xf32, #tpu.memory_space<vmem>>
      %dma_start3A_476 = tpu.memref_squeeze %dma_start3A_475 : memref<1x64x128xf32, #tpu.memory_space<vmem>> -> memref<64x128xf32, #tpu.memory_space<vmem>>
      %dma_start3A_477 = arith.constant 0 : i32
      %dma_start3A_478 = tpu.memref_slice %arg6[%multiple_of3A_471, %dma_start3A_477] : memref<160000x128xf32, #tpu.memory_space<hbm>> -> memref<64x128xf32, #tpu.memory_space<hbm>>
      %dma_start3A_479 = arith.constant 0 : i32
      %dma_start3A_480 = arith.constant 0 : i32
      %dma_start3A_481 = tpu.memref_slice %arg13[%dma_start3A_472, %dma_start3A_479, %dma_start3A_480] : memref<2x64x128xf32, #tpu.memory_space<vmem>> -> memref<1x64x128xf32, #tpu.memory_space<vmem>>
      %dma_start3A_482 = tpu.memref_squeeze %dma_start3A_481 : memref<1x64x128xf32, #tpu.memory_space<vmem>> -> memref<64x128xf32, #tpu.memory_space<vmem>>
      %dma_start3A_483 = arith.constant 0 : i32
      %dma_start3A_484 = tpu.memref_slice %arg6[%multiple_of3A_471, %dma_start3A_483] : memref<160000x128xf32, #tpu.memory_space<hbm>> -> memref<64x128xf32, #tpu.memory_space<hbm>>
      tpu.enqueue_dma source(%dma_start3A_484 : memref<64x128xf32, #tpu.memory_space<hbm>>) target(%dma_start3A_482 : memref<64x128xf32, #tpu.memory_space<vmem>>) target_semaphore(%arg17 : memref<!tpu.dma_semaphore, #tpu.memory_space<semaphore_mem>>)
      %dma_wait3A_485 = arith.constant 0 : i32
      %dma_wait3A_486 = arith.constant 0 : i32
      %dma_wait3A_487 = tpu.memref_slice %arg9[%dma_wait3A_485, %dma_wait3A_486] : memref<2x128xi32, #tpu.memory_space<vmem>> -> memref<1x128xi32, #tpu.memory_space<vmem>>
      %dma_wait3A_488 = tpu.memref_squeeze %dma_wait3A_487 : memref<1x128xi32, #tpu.memory_space<vmem>> -> memref<128xi32, #tpu.memory_space<vmem>>
      %dma_wait3A_489 = arith.constant 0 : i32
      %dma_wait3A_490 = tpu.memref_slice %arg4[%dma_wait3A_489] : memref<320000xi32, #tpu.memory_space<hbm>> -> memref<128xi32, #tpu.memory_space<hbm>>
      %dma_wait3A_491 = arith.constant 0 : i32
      %dma_wait3A_492 = tpu.memref_slice %arg9[%dma_wait3A_485, %dma_wait3A_491] : memref<2x128xi32, #tpu.memory_space<vmem>> -> memref<1x128xi32, #tpu.memory_space<vmem>>
      %dma_wait3A_493 = tpu.memref_squeeze %dma_wait3A_492 : memref<1x128xi32, #tpu.memory_space<vmem>> -> memref<128xi32, #tpu.memory_space<vmem>>
      %dma_wait3A_494 = arith.constant 0 : i32
      %dma_wait3A_495 = tpu.memref_slice %arg4[%dma_wait3A_494] : memref<320000xi32, #tpu.memory_space<hbm>> -> memref<128xi32, #tpu.memory_space<hbm>>
      tpu.wait_dma2 semaphore(%arg15 : memref<!tpu.dma_semaphore, #tpu.memory_space<semaphore_mem>>) src(%dma_wait3A_495 : memref<128xi32, #tpu.memory_space<hbm>>) dst(%dma_wait3A_493 : memref<128xi32, #tpu.memory_space<vmem>>)
      %dma_wait3A_496 = arith.constant 0 : i32
      %dma_wait3A_497 = arith.constant 0 : i32
      %dma_wait3A_498 = tpu.memref_slice %arg10[%dma_wait3A_496, %dma_wait3A_497] : memref<2x128xi32, #tpu.memory_space<vmem>> -> memref<1x128xi32, #tpu.memory_space<vmem>>
      %dma_wait3A_499 = tpu.memref_squeeze %dma_wait3A_498 : memref<1x128xi32, #tpu.memory_space<vmem>> -> memref<128xi32, #tpu.memory_space<vmem>>
      %dma_wait3A_500 = arith.constant 0 : i32
      %dma_wait3A_501 = tpu.memref_slice %arg5[%dma_wait3A_500] : memref<320000xi32, #tpu.memory_space<hbm>> -> memref<128xi32, #tpu.memory_space<hbm>>
      %dma_wait3A_502 = arith.constant 0 : i32
      %dma_wait3A_503 = tpu.memref_slice %arg10[%dma_wait3A_496, %dma_wait3A_502] : memref<2x128xi32, #tpu.memory_space<vmem>> -> memref<1x128xi32, #tpu.memory_space<vmem>>
      %dma_wait3A_504 = tpu.memref_squeeze %dma_wait3A_503 : memref<1x128xi32, #tpu.memory_space<vmem>> -> memref<128xi32, #tpu.memory_space<vmem>>
      %dma_wait3A_505 = arith.constant 0 : i32
      %dma_wait3A_506 = tpu.memref_slice %arg5[%dma_wait3A_505] : memref<320000xi32, #tpu.memory_space<hbm>> -> memref<128xi32, #tpu.memory_space<hbm>>
      tpu.wait_dma2 semaphore(%arg15 : memref<!tpu.dma_semaphore, #tpu.memory_space<semaphore_mem>>) src(%dma_wait3A_506 : memref<128xi32, #tpu.memory_space<hbm>>) dst(%dma_wait3A_504 : memref<128xi32, #tpu.memory_space<vmem>>)
      %parallel_loop3A_507 = arith.constant 0 : i32
      %parallel_loop3A_508 = arith.constant 8 : i32
      %parallel_loop3A_509 = arith.constant 1 : i32
      scf.for %parallel_loop3A_657 = %parallel_loop3A_507 to %parallel_loop3A_508 step %parallel_loop3A_509  : i32 {
        %parallel_loop3A_658 = arith.constant 16 : i32
        %parallel_loop3A_659 = arith.muli %parallel_loop3A_657, %parallel_loop3A_658 : i32
        %parallel_loop3A_660 = arith.constant 0 : i32
        %parallel_loop3A_661 = arith.index_cast %parallel_loop3A_660 : i32 to index
        %parallel_loop3A_662 = arith.index_cast %parallel_loop3A_659 : i32 to index
        %parallel_loop3A_663 = tpu.vector_load %arg9[%parallel_loop3A_661, %parallel_loop3A_662] {strides = array<i32>} : memref<2x128xi32, #tpu.memory_space<vmem>>, vector<16xi32>,
        %parallel_loop3A_664 = arith.constant 1 : i32
        %parallel_loop3A_665 = vector.broadcast %parallel_loop3A_664 : i32 to vector<16xi32>
        %parallel_loop3A_666 = arith.shrui %parallel_loop3A_663, %parallel_loop3A_665 : vector<16xi32>
        %parallel_loop3A_667 = tpu.vector_load_idx %arg8[%parallel_loop3A_666] : memref<5000xi32, #tpu.memory_space<vmem>>[vector<16xi32>], vector<16xi32>,
        %parallel_loop3A_668 = arith.constant 1 : i32
        %parallel_loop3A_669 = vector.broadcast %parallel_loop3A_668 : i32 to vector<16xi32>
        %parallel_loop3A_670 = arith.andi %parallel_loop3A_663, %parallel_loop3A_669 : vector<16xi32>
        %parallel_loop3A_671 = arith.constant 1 : i32
        %parallel_loop3A_672 = vector.broadcast %parallel_loop3A_671 : i32 to vector<16xi32>
        %parallel_loop3A_673 = arith.cmpi eq, %parallel_loop3A_670, %parallel_loop3A_672 : vector<16xi32>
        %parallel_loop3A_674 = arith.constant 16 : i32
        %parallel_loop3A_675 = vector.broadcast %parallel_loop3A_674 : i32 to vector<16xi32>
        %parallel_loop3A_676 = arith.shrui %parallel_loop3A_667, %parallel_loop3A_675 : vector<16xi32>
        %parallel_loop3A_677 = arith.constant 65535 : i32
        %parallel_loop3A_678 = vector.broadcast %parallel_loop3A_677 : i32 to vector<16xi32>
        %parallel_loop3A_679 = arith.andi %parallel_loop3A_667, %parallel_loop3A_678 : vector<16xi32>
        %parallel_loop3A_680 = arith.select %parallel_loop3A_673, %parallel_loop3A_676, %parallel_loop3A_679 : vector<16xi1>, vector<16xi32>
        %parallel_loop3A_681 = arith.constant 0 : i32
        %parallel_loop3A_682 = arith.index_cast %parallel_loop3A_681 : i32 to index
        %parallel_loop3A_683 = arith.index_cast %parallel_loop3A_659 : i32 to index
        %parallel_loop3A_684 = tpu.vector_load %arg10[%parallel_loop3A_682, %parallel_loop3A_683] {strides = array<i32>} : memref<2x128xi32, #tpu.memory_space<vmem>>, vector<16xi32>,
        %parallel_loop3A_685 = arith.constant 1 : i32
        %parallel_loop3A_686 = vector.broadcast %parallel_loop3A_685 : i32 to vector<16xi32>
        %parallel_loop3A_687 = arith.shrui %parallel_loop3A_684, %parallel_loop3A_686 : vector<16xi32>
        %parallel_loop3A_688 = tpu.vector_load_idx %arg8[%parallel_loop3A_687] : memref<5000xi32, #tpu.memory_space<vmem>>[vector<16xi32>], vector<16xi32>,
        %parallel_loop3A_689 = arith.constant 1 : i32
        %parallel_loop3A_690 = vector.broadcast %parallel_loop3A_689 : i32 to vector<16xi32>
        %parallel_loop3A_691 = arith.andi %parallel_loop3A_684, %parallel_loop3A_690 : vector<16xi32>
        %parallel_loop3A_692 = arith.constant 1 : i32
        %parallel_loop3A_693 = vector.broadcast %parallel_loop3A_692 : i32 to vector<16xi32>
        %parallel_loop3A_694 = arith.cmpi eq, %parallel_loop3A_691, %parallel_loop3A_693 : vector<16xi32>
        %parallel_loop3A_695 = arith.constant 16 : i32
        %parallel_loop3A_696 = vector.broadcast %parallel_loop3A_695 : i32 to vector<16xi32>
        %parallel_loop3A_697 = arith.shrui %parallel_loop3A_688, %parallel_loop3A_696 : vector<16xi32>
        %parallel_loop3A_698 = arith.constant 65535 : i32
        %parallel_loop3A_699 = vector.broadcast %parallel_loop3A_698 : i32 to vector<16xi32>
        %parallel_loop3A_700 = arith.andi %parallel_loop3A_688, %parallel_loop3A_699 : vector<16xi32>
        %parallel_loop3A_701 = arith.select %parallel_loop3A_694, %parallel_loop3A_697, %parallel_loop3A_700 : vector<16xi1>, vector<16xi32>
        %parallel_loop3A_702 = arith.constant 96 : i32
        %parallel_loop3A_703 = vector.broadcast %parallel_loop3A_702 : i32 to vector<16xi32>
        %parallel_loop3A_704 = arith.muli %parallel_loop3A_680, %parallel_loop3A_703 : vector<16xi32>
        %parallel_loop3A_705 = arith.addi %parallel_loop3A_704, %parallel_loop3A_701 : vector<16xi32>
        %parallel_loop3A_706 = arith.constant 0 : i32
        %parallel_loop3A_707 = arith.index_cast %parallel_loop3A_706 : i32 to index
        %parallel_loop3A_708 = arith.index_cast %parallel_loop3A_659 : i32 to index
        %parallel_loop3A_709 = tpu.vector_load %arg11[%parallel_loop3A_707, %parallel_loop3A_708] {strides = array<i32>} : memref<2x128xi32, #tpu.memory_space<vmem>>, vector<16xi32>,
        tpu.vector_store %arg11[%parallel_loop3A_707, %parallel_loop3A_708], %parallel_loop3A_705 {strides = array<i32>} : memref<2x128xi32, #tpu.memory_space<vmem>>, vector<16xi32>,
      } {sc.loop_unroll_factor = 1 : i64, sc.parallel_access}
      %dma_start3A_510 = arith.constant 0 : i32
      %dma_start3A_511 = arith.constant 0 : i32
      %dma_start3A_512 = arith.constant 0 : i32
      %dma_start3A_513 = arith.constant 0 : i32
      %dma_start3A_514 = tpu.memref_slice %arg12[%dma_start3A_511, %dma_start3A_512, %dma_start3A_513] : memref<2x128x128xf32, #tpu.memory_space<vmem>> -> memref<1x128x128xf32, #tpu.memory_space<vmem>>
      %dma_start3A_515 = tpu.memref_squeeze %dma_start3A_514 : memref<1x128x128xf32, #tpu.memory_space<vmem>> -> memref<128x128xf32, #tpu.memory_space<vmem>>
      %dma_start3A_516 = arith.constant 0 : i32
      %dma_start3A_517 = tpu.memref_slice %arg11[%dma_start3A_510, %dma_start3A_516] : memref<2x128xi32, #tpu.memory_space<vmem>> -> memref<1x128xi32, #tpu.memory_space<vmem>>
      %dma_start3A_518 = tpu.memref_squeeze %dma_start3A_517 : memref<1x128xi32, #tpu.memory_space<vmem>> -> memref<128xi32, #tpu.memory_space<vmem>>
      %dma_start3A_519 = arith.constant 0 : i32
      %dma_start3A_520 = arith.constant 0 : i32
      %dma_start3A_521 = tpu.memref_slice %arg2[%dma_start3A_519, %dma_start3A_520] : memref<9216x128xf32, #tpu.memory_space<hbm>> -> memref<9216x128xf32, #tpu.memory_space<hbm>>
      tpu.enqueue_indirect_dma source(%dma_start3A_521 : memref<9216x128xf32, #tpu.memory_space<hbm>>) target(%dma_start3A_515 : memref<128x128xf32, #tpu.memory_space<vmem>>) offsets(%dma_start3A_518 : memref<128xi32, #tpu.memory_space<vmem>>) semaphore(%arg17 : memref<!tpu.dma_semaphore, #tpu.memory_space<semaphore_mem>>)
      %dma_wait3A_522 = arith.constant 1 : i32
      %dma_wait3A_523 = arith.constant 0 : i32
      %dma_wait3A_524 = arith.constant 0 : i32
      %dma_wait3A_525 = tpu.memref_slice %arg13[%dma_wait3A_522, %dma_wait3A_523, %dma_wait3A_524] : memref<2x64x128xf32, #tpu.memory_space<vmem>> -> memref<1x64x128xf32, #tpu.memory_space<vmem>>
      %dma_wait3A_526 = tpu.memref_squeeze %dma_wait3A_525 : memref<1x64x128xf32, #tpu.memory_space<vmem>> -> memref<64x128xf32, #tpu.memory_space<vmem>>
      %dma_wait3A_527 = arith.constant 0 : i32
      %dma_wait3A_528 = arith.constant 0 : i32
      %dma_wait3A_529 = tpu.memref_slice %arg6[%dma_wait3A_527, %dma_wait3A_528] : memref<160000x128xf32, #tpu.memory_space<hbm>> -> memref<64x128xf32, #tpu.memory_space<hbm>>
      %dma_wait3A_530 = arith.constant 0 : i32
      %dma_wait3A_531 = arith.constant 0 : i32
      %dma_wait3A_532 = tpu.memref_slice %arg13[%dma_wait3A_522, %dma_wait3A_530, %dma_wait3A_531] : memref<2x64x128xf32, #tpu.memory_space<vmem>> -> memref<1x64x128xf32, #tpu.memory_space<vmem>>
      %dma_wait3A_533 = tpu.memref_squeeze %dma_wait3A_532 : memref<1x64x128xf32, #tpu.memory_space<vmem>> -> memref<64x128xf32, #tpu.memory_space<vmem>>
      %dma_wait3A_534 = arith.constant 0 : i32
      %dma_wait3A_535 = arith.constant 0 : i32
      %dma_wait3A_536 = tpu.memref_slice %arg6[%dma_wait3A_534, %dma_wait3A_535] : memref<160000x128xf32, #tpu.memory_space<hbm>> -> memref<64x128xf32, #tpu.memory_space<hbm>>
      tpu.wait_dma2 semaphore(%arg18 : memref<!tpu.dma_semaphore, #tpu.memory_space<semaphore_mem>>) src(%dma_wait3A_536 : memref<64x128xf32, #tpu.memory_space<hbm>>) dst(%dma_wait3A_533 : memref<64x128xf32, #tpu.memory_space<vmem>>)
      %dma_wait3A_537 = arith.constant 1 : i32
      %dma_wait3A_538 = arith.constant 1 : i32
      %dma_wait3A_539 = arith.constant 0 : i32
      %dma_wait3A_540 = arith.constant 0 : i32
      %dma_wait3A_541 = tpu.memref_slice %arg12[%dma_wait3A_538, %dma_wait3A_539, %dma_wait3A_540] : memref<2x128x128xf32, #tpu.memory_space<vmem>> -> memref<1x128x128xf32, #tpu.memory_space<vmem>>
      %dma_wait3A_542 = tpu.memref_squeeze %dma_wait3A_541 : memref<1x128x128xf32, #tpu.memory_space<vmem>> -> memref<128x128xf32, #tpu.memory_space<vmem>>
      %dma_wait3A_543 = arith.constant 0 : i32
      %dma_wait3A_544 = tpu.memref_slice %arg11[%dma_wait3A_537, %dma_wait3A_543] : memref<2x128xi32, #tpu.memory_space<vmem>> -> memref<1x128xi32, #tpu.memory_space<vmem>>
      %dma_wait3A_545 = tpu.memref_squeeze %dma_wait3A_544 : memref<1x128xi32, #tpu.memory_space<vmem>> -> memref<128xi32, #tpu.memory_space<vmem>>
      %dma_wait3A_546 = arith.constant 0 : i32
      %dma_wait3A_547 = arith.constant 0 : i32
      %dma_wait3A_548 = tpu.memref_slice %arg2[%dma_wait3A_546, %dma_wait3A_547] : memref<9216x128xf32, #tpu.memory_space<hbm>> -> memref<9216x128xf32, #tpu.memory_space<hbm>>
      tpu.wait_indirect_dma semaphore(%arg18 : memref<!tpu.dma_semaphore, #tpu.memory_space<semaphore_mem>>) src(%dma_wait3A_548 : memref<9216x128xf32, #tpu.memory_space<hbm>>) dst(%dma_wait3A_542 : memref<128x128xf32, #tpu.memory_space<vmem>>)
      %gt3A_549 = arith.constant 0 : i32
      %gt3A_550 = arith.cmpi sgt, %scan3A_315, %gt3A_549 : i32
      %convert_element_type3A_551 = arith.extui %gt3A_550 : i1 to i32
      %cond3A_552 = arith.constant 0 : i32
      %cond3A_553 = arith.cmpi ne, %convert_element_type3A_551, %cond3A_552 : i32
      scf.if %cond3A_553 {
        %dma_wait3A_657 = arith.constant 1 : i32
        %dma_wait3A_658 = arith.constant 0 : i32
        %dma_wait3A_659 = arith.constant 0 : i32
        %dma_wait3A_660 = tpu.memref_slice %arg14[%dma_wait3A_657, %dma_wait3A_658, %dma_wait3A_659] : memref<2x128x128xf32, #tpu.memory_space<vmem>> -> memref<1x128x128xf32, #tpu.memory_space<vmem>>
        %dma_wait3A_661 = tpu.memref_squeeze %dma_wait3A_660 : memref<1x128x128xf32, #tpu.memory_space<vmem>> -> memref<128x128xf32, #tpu.memory_space<vmem>>
        %dma_wait3A_662 = arith.constant 0 : i32
        %dma_wait3A_663 = arith.constant 0 : i32
        %dma_wait3A_664 = tpu.memref_slice %arg7[%dma_wait3A_662, %dma_wait3A_663] : memref<320000x128xf32, #tpu.memory_space<hbm>> -> memref<128x128xf32, #tpu.memory_space<hbm>>
        %dma_wait3A_665 = arith.constant 0 : i32
        %dma_wait3A_666 = arith.constant 0 : i32
        %dma_wait3A_667 = tpu.memref_slice %arg7[%dma_wait3A_665, %dma_wait3A_666] : memref<320000x128xf32, #tpu.memory_space<hbm>> -> memref<128x128xf32, #tpu.memory_space<hbm>>
        %dma_wait3A_668 = arith.constant 0 : i32
        %dma_wait3A_669 = arith.constant 0 : i32
        %dma_wait3A_670 = tpu.memref_slice %arg14[%dma_wait3A_657, %dma_wait3A_668, %dma_wait3A_669] : memref<2x128x128xf32, #tpu.memory_space<vmem>> -> memref<1x128x128xf32, #tpu.memory_space<vmem>>
        %dma_wait3A_671 = tpu.memref_squeeze %dma_wait3A_670 : memref<1x128x128xf32, #tpu.memory_space<vmem>> -> memref<128x128xf32, #tpu.memory_space<vmem>>
        tpu.wait_dma2 semaphore(%arg20 : memref<!tpu.dma_semaphore, #tpu.memory_space<semaphore_mem>>) src(%dma_wait3A_671 : memref<128x128xf32, #tpu.memory_space<vmem>>) dst(%dma_wait3A_667 : memref<128x128xf32, #tpu.memory_space<hbm>>)
      } else {
      }
      %parallel_loop3A_554 = arith.constant 0 : i32
      %parallel_loop3A_555 = arith.constant 64 : i32
      %parallel_loop3A_556 = arith.constant 1 : i32
      scf.for %parallel_loop3A_657 = %parallel_loop3A_554 to %parallel_loop3A_555 step %parallel_loop3A_556  : i32 {
        %parallel_loop3A_658 = arith.constant 2 : i32
        %parallel_loop3A_659 = arith.muli %parallel_loop3A_658, %parallel_loop3A_657 : i32
        %parallel_loop3A_660 = arith.constant 1 : i32
        %parallel_loop3A_661 = arith.addi %parallel_loop3A_659, %parallel_loop3A_660 : i32
        %parallel_loop3A_662 = arith.constant 1 : i32
        %parallel_loop3A_663 = arith.index_cast %parallel_loop3A_662 : i32 to index
        %parallel_loop3A_664 = arith.index_cast %parallel_loop3A_657 : i32 to index
        %parallel_loop3A_665 = arith.constant 0 : index
        %parallel_loop3A_666 = tpu.vector_load %arg13[%parallel_loop3A_663, %parallel_loop3A_664, %parallel_loop3A_665] {strides = array<i32>} : memref<2x64x128xf32, #tpu.memory_space<vmem>>, vector<16xf32>,
        %parallel_loop3A_667 = vector.bitcast %parallel_loop3A_666 : vector<16xf32> to vector<32xbf16>
        %parallel_loop3A_668 = tpu.unpack_subelements %parallel_loop3A_667, 0 {pack_format = #tpu.pack_format<interleaved>} : vector<32xbf16> -> vector<16xf32>
        %parallel_loop3A_669 = tpu.unpack_subelements %parallel_loop3A_667, 1 {pack_format = #tpu.pack_format<interleaved>} : vector<32xbf16> -> vector<16xf32>
        %parallel_loop3A_670 = arith.constant 1 : i32
        %parallel_loop3A_671 = arith.index_cast %parallel_loop3A_670 : i32 to index
        %parallel_loop3A_672 = arith.index_cast %parallel_loop3A_659 : i32 to index
        %parallel_loop3A_673 = arith.constant 0 : index
        %parallel_loop3A_674 = tpu.vector_load %arg12[%parallel_loop3A_671, %parallel_loop3A_672, %parallel_loop3A_673] {strides = array<i32>} : memref<2x128x128xf32, #tpu.memory_space<vmem>>, vector<16xf32>,
        %parallel_loop3A_675 = arith.addf %parallel_loop3A_674, %parallel_loop3A_668 : vector<16xf32>
        %parallel_loop3A_676 = arith.constant 0.000000e+00 : f32
        %parallel_loop3A_677 = vector.broadcast %parallel_loop3A_676 : f32 to vector<16xf32>
        %parallel_loop3A_678 = arith.subf %parallel_loop3A_677, %parallel_loop3A_675 : vector<16xf32>
        %parallel_loop3A_679 = math.exp %parallel_loop3A_678 : vector<16xf32>
        %parallel_loop3A_680 = arith.constant 1.000000e+00 : f32
        %parallel_loop3A_681 = vector.broadcast %parallel_loop3A_680 : f32 to vector<16xf32>
        %parallel_loop3A_682 = arith.addf %parallel_loop3A_681, %parallel_loop3A_679 : vector<16xf32>
        %parallel_loop3A_683 = arith.divf %parallel_loop3A_675, %parallel_loop3A_682 : vector<16xf32>
        %parallel_loop3A_684 = arith.constant 1 : i32
        %parallel_loop3A_685 = arith.index_cast %parallel_loop3A_684 : i32 to index
        %parallel_loop3A_686 = arith.index_cast %parallel_loop3A_659 : i32 to index
        %parallel_loop3A_687 = arith.constant 0 : index
        %parallel_loop3A_688 = tpu.vector_load %arg14[%parallel_loop3A_685, %parallel_loop3A_686, %parallel_loop3A_687] {strides = array<i32>} : memref<2x128x128xf32, #tpu.memory_space<vmem>>, vector<16xf32>,
        tpu.vector_store %arg14[%parallel_loop3A_685, %parallel_loop3A_686, %parallel_loop3A_687], %parallel_loop3A_683 {strides = array<i32>} : memref<2x128x128xf32, #tpu.memory_space<vmem>>, vector<16xf32>,
        %parallel_loop3A_689 = arith.constant 1 : i32
        %parallel_loop3A_690 = arith.index_cast %parallel_loop3A_689 : i32 to index
        %parallel_loop3A_691 = arith.index_cast %parallel_loop3A_661 : i32 to index
        %parallel_loop3A_692 = arith.constant 0 : index
        %parallel_loop3A_693 = tpu.vector_load %arg12[%parallel_loop3A_690, %parallel_loop3A_691, %parallel_loop3A_692] {strides = array<i32>} : memref<2x128x128xf32, #tpu.memory_space<vmem>>, vector<16xf32>,
        %parallel_loop3A_694 = arith.addf %parallel_loop3A_693, %parallel_loop3A_669 : vector<16xf32>
        %parallel_loop3A_695 = arith.constant 0.000000e+00 : f32
        %parallel_loop3A_696 = vector.broadcast %parallel_loop3A_695 : f32 to vector<16xf32>
        %parallel_loop3A_697 = arith.subf %parallel_loop3A_696, %parallel_loop3A_694 : vector<16xf32>
        %parallel_loop3A_698 = math.exp %parallel_loop3A_697 : vector<16xf32>
        %parallel_loop3A_699 = arith.constant 1.000000e+00 : f32
        %parallel_loop3A_700 = vector.broadcast %parallel_loop3A_699 : f32 to vector<16xf32>
        %parallel_loop3A_701 = arith.addf %parallel_loop3A_700, %parallel_loop3A_698 : vector<16xf32>
        %parallel_loop3A_702 = arith.divf %parallel_loop3A_694, %parallel_loop3A_701 : vector<16xf32>
        %parallel_loop3A_703 = arith.constant 1 : i32
        %parallel_loop3A_704 = arith.index_cast %parallel_loop3A_703 : i32 to index
        %parallel_loop3A_705 = arith.index_cast %parallel_loop3A_661 : i32 to index
        %parallel_loop3A_706 = arith.constant 0 : index
        %parallel_loop3A_707 = tpu.vector_load %arg14[%parallel_loop3A_704, %parallel_loop3A_705, %parallel_loop3A_706] {strides = array<i32>} : memref<2x128x128xf32, #tpu.memory_space<vmem>>, vector<16xf32>,
        tpu.vector_store %arg14[%parallel_loop3A_704, %parallel_loop3A_705, %parallel_loop3A_706], %parallel_loop3A_702 {strides = array<i32>} : memref<2x128x128xf32, #tpu.memory_space<vmem>>, vector<16xf32>,
        %parallel_loop3A_708 = arith.constant 1 : i32
        %parallel_loop3A_709 = arith.index_cast %parallel_loop3A_708 : i32 to index
        %parallel_loop3A_710 = arith.index_cast %parallel_loop3A_657 : i32 to index
        %parallel_loop3A_711 = arith.constant 16 : index
        %parallel_loop3A_712 = tpu.vector_load %arg13[%parallel_loop3A_709, %parallel_loop3A_710, %parallel_loop3A_711] {strides = array<i32>} : memref<2x64x128xf32, #tpu.memory_space<vmem>>, vector<16xf32>,
        %parallel_loop3A_713 = vector.bitcast %parallel_loop3A_712 : vector<16xf32> to vector<32xbf16>
        %parallel_loop3A_714 = tpu.unpack_subelements %parallel_loop3A_713, 0 {pack_format = #tpu.pack_format<interleaved>} : vector<32xbf16> -> vector<16xf32>
        %parallel_loop3A_715 = tpu.unpack_subelements %parallel_loop3A_713, 1 {pack_format = #tpu.pack_format<interleaved>} : vector<32xbf16> -> vector<16xf32>
        %parallel_loop3A_716 = arith.constant 1 : i32
        %parallel_loop3A_717 = arith.index_cast %parallel_loop3A_716 : i32 to index
        %parallel_loop3A_718 = arith.index_cast %parallel_loop3A_659 : i32 to index
        %parallel_loop3A_719 = arith.constant 16 : index
        %parallel_loop3A_720 = tpu.vector_load %arg12[%parallel_loop3A_717, %parallel_loop3A_718, %parallel_loop3A_719] {strides = array<i32>} : memref<2x128x128xf32, #tpu.memory_space<vmem>>, vector<16xf32>,
        %parallel_loop3A_721 = arith.addf %parallel_loop3A_720, %parallel_loop3A_714 : vector<16xf32>
        %parallel_loop3A_722 = arith.constant 0.000000e+00 : f32
        %parallel_loop3A_723 = vector.broadcast %parallel_loop3A_722 : f32 to vector<16xf32>
        %parallel_loop3A_724 = arith.subf %parallel_loop3A_723, %parallel_loop3A_721 : vector<16xf32>
        %parallel_loop3A_725 = math.exp %parallel_loop3A_724 : vector<16xf32>
        %parallel_loop3A_726 = arith.constant 1.000000e+00 : f32
        %parallel_loop3A_727 = vector.broadcast %parallel_loop3A_726 : f32 to vector<16xf32>
        %parallel_loop3A_728 = arith.addf %parallel_loop3A_727, %parallel_loop3A_725 : vector<16xf32>
        %parallel_loop3A_729 = arith.divf %parallel_loop3A_721, %parallel_loop3A_728 : vector<16xf32>
        %parallel_loop3A_730 = arith.constant 1 : i32
        %parallel_loop3A_731 = arith.index_cast %parallel_loop3A_730 : i32 to index
        %parallel_loop3A_732 = arith.index_cast %parallel_loop3A_659 : i32 to index
        %parallel_loop3A_733 = arith.constant 16 : index
        %parallel_loop3A_734 = tpu.vector_load %arg14[%parallel_loop3A_731, %parallel_loop3A_732, %parallel_loop3A_733] {strides = array<i32>} : memref<2x128x128xf32, #tpu.memory_space<vmem>>, vector<16xf32>,
        tpu.vector_store %arg14[%parallel_loop3A_731, %parallel_loop3A_732, %parallel_loop3A_733], %parallel_loop3A_729 {strides = array<i32>} : memref<2x128x128xf32, #tpu.memory_space<vmem>>, vector<16xf32>,
        %parallel_loop3A_735 = arith.constant 1 : i32
        %parallel_loop3A_736 = arith.index_cast %parallel_loop3A_735 : i32 to index
        %parallel_loop3A_737 = arith.index_cast %parallel_loop3A_661 : i32 to index
        %parallel_loop3A_738 = arith.constant 16 : index
        %parallel_loop3A_739 = tpu.vector_load %arg12[%parallel_loop3A_736, %parallel_loop3A_737, %parallel_loop3A_738] {strides = array<i32>} : memref<2x128x128xf32, #tpu.memory_space<vmem>>, vector<16xf32>,
        %parallel_loop3A_740 = arith.addf %parallel_loop3A_739, %parallel_loop3A_715 : vector<16xf32>
        %parallel_loop3A_741 = arith.constant 0.000000e+00 : f32
        %parallel_loop3A_742 = vector.broadcast %parallel_loop3A_741 : f32 to vector<16xf32>
        %parallel_loop3A_743 = arith.subf %parallel_loop3A_742, %parallel_loop3A_740 : vector<16xf32>
        %parallel_loop3A_744 = math.exp %parallel_loop3A_743 : vector<16xf32>
        %parallel_loop3A_745 = arith.constant 1.000000e+00 : f32
        %parallel_loop3A_746 = vector.broadcast %parallel_loop3A_745 : f32 to vector<16xf32>
        %parallel_loop3A_747 = arith.addf %parallel_loop3A_746, %parallel_loop3A_744 : vector<16xf32>
        %parallel_loop3A_748 = arith.divf %parallel_loop3A_740, %parallel_loop3A_747 : vector<16xf32>
        %parallel_loop3A_749 = arith.constant 1 : i32
        %parallel_loop3A_750 = arith.index_cast %parallel_loop3A_749 : i32 to index
        %parallel_loop3A_751 = arith.index_cast %parallel_loop3A_661 : i32 to index
        %parallel_loop3A_752 = arith.constant 16 : index
        %parallel_loop3A_753 = tpu.vector_load %arg14[%parallel_loop3A_750, %parallel_loop3A_751, %parallel_loop3A_752] {strides = array<i32>} : memref<2x128x128xf32, #tpu.memory_space<vmem>>, vector<16xf32>,
        tpu.vector_store %arg14[%parallel_loop3A_750, %parallel_loop3A_751, %parallel_loop3A_752], %parallel_loop3A_748 {strides = array<i32>} : memref<2x128x128xf32, #tpu.memory_space<vmem>>, vector<16xf32>,
        %parallel_loop3A_754 = arith.constant 1 : i32
        %parallel_loop3A_755 = arith.index_cast %parallel_loop3A_754 : i32 to index
        %parallel_loop3A_756 = arith.index_cast %parallel_loop3A_657 : i32 to index
        %parallel_loop3A_757 = arith.constant 32 : index
        %parallel_loop3A_758 = tpu.vector_load %arg13[%parallel_loop3A_755, %parallel_loop3A_756, %parallel_loop3A_757] {strides = array<i32>} : memref<2x64x128xf32, #tpu.memory_space<vmem>>, vector<16xf32>,
        %parallel_loop3A_759 = vector.bitcast %parallel_loop3A_758 : vector<16xf32> to vector<32xbf16>
        %parallel_loop3A_760 = tpu.unpack_subelements %parallel_loop3A_759, 0 {pack_format = #tpu.pack_format<interleaved>} : vector<32xbf16> -> vector<16xf32>
        %parallel_loop3A_761 = tpu.unpack_subelements %parallel_loop3A_759, 1 {pack_format = #tpu.pack_format<interleaved>} : vector<32xbf16> -> vector<16xf32>
        %parallel_loop3A_762 = arith.constant 1 : i32
        %parallel_loop3A_763 = arith.index_cast %parallel_loop3A_762 : i32 to index
        %parallel_loop3A_764 = arith.index_cast %parallel_loop3A_659 : i32 to index
        %parallel_loop3A_765 = arith.constant 32 : index
        %parallel_loop3A_766 = tpu.vector_load %arg12[%parallel_loop3A_763, %parallel_loop3A_764, %parallel_loop3A_765] {strides = array<i32>} : memref<2x128x128xf32, #tpu.memory_space<vmem>>, vector<16xf32>,
        %parallel_loop3A_767 = arith.addf %parallel_loop3A_766, %parallel_loop3A_760 : vector<16xf32>
        %parallel_loop3A_768 = arith.constant 0.000000e+00 : f32
        %parallel_loop3A_769 = vector.broadcast %parallel_loop3A_768 : f32 to vector<16xf32>
        %parallel_loop3A_770 = arith.subf %parallel_loop3A_769, %parallel_loop3A_767 : vector<16xf32>
        %parallel_loop3A_771 = math.exp %parallel_loop3A_770 : vector<16xf32>
        %parallel_loop3A_772 = arith.constant 1.000000e+00 : f32
        %parallel_loop3A_773 = vector.broadcast %parallel_loop3A_772 : f32 to vector<16xf32>
        %parallel_loop3A_774 = arith.addf %parallel_loop3A_773, %parallel_loop3A_771 : vector<16xf32>
        %parallel_loop3A_775 = arith.divf %parallel_loop3A_767, %parallel_loop3A_774 : vector<16xf32>
        %parallel_loop3A_776 = arith.constant 1 : i32
        %parallel_loop3A_777 = arith.index_cast %parallel_loop3A_776 : i32 to index
        %parallel_loop3A_778 = arith.index_cast %parallel_loop3A_659 : i32 to index
        %parallel_loop3A_779 = arith.constant 32 : index
        %parallel_loop3A_780 = tpu.vector_load %arg14[%parallel_loop3A_777, %parallel_loop3A_778, %parallel_loop3A_779] {strides = array<i32>} : memref<2x128x128xf32, #tpu.memory_space<vmem>>, vector<16xf32>,
        tpu.vector_store %arg14[%parallel_loop3A_777, %parallel_loop3A_778, %parallel_loop3A_779], %parallel_loop3A_775 {strides = array<i32>} : memref<2x128x128xf32, #tpu.memory_space<vmem>>, vector<16xf32>,
        %parallel_loop3A_781 = arith.constant 1 : i32
        %parallel_loop3A_782 = arith.index_cast %parallel_loop3A_781 : i32 to index
        %parallel_loop3A_783 = arith.index_cast %parallel_loop3A_661 : i32 to index
        %parallel_loop3A_784 = arith.constant 32 : index
        %parallel_loop3A_785 = tpu.vector_load %arg12[%parallel_loop3A_782, %parallel_loop3A_783, %parallel_loop3A_784] {strides = array<i32>} : memref<2x128x128xf32, #tpu.memory_space<vmem>>, vector<16xf32>,
        %parallel_loop3A_786 = arith.addf %parallel_loop3A_785, %parallel_loop3A_761 : vector<16xf32>
        %parallel_loop3A_787 = arith.constant 0.000000e+00 : f32
        %parallel_loop3A_788 = vector.broadcast %parallel_loop3A_787 : f32 to vector<16xf32>
        %parallel_loop3A_789 = arith.subf %parallel_loop3A_788, %parallel_loop3A_786 : vector<16xf32>
        %parallel_loop3A_790 = math.exp %parallel_loop3A_789 : vector<16xf32>
        %parallel_loop3A_791 = arith.constant 1.000000e+00 : f32
        %parallel_loop3A_792 = vector.broadcast %parallel_loop3A_791 : f32 to vector<16xf32>
        %parallel_loop3A_793 = arith.addf %parallel_loop3A_792, %parallel_loop3A_790 : vector<16xf32>
        %parallel_loop3A_794 = arith.divf %parallel_loop3A_786, %parallel_loop3A_793 : vector<16xf32>
        %parallel_loop3A_795 = arith.constant 1 : i32
        %parallel_loop3A_796 = arith.index_cast %parallel_loop3A_795 : i32 to index
        %parallel_loop3A_797 = arith.index_cast %parallel_loop3A_661 : i32 to index
        %parallel_loop3A_798 = arith.constant 32 : index
        %parallel_loop3A_799 = tpu.vector_load %arg14[%parallel_loop3A_796, %parallel_loop3A_797, %parallel_loop3A_798] {strides = array<i32>} : memref<2x128x128xf32, #tpu.memory_space<vmem>>, vector<16xf32>,
        tpu.vector_store %arg14[%parallel_loop3A_796, %parallel_loop3A_797, %parallel_loop3A_798], %parallel_loop3A_794 {strides = array<i32>} : memref<2x128x128xf32, #tpu.memory_space<vmem>>, vector<16xf32>,
        %parallel_loop3A_800 = arith.constant 1 : i32
        %parallel_loop3A_801 = arith.index_cast %parallel_loop3A_800 : i32 to index
        %parallel_loop3A_802 = arith.index_cast %parallel_loop3A_657 : i32 to index
        %parallel_loop3A_803 = arith.constant 48 : index
        %parallel_loop3A_804 = tpu.vector_load %arg13[%parallel_loop3A_801, %parallel_loop3A_802, %parallel_loop3A_803] {strides = array<i32>} : memref<2x64x128xf32, #tpu.memory_space<vmem>>, vector<16xf32>,
        %parallel_loop3A_805 = vector.bitcast %parallel_loop3A_804 : vector<16xf32> to vector<32xbf16>
        %parallel_loop3A_806 = tpu.unpack_subelements %parallel_loop3A_805, 0 {pack_format = #tpu.pack_format<interleaved>} : vector<32xbf16> -> vector<16xf32>
        %parallel_loop3A_807 = tpu.unpack_subelements %parallel_loop3A_805, 1 {pack_format = #tpu.pack_format<interleaved>} : vector<32xbf16> -> vector<16xf32>
        %parallel_loop3A_808 = arith.constant 1 : i32
        %parallel_loop3A_809 = arith.index_cast %parallel_loop3A_808 : i32 to index
        %parallel_loop3A_810 = arith.index_cast %parallel_loop3A_659 : i32 to index
        %parallel_loop3A_811 = arith.constant 48 : index
        %parallel_loop3A_812 = tpu.vector_load %arg12[%parallel_loop3A_809, %parallel_loop3A_810, %parallel_loop3A_811] {strides = array<i32>} : memref<2x128x128xf32, #tpu.memory_space<vmem>>, vector<16xf32>,
        %parallel_loop3A_813 = arith.addf %parallel_loop3A_812, %parallel_loop3A_806 : vector<16xf32>
        %parallel_loop3A_814 = arith.constant 0.000000e+00 : f32
        %parallel_loop3A_815 = vector.broadcast %parallel_loop3A_814 : f32 to vector<16xf32>
        %parallel_loop3A_816 = arith.subf %parallel_loop3A_815, %parallel_loop3A_813 : vector<16xf32>
        %parallel_loop3A_817 = math.exp %parallel_loop3A_816 : vector<16xf32>
        %parallel_loop3A_818 = arith.constant 1.000000e+00 : f32
        %parallel_loop3A_819 = vector.broadcast %parallel_loop3A_818 : f32 to vector<16xf32>
        %parallel_loop3A_820 = arith.addf %parallel_loop3A_819, %parallel_loop3A_817 : vector<16xf32>
        %parallel_loop3A_821 = arith.divf %parallel_loop3A_813, %parallel_loop3A_820 : vector<16xf32>
        %parallel_loop3A_822 = arith.constant 1 : i32
        %parallel_loop3A_823 = arith.index_cast %parallel_loop3A_822 : i32 to index
        %parallel_loop3A_824 = arith.index_cast %parallel_loop3A_659 : i32 to index
        %parallel_loop3A_825 = arith.constant 48 : index
        %parallel_loop3A_826 = tpu.vector_load %arg14[%parallel_loop3A_823, %parallel_loop3A_824, %parallel_loop3A_825] {strides = array<i32>} : memref<2x128x128xf32, #tpu.memory_space<vmem>>, vector<16xf32>,
        tpu.vector_store %arg14[%parallel_loop3A_823, %parallel_loop3A_824, %parallel_loop3A_825], %parallel_loop3A_821 {strides = array<i32>} : memref<2x128x128xf32, #tpu.memory_space<vmem>>, vector<16xf32>,
        %parallel_loop3A_827 = arith.constant 1 : i32
        %parallel_loop3A_828 = arith.index_cast %parallel_loop3A_827 : i32 to index
        %parallel_loop3A_829 = arith.index_cast %parallel_loop3A_661 : i32 to index
        %parallel_loop3A_830 = arith.constant 48 : index
        %parallel_loop3A_831 = tpu.vector_load %arg12[%parallel_loop3A_828, %parallel_loop3A_829, %parallel_loop3A_830] {strides = array<i32>} : memref<2x128x128xf32, #tpu.memory_space<vmem>>, vector<16xf32>,
        %parallel_loop3A_832 = arith.addf %parallel_loop3A_831, %parallel_loop3A_807 : vector<16xf32>
        %parallel_loop3A_833 = arith.constant 0.000000e+00 : f32
        %parallel_loop3A_834 = vector.broadcast %parallel_loop3A_833 : f32 to vector<16xf32>
        %parallel_loop3A_835 = arith.subf %parallel_loop3A_834, %parallel_loop3A_832 : vector<16xf32>
        %parallel_loop3A_836 = math.exp %parallel_loop3A_835 : vector<16xf32>
        %parallel_loop3A_837 = arith.constant 1.000000e+00 : f32
        %parallel_loop3A_838 = vector.broadcast %parallel_loop3A_837 : f32 to vector<16xf32>
        %parallel_loop3A_839 = arith.addf %parallel_loop3A_838, %parallel_loop3A_836 : vector<16xf32>
        %parallel_loop3A_840 = arith.divf %parallel_loop3A_832, %parallel_loop3A_839 : vector<16xf32>
        %parallel_loop3A_841 = arith.constant 1 : i32
        %parallel_loop3A_842 = arith.index_cast %parallel_loop3A_841 : i32 to index
        %parallel_loop3A_843 = arith.index_cast %parallel_loop3A_661 : i32 to index
        %parallel_loop3A_844 = arith.constant 48 : index
        %parallel_loop3A_845 = tpu.vector_load %arg14[%parallel_loop3A_842, %parallel_loop3A_843, %parallel_loop3A_844] {strides = array<i32>} : memref<2x128x128xf32, #tpu.memory_space<vmem>>, vector<16xf32>,
        tpu.vector_store %arg14[%parallel_loop3A_842, %parallel_loop3A_843, %parallel_loop3A_844], %parallel_loop3A_840 {strides = array<i32>} : memref<2x128x128xf32, #tpu.memory_space<vmem>>, vector<16xf32>,
        %parallel_loop3A_846 = arith.constant 1 : i32
        %parallel_loop3A_847 = arith.index_cast %parallel_loop3A_846 : i32 to index
        %parallel_loop3A_848 = arith.index_cast %parallel_loop3A_657 : i32 to index
        %parallel_loop3A_849 = arith.constant 64 : index
        %parallel_loop3A_850 = tpu.vector_load %arg13[%parallel_loop3A_847, %parallel_loop3A_848, %parallel_loop3A_849] {strides = array<i32>} : memref<2x64x128xf32, #tpu.memory_space<vmem>>, vector<16xf32>,
        %parallel_loop3A_851 = vector.bitcast %parallel_loop3A_850 : vector<16xf32> to vector<32xbf16>
        %parallel_loop3A_852 = tpu.unpack_subelements %parallel_loop3A_851, 0 {pack_format = #tpu.pack_format<interleaved>} : vector<32xbf16> -> vector<16xf32>
        %parallel_loop3A_853 = tpu.unpack_subelements %parallel_loop3A_851, 1 {pack_format = #tpu.pack_format<interleaved>} : vector<32xbf16> -> vector<16xf32>
        %parallel_loop3A_854 = arith.constant 1 : i32
        %parallel_loop3A_855 = arith.index_cast %parallel_loop3A_854 : i32 to index
        %parallel_loop3A_856 = arith.index_cast %parallel_loop3A_659 : i32 to index
        %parallel_loop3A_857 = arith.constant 64 : index
        %parallel_loop3A_858 = tpu.vector_load %arg12[%parallel_loop3A_855, %parallel_loop3A_856, %parallel_loop3A_857] {strides = array<i32>} : memref<2x128x128xf32, #tpu.memory_space<vmem>>, vector<16xf32>,
        %parallel_loop3A_859 = arith.addf %parallel_loop3A_858, %parallel_loop3A_852 : vector<16xf32>
        %parallel_loop3A_860 = arith.constant 0.000000e+00 : f32
        %parallel_loop3A_861 = vector.broadcast %parallel_loop3A_860 : f32 to vector<16xf32>
        %parallel_loop3A_862 = arith.subf %parallel_loop3A_861, %parallel_loop3A_859 : vector<16xf32>
        %parallel_loop3A_863 = math.exp %parallel_loop3A_862 : vector<16xf32>
        %parallel_loop3A_864 = arith.constant 1.000000e+00 : f32
        %parallel_loop3A_865 = vector.broadcast %parallel_loop3A_864 : f32 to vector<16xf32>
        %parallel_loop3A_866 = arith.addf %parallel_loop3A_865, %parallel_loop3A_863 : vector<16xf32>
        %parallel_loop3A_867 = arith.divf %parallel_loop3A_859, %parallel_loop3A_866 : vector<16xf32>
        %parallel_loop3A_868 = arith.constant 1 : i32
        %parallel_loop3A_869 = arith.index_cast %parallel_loop3A_868 : i32 to index
        %parallel_loop3A_870 = arith.index_cast %parallel_loop3A_659 : i32 to index
        %parallel_loop3A_871 = arith.constant 64 : index
        %parallel_loop3A_872 = tpu.vector_load %arg14[%parallel_loop3A_869, %parallel_loop3A_870, %parallel_loop3A_871] {strides = array<i32>} : memref<2x128x128xf32, #tpu.memory_space<vmem>>, vector<16xf32>,
        tpu.vector_store %arg14[%parallel_loop3A_869, %parallel_loop3A_870, %parallel_loop3A_871], %parallel_loop3A_867 {strides = array<i32>} : memref<2x128x128xf32, #tpu.memory_space<vmem>>, vector<16xf32>,
        %parallel_loop3A_873 = arith.constant 1 : i32
        %parallel_loop3A_874 = arith.index_cast %parallel_loop3A_873 : i32 to index
        %parallel_loop3A_875 = arith.index_cast %parallel_loop3A_661 : i32 to index
        %parallel_loop3A_876 = arith.constant 64 : index
        %parallel_loop3A_877 = tpu.vector_load %arg12[%parallel_loop3A_874, %parallel_loop3A_875, %parallel_loop3A_876] {strides = array<i32>} : memref<2x128x128xf32, #tpu.memory_space<vmem>>, vector<16xf32>,
        %parallel_loop3A_878 = arith.addf %parallel_loop3A_877, %parallel_loop3A_853 : vector<16xf32>
        %parallel_loop3A_879 = arith.constant 0.000000e+00 : f32
        %parallel_loop3A_880 = vector.broadcast %parallel_loop3A_879 : f32 to vector<16xf32>
        %parallel_loop3A_881 = arith.subf %parallel_loop3A_880, %parallel_loop3A_878 : vector<16xf32>
        %parallel_loop3A_882 = math.exp %parallel_loop3A_881 : vector<16xf32>
        %parallel_loop3A_883 = arith.constant 1.000000e+00 : f32
        %parallel_loop3A_884 = vector.broadcast %parallel_loop3A_883 : f32 to vector<16xf32>
        %parallel_loop3A_885 = arith.addf %parallel_loop3A_884, %parallel_loop3A_882 : vector<16xf32>
        %parallel_loop3A_886 = arith.divf %parallel_loop3A_878, %parallel_loop3A_885 : vector<16xf32>
        %parallel_loop3A_887 = arith.constant 1 : i32
        %parallel_loop3A_888 = arith.index_cast %parallel_loop3A_887 : i32 to index
        %parallel_loop3A_889 = arith.index_cast %parallel_loop3A_661 : i32 to index
        %parallel_loop3A_890 = arith.constant 64 : index
        %parallel_loop3A_891 = tpu.vector_load %arg14[%parallel_loop3A_888, %parallel_loop3A_889, %parallel_loop3A_890] {strides = array<i32>} : memref<2x128x128xf32, #tpu.memory_space<vmem>>, vector<16xf32>,
        tpu.vector_store %arg14[%parallel_loop3A_888, %parallel_loop3A_889, %parallel_loop3A_890], %parallel_loop3A_886 {strides = array<i32>} : memref<2x128x128xf32, #tpu.memory_space<vmem>>, vector<16xf32>,
        %parallel_loop3A_892 = arith.constant 1 : i32
        %parallel_loop3A_893 = arith.index_cast %parallel_loop3A_892 : i32 to index
        %parallel_loop3A_894 = arith.index_cast %parallel_loop3A_657 : i32 to index
        %parallel_loop3A_895 = arith.constant 80 : index
        %parallel_loop3A_896 = tpu.vector_load %arg13[%parallel_loop3A_893, %parallel_loop3A_894, %parallel_loop3A_895] {strides = array<i32>} : memref<2x64x128xf32, #tpu.memory_space<vmem>>, vector<16xf32>,
        %parallel_loop3A_897 = vector.bitcast %parallel_loop3A_896 : vector<16xf32> to vector<32xbf16>
        %parallel_loop3A_898 = tpu.unpack_subelements %parallel_loop3A_897, 0 {pack_format = #tpu.pack_format<interleaved>} : vector<32xbf16> -> vector<16xf32>
        %parallel_loop3A_899 = tpu.unpack_subelements %parallel_loop3A_897, 1 {pack_format = #tpu.pack_format<interleaved>} : vector<32xbf16> -> vector<16xf32>
        %parallel_loop3A_900 = arith.constant 1 : i32
        %parallel_loop3A_901 = arith.index_cast %parallel_loop3A_900 : i32 to index
        %parallel_loop3A_902 = arith.index_cast %parallel_loop3A_659 : i32 to index
        %parallel_loop3A_903 = arith.constant 80 : index
        %parallel_loop3A_904 = tpu.vector_load %arg12[%parallel_loop3A_901, %parallel_loop3A_902, %parallel_loop3A_903] {strides = array<i32>} : memref<2x128x128xf32, #tpu.memory_space<vmem>>, vector<16xf32>,
        %parallel_loop3A_905 = arith.addf %parallel_loop3A_904, %parallel_loop3A_898 : vector<16xf32>
        %parallel_loop3A_906 = arith.constant 0.000000e+00 : f32
        %parallel_loop3A_907 = vector.broadcast %parallel_loop3A_906 : f32 to vector<16xf32>
        %parallel_loop3A_908 = arith.subf %parallel_loop3A_907, %parallel_loop3A_905 : vector<16xf32>
        %parallel_loop3A_909 = math.exp %parallel_loop3A_908 : vector<16xf32>
        %parallel_loop3A_910 = arith.constant 1.000000e+00 : f32
        %parallel_loop3A_911 = vector.broadcast %parallel_loop3A_910 : f32 to vector<16xf32>
        %parallel_loop3A_912 = arith.addf %parallel_loop3A_911, %parallel_loop3A_909 : vector<16xf32>
        %parallel_loop3A_913 = arith.divf %parallel_loop3A_905, %parallel_loop3A_912 : vector<16xf32>
        %parallel_loop3A_914 = arith.constant 1 : i32
        %parallel_loop3A_915 = arith.index_cast %parallel_loop3A_914 : i32 to index
        %parallel_loop3A_916 = arith.index_cast %parallel_loop3A_659 : i32 to index
        %parallel_loop3A_917 = arith.constant 80 : index
        %parallel_loop3A_918 = tpu.vector_load %arg14[%parallel_loop3A_915, %parallel_loop3A_916, %parallel_loop3A_917] {strides = array<i32>} : memref<2x128x128xf32, #tpu.memory_space<vmem>>, vector<16xf32>,
        tpu.vector_store %arg14[%parallel_loop3A_915, %parallel_loop3A_916, %parallel_loop3A_917], %parallel_loop3A_913 {strides = array<i32>} : memref<2x128x128xf32, #tpu.memory_space<vmem>>, vector<16xf32>,
        %parallel_loop3A_919 = arith.constant 1 : i32
        %parallel_loop3A_920 = arith.index_cast %parallel_loop3A_919 : i32 to index
        %parallel_loop3A_921 = arith.index_cast %parallel_loop3A_661 : i32 to index
        %parallel_loop3A_922 = arith.constant 80 : index
        %parallel_loop3A_923 = tpu.vector_load %arg12[%parallel_loop3A_920, %parallel_loop3A_921, %parallel_loop3A_922] {strides = array<i32>} : memref<2x128x128xf32, #tpu.memory_space<vmem>>, vector<16xf32>,
        %parallel_loop3A_924 = arith.addf %parallel_loop3A_923, %parallel_loop3A_899 : vector<16xf32>
        %parallel_loop3A_925 = arith.constant 0.000000e+00 : f32
        %parallel_loop3A_926 = vector.broadcast %parallel_loop3A_925 : f32 to vector<16xf32>
        %parallel_loop3A_927 = arith.subf %parallel_loop3A_926, %parallel_loop3A_924 : vector<16xf32>
        %parallel_loop3A_928 = math.exp %parallel_loop3A_927 : vector<16xf32>
        %parallel_loop3A_929 = arith.constant 1.000000e+00 : f32
        %parallel_loop3A_930 = vector.broadcast %parallel_loop3A_929 : f32 to vector<16xf32>
        %parallel_loop3A_931 = arith.addf %parallel_loop3A_930, %parallel_loop3A_928 : vector<16xf32>
        %parallel_loop3A_932 = arith.divf %parallel_loop3A_924, %parallel_loop3A_931 : vector<16xf32>
        %parallel_loop3A_933 = arith.constant 1 : i32
        %parallel_loop3A_934 = arith.index_cast %parallel_loop3A_933 : i32 to index
        %parallel_loop3A_935 = arith.index_cast %parallel_loop3A_661 : i32 to index
        %parallel_loop3A_936 = arith.constant 80 : index
        %parallel_loop3A_937 = tpu.vector_load %arg14[%parallel_loop3A_934, %parallel_loop3A_935, %parallel_loop3A_936] {strides = array<i32>} : memref<2x128x128xf32, #tpu.memory_space<vmem>>, vector<16xf32>,
        tpu.vector_store %arg14[%parallel_loop3A_934, %parallel_loop3A_935, %parallel_loop3A_936], %parallel_loop3A_932 {strides = array<i32>} : memref<2x128x128xf32, #tpu.memory_space<vmem>>, vector<16xf32>,
        %parallel_loop3A_938 = arith.constant 1 : i32
        %parallel_loop3A_939 = arith.index_cast %parallel_loop3A_938 : i32 to index
        %parallel_loop3A_940 = arith.index_cast %parallel_loop3A_657 : i32 to index
        %parallel_loop3A_941 = arith.constant 96 : index
        %parallel_loop3A_942 = tpu.vector_load %arg13[%parallel_loop3A_939, %parallel_loop3A_940, %parallel_loop3A_941] {strides = array<i32>} : memref<2x64x128xf32, #tpu.memory_space<vmem>>, vector<16xf32>,
        %parallel_loop3A_943 = vector.bitcast %parallel_loop3A_942 : vector<16xf32> to vector<32xbf16>
        %parallel_loop3A_944 = tpu.unpack_subelements %parallel_loop3A_943, 0 {pack_format = #tpu.pack_format<interleaved>} : vector<32xbf16> -> vector<16xf32>
        %parallel_loop3A_945 = tpu.unpack_subelements %parallel_loop3A_943, 1 {pack_format = #tpu.pack_format<interleaved>} : vector<32xbf16> -> vector<16xf32>
        %parallel_loop3A_946 = arith.constant 1 : i32
        %parallel_loop3A_947 = arith.index_cast %parallel_loop3A_946 : i32 to index
        %parallel_loop3A_948 = arith.index_cast %parallel_loop3A_659 : i32 to index
        %parallel_loop3A_949 = arith.constant 96 : index
        %parallel_loop3A_950 = tpu.vector_load %arg12[%parallel_loop3A_947, %parallel_loop3A_948, %parallel_loop3A_949] {strides = array<i32>} : memref<2x128x128xf32, #tpu.memory_space<vmem>>, vector<16xf32>,
        %parallel_loop3A_951 = arith.addf %parallel_loop3A_950, %parallel_loop3A_944 : vector<16xf32>
        %parallel_loop3A_952 = arith.constant 0.000000e+00 : f32
        %parallel_loop3A_953 = vector.broadcast %parallel_loop3A_952 : f32 to vector<16xf32>
        %parallel_loop3A_954 = arith.subf %parallel_loop3A_953, %parallel_loop3A_951 : vector<16xf32>
        %parallel_loop3A_955 = math.exp %parallel_loop3A_954 : vector<16xf32>
        %parallel_loop3A_956 = arith.constant 1.000000e+00 : f32
        %parallel_loop3A_957 = vector.broadcast %parallel_loop3A_956 : f32 to vector<16xf32>
        %parallel_loop3A_958 = arith.addf %parallel_loop3A_957, %parallel_loop3A_955 : vector<16xf32>
        %parallel_loop3A_959 = arith.divf %parallel_loop3A_951, %parallel_loop3A_958 : vector<16xf32>
        %parallel_loop3A_960 = arith.constant 1 : i32
        %parallel_loop3A_961 = arith.index_cast %parallel_loop3A_960 : i32 to index
        %parallel_loop3A_962 = arith.index_cast %parallel_loop3A_659 : i32 to index
        %parallel_loop3A_963 = arith.constant 96 : index
        %parallel_loop3A_964 = tpu.vector_load %arg14[%parallel_loop3A_961, %parallel_loop3A_962, %parallel_loop3A_963] {strides = array<i32>} : memref<2x128x128xf32, #tpu.memory_space<vmem>>, vector<16xf32>,
        tpu.vector_store %arg14[%parallel_loop3A_961, %parallel_loop3A_962, %parallel_loop3A_963], %parallel_loop3A_959 {strides = array<i32>} : memref<2x128x128xf32, #tpu.memory_space<vmem>>, vector<16xf32>,
        %parallel_loop3A_965 = arith.constant 1 : i32
        %parallel_loop3A_966 = arith.index_cast %parallel_loop3A_965 : i32 to index
        %parallel_loop3A_967 = arith.index_cast %parallel_loop3A_661 : i32 to index
        %parallel_loop3A_968 = arith.constant 96 : index
        %parallel_loop3A_969 = tpu.vector_load %arg12[%parallel_loop3A_966, %parallel_loop3A_967, %parallel_loop3A_968] {strides = array<i32>} : memref<2x128x128xf32, #tpu.memory_space<vmem>>, vector<16xf32>,
        %parallel_loop3A_970 = arith.addf %parallel_loop3A_969, %parallel_loop3A_945 : vector<16xf32>
        %parallel_loop3A_971 = arith.constant 0.000000e+00 : f32
        %parallel_loop3A_972 = vector.broadcast %parallel_loop3A_971 : f32 to vector<16xf32>
        %parallel_loop3A_973 = arith.subf %parallel_loop3A_972, %parallel_loop3A_970 : vector<16xf32>
        %parallel_loop3A_974 = math.exp %parallel_loop3A_973 : vector<16xf32>
        %parallel_loop3A_975 = arith.constant 1.000000e+00 : f32
        %parallel_loop3A_976 = vector.broadcast %parallel_loop3A_975 : f32 to vector<16xf32>
        %parallel_loop3A_977 = arith.addf %parallel_loop3A_976, %parallel_loop3A_974 : vector<16xf32>
        %parallel_loop3A_978 = arith.divf %parallel_loop3A_970, %parallel_loop3A_977 : vector<16xf32>
        %parallel_loop3A_979 = arith.constant 1 : i32
        %parallel_loop3A_980 = arith.index_cast %parallel_loop3A_979 : i32 to index
        %parallel_loop3A_981 = arith.index_cast %parallel_loop3A_661 : i32 to index
        %parallel_loop3A_982 = arith.constant 96 : index
        %parallel_loop3A_983 = tpu.vector_load %arg14[%parallel_loop3A_980, %parallel_loop3A_981, %parallel_loop3A_982] {strides = array<i32>} : memref<2x128x128xf32, #tpu.memory_space<vmem>>, vector<16xf32>,
        tpu.vector_store %arg14[%parallel_loop3A_980, %parallel_loop3A_981, %parallel_loop3A_982], %parallel_loop3A_978 {strides = array<i32>} : memref<2x128x128xf32, #tpu.memory_space<vmem>>, vector<16xf32>,
        %parallel_loop3A_984 = arith.constant 1 : i32
        %parallel_loop3A_985 = arith.index_cast %parallel_loop3A_984 : i32 to index
        %parallel_loop3A_986 = arith.index_cast %parallel_loop3A_657 : i32 to index
        %parallel_loop3A_987 = arith.constant 112 : index
        %parallel_loop3A_988 = tpu.vector_load %arg13[%parallel_loop3A_985, %parallel_loop3A_986, %parallel_loop3A_987] {strides = array<i32>} : memref<2x64x128xf32, #tpu.memory_space<vmem>>, vector<16xf32>,
        %parallel_loop3A_989 = vector.bitcast %parallel_loop3A_988 : vector<16xf32> to vector<32xbf16>
        %parallel_loop3A_990 = tpu.unpack_subelements %parallel_loop3A_989, 0 {pack_format = #tpu.pack_format<interleaved>} : vector<32xbf16> -> vector<16xf32>
        %parallel_loop3A_991 = tpu.unpack_subelements %parallel_loop3A_989, 1 {pack_format = #tpu.pack_format<interleaved>} : vector<32xbf16> -> vector<16xf32>
        %parallel_loop3A_992 = arith.constant 1 : i32
        %parallel_loop3A_993 = arith.index_cast %parallel_loop3A_992 : i32 to index
        %parallel_loop3A_994 = arith.index_cast %parallel_loop3A_659 : i32 to index
        %parallel_loop3A_995 = arith.constant 112 : index
        %parallel_loop3A_996 = tpu.vector_load %arg12[%parallel_loop3A_993, %parallel_loop3A_994, %parallel_loop3A_995] {strides = array<i32>} : memref<2x128x128xf32, #tpu.memory_space<vmem>>, vector<16xf32>,
        %parallel_loop3A_997 = arith.addf %parallel_loop3A_996, %parallel_loop3A_990 : vector<16xf32>
        %parallel_loop3A_998 = arith.constant 0.000000e+00 : f32
        %parallel_loop3A_999 = vector.broadcast %parallel_loop3A_998 : f32 to vector<16xf32>
        %parallel_loop3A_1000 = arith.subf %parallel_loop3A_999, %parallel_loop3A_997 : vector<16xf32>
        %parallel_loop3A_1001 = math.exp %parallel_loop3A_1000 : vector<16xf32>
        %parallel_loop3A_1002 = arith.constant 1.000000e+00 : f32
        %parallel_loop3A_1003 = vector.broadcast %parallel_loop3A_1002 : f32 to vector<16xf32>
        %parallel_loop3A_1004 = arith.addf %parallel_loop3A_1003, %parallel_loop3A_1001 : vector<16xf32>
        %parallel_loop3A_1005 = arith.divf %parallel_loop3A_997, %parallel_loop3A_1004 : vector<16xf32>
        %parallel_loop3A_1006 = arith.constant 1 : i32
        %parallel_loop3A_1007 = arith.index_cast %parallel_loop3A_1006 : i32 to index
        %parallel_loop3A_1008 = arith.index_cast %parallel_loop3A_659 : i32 to index
        %parallel_loop3A_1009 = arith.constant 112 : index
        %parallel_loop3A_1010 = tpu.vector_load %arg14[%parallel_loop3A_1007, %parallel_loop3A_1008, %parallel_loop3A_1009] {strides = array<i32>} : memref<2x128x128xf32, #tpu.memory_space<vmem>>, vector<16xf32>,
        tpu.vector_store %arg14[%parallel_loop3A_1007, %parallel_loop3A_1008, %parallel_loop3A_1009], %parallel_loop3A_1005 {strides = array<i32>} : memref<2x128x128xf32, #tpu.memory_space<vmem>>, vector<16xf32>,
        %parallel_loop3A_1011 = arith.constant 1 : i32
        %parallel_loop3A_1012 = arith.index_cast %parallel_loop3A_1011 : i32 to index
        %parallel_loop3A_1013 = arith.index_cast %parallel_loop3A_661 : i32 to index
        %parallel_loop3A_1014 = arith.constant 112 : index
        %parallel_loop3A_1015 = tpu.vector_load %arg12[%parallel_loop3A_1012, %parallel_loop3A_1013, %parallel_loop3A_1014] {strides = array<i32>} : memref<2x128x128xf32, #tpu.memory_space<vmem>>, vector<16xf32>,
        %parallel_loop3A_1016 = arith.addf %parallel_loop3A_1015, %parallel_loop3A_991 : vector<16xf32>
        %parallel_loop3A_1017 = arith.constant 0.000000e+00 : f32
        %parallel_loop3A_1018 = vector.broadcast %parallel_loop3A_1017 : f32 to vector<16xf32>
        %parallel_loop3A_1019 = arith.subf %parallel_loop3A_1018, %parallel_loop3A_1016 : vector<16xf32>
        %parallel_loop3A_1020 = math.exp %parallel_loop3A_1019 : vector<16xf32>
        %parallel_loop3A_1021 = arith.constant 1.000000e+00 : f32
        %parallel_loop3A_1022 = vector.broadcast %parallel_loop3A_1021 : f32 to vector<16xf32>
        %parallel_loop3A_1023 = arith.addf %parallel_loop3A_1022, %parallel_loop3A_1020 : vector<16xf32>
        %parallel_loop3A_1024 = arith.divf %parallel_loop3A_1016, %parallel_loop3A_1023 : vector<16xf32>
        %parallel_loop3A_1025 = arith.constant 1 : i32
        %parallel_loop3A_1026 = arith.index_cast %parallel_loop3A_1025 : i32 to index
        %parallel_loop3A_1027 = arith.index_cast %parallel_loop3A_661 : i32 to index
        %parallel_loop3A_1028 = arith.constant 112 : index
        %parallel_loop3A_1029 = tpu.vector_load %arg14[%parallel_loop3A_1026, %parallel_loop3A_1027, %parallel_loop3A_1028] {strides = array<i32>} : memref<2x128x128xf32, #tpu.memory_space<vmem>>, vector<16xf32>,
        tpu.vector_store %arg14[%parallel_loop3A_1026, %parallel_loop3A_1027, %parallel_loop3A_1028], %parallel_loop3A_1024 {strides = array<i32>} : memref<2x128x128xf32, #tpu.memory_space<vmem>>, vector<16xf32>,
      } {sc.loop_unroll_factor = 1 : i64, sc.parallel_access}
      %add3A_557 = arith.constant 1 : i32
      %add3A_558 = arith.addi %mul3A_318, %add3A_557 : i32
      %min3A_559 = arith.constant 78 : i32
      %min3A_560 = arith.minsi %add3A_558, %min3A_559 : i32
      %mul3A_561 = arith.constant 128 : i32
      %mul3A_562 = arith.muli %min3A_560, %mul3A_561 : i32
      %min3A_563 = arith.constant 9872 : i32
      %min3A_564 = arith.minsi %mul3A_562, %min3A_563 : i32
      %add3A_565 = arith.addi %mul3A_2, %min3A_564 : i32
      %multiple_of3A_566 = tpu.assume_multiple %add3A_565, 16 : i32
      %dma_start3A_567 = arith.constant 1 : i32
      %dma_start3A_568 = arith.constant 0 : i32
      %dma_start3A_569 = arith.constant 0 : i32
      %dma_start3A_570 = tpu.memref_slice %arg14[%dma_start3A_567, %dma_start3A_568, %dma_start3A_569] : memref<2x128x128xf32, #tpu.memory_space<vmem>> -> memref<1x128x128xf32, #tpu.memory_space<vmem>>
      %dma_start3A_571 = tpu.memref_squeeze %dma_start3A_570 : memref<1x128x128xf32, #tpu.memory_space<vmem>> -> memref<128x128xf32, #tpu.memory_space<vmem>>
      %dma_start3A_572 = arith.constant 0 : i32
      %dma_start3A_573 = tpu.memref_slice %arg7[%multiple_of3A_566, %dma_start3A_572] : memref<320000x128xf32, #tpu.memory_space<hbm>> -> memref<128x128xf32, #tpu.memory_space<hbm>>
      %dma_start3A_574 = arith.constant 0 : i32
      %dma_start3A_575 = tpu.memref_slice %arg7[%multiple_of3A_566, %dma_start3A_574] : memref<320000x128xf32, #tpu.memory_space<hbm>> -> memref<128x128xf32, #tpu.memory_space<hbm>>
      %dma_start3A_576 = arith.constant 0 : i32
      %dma_start3A_577 = arith.constant 0 : i32
      %dma_start3A_578 = tpu.memref_slice %arg14[%dma_start3A_567, %dma_start3A_576, %dma_start3A_577] : memref<2x128x128xf32, #tpu.memory_space<vmem>> -> memref<1x128x128xf32, #tpu.memory_space<vmem>>
      %dma_start3A_579 = tpu.memref_squeeze %dma_start3A_578 : memref<1x128x128xf32, #tpu.memory_space<vmem>> -> memref<128x128xf32, #tpu.memory_space<vmem>>
      tpu.enqueue_dma source(%dma_start3A_579 : memref<128x128xf32, #tpu.memory_space<vmem>>) target(%dma_start3A_575 : memref<128x128xf32, #tpu.memory_space<hbm>>) target_semaphore(%arg20 : memref<!tpu.dma_semaphore, #tpu.memory_space<semaphore_mem>>)
      %add3A_580 = arith.constant 3 : i32
      %add3A_581 = arith.addi %mul3A_318, %add3A_580 : i32
      %min3A_582 = arith.constant 78 : i32
      %min3A_583 = arith.minsi %add3A_581, %min3A_582 : i32
      %mul3A_584 = arith.constant 128 : i32
      %mul3A_585 = arith.muli %min3A_583, %mul3A_584 : i32
      %min3A_586 = arith.constant 9872 : i32
      %min3A_587 = arith.minsi %mul3A_585, %min3A_586 : i32
      %add3A_588 = arith.addi %mul3A_2, %min3A_587 : i32
      %multiple_of3A_589 = tpu.assume_multiple %add3A_588, 16 : i32
      %dma_start3A_590 = arith.constant 1 : i32
      %dma_start3A_591 = arith.constant 0 : i32
      %dma_start3A_592 = tpu.memref_slice %arg9[%dma_start3A_590, %dma_start3A_591] : memref<2x128xi32, #tpu.memory_space<vmem>> -> memref<1x128xi32, #tpu.memory_space<vmem>>
      %dma_start3A_593 = tpu.memref_squeeze %dma_start3A_592 : memref<1x128xi32, #tpu.memory_space<vmem>> -> memref<128xi32, #tpu.memory_space<vmem>>
      %dma_start3A_594 = tpu.memref_slice %arg4[%multiple_of3A_589] : memref<320000xi32, #tpu.memory_space<hbm>> -> memref<128xi32, #tpu.memory_space<hbm>>
      %dma_start3A_595 = arith.constant 0 : i32
      %dma_start3A_596 = tpu.memref_slice %arg9[%dma_start3A_590, %dma_start3A_595] : memref<2x128xi32, #tpu.memory_space<vmem>> -> memref<1x128xi32, #tpu.memory_space<vmem>>
      %dma_start3A_597 = tpu.memref_squeeze %dma_start3A_596 : memref<1x128xi32, #tpu.memory_space<vmem>> -> memref<128xi32, #tpu.memory_space<vmem>>
      %dma_start3A_598 = tpu.memref_slice %arg4[%multiple_of3A_589] : memref<320000xi32, #tpu.memory_space<hbm>> -> memref<128xi32, #tpu.memory_space<hbm>>
      tpu.enqueue_dma source(%dma_start3A_598 : memref<128xi32, #tpu.memory_space<hbm>>) target(%dma_start3A_597 : memref<128xi32, #tpu.memory_space<vmem>>) target_semaphore(%arg16 : memref<!tpu.dma_semaphore, #tpu.memory_space<semaphore_mem>>)
      %dma_start3A_599 = arith.constant 1 : i32
      %dma_start3A_600 = arith.constant 0 : i32
      %dma_start3A_601 = tpu.memref_slice %arg10[%dma_start3A_599, %dma_start3A_600] : memref<2x128xi32, #tpu.memory_space<vmem>> -> memref<1x128xi32, #tpu.memory_space<vmem>>
      %dma_start3A_602 = tpu.memref_squeeze %dma_start3A_601 : memref<1x128xi32, #tpu.memory_space<vmem>> -> memref<128xi32, #tpu.memory_space<vmem>>
      %dma_start3A_603 = tpu.memref_slice %arg5[%multiple_of3A_589] : memref<320000xi32, #tpu.memory_space<hbm>> -> memref<128xi32, #tpu.memory_space<hbm>>
      %dma_start3A_604 = arith.constant 0 : i32
      %dma_start3A_605 = tpu.memref_slice %arg10[%dma_start3A_599, %dma_start3A_604] : memref<2x128xi32, #tpu.memory_space<vmem>> -> memref<1x128xi32, #tpu.memory_space<vmem>>
      %dma_start3A_606 = tpu.memref_squeeze %dma_start3A_605 : memref<1x128xi32, #tpu.memory_space<vmem>> -> memref<128xi32, #tpu.memory_space<vmem>>
      %dma_start3A_607 = tpu.memref_slice %arg5[%multiple_of3A_589] : memref<320000xi32, #tpu.memory_space<hbm>> -> memref<128xi32, #tpu.memory_space<hbm>>
      tpu.enqueue_dma source(%dma_start3A_607 : memref<128xi32, #tpu.memory_space<hbm>>) target(%dma_start3A_606 : memref<128xi32, #tpu.memory_space<vmem>>) target_semaphore(%arg16 : memref<!tpu.dma_semaphore, #tpu.memory_space<semaphore_mem>>)
      %add3A_608 = arith.constant 3 : i32
      %add3A_609 = arith.addi %mul3A_318, %add3A_608 : i32
      %min3A_610 = arith.constant 78 : i32
      %min3A_611 = arith.minsi %add3A_609, %min3A_610 : i32
      %mul3A_612 = arith.constant 128 : i32
      %mul3A_613 = arith.muli %min3A_611, %mul3A_612 : i32
      %min3A_614 = arith.constant 9872 : i32
      %min3A_615 = arith.minsi %mul3A_613, %min3A_614 : i32
      %add3A_616 = arith.addi %mul3A_2, %min3A_615 : i32
      %multiple_of3A_617 = tpu.assume_multiple %add3A_616, 16 : i32
      %jit3A_618 = arith.constant 2 : i32
      %div3A_619 = arith.divsi %multiple_of3A_617, %jit3A_618 : i32
      %sign3A_620 = arith.constant 0 : i32
      %sign3A_621 = arith.cmpi sgt, %multiple_of3A_617, %sign3A_620 : i32
      %sign3A_622 = arith.extui %sign3A_621 : i1 to i32
      %sign3A_623 = arith.constant 0 : i32
      %sign3A_624 = arith.cmpi slt, %multiple_of3A_617, %sign3A_623 : i32
      %sign3A_625 = arith.extui %sign3A_624 : i1 to i32
      %sign3A_626 = arith.subi %sign3A_622, %sign3A_625 : i32
      %sign3A_627 = arith.constant 0 : i32
      %sign3A_628 = arith.cmpi sgt, %jit3A_618, %sign3A_627 : i32
      %sign3A_629 = arith.extui %sign3A_628 : i1 to i32
      %sign3A_630 = arith.constant 0 : i32
      %sign3A_631 = arith.cmpi slt, %jit3A_618, %sign3A_630 : i32
      %sign3A_632 = arith.extui %sign3A_631 : i1 to i32
      %sign3A_633 = arith.subi %sign3A_629, %sign3A_632 : i32
      %ne3A_634 = arith.cmpi ne, %sign3A_626, %sign3A_633 : i32
      %rem3A_635 = arith.remsi %multiple_of3A_617, %jit3A_618 : i32
      %ne3A_636 = arith.constant 0 : i32
      %ne3A_637 = arith.cmpi ne, %rem3A_635, %ne3A_636 : i32
      %and3A_638 = arith.andi %ne3A_634, %ne3A_637 : i1
      %sub3A_639 = arith.constant 1 : i32
      %sub3A_640 = arith.subi %div3A_619, %sub3A_639 : i32
      %select_n3A_641 = arith.select %and3A_638, %sub3A_640, %div3A_619 : i32
      %multiple_of3A_642 = tpu.assume_multiple %select_n3A_641, 8 : i32
      %dma_start3A_643 = arith.constant 1 : i32
      %dma_start3A_644 = arith.constant 0 : i32
      %dma_start3A_645 = arith.constant 0 : i32
      %dma_start3A_646 = tpu.memref_slice %arg13[%dma_start3A_643, %dma_start3A_644, %dma_start3A_645] : memref<2x64x128xf32, #tpu.memory_space<vmem>> -> memref<1x64x128xf32, #tpu.memory_space<vmem>>
      %dma_start3A_647 = tpu.memref_squeeze %dma_start3A_646 : memref<1x64x128xf32, #tpu.memory_space<vmem>> -> memref<64x128xf32, #tpu.memory_space<vmem>>
      %dma_start3A_648 = arith.constant 0 : i32
      %dma_start3A_649 = tpu.memref_slice %arg6[%multiple_of3A_642, %dma_start3A_648] : memref<160000x128xf32, #tpu.memory_space<hbm>> -> memref<64x128xf32, #tpu.memory_space<hbm>>
      %dma_start3A_650 = arith.constant 0 : i32
      %dma_start3A_651 = arith.constant 0 : i32
      %dma_start3A_652 = tpu.memref_slice %arg13[%dma_start3A_643, %dma_start3A_650, %dma_start3A_651] : memref<2x64x128xf32, #tpu.memory_space<vmem>> -> memref<1x64x128xf32, #tpu.memory_space<vmem>>
      %dma_start3A_653 = tpu.memref_squeeze %dma_start3A_652 : memref<1x64x128xf32, #tpu.memory_space<vmem>> -> memref<64x128xf32, #tpu.memory_space<vmem>>
      %dma_start3A_654 = arith.constant 0 : i32
      %dma_start3A_655 = tpu.memref_slice %arg6[%multiple_of3A_642, %dma_start3A_654] : memref<160000x128xf32, #tpu.memory_space<hbm>> -> memref<64x128xf32, #tpu.memory_space<hbm>>
      tpu.enqueue_dma source(%dma_start3A_655 : memref<64x128xf32, #tpu.memory_space<hbm>>) target(%dma_start3A_653 : memref<64x128xf32, #tpu.memory_space<vmem>>) target_semaphore(%arg18 : memref<!tpu.dma_semaphore, #tpu.memory_space<semaphore_mem>>)
      %scan3A_656 = arith.constant 0 : i32
      scf.yield %scan3A_656 : i32
    }
    %scan3A_180 = arith.constant 39 : i32
    %dma_wait3A_181 = arith.constant 0 : i32
    %dma_wait3A_182 = arith.constant 0 : i32
    %dma_wait3A_183 = arith.constant 0 : i32
    %dma_wait3A_184 = tpu.memref_slice %arg13[%dma_wait3A_181, %dma_wait3A_182, %dma_wait3A_183] : memref<2x64x128xf32, #tpu.memory_space<vmem>> -> memref<1x64x128xf32, #tpu.memory_space<vmem>>
    %dma_wait3A_185 = tpu.memref_squeeze %dma_wait3A_184 : memref<1x64x128xf32, #tpu.memory_space<vmem>> -> memref<64x128xf32, #tpu.memory_space<vmem>>
    %dma_wait3A_186 = arith.constant 0 : i32
    %dma_wait3A_187 = arith.constant 0 : i32
    %dma_wait3A_188 = tpu.memref_slice %arg6[%dma_wait3A_186, %dma_wait3A_187] : memref<160000x128xf32, #tpu.memory_space<hbm>> -> memref<64x128xf32, #tpu.memory_space<hbm>>
    %dma_wait3A_189 = arith.constant 0 : i32
    %dma_wait3A_190 = arith.constant 0 : i32
    %dma_wait3A_191 = tpu.memref_slice %arg13[%dma_wait3A_181, %dma_wait3A_189, %dma_wait3A_190] : memref<2x64x128xf32, #tpu.memory_space<vmem>> -> memref<1x64x128xf32, #tpu.memory_space<vmem>>
    %dma_wait3A_192 = tpu.memref_squeeze %dma_wait3A_191 : memref<1x64x128xf32, #tpu.memory_space<vmem>> -> memref<64x128xf32, #tpu.memory_space<vmem>>
    %dma_wait3A_193 = arith.constant 0 : i32
    %dma_wait3A_194 = arith.constant 0 : i32
    %dma_wait3A_195 = tpu.memref_slice %arg6[%dma_wait3A_193, %dma_wait3A_194] : memref<160000x128xf32, #tpu.memory_space<hbm>> -> memref<64x128xf32, #tpu.memory_space<hbm>>
    tpu.wait_dma2 semaphore(%arg17 : memref<!tpu.dma_semaphore, #tpu.memory_space<semaphore_mem>>) src(%dma_wait3A_195 : memref<64x128xf32, #tpu.memory_space<hbm>>) dst(%dma_wait3A_192 : memref<64x128xf32, #tpu.memory_space<vmem>>)
    %dma_wait3A_196 = arith.constant 0 : i32
    %dma_wait3A_197 = arith.constant 0 : i32
    %dma_wait3A_198 = arith.constant 0 : i32
    %dma_wait3A_199 = arith.constant 0 : i32
    %dma_wait3A_200 = tpu.memref_slice %arg12[%dma_wait3A_197, %dma_wait3A_198, %dma_wait3A_199] : memref<2x128x128xf32, #tpu.memory_space<vmem>> -> memref<1x128x128xf32, #tpu.memory_space<vmem>>
    %dma_wait3A_201 = tpu.memref_squeeze %dma_wait3A_200 : memref<1x128x128xf32, #tpu.memory_space<vmem>> -> memref<128x128xf32, #tpu.memory_space<vmem>>
    %dma_wait3A_202 = arith.constant 0 : i32
    %dma_wait3A_203 = tpu.memref_slice %arg11[%dma_wait3A_196, %dma_wait3A_202] : memref<2x128xi32, #tpu.memory_space<vmem>> -> memref<1x128xi32, #tpu.memory_space<vmem>>
    %dma_wait3A_204 = tpu.memref_squeeze %dma_wait3A_203 : memref<1x128xi32, #tpu.memory_space<vmem>> -> memref<128xi32, #tpu.memory_space<vmem>>
    %dma_wait3A_205 = arith.constant 0 : i32
    %dma_wait3A_206 = arith.constant 0 : i32
    %dma_wait3A_207 = tpu.memref_slice %arg2[%dma_wait3A_205, %dma_wait3A_206] : memref<9216x128xf32, #tpu.memory_space<hbm>> -> memref<9216x128xf32, #tpu.memory_space<hbm>>
    tpu.wait_indirect_dma semaphore(%arg17 : memref<!tpu.dma_semaphore, #tpu.memory_space<semaphore_mem>>) src(%dma_wait3A_207 : memref<9216x128xf32, #tpu.memory_space<hbm>>) dst(%dma_wait3A_201 : memref<128x128xf32, #tpu.memory_space<vmem>>)
    %dma_wait3A_208 = arith.constant 0 : i32
    %dma_wait3A_209 = arith.constant 0 : i32
    %dma_wait3A_210 = arith.constant 0 : i32
    %dma_wait3A_211 = tpu.memref_slice %arg14[%dma_wait3A_208, %dma_wait3A_209, %dma_wait3A_210] : memref<2x128x128xf32, #tpu.memory_space<vmem>> -> memref<1x128x128xf32, #tpu.memory_space<vmem>>
    %dma_wait3A_212 = tpu.memref_squeeze %dma_wait3A_211 : memref<1x128x128xf32, #tpu.memory_space<vmem>> -> memref<128x128xf32, #tpu.memory_space<vmem>>
    %dma_wait3A_213 = arith.constant 0 : i32
    %dma_wait3A_214 = arith.constant 0 : i32
    %dma_wait3A_215 = tpu.memref_slice %arg7[%dma_wait3A_213, %dma_wait3A_214] : memref<320000x128xf32, #tpu.memory_space<hbm>> -> memref<128x128xf32, #tpu.memory_space<hbm>>
    %dma_wait3A_216 = arith.constant 0 : i32
    %dma_wait3A_217 = arith.constant 0 : i32
    %dma_wait3A_218 = tpu.memref_slice %arg7[%dma_wait3A_216, %dma_wait3A_217] : memref<320000x128xf32, #tpu.memory_space<hbm>> -> memref<128x128xf32, #tpu.memory_space<hbm>>
    %dma_wait3A_219 = arith.constant 0 : i32
    %dma_wait3A_220 = arith.constant 0 : i32
    %dma_wait3A_221 = tpu.memref_slice %arg14[%dma_wait3A_208, %dma_wait3A_219, %dma_wait3A_220] : memref<2x128x128xf32, #tpu.memory_space<vmem>> -> memref<1x128x128xf32, #tpu.memory_space<vmem>>
    %dma_wait3A_222 = tpu.memref_squeeze %dma_wait3A_221 : memref<1x128x128xf32, #tpu.memory_space<vmem>> -> memref<128x128xf32, #tpu.memory_space<vmem>>
    tpu.wait_dma2 semaphore(%arg19 : memref<!tpu.dma_semaphore, #tpu.memory_space<semaphore_mem>>) src(%dma_wait3A_222 : memref<128x128xf32, #tpu.memory_space<vmem>>) dst(%dma_wait3A_218 : memref<128x128xf32, #tpu.memory_space<hbm>>)
    %parallel_loop3A_223 = arith.constant 0 : i32
    %parallel_loop3A_224 = arith.constant 64 : i32
    %parallel_loop3A_225 = arith.constant 1 : i32
    scf.for %parallel_loop3A_315 = %parallel_loop3A_223 to %parallel_loop3A_224 step %parallel_loop3A_225  : i32 {
      %parallel_loop3A_316 = arith.constant 2 : i32
      %parallel_loop3A_317 = arith.muli %parallel_loop3A_316, %parallel_loop3A_315 : i32
      %parallel_loop3A_318 = arith.constant 1 : i32
      %parallel_loop3A_319 = arith.addi %parallel_loop3A_317, %parallel_loop3A_318 : i32
      %parallel_loop3A_320 = arith.constant 0 : i32
      %parallel_loop3A_321 = arith.index_cast %parallel_loop3A_320 : i32 to index
      %parallel_loop3A_322 = arith.index_cast %parallel_loop3A_315 : i32 to index
      %parallel_loop3A_323 = arith.constant 0 : index
      %parallel_loop3A_324 = tpu.vector_load %arg13[%parallel_loop3A_321, %parallel_loop3A_322, %parallel_loop3A_323] {strides = array<i32>} : memref<2x64x128xf32, #tpu.memory_space<vmem>>, vector<16xf32>,
      %parallel_loop3A_325 = vector.bitcast %parallel_loop3A_324 : vector<16xf32> to vector<32xbf16>
      %parallel_loop3A_326 = tpu.unpack_subelements %parallel_loop3A_325, 0 {pack_format = #tpu.pack_format<interleaved>} : vector<32xbf16> -> vector<16xf32>
      %parallel_loop3A_327 = tpu.unpack_subelements %parallel_loop3A_325, 1 {pack_format = #tpu.pack_format<interleaved>} : vector<32xbf16> -> vector<16xf32>
      %parallel_loop3A_328 = arith.constant 0 : i32
      %parallel_loop3A_329 = arith.index_cast %parallel_loop3A_328 : i32 to index
      %parallel_loop3A_330 = arith.index_cast %parallel_loop3A_317 : i32 to index
      %parallel_loop3A_331 = arith.constant 0 : index
      %parallel_loop3A_332 = tpu.vector_load %arg12[%parallel_loop3A_329, %parallel_loop3A_330, %parallel_loop3A_331] {strides = array<i32>} : memref<2x128x128xf32, #tpu.memory_space<vmem>>, vector<16xf32>,
      %parallel_loop3A_333 = arith.addf %parallel_loop3A_332, %parallel_loop3A_326 : vector<16xf32>
      %parallel_loop3A_334 = arith.constant 0.000000e+00 : f32
      %parallel_loop3A_335 = vector.broadcast %parallel_loop3A_334 : f32 to vector<16xf32>
      %parallel_loop3A_336 = arith.subf %parallel_loop3A_335, %parallel_loop3A_333 : vector<16xf32>
      %parallel_loop3A_337 = math.exp %parallel_loop3A_336 : vector<16xf32>
      %parallel_loop3A_338 = arith.constant 1.000000e+00 : f32
      %parallel_loop3A_339 = vector.broadcast %parallel_loop3A_338 : f32 to vector<16xf32>
      %parallel_loop3A_340 = arith.addf %parallel_loop3A_339, %parallel_loop3A_337 : vector<16xf32>
      %parallel_loop3A_341 = arith.divf %parallel_loop3A_333, %parallel_loop3A_340 : vector<16xf32>
      %parallel_loop3A_342 = arith.constant 0 : i32
      %parallel_loop3A_343 = arith.index_cast %parallel_loop3A_342 : i32 to index
      %parallel_loop3A_344 = arith.index_cast %parallel_loop3A_317 : i32 to index
      %parallel_loop3A_345 = arith.constant 0 : index
      %parallel_loop3A_346 = tpu.vector_load %arg14[%parallel_loop3A_343, %parallel_loop3A_344, %parallel_loop3A_345] {strides = array<i32>} : memref<2x128x128xf32, #tpu.memory_space<vmem>>, vector<16xf32>,
      tpu.vector_store %arg14[%parallel_loop3A_343, %parallel_loop3A_344, %parallel_loop3A_345], %parallel_loop3A_341 {strides = array<i32>} : memref<2x128x128xf32, #tpu.memory_space<vmem>>, vector<16xf32>,
      %parallel_loop3A_347 = arith.constant 0 : i32
      %parallel_loop3A_348 = arith.index_cast %parallel_loop3A_347 : i32 to index
      %parallel_loop3A_349 = arith.index_cast %parallel_loop3A_319 : i32 to index
      %parallel_loop3A_350 = arith.constant 0 : index
      %parallel_loop3A_351 = tpu.vector_load %arg12[%parallel_loop3A_348, %parallel_loop3A_349, %parallel_loop3A_350] {strides = array<i32>} : memref<2x128x128xf32, #tpu.memory_space<vmem>>, vector<16xf32>,
      %parallel_loop3A_352 = arith.addf %parallel_loop3A_351, %parallel_loop3A_327 : vector<16xf32>
      %parallel_loop3A_353 = arith.constant 0.000000e+00 : f32
      %parallel_loop3A_354 = vector.broadcast %parallel_loop3A_353 : f32 to vector<16xf32>
      %parallel_loop3A_355 = arith.subf %parallel_loop3A_354, %parallel_loop3A_352 : vector<16xf32>
      %parallel_loop3A_356 = math.exp %parallel_loop3A_355 : vector<16xf32>
      %parallel_loop3A_357 = arith.constant 1.000000e+00 : f32
      %parallel_loop3A_358 = vector.broadcast %parallel_loop3A_357 : f32 to vector<16xf32>
      %parallel_loop3A_359 = arith.addf %parallel_loop3A_358, %parallel_loop3A_356 : vector<16xf32>
      %parallel_loop3A_360 = arith.divf %parallel_loop3A_352, %parallel_loop3A_359 : vector<16xf32>
      %parallel_loop3A_361 = arith.constant 0 : i32
      %parallel_loop3A_362 = arith.index_cast %parallel_loop3A_361 : i32 to index
      %parallel_loop3A_363 = arith.index_cast %parallel_loop3A_319 : i32 to index
      %parallel_loop3A_364 = arith.constant 0 : index
      %parallel_loop3A_365 = tpu.vector_load %arg14[%parallel_loop3A_362, %parallel_loop3A_363, %parallel_loop3A_364] {strides = array<i32>} : memref<2x128x128xf32, #tpu.memory_space<vmem>>, vector<16xf32>,
      tpu.vector_store %arg14[%parallel_loop3A_362, %parallel_loop3A_363, %parallel_loop3A_364], %parallel_loop3A_360 {strides = array<i32>} : memref<2x128x128xf32, #tpu.memory_space<vmem>>, vector<16xf32>,
      %parallel_loop3A_366 = arith.constant 0 : i32
      %parallel_loop3A_367 = arith.index_cast %parallel_loop3A_366 : i32 to index
      %parallel_loop3A_368 = arith.index_cast %parallel_loop3A_315 : i32 to index
      %parallel_loop3A_369 = arith.constant 16 : index
      %parallel_loop3A_370 = tpu.vector_load %arg13[%parallel_loop3A_367, %parallel_loop3A_368, %parallel_loop3A_369] {strides = array<i32>} : memref<2x64x128xf32, #tpu.memory_space<vmem>>, vector<16xf32>,
      %parallel_loop3A_371 = vector.bitcast %parallel_loop3A_370 : vector<16xf32> to vector<32xbf16>
      %parallel_loop3A_372 = tpu.unpack_subelements %parallel_loop3A_371, 0 {pack_format = #tpu.pack_format<interleaved>} : vector<32xbf16> -> vector<16xf32>
      %parallel_loop3A_373 = tpu.unpack_subelements %parallel_loop3A_371, 1 {pack_format = #tpu.pack_format<interleaved>} : vector<32xbf16> -> vector<16xf32>
      %parallel_loop3A_374 = arith.constant 0 : i32
      %parallel_loop3A_375 = arith.index_cast %parallel_loop3A_374 : i32 to index
      %parallel_loop3A_376 = arith.index_cast %parallel_loop3A_317 : i32 to index
      %parallel_loop3A_377 = arith.constant 16 : index
      %parallel_loop3A_378 = tpu.vector_load %arg12[%parallel_loop3A_375, %parallel_loop3A_376, %parallel_loop3A_377] {strides = array<i32>} : memref<2x128x128xf32, #tpu.memory_space<vmem>>, vector<16xf32>,
      %parallel_loop3A_379 = arith.addf %parallel_loop3A_378, %parallel_loop3A_372 : vector<16xf32>
      %parallel_loop3A_380 = arith.constant 0.000000e+00 : f32
      %parallel_loop3A_381 = vector.broadcast %parallel_loop3A_380 : f32 to vector<16xf32>
      %parallel_loop3A_382 = arith.subf %parallel_loop3A_381, %parallel_loop3A_379 : vector<16xf32>
      %parallel_loop3A_383 = math.exp %parallel_loop3A_382 : vector<16xf32>
      %parallel_loop3A_384 = arith.constant 1.000000e+00 : f32
      %parallel_loop3A_385 = vector.broadcast %parallel_loop3A_384 : f32 to vector<16xf32>
      %parallel_loop3A_386 = arith.addf %parallel_loop3A_385, %parallel_loop3A_383 : vector<16xf32>
      %parallel_loop3A_387 = arith.divf %parallel_loop3A_379, %parallel_loop3A_386 : vector<16xf32>
      %parallel_loop3A_388 = arith.constant 0 : i32
      %parallel_loop3A_389 = arith.index_cast %parallel_loop3A_388 : i32 to index
      %parallel_loop3A_390 = arith.index_cast %parallel_loop3A_317 : i32 to index
      %parallel_loop3A_391 = arith.constant 16 : index
      %parallel_loop3A_392 = tpu.vector_load %arg14[%parallel_loop3A_389, %parallel_loop3A_390, %parallel_loop3A_391] {strides = array<i32>} : memref<2x128x128xf32, #tpu.memory_space<vmem>>, vector<16xf32>,
      tpu.vector_store %arg14[%parallel_loop3A_389, %parallel_loop3A_390, %parallel_loop3A_391], %parallel_loop3A_387 {strides = array<i32>} : memref<2x128x128xf32, #tpu.memory_space<vmem>>, vector<16xf32>,
      %parallel_loop3A_393 = arith.constant 0 : i32
      %parallel_loop3A_394 = arith.index_cast %parallel_loop3A_393 : i32 to index
      %parallel_loop3A_395 = arith.index_cast %parallel_loop3A_319 : i32 to index
      %parallel_loop3A_396 = arith.constant 16 : index
      %parallel_loop3A_397 = tpu.vector_load %arg12[%parallel_loop3A_394, %parallel_loop3A_395, %parallel_loop3A_396] {strides = array<i32>} : memref<2x128x128xf32, #tpu.memory_space<vmem>>, vector<16xf32>,
      %parallel_loop3A_398 = arith.addf %parallel_loop3A_397, %parallel_loop3A_373 : vector<16xf32>
      %parallel_loop3A_399 = arith.constant 0.000000e+00 : f32
      %parallel_loop3A_400 = vector.broadcast %parallel_loop3A_399 : f32 to vector<16xf32>
      %parallel_loop3A_401 = arith.subf %parallel_loop3A_400, %parallel_loop3A_398 : vector<16xf32>
      %parallel_loop3A_402 = math.exp %parallel_loop3A_401 : vector<16xf32>
      %parallel_loop3A_403 = arith.constant 1.000000e+00 : f32
      %parallel_loop3A_404 = vector.broadcast %parallel_loop3A_403 : f32 to vector<16xf32>
      %parallel_loop3A_405 = arith.addf %parallel_loop3A_404, %parallel_loop3A_402 : vector<16xf32>
      %parallel_loop3A_406 = arith.divf %parallel_loop3A_398, %parallel_loop3A_405 : vector<16xf32>
      %parallel_loop3A_407 = arith.constant 0 : i32
      %parallel_loop3A_408 = arith.index_cast %parallel_loop3A_407 : i32 to index
      %parallel_loop3A_409 = arith.index_cast %parallel_loop3A_319 : i32 to index
      %parallel_loop3A_410 = arith.constant 16 : index
      %parallel_loop3A_411 = tpu.vector_load %arg14[%parallel_loop3A_408, %parallel_loop3A_409, %parallel_loop3A_410] {strides = array<i32>} : memref<2x128x128xf32, #tpu.memory_space<vmem>>, vector<16xf32>,
      tpu.vector_store %arg14[%parallel_loop3A_408, %parallel_loop3A_409, %parallel_loop3A_410], %parallel_loop3A_406 {strides = array<i32>} : memref<2x128x128xf32, #tpu.memory_space<vmem>>, vector<16xf32>,
      %parallel_loop3A_412 = arith.constant 0 : i32
      %parallel_loop3A_413 = arith.index_cast %parallel_loop3A_412 : i32 to index
      %parallel_loop3A_414 = arith.index_cast %parallel_loop3A_315 : i32 to index
      %parallel_loop3A_415 = arith.constant 32 : index
      %parallel_loop3A_416 = tpu.vector_load %arg13[%parallel_loop3A_413, %parallel_loop3A_414, %parallel_loop3A_415] {strides = array<i32>} : memref<2x64x128xf32, #tpu.memory_space<vmem>>, vector<16xf32>,
      %parallel_loop3A_417 = vector.bitcast %parallel_loop3A_416 : vector<16xf32> to vector<32xbf16>
      %parallel_loop3A_418 = tpu.unpack_subelements %parallel_loop3A_417, 0 {pack_format = #tpu.pack_format<interleaved>} : vector<32xbf16> -> vector<16xf32>
      %parallel_loop3A_419 = tpu.unpack_subelements %parallel_loop3A_417, 1 {pack_format = #tpu.pack_format<interleaved>} : vector<32xbf16> -> vector<16xf32>
      %parallel_loop3A_420 = arith.constant 0 : i32
      %parallel_loop3A_421 = arith.index_cast %parallel_loop3A_420 : i32 to index
      %parallel_loop3A_422 = arith.index_cast %parallel_loop3A_317 : i32 to index
      %parallel_loop3A_423 = arith.constant 32 : index
      %parallel_loop3A_424 = tpu.vector_load %arg12[%parallel_loop3A_421, %parallel_loop3A_422, %parallel_loop3A_423] {strides = array<i32>} : memref<2x128x128xf32, #tpu.memory_space<vmem>>, vector<16xf32>,
      %parallel_loop3A_425 = arith.addf %parallel_loop3A_424, %parallel_loop3A_418 : vector<16xf32>
      %parallel_loop3A_426 = arith.constant 0.000000e+00 : f32
      %parallel_loop3A_427 = vector.broadcast %parallel_loop3A_426 : f32 to vector<16xf32>
      %parallel_loop3A_428 = arith.subf %parallel_loop3A_427, %parallel_loop3A_425 : vector<16xf32>
      %parallel_loop3A_429 = math.exp %parallel_loop3A_428 : vector<16xf32>
      %parallel_loop3A_430 = arith.constant 1.000000e+00 : f32
      %parallel_loop3A_431 = vector.broadcast %parallel_loop3A_430 : f32 to vector<16xf32>
      %parallel_loop3A_432 = arith.addf %parallel_loop3A_431, %parallel_loop3A_429 : vector<16xf32>
      %parallel_loop3A_433 = arith.divf %parallel_loop3A_425, %parallel_loop3A_432 : vector<16xf32>
      %parallel_loop3A_434 = arith.constant 0 : i32
      %parallel_loop3A_435 = arith.index_cast %parallel_loop3A_434 : i32 to index
      %parallel_loop3A_436 = arith.index_cast %parallel_loop3A_317 : i32 to index
      %parallel_loop3A_437 = arith.constant 32 : index
      %parallel_loop3A_438 = tpu.vector_load %arg14[%parallel_loop3A_435, %parallel_loop3A_436, %parallel_loop3A_437] {strides = array<i32>} : memref<2x128x128xf32, #tpu.memory_space<vmem>>, vector<16xf32>,
      tpu.vector_store %arg14[%parallel_loop3A_435, %parallel_loop3A_436, %parallel_loop3A_437], %parallel_loop3A_433 {strides = array<i32>} : memref<2x128x128xf32, #tpu.memory_space<vmem>>, vector<16xf32>,
      %parallel_loop3A_439 = arith.constant 0 : i32
      %parallel_loop3A_440 = arith.index_cast %parallel_loop3A_439 : i32 to index
      %parallel_loop3A_441 = arith.index_cast %parallel_loop3A_319 : i32 to index
      %parallel_loop3A_442 = arith.constant 32 : index
      %parallel_loop3A_443 = tpu.vector_load %arg12[%parallel_loop3A_440, %parallel_loop3A_441, %parallel_loop3A_442] {strides = array<i32>} : memref<2x128x128xf32, #tpu.memory_space<vmem>>, vector<16xf32>,
      %parallel_loop3A_444 = arith.addf %parallel_loop3A_443, %parallel_loop3A_419 : vector<16xf32>
      %parallel_loop3A_445 = arith.constant 0.000000e+00 : f32
      %parallel_loop3A_446 = vector.broadcast %parallel_loop3A_445 : f32 to vector<16xf32>
      %parallel_loop3A_447 = arith.subf %parallel_loop3A_446, %parallel_loop3A_444 : vector<16xf32>
      %parallel_loop3A_448 = math.exp %parallel_loop3A_447 : vector<16xf32>
      %parallel_loop3A_449 = arith.constant 1.000000e+00 : f32
      %parallel_loop3A_450 = vector.broadcast %parallel_loop3A_449 : f32 to vector<16xf32>
      %parallel_loop3A_451 = arith.addf %parallel_loop3A_450, %parallel_loop3A_448 : vector<16xf32>
      %parallel_loop3A_452 = arith.divf %parallel_loop3A_444, %parallel_loop3A_451 : vector<16xf32>
      %parallel_loop3A_453 = arith.constant 0 : i32
      %parallel_loop3A_454 = arith.index_cast %parallel_loop3A_453 : i32 to index
      %parallel_loop3A_455 = arith.index_cast %parallel_loop3A_319 : i32 to index
      %parallel_loop3A_456 = arith.constant 32 : index
      %parallel_loop3A_457 = tpu.vector_load %arg14[%parallel_loop3A_454, %parallel_loop3A_455, %parallel_loop3A_456] {strides = array<i32>} : memref<2x128x128xf32, #tpu.memory_space<vmem>>, vector<16xf32>,
      tpu.vector_store %arg14[%parallel_loop3A_454, %parallel_loop3A_455, %parallel_loop3A_456], %parallel_loop3A_452 {strides = array<i32>} : memref<2x128x128xf32, #tpu.memory_space<vmem>>, vector<16xf32>,
      %parallel_loop3A_458 = arith.constant 0 : i32
      %parallel_loop3A_459 = arith.index_cast %parallel_loop3A_458 : i32 to index
      %parallel_loop3A_460 = arith.index_cast %parallel_loop3A_315 : i32 to index
      %parallel_loop3A_461 = arith.constant 48 : index
      %parallel_loop3A_462 = tpu.vector_load %arg13[%parallel_loop3A_459, %parallel_loop3A_460, %parallel_loop3A_461] {strides = array<i32>} : memref<2x64x128xf32, #tpu.memory_space<vmem>>, vector<16xf32>,
      %parallel_loop3A_463 = vector.bitcast %parallel_loop3A_462 : vector<16xf32> to vector<32xbf16>
      %parallel_loop3A_464 = tpu.unpack_subelements %parallel_loop3A_463, 0 {pack_format = #tpu.pack_format<interleaved>} : vector<32xbf16> -> vector<16xf32>
      %parallel_loop3A_465 = tpu.unpack_subelements %parallel_loop3A_463, 1 {pack_format = #tpu.pack_format<interleaved>} : vector<32xbf16> -> vector<16xf32>
      %parallel_loop3A_466 = arith.constant 0 : i32
      %parallel_loop3A_467 = arith.index_cast %parallel_loop3A_466 : i32 to index
      %parallel_loop3A_468 = arith.index_cast %parallel_loop3A_317 : i32 to index
      %parallel_loop3A_469 = arith.constant 48 : index
      %parallel_loop3A_470 = tpu.vector_load %arg12[%parallel_loop3A_467, %parallel_loop3A_468, %parallel_loop3A_469] {strides = array<i32>} : memref<2x128x128xf32, #tpu.memory_space<vmem>>, vector<16xf32>,
      %parallel_loop3A_471 = arith.addf %parallel_loop3A_470, %parallel_loop3A_464 : vector<16xf32>
      %parallel_loop3A_472 = arith.constant 0.000000e+00 : f32
      %parallel_loop3A_473 = vector.broadcast %parallel_loop3A_472 : f32 to vector<16xf32>
      %parallel_loop3A_474 = arith.subf %parallel_loop3A_473, %parallel_loop3A_471 : vector<16xf32>
      %parallel_loop3A_475 = math.exp %parallel_loop3A_474 : vector<16xf32>
      %parallel_loop3A_476 = arith.constant 1.000000e+00 : f32
      %parallel_loop3A_477 = vector.broadcast %parallel_loop3A_476 : f32 to vector<16xf32>
      %parallel_loop3A_478 = arith.addf %parallel_loop3A_477, %parallel_loop3A_475 : vector<16xf32>
      %parallel_loop3A_479 = arith.divf %parallel_loop3A_471, %parallel_loop3A_478 : vector<16xf32>
      %parallel_loop3A_480 = arith.constant 0 : i32
      %parallel_loop3A_481 = arith.index_cast %parallel_loop3A_480 : i32 to index
      %parallel_loop3A_482 = arith.index_cast %parallel_loop3A_317 : i32 to index
      %parallel_loop3A_483 = arith.constant 48 : index
      %parallel_loop3A_484 = tpu.vector_load %arg14[%parallel_loop3A_481, %parallel_loop3A_482, %parallel_loop3A_483] {strides = array<i32>} : memref<2x128x128xf32, #tpu.memory_space<vmem>>, vector<16xf32>,
      tpu.vector_store %arg14[%parallel_loop3A_481, %parallel_loop3A_482, %parallel_loop3A_483], %parallel_loop3A_479 {strides = array<i32>} : memref<2x128x128xf32, #tpu.memory_space<vmem>>, vector<16xf32>,
      %parallel_loop3A_485 = arith.constant 0 : i32
      %parallel_loop3A_486 = arith.index_cast %parallel_loop3A_485 : i32 to index
      %parallel_loop3A_487 = arith.index_cast %parallel_loop3A_319 : i32 to index
      %parallel_loop3A_488 = arith.constant 48 : index
      %parallel_loop3A_489 = tpu.vector_load %arg12[%parallel_loop3A_486, %parallel_loop3A_487, %parallel_loop3A_488] {strides = array<i32>} : memref<2x128x128xf32, #tpu.memory_space<vmem>>, vector<16xf32>,
      %parallel_loop3A_490 = arith.addf %parallel_loop3A_489, %parallel_loop3A_465 : vector<16xf32>
      %parallel_loop3A_491 = arith.constant 0.000000e+00 : f32
      %parallel_loop3A_492 = vector.broadcast %parallel_loop3A_491 : f32 to vector<16xf32>
      %parallel_loop3A_493 = arith.subf %parallel_loop3A_492, %parallel_loop3A_490 : vector<16xf32>
      %parallel_loop3A_494 = math.exp %parallel_loop3A_493 : vector<16xf32>
      %parallel_loop3A_495 = arith.constant 1.000000e+00 : f32
      %parallel_loop3A_496 = vector.broadcast %parallel_loop3A_495 : f32 to vector<16xf32>
      %parallel_loop3A_497 = arith.addf %parallel_loop3A_496, %parallel_loop3A_494 : vector<16xf32>
      %parallel_loop3A_498 = arith.divf %parallel_loop3A_490, %parallel_loop3A_497 : vector<16xf32>
      %parallel_loop3A_499 = arith.constant 0 : i32
      %parallel_loop3A_500 = arith.index_cast %parallel_loop3A_499 : i32 to index
      %parallel_loop3A_501 = arith.index_cast %parallel_loop3A_319 : i32 to index
      %parallel_loop3A_502 = arith.constant 48 : index
      %parallel_loop3A_503 = tpu.vector_load %arg14[%parallel_loop3A_500, %parallel_loop3A_501, %parallel_loop3A_502] {strides = array<i32>} : memref<2x128x128xf32, #tpu.memory_space<vmem>>, vector<16xf32>,
      tpu.vector_store %arg14[%parallel_loop3A_500, %parallel_loop3A_501, %parallel_loop3A_502], %parallel_loop3A_498 {strides = array<i32>} : memref<2x128x128xf32, #tpu.memory_space<vmem>>, vector<16xf32>,
      %parallel_loop3A_504 = arith.constant 0 : i32
      %parallel_loop3A_505 = arith.index_cast %parallel_loop3A_504 : i32 to index
      %parallel_loop3A_506 = arith.index_cast %parallel_loop3A_315 : i32 to index
      %parallel_loop3A_507 = arith.constant 64 : index
      %parallel_loop3A_508 = tpu.vector_load %arg13[%parallel_loop3A_505, %parallel_loop3A_506, %parallel_loop3A_507] {strides = array<i32>} : memref<2x64x128xf32, #tpu.memory_space<vmem>>, vector<16xf32>,
      %parallel_loop3A_509 = vector.bitcast %parallel_loop3A_508 : vector<16xf32> to vector<32xbf16>
      %parallel_loop3A_510 = tpu.unpack_subelements %parallel_loop3A_509, 0 {pack_format = #tpu.pack_format<interleaved>} : vector<32xbf16> -> vector<16xf32>
      %parallel_loop3A_511 = tpu.unpack_subelements %parallel_loop3A_509, 1 {pack_format = #tpu.pack_format<interleaved>} : vector<32xbf16> -> vector<16xf32>
      %parallel_loop3A_512 = arith.constant 0 : i32
      %parallel_loop3A_513 = arith.index_cast %parallel_loop3A_512 : i32 to index
      %parallel_loop3A_514 = arith.index_cast %parallel_loop3A_317 : i32 to index
      %parallel_loop3A_515 = arith.constant 64 : index
      %parallel_loop3A_516 = tpu.vector_load %arg12[%parallel_loop3A_513, %parallel_loop3A_514, %parallel_loop3A_515] {strides = array<i32>} : memref<2x128x128xf32, #tpu.memory_space<vmem>>, vector<16xf32>,
      %parallel_loop3A_517 = arith.addf %parallel_loop3A_516, %parallel_loop3A_510 : vector<16xf32>
      %parallel_loop3A_518 = arith.constant 0.000000e+00 : f32
      %parallel_loop3A_519 = vector.broadcast %parallel_loop3A_518 : f32 to vector<16xf32>
      %parallel_loop3A_520 = arith.subf %parallel_loop3A_519, %parallel_loop3A_517 : vector<16xf32>
      %parallel_loop3A_521 = math.exp %parallel_loop3A_520 : vector<16xf32>
      %parallel_loop3A_522 = arith.constant 1.000000e+00 : f32
      %parallel_loop3A_523 = vector.broadcast %parallel_loop3A_522 : f32 to vector<16xf32>
      %parallel_loop3A_524 = arith.addf %parallel_loop3A_523, %parallel_loop3A_521 : vector<16xf32>
      %parallel_loop3A_525 = arith.divf %parallel_loop3A_517, %parallel_loop3A_524 : vector<16xf32>
      %parallel_loop3A_526 = arith.constant 0 : i32
      %parallel_loop3A_527 = arith.index_cast %parallel_loop3A_526 : i32 to index
      %parallel_loop3A_528 = arith.index_cast %parallel_loop3A_317 : i32 to index
      %parallel_loop3A_529 = arith.constant 64 : index
      %parallel_loop3A_530 = tpu.vector_load %arg14[%parallel_loop3A_527, %parallel_loop3A_528, %parallel_loop3A_529] {strides = array<i32>} : memref<2x128x128xf32, #tpu.memory_space<vmem>>, vector<16xf32>,
      tpu.vector_store %arg14[%parallel_loop3A_527, %parallel_loop3A_528, %parallel_loop3A_529], %parallel_loop3A_525 {strides = array<i32>} : memref<2x128x128xf32, #tpu.memory_space<vmem>>, vector<16xf32>,
      %parallel_loop3A_531 = arith.constant 0 : i32
      %parallel_loop3A_532 = arith.index_cast %parallel_loop3A_531 : i32 to index
      %parallel_loop3A_533 = arith.index_cast %parallel_loop3A_319 : i32 to index
      %parallel_loop3A_534 = arith.constant 64 : index
      %parallel_loop3A_535 = tpu.vector_load %arg12[%parallel_loop3A_532, %parallel_loop3A_533, %parallel_loop3A_534] {strides = array<i32>} : memref<2x128x128xf32, #tpu.memory_space<vmem>>, vector<16xf32>,
      %parallel_loop3A_536 = arith.addf %parallel_loop3A_535, %parallel_loop3A_511 : vector<16xf32>
      %parallel_loop3A_537 = arith.constant 0.000000e+00 : f32
      %parallel_loop3A_538 = vector.broadcast %parallel_loop3A_537 : f32 to vector<16xf32>
      %parallel_loop3A_539 = arith.subf %parallel_loop3A_538, %parallel_loop3A_536 : vector<16xf32>
      %parallel_loop3A_540 = math.exp %parallel_loop3A_539 : vector<16xf32>
      %parallel_loop3A_541 = arith.constant 1.000000e+00 : f32
      %parallel_loop3A_542 = vector.broadcast %parallel_loop3A_541 : f32 to vector<16xf32>
      %parallel_loop3A_543 = arith.addf %parallel_loop3A_542, %parallel_loop3A_540 : vector<16xf32>
      %parallel_loop3A_544 = arith.divf %parallel_loop3A_536, %parallel_loop3A_543 : vector<16xf32>
      %parallel_loop3A_545 = arith.constant 0 : i32
      %parallel_loop3A_546 = arith.index_cast %parallel_loop3A_545 : i32 to index
      %parallel_loop3A_547 = arith.index_cast %parallel_loop3A_319 : i32 to index
      %parallel_loop3A_548 = arith.constant 64 : index
      %parallel_loop3A_549 = tpu.vector_load %arg14[%parallel_loop3A_546, %parallel_loop3A_547, %parallel_loop3A_548] {strides = array<i32>} : memref<2x128x128xf32, #tpu.memory_space<vmem>>, vector<16xf32>,
      tpu.vector_store %arg14[%parallel_loop3A_546, %parallel_loop3A_547, %parallel_loop3A_548], %parallel_loop3A_544 {strides = array<i32>} : memref<2x128x128xf32, #tpu.memory_space<vmem>>, vector<16xf32>,
      %parallel_loop3A_550 = arith.constant 0 : i32
      %parallel_loop3A_551 = arith.index_cast %parallel_loop3A_550 : i32 to index
      %parallel_loop3A_552 = arith.index_cast %parallel_loop3A_315 : i32 to index
      %parallel_loop3A_553 = arith.constant 80 : index
      %parallel_loop3A_554 = tpu.vector_load %arg13[%parallel_loop3A_551, %parallel_loop3A_552, %parallel_loop3A_553] {strides = array<i32>} : memref<2x64x128xf32, #tpu.memory_space<vmem>>, vector<16xf32>,
      %parallel_loop3A_555 = vector.bitcast %parallel_loop3A_554 : vector<16xf32> to vector<32xbf16>
      %parallel_loop3A_556 = tpu.unpack_subelements %parallel_loop3A_555, 0 {pack_format = #tpu.pack_format<interleaved>} : vector<32xbf16> -> vector<16xf32>
      %parallel_loop3A_557 = tpu.unpack_subelements %parallel_loop3A_555, 1 {pack_format = #tpu.pack_format<interleaved>} : vector<32xbf16> -> vector<16xf32>
      %parallel_loop3A_558 = arith.constant 0 : i32
      %parallel_loop3A_559 = arith.index_cast %parallel_loop3A_558 : i32 to index
      %parallel_loop3A_560 = arith.index_cast %parallel_loop3A_317 : i32 to index
      %parallel_loop3A_561 = arith.constant 80 : index
      %parallel_loop3A_562 = tpu.vector_load %arg12[%parallel_loop3A_559, %parallel_loop3A_560, %parallel_loop3A_561] {strides = array<i32>} : memref<2x128x128xf32, #tpu.memory_space<vmem>>, vector<16xf32>,
      %parallel_loop3A_563 = arith.addf %parallel_loop3A_562, %parallel_loop3A_556 : vector<16xf32>
      %parallel_loop3A_564 = arith.constant 0.000000e+00 : f32
      %parallel_loop3A_565 = vector.broadcast %parallel_loop3A_564 : f32 to vector<16xf32>
      %parallel_loop3A_566 = arith.subf %parallel_loop3A_565, %parallel_loop3A_563 : vector<16xf32>
      %parallel_loop3A_567 = math.exp %parallel_loop3A_566 : vector<16xf32>
      %parallel_loop3A_568 = arith.constant 1.000000e+00 : f32
      %parallel_loop3A_569 = vector.broadcast %parallel_loop3A_568 : f32 to vector<16xf32>
      %parallel_loop3A_570 = arith.addf %parallel_loop3A_569, %parallel_loop3A_567 : vector<16xf32>
      %parallel_loop3A_571 = arith.divf %parallel_loop3A_563, %parallel_loop3A_570 : vector<16xf32>
      %parallel_loop3A_572 = arith.constant 0 : i32
      %parallel_loop3A_573 = arith.index_cast %parallel_loop3A_572 : i32 to index
      %parallel_loop3A_574 = arith.index_cast %parallel_loop3A_317 : i32 to index
      %parallel_loop3A_575 = arith.constant 80 : index
      %parallel_loop3A_576 = tpu.vector_load %arg14[%parallel_loop3A_573, %parallel_loop3A_574, %parallel_loop3A_575] {strides = array<i32>} : memref<2x128x128xf32, #tpu.memory_space<vmem>>, vector<16xf32>,
      tpu.vector_store %arg14[%parallel_loop3A_573, %parallel_loop3A_574, %parallel_loop3A_575], %parallel_loop3A_571 {strides = array<i32>} : memref<2x128x128xf32, #tpu.memory_space<vmem>>, vector<16xf32>,
      %parallel_loop3A_577 = arith.constant 0 : i32
      %parallel_loop3A_578 = arith.index_cast %parallel_loop3A_577 : i32 to index
      %parallel_loop3A_579 = arith.index_cast %parallel_loop3A_319 : i32 to index
      %parallel_loop3A_580 = arith.constant 80 : index
      %parallel_loop3A_581 = tpu.vector_load %arg12[%parallel_loop3A_578, %parallel_loop3A_579, %parallel_loop3A_580] {strides = array<i32>} : memref<2x128x128xf32, #tpu.memory_space<vmem>>, vector<16xf32>,
      %parallel_loop3A_582 = arith.addf %parallel_loop3A_581, %parallel_loop3A_557 : vector<16xf32>
      %parallel_loop3A_583 = arith.constant 0.000000e+00 : f32
      %parallel_loop3A_584 = vector.broadcast %parallel_loop3A_583 : f32 to vector<16xf32>
      %parallel_loop3A_585 = arith.subf %parallel_loop3A_584, %parallel_loop3A_582 : vector<16xf32>
      %parallel_loop3A_586 = math.exp %parallel_loop3A_585 : vector<16xf32>
      %parallel_loop3A_587 = arith.constant 1.000000e+00 : f32
      %parallel_loop3A_588 = vector.broadcast %parallel_loop3A_587 : f32 to vector<16xf32>
      %parallel_loop3A_589 = arith.addf %parallel_loop3A_588, %parallel_loop3A_586 : vector<16xf32>
      %parallel_loop3A_590 = arith.divf %parallel_loop3A_582, %parallel_loop3A_589 : vector<16xf32>
      %parallel_loop3A_591 = arith.constant 0 : i32
      %parallel_loop3A_592 = arith.index_cast %parallel_loop3A_591 : i32 to index
      %parallel_loop3A_593 = arith.index_cast %parallel_loop3A_319 : i32 to index
      %parallel_loop3A_594 = arith.constant 80 : index
      %parallel_loop3A_595 = tpu.vector_load %arg14[%parallel_loop3A_592, %parallel_loop3A_593, %parallel_loop3A_594] {strides = array<i32>} : memref<2x128x128xf32, #tpu.memory_space<vmem>>, vector<16xf32>,
      tpu.vector_store %arg14[%parallel_loop3A_592, %parallel_loop3A_593, %parallel_loop3A_594], %parallel_loop3A_590 {strides = array<i32>} : memref<2x128x128xf32, #tpu.memory_space<vmem>>, vector<16xf32>,
      %parallel_loop3A_596 = arith.constant 0 : i32
      %parallel_loop3A_597 = arith.index_cast %parallel_loop3A_596 : i32 to index
      %parallel_loop3A_598 = arith.index_cast %parallel_loop3A_315 : i32 to index
      %parallel_loop3A_599 = arith.constant 96 : index
      %parallel_loop3A_600 = tpu.vector_load %arg13[%parallel_loop3A_597, %parallel_loop3A_598, %parallel_loop3A_599] {strides = array<i32>} : memref<2x64x128xf32, #tpu.memory_space<vmem>>, vector<16xf32>,
      %parallel_loop3A_601 = vector.bitcast %parallel_loop3A_600 : vector<16xf32> to vector<32xbf16>
      %parallel_loop3A_602 = tpu.unpack_subelements %parallel_loop3A_601, 0 {pack_format = #tpu.pack_format<interleaved>} : vector<32xbf16> -> vector<16xf32>
      %parallel_loop3A_603 = tpu.unpack_subelements %parallel_loop3A_601, 1 {pack_format = #tpu.pack_format<interleaved>} : vector<32xbf16> -> vector<16xf32>
      %parallel_loop3A_604 = arith.constant 0 : i32
      %parallel_loop3A_605 = arith.index_cast %parallel_loop3A_604 : i32 to index
      %parallel_loop3A_606 = arith.index_cast %parallel_loop3A_317 : i32 to index
      %parallel_loop3A_607 = arith.constant 96 : index
      %parallel_loop3A_608 = tpu.vector_load %arg12[%parallel_loop3A_605, %parallel_loop3A_606, %parallel_loop3A_607] {strides = array<i32>} : memref<2x128x128xf32, #tpu.memory_space<vmem>>, vector<16xf32>,
      %parallel_loop3A_609 = arith.addf %parallel_loop3A_608, %parallel_loop3A_602 : vector<16xf32>
      %parallel_loop3A_610 = arith.constant 0.000000e+00 : f32
      %parallel_loop3A_611 = vector.broadcast %parallel_loop3A_610 : f32 to vector<16xf32>
      %parallel_loop3A_612 = arith.subf %parallel_loop3A_611, %parallel_loop3A_609 : vector<16xf32>
      %parallel_loop3A_613 = math.exp %parallel_loop3A_612 : vector<16xf32>
      %parallel_loop3A_614 = arith.constant 1.000000e+00 : f32
      %parallel_loop3A_615 = vector.broadcast %parallel_loop3A_614 : f32 to vector<16xf32>
      %parallel_loop3A_616 = arith.addf %parallel_loop3A_615, %parallel_loop3A_613 : vector<16xf32>
      %parallel_loop3A_617 = arith.divf %parallel_loop3A_609, %parallel_loop3A_616 : vector<16xf32>
      %parallel_loop3A_618 = arith.constant 0 : i32
      %parallel_loop3A_619 = arith.index_cast %parallel_loop3A_618 : i32 to index
      %parallel_loop3A_620 = arith.index_cast %parallel_loop3A_317 : i32 to index
      %parallel_loop3A_621 = arith.constant 96 : index
      %parallel_loop3A_622 = tpu.vector_load %arg14[%parallel_loop3A_619, %parallel_loop3A_620, %parallel_loop3A_621] {strides = array<i32>} : memref<2x128x128xf32, #tpu.memory_space<vmem>>, vector<16xf32>,
      tpu.vector_store %arg14[%parallel_loop3A_619, %parallel_loop3A_620, %parallel_loop3A_621], %parallel_loop3A_617 {strides = array<i32>} : memref<2x128x128xf32, #tpu.memory_space<vmem>>, vector<16xf32>,
      %parallel_loop3A_623 = arith.constant 0 : i32
      %parallel_loop3A_624 = arith.index_cast %parallel_loop3A_623 : i32 to index
      %parallel_loop3A_625 = arith.index_cast %parallel_loop3A_319 : i32 to index
      %parallel_loop3A_626 = arith.constant 96 : index
      %parallel_loop3A_627 = tpu.vector_load %arg12[%parallel_loop3A_624, %parallel_loop3A_625, %parallel_loop3A_626] {strides = array<i32>} : memref<2x128x128xf32, #tpu.memory_space<vmem>>, vector<16xf32>,
      %parallel_loop3A_628 = arith.addf %parallel_loop3A_627, %parallel_loop3A_603 : vector<16xf32>
      %parallel_loop3A_629 = arith.constant 0.000000e+00 : f32
      %parallel_loop3A_630 = vector.broadcast %parallel_loop3A_629 : f32 to vector<16xf32>
      %parallel_loop3A_631 = arith.subf %parallel_loop3A_630, %parallel_loop3A_628 : vector<16xf32>
      %parallel_loop3A_632 = math.exp %parallel_loop3A_631 : vector<16xf32>
      %parallel_loop3A_633 = arith.constant 1.000000e+00 : f32
      %parallel_loop3A_634 = vector.broadcast %parallel_loop3A_633 : f32 to vector<16xf32>
      %parallel_loop3A_635 = arith.addf %parallel_loop3A_634, %parallel_loop3A_632 : vector<16xf32>
      %parallel_loop3A_636 = arith.divf %parallel_loop3A_628, %parallel_loop3A_635 : vector<16xf32>
      %parallel_loop3A_637 = arith.constant 0 : i32
      %parallel_loop3A_638 = arith.index_cast %parallel_loop3A_637 : i32 to index
      %parallel_loop3A_639 = arith.index_cast %parallel_loop3A_319 : i32 to index
      %parallel_loop3A_640 = arith.constant 96 : index
      %parallel_loop3A_641 = tpu.vector_load %arg14[%parallel_loop3A_638, %parallel_loop3A_639, %parallel_loop3A_640] {strides = array<i32>} : memref<2x128x128xf32, #tpu.memory_space<vmem>>, vector<16xf32>,
      tpu.vector_store %arg14[%parallel_loop3A_638, %parallel_loop3A_639, %parallel_loop3A_640], %parallel_loop3A_636 {strides = array<i32>} : memref<2x128x128xf32, #tpu.memory_space<vmem>>, vector<16xf32>,
      %parallel_loop3A_642 = arith.constant 0 : i32
      %parallel_loop3A_643 = arith.index_cast %parallel_loop3A_642 : i32 to index
      %parallel_loop3A_644 = arith.index_cast %parallel_loop3A_315 : i32 to index
      %parallel_loop3A_645 = arith.constant 112 : index
      %parallel_loop3A_646 = tpu.vector_load %arg13[%parallel_loop3A_643, %parallel_loop3A_644, %parallel_loop3A_645] {strides = array<i32>} : memref<2x64x128xf32, #tpu.memory_space<vmem>>, vector<16xf32>,
      %parallel_loop3A_647 = vector.bitcast %parallel_loop3A_646 : vector<16xf32> to vector<32xbf16>
      %parallel_loop3A_648 = tpu.unpack_subelements %parallel_loop3A_647, 0 {pack_format = #tpu.pack_format<interleaved>} : vector<32xbf16> -> vector<16xf32>
      %parallel_loop3A_649 = tpu.unpack_subelements %parallel_loop3A_647, 1 {pack_format = #tpu.pack_format<interleaved>} : vector<32xbf16> -> vector<16xf32>
      %parallel_loop3A_650 = arith.constant 0 : i32
      %parallel_loop3A_651 = arith.index_cast %parallel_loop3A_650 : i32 to index
      %parallel_loop3A_652 = arith.index_cast %parallel_loop3A_317 : i32 to index
      %parallel_loop3A_653 = arith.constant 112 : index
      %parallel_loop3A_654 = tpu.vector_load %arg12[%parallel_loop3A_651, %parallel_loop3A_652, %parallel_loop3A_653] {strides = array<i32>} : memref<2x128x128xf32, #tpu.memory_space<vmem>>, vector<16xf32>,
      %parallel_loop3A_655 = arith.addf %parallel_loop3A_654, %parallel_loop3A_648 : vector<16xf32>
      %parallel_loop3A_656 = arith.constant 0.000000e+00 : f32
      %parallel_loop3A_657 = vector.broadcast %parallel_loop3A_656 : f32 to vector<16xf32>
      %parallel_loop3A_658 = arith.subf %parallel_loop3A_657, %parallel_loop3A_655 : vector<16xf32>
      %parallel_loop3A_659 = math.exp %parallel_loop3A_658 : vector<16xf32>
      %parallel_loop3A_660 = arith.constant 1.000000e+00 : f32
      %parallel_loop3A_661 = vector.broadcast %parallel_loop3A_660 : f32 to vector<16xf32>
      %parallel_loop3A_662 = arith.addf %parallel_loop3A_661, %parallel_loop3A_659 : vector<16xf32>
      %parallel_loop3A_663 = arith.divf %parallel_loop3A_655, %parallel_loop3A_662 : vector<16xf32>
      %parallel_loop3A_664 = arith.constant 0 : i32
      %parallel_loop3A_665 = arith.index_cast %parallel_loop3A_664 : i32 to index
      %parallel_loop3A_666 = arith.index_cast %parallel_loop3A_317 : i32 to index
      %parallel_loop3A_667 = arith.constant 112 : index
      %parallel_loop3A_668 = tpu.vector_load %arg14[%parallel_loop3A_665, %parallel_loop3A_666, %parallel_loop3A_667] {strides = array<i32>} : memref<2x128x128xf32, #tpu.memory_space<vmem>>, vector<16xf32>,
      tpu.vector_store %arg14[%parallel_loop3A_665, %parallel_loop3A_666, %parallel_loop3A_667], %parallel_loop3A_663 {strides = array<i32>} : memref<2x128x128xf32, #tpu.memory_space<vmem>>, vector<16xf32>,
      %parallel_loop3A_669 = arith.constant 0 : i32
      %parallel_loop3A_670 = arith.index_cast %parallel_loop3A_669 : i32 to index
      %parallel_loop3A_671 = arith.index_cast %parallel_loop3A_319 : i32 to index
      %parallel_loop3A_672 = arith.constant 112 : index
      %parallel_loop3A_673 = tpu.vector_load %arg12[%parallel_loop3A_670, %parallel_loop3A_671, %parallel_loop3A_672] {strides = array<i32>} : memref<2x128x128xf32, #tpu.memory_space<vmem>>, vector<16xf32>,
      %parallel_loop3A_674 = arith.addf %parallel_loop3A_673, %parallel_loop3A_649 : vector<16xf32>
      %parallel_loop3A_675 = arith.constant 0.000000e+00 : f32
      %parallel_loop3A_676 = vector.broadcast %parallel_loop3A_675 : f32 to vector<16xf32>
      %parallel_loop3A_677 = arith.subf %parallel_loop3A_676, %parallel_loop3A_674 : vector<16xf32>
      %parallel_loop3A_678 = math.exp %parallel_loop3A_677 : vector<16xf32>
      %parallel_loop3A_679 = arith.constant 1.000000e+00 : f32
      %parallel_loop3A_680 = vector.broadcast %parallel_loop3A_679 : f32 to vector<16xf32>
      %parallel_loop3A_681 = arith.addf %parallel_loop3A_680, %parallel_loop3A_678 : vector<16xf32>
      %parallel_loop3A_682 = arith.divf %parallel_loop3A_674, %parallel_loop3A_681 : vector<16xf32>
      %parallel_loop3A_683 = arith.constant 0 : i32
      %parallel_loop3A_684 = arith.index_cast %parallel_loop3A_683 : i32 to index
      %parallel_loop3A_685 = arith.index_cast %parallel_loop3A_319 : i32 to index
      %parallel_loop3A_686 = arith.constant 112 : index
      %parallel_loop3A_687 = tpu.vector_load %arg14[%parallel_loop3A_684, %parallel_loop3A_685, %parallel_loop3A_686] {strides = array<i32>} : memref<2x128x128xf32, #tpu.memory_space<vmem>>, vector<16xf32>,
      tpu.vector_store %arg14[%parallel_loop3A_684, %parallel_loop3A_685, %parallel_loop3A_686], %parallel_loop3A_682 {strides = array<i32>} : memref<2x128x128xf32, #tpu.memory_space<vmem>>, vector<16xf32>,
    } {sc.loop_unroll_factor = 1 : i64, sc.parallel_access}
    %min3A_226 = arith.constant 78 : i32
    %min3A_227 = arith.constant 78 : i32
    %min3A_228 = arith.minsi %min3A_226, %min3A_227 : i32
    %mul3A_229 = arith.constant 128 : i32
    %mul3A_230 = arith.muli %min3A_228, %mul3A_229 : i32
    %min3A_231 = arith.constant 9872 : i32
    %min3A_232 = arith.minsi %mul3A_230, %min3A_231 : i32
    %add3A_233 = arith.addi %mul3A_2, %min3A_232 : i32
    %multiple_of3A_234 = tpu.assume_multiple %add3A_233, 16 : i32
    %dma_start3A_235 = arith.constant 0 : i32
    %dma_start3A_236 = arith.constant 0 : i32
    %dma_start3A_237 = arith.constant 0 : i32
    %dma_start3A_238 = tpu.memref_slice %arg14[%dma_start3A_235, %dma_start3A_236, %dma_start3A_237] : memref<2x128x128xf32, #tpu.memory_space<vmem>> -> memref<1x128x128xf32, #tpu.memory_space<vmem>>
    %dma_start3A_239 = tpu.memref_squeeze %dma_start3A_238 : memref<1x128x128xf32, #tpu.memory_space<vmem>> -> memref<128x128xf32, #tpu.memory_space<vmem>>
    %dma_start3A_240 = arith.constant 0 : i32
    %dma_start3A_241 = tpu.memref_slice %arg7[%multiple_of3A_234, %dma_start3A_240] : memref<320000x128xf32, #tpu.memory_space<hbm>> -> memref<128x128xf32, #tpu.memory_space<hbm>>
    %dma_start3A_242 = arith.constant 0 : i32
    %dma_start3A_243 = tpu.memref_slice %arg7[%multiple_of3A_234, %dma_start3A_242] : memref<320000x128xf32, #tpu.memory_space<hbm>> -> memref<128x128xf32, #tpu.memory_space<hbm>>
    %dma_start3A_244 = arith.constant 0 : i32
    %dma_start3A_245 = arith.constant 0 : i32
    %dma_start3A_246 = tpu.memref_slice %arg14[%dma_start3A_235, %dma_start3A_244, %dma_start3A_245] : memref<2x128x128xf32, #tpu.memory_space<vmem>> -> memref<1x128x128xf32, #tpu.memory_space<vmem>>
    %dma_start3A_247 = tpu.memref_squeeze %dma_start3A_246 : memref<1x128x128xf32, #tpu.memory_space<vmem>> -> memref<128x128xf32, #tpu.memory_space<vmem>>
    tpu.enqueue_dma source(%dma_start3A_247 : memref<128x128xf32, #tpu.memory_space<vmem>>) target(%dma_start3A_243 : memref<128x128xf32, #tpu.memory_space<hbm>>) target_semaphore(%arg19 : memref<!tpu.dma_semaphore, #tpu.memory_space<semaphore_mem>>)
    %dma_wait3A_248 = arith.constant 1 : i32
    %dma_wait3A_249 = arith.constant 0 : i32
    %dma_wait3A_250 = tpu.memref_slice %arg9[%dma_wait3A_248, %dma_wait3A_249] : memref<2x128xi32, #tpu.memory_space<vmem>> -> memref<1x128xi32, #tpu.memory_space<vmem>>
    %dma_wait3A_251 = tpu.memref_squeeze %dma_wait3A_250 : memref<1x128xi32, #tpu.memory_space<vmem>> -> memref<128xi32, #tpu.memory_space<vmem>>
    %dma_wait3A_252 = arith.constant 0 : i32
    %dma_wait3A_253 = tpu.memref_slice %arg4[%dma_wait3A_252] : memref<320000xi32, #tpu.memory_space<hbm>> -> memref<128xi32, #tpu.memory_space<hbm>>
    %dma_wait3A_254 = arith.constant 0 : i32
    %dma_wait3A_255 = tpu.memref_slice %arg9[%dma_wait3A_248, %dma_wait3A_254] : memref<2x128xi32, #tpu.memory_space<vmem>> -> memref<1x128xi32, #tpu.memory_space<vmem>>
    %dma_wait3A_256 = tpu.memref_squeeze %dma_wait3A_255 : memref<1x128xi32, #tpu.memory_space<vmem>> -> memref<128xi32, #tpu.memory_space<vmem>>
    %dma_wait3A_257 = arith.constant 0 : i32
    %dma_wait3A_258 = tpu.memref_slice %arg4[%dma_wait3A_257] : memref<320000xi32, #tpu.memory_space<hbm>> -> memref<128xi32, #tpu.memory_space<hbm>>
    tpu.wait_dma2 semaphore(%arg16 : memref<!tpu.dma_semaphore, #tpu.memory_space<semaphore_mem>>) src(%dma_wait3A_258 : memref<128xi32, #tpu.memory_space<hbm>>) dst(%dma_wait3A_256 : memref<128xi32, #tpu.memory_space<vmem>>)
    %dma_wait3A_259 = arith.constant 1 : i32
    %dma_wait3A_260 = arith.constant 0 : i32
    %dma_wait3A_261 = tpu.memref_slice %arg10[%dma_wait3A_259, %dma_wait3A_260] : memref<2x128xi32, #tpu.memory_space<vmem>> -> memref<1x128xi32, #tpu.memory_space<vmem>>
    %dma_wait3A_262 = tpu.memref_squeeze %dma_wait3A_261 : memref<1x128xi32, #tpu.memory_space<vmem>> -> memref<128xi32, #tpu.memory_space<vmem>>
    %dma_wait3A_263 = arith.constant 0 : i32
    %dma_wait3A_264 = tpu.memref_slice %arg5[%dma_wait3A_263] : memref<320000xi32, #tpu.memory_space<hbm>> -> memref<128xi32, #tpu.memory_space<hbm>>
    %dma_wait3A_265 = arith.constant 0 : i32
    %dma_wait3A_266 = tpu.memref_slice %arg10[%dma_wait3A_259, %dma_wait3A_265] : memref<2x128xi32, #tpu.memory_space<vmem>> -> memref<1x128xi32, #tpu.memory_space<vmem>>
    %dma_wait3A_267 = tpu.memref_squeeze %dma_wait3A_266 : memref<1x128xi32, #tpu.memory_space<vmem>> -> memref<128xi32, #tpu.memory_space<vmem>>
    %dma_wait3A_268 = arith.constant 0 : i32
    %dma_wait3A_269 = tpu.memref_slice %arg5[%dma_wait3A_268] : memref<320000xi32, #tpu.memory_space<hbm>> -> memref<128xi32, #tpu.memory_space<hbm>>
    tpu.wait_dma2 semaphore(%arg16 : memref<!tpu.dma_semaphore, #tpu.memory_space<semaphore_mem>>) src(%dma_wait3A_269 : memref<128xi32, #tpu.memory_space<hbm>>) dst(%dma_wait3A_267 : memref<128xi32, #tpu.memory_space<vmem>>)
    %dma_wait3A_270 = arith.constant 1 : i32
    %dma_wait3A_271 = arith.constant 0 : i32
    %dma_wait3A_272 = arith.constant 0 : i32
    %dma_wait3A_273 = tpu.memref_slice %arg13[%dma_wait3A_270, %dma_wait3A_271, %dma_wait3A_272] : memref<2x64x128xf32, #tpu.memory_space<vmem>> -> memref<1x64x128xf32, #tpu.memory_space<vmem>>
    %dma_wait3A_274 = tpu.memref_squeeze %dma_wait3A_273 : memref<1x64x128xf32, #tpu.memory_space<vmem>> -> memref<64x128xf32, #tpu.memory_space<vmem>>
    %dma_wait3A_275 = arith.constant 0 : i32
    %dma_wait3A_276 = arith.constant 0 : i32
    %dma_wait3A_277 = tpu.memref_slice %arg6[%dma_wait3A_275, %dma_wait3A_276] : memref<160000x128xf32, #tpu.memory_space<hbm>> -> memref<64x128xf32, #tpu.memory_space<hbm>>
    %dma_wait3A_278 = arith.constant 0 : i32
    %dma_wait3A_279 = arith.constant 0 : i32
    %dma_wait3A_280 = tpu.memref_slice %arg13[%dma_wait3A_270, %dma_wait3A_278, %dma_wait3A_279] : memref<2x64x128xf32, #tpu.memory_space<vmem>> -> memref<1x64x128xf32, #tpu.memory_space<vmem>>
    %dma_wait3A_281 = tpu.memref_squeeze %dma_wait3A_280 : memref<1x64x128xf32, #tpu.memory_space<vmem>> -> memref<64x128xf32, #tpu.memory_space<vmem>>
    %dma_wait3A_282 = arith.constant 0 : i32
    %dma_wait3A_283 = arith.constant 0 : i32
    %dma_wait3A_284 = tpu.memref_slice %arg6[%dma_wait3A_282, %dma_wait3A_283] : memref<160000x128xf32, #tpu.memory_space<hbm>> -> memref<64x128xf32, #tpu.memory_space<hbm>>
    tpu.wait_dma2 semaphore(%arg18 : memref<!tpu.dma_semaphore, #tpu.memory_space<semaphore_mem>>) src(%dma_wait3A_284 : memref<64x128xf32, #tpu.memory_space<hbm>>) dst(%dma_wait3A_281 : memref<64x128xf32, #tpu.memory_space<vmem>>)
    %dma_wait3A_285 = arith.constant 1 : i32
    %dma_wait3A_286 = arith.constant 0 : i32
    %dma_wait3A_287 = arith.constant 0 : i32
    %dma_wait3A_288 = tpu.memref_slice %arg14[%dma_wait3A_285, %dma_wait3A_286, %dma_wait3A_287] : memref<2x128x128xf32, #tpu.memory_space<vmem>> -> memref<1x128x128xf32, #tpu.memory_space<vmem>>
    %dma_wait3A_289 = tpu.memref_squeeze %dma_wait3A_288 : memref<1x128x128xf32, #tpu.memory_space<vmem>> -> memref<128x128xf32, #tpu.memory_space<vmem>>
    %dma_wait3A_290 = arith.constant 0 : i32
    %dma_wait3A_291 = arith.constant 0 : i32
    %dma_wait3A_292 = tpu.memref_slice %arg7[%dma_wait3A_290, %dma_wait3A_291] : memref<320000x128xf32, #tpu.memory_space<hbm>> -> memref<128x128xf32, #tpu.memory_space<hbm>>
    %dma_wait3A_293 = arith.constant 0 : i32
    %dma_wait3A_294 = arith.constant 0 : i32
    %dma_wait3A_295 = tpu.memref_slice %arg7[%dma_wait3A_293, %dma_wait3A_294] : memref<320000x128xf32, #tpu.memory_space<hbm>> -> memref<128x128xf32, #tpu.memory_space<hbm>>
    %dma_wait3A_296 = arith.constant 0 : i32
    %dma_wait3A_297 = arith.constant 0 : i32
    %dma_wait3A_298 = tpu.memref_slice %arg14[%dma_wait3A_285, %dma_wait3A_296, %dma_wait3A_297] : memref<2x128x128xf32, #tpu.memory_space<vmem>> -> memref<1x128x128xf32, #tpu.memory_space<vmem>>
    %dma_wait3A_299 = tpu.memref_squeeze %dma_wait3A_298 : memref<1x128x128xf32, #tpu.memory_space<vmem>> -> memref<128x128xf32, #tpu.memory_space<vmem>>
    tpu.wait_dma2 semaphore(%arg20 : memref<!tpu.dma_semaphore, #tpu.memory_space<semaphore_mem>>) src(%dma_wait3A_299 : memref<128x128xf32, #tpu.memory_space<vmem>>) dst(%dma_wait3A_295 : memref<128x128xf32, #tpu.memory_space<hbm>>)
    %dma_wait3A_300 = arith.constant 0 : i32
    %dma_wait3A_301 = arith.constant 0 : i32
    %dma_wait3A_302 = arith.constant 0 : i32
    %dma_wait3A_303 = tpu.memref_slice %arg14[%dma_wait3A_300, %dma_wait3A_301, %dma_wait3A_302] : memref<2x128x128xf32, #tpu.memory_space<vmem>> -> memref<1x128x128xf32, #tpu.memory_space<vmem>>
    %dma_wait3A_304 = tpu.memref_squeeze %dma_wait3A_303 : memref<1x128x128xf32, #tpu.memory_space<vmem>> -> memref<128x128xf32, #tpu.memory_space<vmem>>
    %dma_wait3A_305 = arith.constant 0 : i32
    %dma_wait3A_306 = arith.constant 0 : i32
    %dma_wait3A_307 = tpu.memref_slice %arg7[%dma_wait3A_305, %dma_wait3A_306] : memref<320000x128xf32, #tpu.memory_space<hbm>> -> memref<128x128xf32, #tpu.memory_space<hbm>>
    %dma_wait3A_308 = arith.constant 0 : i32
    %dma_wait3A_309 = arith.constant 0 : i32
    %dma_wait3A_310 = tpu.memref_slice %arg7[%dma_wait3A_308, %dma_wait3A_309] : memref<320000x128xf32, #tpu.memory_space<hbm>> -> memref<128x128xf32, #tpu.memory_space<hbm>>
    %dma_wait3A_311 = arith.constant 0 : i32
    %dma_wait3A_312 = arith.constant 0 : i32
    %dma_wait3A_313 = tpu.memref_slice %arg14[%dma_wait3A_300, %dma_wait3A_311, %dma_wait3A_312] : memref<2x128x128xf32, #tpu.memory_space<vmem>> -> memref<1x128x128xf32, #tpu.memory_space<vmem>>
    %dma_wait3A_314 = tpu.memref_squeeze %dma_wait3A_313 : memref<1x128x128xf32, #tpu.memory_space<vmem>> -> memref<128x128xf32, #tpu.memory_space<vmem>>
    tpu.wait_dma2 semaphore(%arg19 : memref<!tpu.dma_semaphore, #tpu.memory_space<semaphore_mem>>) src(%dma_wait3A_314 : memref<128x128xf32, #tpu.memory_space<vmem>>) dst(%dma_wait3A_310 : memref<128x128xf32, #tpu.memory_space<hbm>>)
    return
  }
}

module attributes {stable_mosaic.version = 14 : i64} {
  func.func @_tables_body(%arg0: memref<96x128xf32, #tpu.memory_space<vmem>>, %arg1: memref<256x128xf32, #tpu.memory_space<vmem>>, %arg2: memref<96x96x128xf32, #tpu.memory_space<vmem>>) attributes {dimension_semantics = [], scalar_prefetch = 0 : i64, scratch_operands = 0 : i64, tpu.core_type = #tpu.core_type<tc>} {
    %get3A = arith.constant 0 : index
    %get3A_0 = arith.constant 0 : index
    %get3A_1 = vector.load %arg0[%get3A, %get3A_0] : memref<96x128xf32, #tpu.memory_space<vmem>>, vector<96x128xf32>
    %get3A_2 = arith.constant 0 : index
    %get3A_3 = arith.constant 0 : index
    %get3A_4 = vector.load %arg1[%get3A_2, %get3A_3] : memref<256x128xf32, #tpu.memory_space<vmem>>, vector<128x128xf32>
    %dot_general3A = arith.constant dense<0.000000e+00> : vector<96x128xf32>
    %dot_general3A_5 = tpu.matmul %get3A_1, %get3A_4, %dot_general3A {dimension_numbers = #tpu.dot_dimension_numbers<[1], [0], [0], [1], [0, 0, 1, 1], [], []>, transpose_lhs_hint = false} : vector<96x128xf32>, vector<128x128xf32>, vector<96x128xf32> -> vector<96x128xf32>
    %get3A_6 = arith.constant 128 : index
    %get3A_7 = arith.constant 0 : index
    %get3A_8 = vector.load %arg1[%get3A_6, %get3A_7] : memref<256x128xf32, #tpu.memory_space<vmem>>, vector<128x128xf32>
    %dot_general3A_9 = arith.constant dense<0.000000e+00> : vector<96x128xf32>
    %dot_general3A_10 = tpu.matmul %get3A_1, %get3A_8, %dot_general3A_9 {dimension_numbers = #tpu.dot_dimension_numbers<[1], [0], [0], [1], [0, 0, 1, 1], [], []>, transpose_lhs_hint = false} : vector<96x128xf32>, vector<128x128xf32>, vector<96x128xf32> -> vector<96x128xf32>
    %broadcast_in_dim3A = vector.shape_cast %dot_general3A_5 : vector<96x128xf32> to vector<96x1x128xf32>
    %broadcast_in_dim3A_11 = vector.shape_cast %dot_general3A_10 : vector<96x128xf32> to vector<1x96x128xf32>
    %add3A = vector.broadcast %broadcast_in_dim3A : vector<96x1x128xf32> to vector<96x96x128xf32>
    %add3A_12 = vector.broadcast %broadcast_in_dim3A_11 : vector<1x96x128xf32> to vector<96x96x128xf32>
    %add3A_13 = arith.addf %add3A, %add3A_12 : vector<96x96x128xf32>
    %swap3A = arith.constant 0 : index
    %swap3A_14 = arith.constant 0 : index
    %swap3A_15 = arith.constant 0 : index
    %swap3A_16 = vector.load %arg2[%swap3A, %swap3A_14, %swap3A_15] : memref<96x96x128xf32, #tpu.memory_space<vmem>>, vector<96x96x128xf32>
    tpu.vector_store %arg2[%swap3A, %swap3A_14, %swap3A_15], %add3A_13 {strides = array<i32>} : memref<96x96x128xf32, #tpu.memory_space<vmem>>, vector<96x96x128xf32>,
    return
  }
}

module attributes {stable_mosaic.version = 14 : i64} {
  func.func @_y_body(%arg0: i32, %arg1: memref<16x6400xf32, #tpu.memory_space<vmem>>, %arg2: memref<16x128xf32, #tpu.memory_space<vmem>>, %arg3: memref<1x128xf32, #tpu.memory_space<vmem>>, %arg4: memref<128x128xbf16, #tpu.memory_space<vmem>>, %arg5: memref<1x128xf32, #tpu.memory_space<vmem>>, %arg6: memref<3200x128xf32, #tpu.memory_space<vmem>>) attributes {dimension_semantics = [#tpu.dimension_semantics<arbitrary>], iteration_bounds = array<i64: 50>, scalar_prefetch = 0 : i64, scratch_operands = 0 : i64, tpu.core_type = #tpu.core_type<tc>, window_params = [{transform_indices = @transform_0, window_bounds = array<i64: 16, 6400>}, {pipeline_mode = #tpu.pipeline_mode<synchronous>, transform_indices = @transform_1, window_bounds = array<i64: 16, 128>}, {pipeline_mode = #tpu.pipeline_mode<synchronous>, transform_indices = @transform_2, window_bounds = array<i64: 1, 128>}, {pipeline_mode = #tpu.pipeline_mode<synchronous>, transform_indices = @transform_3, window_bounds = array<i64: 128, 128>}, {pipeline_mode = #tpu.pipeline_mode<synchronous>, transform_indices = @transform_4, window_bounds = array<i64: 1, 128>}, {transform_indices = @transform_5, window_bounds = array<i64: 3200, 128>}]} {
    %get3A = arith.constant 0 : index
    %get3A_0 = arith.constant 0 : index
    %get3A_1 = vector.load %arg1[%get3A, %get3A_0] : memref<16x6400xf32, #tpu.memory_space<vmem>>, vector<16x6400xf32>
    %get3A_2 = arith.constant 0 : index
    %get3A_3 = arith.constant 0 : index
    %get3A_4 = vector.load %arg2[%get3A_2, %get3A_3] : memref<16x128xf32, #tpu.memory_space<vmem>>, vector<16x128xf32>
    %dot_general3A = arith.constant dense<0.000000e+00> : vector<6400x128xf32>
    %dot_general3A_5 = tpu.matmul %get3A_1, %get3A_4, %dot_general3A {dimension_numbers = #tpu.dot_dimension_numbers<[0], [0], [1], [1], [0, 1, 1, 1], [], []>, transpose_lhs_hint = false} : vector<16x6400xf32>, vector<16x128xf32>, vector<6400x128xf32> -> vector<6400x128xf32>
    %get3A_6 = arith.constant 0 : index
    %get3A_7 = arith.constant 0 : index
    %get3A_8 = vector.load %arg3[%get3A_6, %get3A_7] : memref<1x128xf32, #tpu.memory_space<vmem>>, vector<1x128xf32>
    %add3A = vector.broadcast %get3A_8 : vector<1x128xf32> to vector<6400x128xf32>
    %add3A_9 = arith.addf %dot_general3A_5, %add3A : vector<6400x128xf32>
    %logistic3A = arith.negf %add3A_9 : vector<6400x128xf32>
    %logistic3A_10 = math.exp %logistic3A : vector<6400x128xf32>
    %logistic3A_11 = arith.constant 1.000000e+00 : f32
    %logistic3A_12 = vector.broadcast %logistic3A_11 : f32 to vector<6400x128xf32>
    %logistic3A_13 = arith.addf %logistic3A_12, %logistic3A_10 : vector<6400x128xf32>
    %logistic3A_14 = arith.divf %logistic3A_12, %logistic3A_13 : vector<6400x128xf32>
    %mul3A = arith.mulf %add3A_9, %logistic3A_14 : vector<6400x128xf32>
    %convert_element_type3A = arith.truncf %mul3A : vector<6400x128xf32> to vector<6400x128xbf16>
    %get3A_15 = arith.constant 0 : index
    %get3A_16 = arith.constant 0 : index
    %get3A_17 = vector.load %arg4[%get3A_15, %get3A_16] : memref<128x128xbf16, #tpu.memory_space<vmem>>, vector<128x128xbf16>
    %dot_general3A_18 = arith.constant dense<0.000000e+00> : vector<6400x128xf32>
    %dot_general3A_19 = tpu.matmul %convert_element_type3A, %get3A_17, %dot_general3A_18 {dimension_numbers = #tpu.dot_dimension_numbers<[1], [0], [0], [1], [0, 0, 1, 1], [], []>, transpose_lhs_hint = false} : vector<6400x128xbf16>, vector<128x128xbf16>, vector<6400x128xf32> -> vector<6400x128xf32>
    %get3A_20 = arith.constant 0 : index
    %get3A_21 = arith.constant 0 : index
    %get3A_22 = vector.load %arg5[%get3A_20, %get3A_21] : memref<1x128xf32, #tpu.memory_space<vmem>>, vector<1x128xf32>
    %add3A_23 = vector.broadcast %get3A_22 : vector<1x128xf32> to vector<6400x128xf32>
    %add3A_24 = arith.addf %dot_general3A_19, %add3A_23 : vector<6400x128xf32>
    %convert_element_type3A_25 = arith.truncf %add3A_24 : vector<6400x128xf32> to vector<6400x128xbf16>
    %bitcast3A = tpu.bitcast %convert_element_type3A_25 : vector<6400x128xbf16> -> vector<3200x128xf32>
    %swap3A = arith.constant 0 : index
    %swap3A_26 = arith.constant 0 : index
    %swap3A_27 = vector.load %arg6[%swap3A, %swap3A_26] : memref<3200x128xf32, #tpu.memory_space<vmem>>, vector<3200x128xf32>
    tpu.vector_store %arg6[%swap3A, %swap3A_26], %bitcast3A {strides = array<i32>} : memref<3200x128xf32, #tpu.memory_space<vmem>>, vector<3200x128xf32>,
    return
  }
  func.func @transform_0(%arg0: i32) -> (i32, i32) {
    %c0_i32 = arith.constant 0 : i32
    %c0_i32_0 = arith.constant 0 : i32
    return %c0_i32, %arg0 : i32, i32
  }
  func.func @transform_1(%arg0: i32) -> (i32, i32) {
    %c0_i32 = arith.constant 0 : i32
    %c0_i32_0 = arith.constant 0 : i32
    %c0_i32_1 = arith.constant 0 : i32
    return %c0_i32, %c0_i32_0 : i32, i32
  }
  func.func @transform_2(%arg0: i32) -> (i32, i32) {
    %c0_i32 = arith.constant 0 : i32
    %c0_i32_0 = arith.constant 0 : i32
    %c0_i32_1 = arith.constant 0 : i32
    return %c0_i32, %c0_i32_0 : i32, i32
  }
  func.func @transform_3(%arg0: i32) -> (i32, i32) {
    %c0_i32 = arith.constant 0 : i32
    %c0_i32_0 = arith.constant 0 : i32
    %c0_i32_1 = arith.constant 0 : i32
    return %c0_i32, %c0_i32_0 : i32, i32
  }
  func.func @transform_4(%arg0: i32) -> (i32, i32) {
    %c0_i32 = arith.constant 0 : i32
    %c0_i32_0 = arith.constant 0 : i32
    %c0_i32_1 = arith.constant 0 : i32
    return %c0_i32, %c0_i32_0 : i32, i32
  }
  func.func @transform_5(%arg0: i32) -> (i32, i32) {
    %c0_i32 = arith.constant 0 : i32
    %c0_i32_0 = arith.constant 0 : i32
    return %arg0, %c0_i32 : i32, i32
  }
}

</mosaic_0001>

<sc_bundles>
// kernel: kernel.5.cloned.1.call-start
scs
__scs_entry_jumppad:
0x0: {  	(pc) =	sbr.rel $0x88, $3  }
0x1: {  	(tag) =	ssettag $0x0;
	lr =	simm.s32 $0x1  }
0x2: {  	[smem:$0x3F98] =	sst lr;
	_ =	strace $0xD0000000  }
0x3: {  	_ = 	snop  }
0x4: {  	_ = 	snop  }
0x5: {  	_ = 	snop  }
0x6: {  	_ = 	snop  }
0x7: {  	_ = 	snop  }
__scs_overlays_trampoline_lowered:
0x8: {  	[smem:$0x3FA7] =	sst s0  }
0x9: {  	[smem:$0x3FA8] =	sst s1  }
0xa: {  	[smem:$0x3FA9] =	sst s2  }
0xb: {  	[smem:$0x3FAA] =	sst s3  }
0xc: {  	[smem:$0x3FAB] =	sst s4  }
0xd: {  	[smem:$0x3FAC] =	sst s5  }
0xe: {  	[smem:$0x3FAD] =	sst s6  }
0xf: {  	[smem:$0x3FAE] =	sst s7  }
0x10: {  	[smem:$0x3FAF] =	sst s8  }
0x11: {  	[smem:$0x3FB0] =	sst s9;
	s0 =	simm.s32 @!p0 $0x0  }
0x12: {  	s1 =	sld [smem:$0x3F96];
	s0 =	simm.s32 @p0 $0x1  }
0x13: {  	[smem:$0x3FB1] =	sst s0;
	s0 =	simm.s32 @!p1 $0x0  }
0x14: {  	s2 =	sld [smem:$0x3F95];
	s0 =	simm.s32 @p1 $0x1  }
0x15: {  	[smem:$0x3FB2] =	sst s0;
	s0 =	simm.s32 @!p2 $0x0  }
0x16: {  	s3 =	sld [smem:$0x3FDB];
	s0 =	simm.s32 @p2 $0x1  }
0x17: {  	s4 =	simm.s32 $0x1BF5;
	[smem:$0x3FB4] =	sst s0  }
0x18: {  	s0 =	sld [smem:$0x3F97];
	_ =	swait.ge [sflag:s4], $0x0  }
0x19: {  	s7 =	sld [smem:$0x3F98]  }
0x1a: {  	s8 =	sadd.s32 $0xFFFFE003, lr  }
0x1b: {  	s9 =	sadd.s32 $0xFFFFFEF7, lr;
	s5 =	simm.s32 $0xFFFFFFFF;
	p2 =	slt.u32 s8, $0xFFFFF086  }
0x1c: {  	p1 =	slt.u32 s9, $0xF7A;
	s5 =	simm.s32 @!p2 $0x0  }
0x1d: {  	s5 =	simm.s32 @p1 $0x1;
	p0 =	seq.s32 s7, s2  }
0x1e: {  	s7 =	smul.u32 @!p0 $0xF7A, s2;
	p2 =	seq.s32 @!p0 s5, $0x0  }
0x1f: {  	s9 =	smul.u32 $0xF7A, s1;
	s8 =	simm.s32 @!p0 $0x1BF5;
	p2 =	por !p2, p0  }
0x20: {  	[sflag:s8] =	ssyncset.s32 @!p0 $0xFFFFF086;
	s6 =	sadd.s32 @!p0 s3, s7;
	s7 =	simm.s32 @!p0 $0x108  }
0x21: {  	s3 =	sadd.s32 s3, s9;
	s6 =	sadd.s32 @!p0 $0x88, s6;
	s7 =	simm.s32 @p2 $0x1082  }
0x22: {  	[simem:s7], [sflag:s8] =	dma.local @!p0 [hbm:s6], $0xF7A  }
0x23: {  	s9 =	sor.u32 $0xD0000000, s2;
	s6 =	simm.s32 $0x108;
	_ =	swait.ge @!p0 [sflag:s8], $0x0  }
0x24: {  	s3 =	sadd.s32 $0x88, s3;
	s6 =	simm.s32 @!p1 $0x1082;
	[sflag:s4] =	ssyncset.s32 $0xFFFFF086  }
0x25: {  	[simem:s6], [sflag:s4] =	dma.local [hbm:s3], $0xF7A  }
0x26: {  	[smem:$0x3F98] =	sst s1;
	(tag) =	ssettag s2;
	_ =	strace s9  }
0x27: {  	s1 =	sld [smem:$0x3FA8]  }
0x28: {  	s2 =	sld [smem:$0x3FA9]  }
0x29: {  	s4 =	sld [smem:$0x3FAB]  }
0x2a: {  	p0 =	seq.s32 s5, $0x0;
	s5 =	sld [smem:$0x3FAC]  }
0x2b: {  	s6 =	sld [smem:$0x3FAD]  }
0x2c: {  	s7 =	sld [smem:$0x3FAE]  }
0x2d: {  	s3 =	simm.s32 $0x108;
	s8 =	sld [smem:$0x3FAF]  }
0x2e: {  	s3 =	simm.s32 @!p0 $0x1082;
	s9 =	sld [smem:$0x3FB0]  }
0x2f: {  	lr =	sadd.s32 s0, s3;
	s0 =	sld [smem:$0x3FA7]  }
0x30: {  	s3 =	sld [smem:$0x3FAA]  }
0x31: {  	[smem:$0x3FB3] =	sst s10  }
0x32: {  	s10 =	sld [smem:$0x3FB1];
	_ =	sdelay $0x3  }
0x33: {  	p0 =	seq.s32 s10, $0x1;
	s10 =	sld [smem:$0x3FB3];
	_ =	sdelay $0x3  }
0x34: {  	[smem:$0x3FB3] =	sst s10  }
0x35: {  	s10 =	sld [smem:$0x3FB2];
	_ =	sdelay $0x3  }
0x36: {  	p1 =	seq.s32 s10, $0x1;
	s10 =	sld [smem:$0x3FB3];
	_ =	sdelay $0x3  }
0x37: {  	[smem:$0x3FB3] =	sst s10  }
0x38: {  	s10 =	sld [smem:$0x3FB4]  }
0x39: {  	_ = 	snop;
	(pc) =	sbr.ind lr, $3  }
0x3a: {  	_ = 	snop  }
0x3b: {  	_ = 	snop  }
0x3c: {  	p2 =	seq.s32 s10, $0x1;
	s10 =	sld [smem:$0x3FB3]  }
0x3d: {  	_ =	shalt  }
0x3e: {  	_ =	shalt  }
0x3f: {  	_ =	shalt  }
0x40: {  	_ =	shalt  }
0x41: {  	_ =	shalt  }
0x42: {  	_ =	shalt  }
0x43: {  	_ =	shalt  }
0x44: {  	_ =	shalt  }
0x45: {  	_ =	shalt  }
0x46: {  	_ =	shalt  }
0x47: {  	_ =	shalt  }
0x48: {  	_ =	shalt  }
0x49: {  	_ =	shalt  }
0x4a: {  	_ =	shalt  }
0x4b: {  	_ =	shalt  }
0x4c: {  	_ =	shalt  }
0x4d: {  	_ =	shalt  }
0x4e: {  	_ =	shalt  }
0x4f: {  	_ =	shalt  }
0x50: {  	_ =	shalt  }
0x51: {  	_ =	shalt  }
0x52: {  	_ =	shalt  }
0x53: {  	_ =	shalt  }
0x54: {  	_ =	shalt  }
0x55: {  	_ =	shalt  }
0x56: {  	_ =	shalt  }
0x57: {  	_ =	shalt  }
0x58: {  	_ =	shalt  }
0x59: {  	_ =	shalt  }
0x5a: {  	_ =	shalt  }
0x5b: {  	_ =	shalt  }
0x5c: {  	_ =	shalt  }
0x5d: {  	_ =	shalt  }
0x5e: {  	_ =	shalt  }
0x5f: {  	_ =	shalt  }
0x60: {  	_ =	shalt  }
0x61: {  	_ =	shalt  }
0x62: {  	_ =	shalt  }
0x63: {  	_ =	shalt  }
0x64: {  	_ =	shalt  }
0x65: {  	_ =	shalt  }
0x66: {  	_ =	shalt  }
0x67: {  	_ =	shalt  }
0x68: {  	_ =	shalt  }
0x69: {  	_ =	shalt  }
0x6a: {  	_ =	shalt  }
0x6b: {  	_ =	shalt  }
0x6c: {  	_ =	shalt  }
0x6d: {  	_ =	shalt  }
0x6e: {  	_ =	shalt  }
0x6f: {  	_ =	shalt  }
0x70: {  	_ =	shalt  }
0x71: {  	_ =	shalt  }
0x72: {  	_ =	shalt  }
0x73: {  	_ =	shalt  }
0x74: {  	_ =	shalt  }
0x75: {  	_ =	shalt  }
0x76: {  	_ =	shalt  }
0x77: {  	_ =	shalt  }
0x78: {  	_ =	shalt  }
0x79: {  	_ =	shalt  }
0x7a: {  	_ =	shalt  }
0x7b: {  	_ =	shalt  }
0x7c: {  	_ =	shalt  }
0x7d: {  	_ =	shalt  }
0x7e: {  	_ =	shalt  }
0x7f: {  	_ =	shalt  }
0x80: {  	_ =	shalt  }
0x81: {  	_ =	shalt  }
0x82: {  	_ =	shalt  }
0x83: {  	_ =	shalt  }
0x84: {  	_ =	shalt  }
0x85: {  	_ =	shalt  }
0x86: {  	_ =	shalt  }
0x87: {  	_ =	shalt  }
.Lfunc_end0:
.L_simem_size_0:
called_computation_lowered:
.L_overlay_start_0:
0x88: {  	s2 =	sld [smem:$0x3FD9]  }
0x89: {  	s3 =	sld [smem:$0x3FFE];
	_ =	sdelay $0x1  }
0x8a: {  	s1 =	srdreg.scid  }
0x8b: {  	s0 =	sand.u32 $0x1, s1  }
0x8c: {  	s17 =	sshll.u32 s0, $0xA;
	s2 =	sadd.s32 s3, s2  }
0x8d: {  	s2 =	sadd.s32 s2, s17  }
0x8e: {  	[smem:$0x3FBF] =	sst s2  }
0x8f: {  	_ = 	snop  }
0x90: {  	s2 =	sld [smem:$0x3FC7]  }
0x91: {  	s18 =	sld [smem:$0x3FC6]  }
0x92: {  	s4 =	sld [smem:$0x3FD0];
	(tm) =	ssettm $0x1  }
0x93: {  	s5 =	sld [smem:$0x3FFB];
	_ =	sdelay $0x3  }
0x94: {  	_ =	strace s5  }
0x95: {  	s5 =	sld [smem:$0x3FFC];
	_ =	sdelay $0x3  }
0x96: {  	_ =	strace s5  }
0x97: {  	s5 =	sld [smem:$0x3FFD];
	_ =	sdelay $0x3  }
0x98: {  	_ =	strace s5  }
0x99: {  	_ =	strace $0x8FFFFFFF  }
0x9a: {  	s19 =	sld [smem:$0x3FDB];
	_ =	sdelay $0x1  }
0x9b: {  	s6 =	simm.s32 $_scs_section_size  }
0x9c: {  	s7 =	simm.s32 $_size__tile_overlayer_lowered;
	s8 =	simm.s32 $_tile_overlayer_lowered  }
0x9d: {  	s22 =	simm.s32 $0x1BFF;
	s21 =	sshll.u32 s8, $0x1;
	s5 =	sadd.s32 s6, s19  }
0x9e: {  	s9 =	simm.s32 $0x0;
	s20 =	sshll.u32 s7, $0x1;
	s7 =	sadd.s32 s21, s5  }
0x9f: {  	[timem:s9], [sflag:s22] =	dma.local [hbm:s7], s20  }
0xa0: {  	_ =	swait.ge [sflag:s22], s20  }
0xa1: {  	s6 =	ssub.s32 $0x0, s20;
	[sflag:s22] =	ssyncset.done $0x0  }
0xa2: {  	[sflag:s22] =	ssyncadd.s32 s6;
	_ =	sdelay $0x1  }
0xa3: {  	s23 =	simm.s32 $0x1B8B  }
0xa4: {  	_ =	swait.ge [sflag:s23], $0x1  }
0xa5: {  	[sflag:s23] =	ssyncset.done $0x0  }
0xa6: {  	s25 =	simm.s32 $0x1B8E;
	s24 =	sld [smem:$0x3FFE];
	[sflag:s23] =	ssyncadd.s32 $0xFFFFFFFF  }
0xa7: {  	s26 =	simm.s32 $execute0_lowered;
	[smem:$0x3FD2] =	sst s25  }
0xa8: {  	s7 =	sshll.u32 s26, $0x1;
	_ =	strace $0x80000046;
	[dreg:$0x1] =	wrdreg $0xFFFFFFFF  }
0xa9: {  	s28 =	simm.s32 $_size_execute0_lowered;
	s5 =	sadd.s32 s5, s7;
	[dreg:$0x0] =	wrdreg $0x0  }
0xaa: {  	s7 =	sshll.u32 s28, $0x1;
	[dreg:$0x2] =	wrdreg s5  }
0xab: {  	[dreg:$0x3] =	wrdreg s7  }
0xac: {  	[dreg:$0x4] =	wrdreg $0xC0  }
0xad: {  	_ =	task [dreg:s9], $0x5FFFF  }
0xae: {  	[dreg:$0x1] =	wrdreg $0xFFFFFFFF  }
0xaf: {  	[dreg:$0x0] =	wrdreg $0x60  }
0xb0: {  	[dreg:$0x2] =	wrdreg s24  }
0xb1: {  	[dreg:$0x3] =	wrdreg s2  }
0xb2: {  	[dreg:$0x4] =	wrdreg s18  }
0xb3: {  	[dreg:$0x5] =	wrdreg s4  }
0xb4: {  	[dreg:$0x6] =	wrdreg $0x9  }
0xb5: {  	_ =	task.clear_ibuf [dreg:s9], $0x7FFFF;
	_ =	strace $0x90000046  }
0xb6: {  	s29 =	simm.s32 $0x9;
	_ =	strace $0x80000048  }
0xb7: {  	_ =	swait.ge [sflag:s29], $0x1  }
0xb8: {  	[sflag:s29] =	ssyncadd.s32 $0xFFFFFFFF  }
0xb9: {  	_ =	strace $0x90000048  }
0xba: {  	_ =	sfence  }
0xbb: {  	s30 =	sld [smem:$0x0];
	_ =	sdelay $0x2  }
0xbc: {  	s31 =	sshll.u32 s1, $0xD;
	s1 =	sshrl.u32 s1, $0x2  }
0xbd: {  	s3 =	sand.u32 $0x4000, s31;
	s1 =	sadd.s32 s1, s30  }
0xbe: {  	s0 =	sor.u32 s3, s0;
	s1 =	sshll.u32 s1, $0x11  }
0xbf: {  	s0 =	sor.u32 s1, s0  }
0xc0: {  	s0 =	sadd.s32 $0x8F2B, s0  }
0xc1: {  	[sflag:s0] =	ssyncadd.remote.s32 $0x1  }
0xc2: {  	_ =	sfence.sel $0xFFFF  }
0xc3: {  	[dreg:$0x0] =	wrdreg $0xFFFFFFFF;
	(pc) =	sbr.abs _section_cstart, $3  }
0xc4: {  	[dreg:$0x1] =	wrdreg $0xFFFFFFFF  }
0xc5: {  	_ =	task.clear_ibuf [dreg:s9], $0x2FFFF;
	_ =	strace $0x9FFFFFFF  }
0xc6: {  	(tm) =	ssettm $0x7FFFFFFF  }
0xc7: {  	_ =	shalt  }
tec
execute0_lowered:
.L_overlay_start_1:
0x0: {  	(tag) =	ssettag $0x1  }
0x1: {  	s0 =	rddreg [dreg:$0x0]  }
0x2: {  	s25 =	rddreg [dreg:$0x1]  }
0x3: {  	s26 =	rddreg [dreg:$0x2]  }
0x4: {  	s7 =	rddreg [dreg:$0x3]  }
0x5: {  	s1 =	srdreg.scid;
	s2 =	stileid.u32  }
0x6: {  	s5 =	simm.s32 $0x0;
	s1 =	sand.u32 $0x1, s1;
	s2 =	sshll.u32 s2, $0x1  }
0x7: {  	s29 =	simm.s32 $0x1;
	[smem:$0x7FF] =	sst s5;
	s2 =	sor.u32 s1, s2  }
0x8: {  	s6 =	sadd.s32 $0x1200, s0;
	s3 =	sadd.s32 $0xE00, s0;
	s8 =	smul.u32 $0x2710, s2  }
0x9: {  	s9 =	sadd.s32 $0x25200, s0;
	s1 =	ssub.s32 $0x2, s1;
	s20 =	smul.u32 $0x13880, s2  }
0xa: {  	_ =	strace $0x80000047;
	[dreg:$0x6] =	wrdreg s3;
	s18 =	sshrl.u32 s1, $0x1  }
0xb: {  	s23 =	smul.u32 $0x138800, s2;
	s3 =	sadd.s32 s9, s20;
	[dreg:$0x5] =	wrdreg s8  }
0xc: {  	s2 =	smul.u32 $0x27100, s2;
	s28 =	sadd.s32 $0x100, s8;
	[dreg:$0x9] =	wrdreg s3  }
0xd: {  	s0 =	ssub.s32 s1, s18;
	s30 =	sadd.s32 $0x180, s8;
	[dreg:$0xd] =	wrdreg s28  }
0xe: {  	s11 =	simm.s32 $0x3;
	s0 =	smax.u32 s0, $0x1;
	[dreg:$0xe] =	wrdreg s30  }
0xf: {  	s19 =	sshrl.u32 s8, $0x3;
	s31 =	sadd.s32 s7, s2;
	[dreg:$0x10] =	wrdreg s0  }
0x10: {  	s21 =	sadd.s32 $0x80, s8;
	s4 =	sadd.s32 s25, s19;
	[dreg:$0x11] =	wrdreg s31  }
0x11: {  	s1 =	sadd.s32 s26, s19;
	s22 =	sshrl.u32 s21, $0x3;
	[dreg:$0x7] =	wrdreg s4  }
0x12: {  	[dreg:$0x8] =	wrdreg s1;
	s10 =	sadd.s32 s25, s22;
	s1 =	sshll.u32 s21, $0x3  }
0x13: {  	s24 =	sshrl.u32 s23, $0x3;
	[dreg:$0xa] =	wrdreg s10;
	s1 =	sadd.s32 s9, s1  }
0x14: {  	s3 =	sadd.s32 s26, s22;
	[dreg:$0xc] =	wrdreg s1;
	s1 =	sadd.s32 s7, s24  }
0x15: {  	s13 =	simm.s32 $0x4;
	[dreg:$0xb] =	wrdreg s3;
	s1 =	sadd.s32 $0x26900, s1  }
0x16: {  	s3 =	simm.s32 $0x2;
	[dreg:$0xf] =	wrdreg s1;
	s1 =	simm.s32 $0x0  }
.LBB2_1:
0x17: {  	[dreg:$0x12] =	wrdreg s1  }
0x18: {  	s0 =	rddreg [dreg:$0x6];
	s15 =	simm.s32 $0x7  }
0x19: {  	[tilespmem:s5], [sflag:$0x7] =	stream.linear.gather [hbm4b:s0+s5], $0x1400, $0x38;
	[tilespmem:$0x15700] =	vst v63  }
0x1a: {  	_ =	swait.ge [sflag:s15], $0x1400  }
0x1b: {  	[sflag:s15] =	ssyncset.done $0x0  }
0x1c: {  	s17 =	simm.s32 $0x1400;
	s16 =	rddreg [dreg:$0x7];
	[sflag:s15] =	ssyncadd.s32 $0xFFFFEC00  }
0x1d: {  	[tilespmem:s17], [sflag:$0x1] =	stream.linear.gather [hbm4b:s16+s5], $0x80, $0x38;
	[tilespmem:$0x15700] =	vst v63  }
0x1e: {  	s19 =	simm.s32 $0x1500;
	s18 =	rddreg [dreg:$0x8]  }
0x1f: {  	[tilespmem:s19], [sflag:$0x1] =	stream.linear.gather [hbm4b:s18+s5], $0x80, $0x38;
	[tilespmem:$0x15700] =	vst v63  }
0x20: {  	s21 =	simm.s32 $0x9700;
	s20 =	rddreg [dreg:$0x9]  }
0x21: {  	[tilespmem:s21], [sflag:$0x3] =	stream.linear.gather [hbm4b:s20+s5], $0x2000, $0x38;
	[tilespmem:$0x15700] =	vst v63  }
0x22: {  	s23 =	simm.s32 $0x1480;
	s22 =	rddreg [dreg:$0xa]  }
0x23: {  	[tilespmem:s23], [sflag:$0x2] =	stream.linear.gather [hbm4b:s22+s5], $0x80, $0x38;
	[tilespmem:$0x15700] =	vst v63  }
0x24: {  	s28 =	simm.s32 $0x1580;
	s24 =	rddreg [dreg:$0xb]  }
0x25: {  	[tilespmem:s28], [sflag:$0x2] =	stream.linear.gather [hbm4b:s24+s5], $0x80, $0x38;
	[tilespmem:$0x15700] =	vst v63  }
0x26: {  	s31 =	simm.s32 $0xB700;
	s30 =	rddreg [dreg:$0xc]  }
0x27: {  	[tilespmem:s31], [sflag:$0x4] =	stream.linear.gather [hbm4b:s30+s5], $0x2000, $0x38;
	[tilespmem:$0x15700] =	vst v63  }
0x28: {  	_ =	swait.ge [sflag:s29], $0x80  }
0x29: {  	[sflag:s29] =	ssyncset.done $0x0  }
0x2a: {  	[sflag:s29] =	ssyncadd.s32 $0xFFFFFF80  }
0x2b: {  	_ =	swait.ge [sflag:s29], $0x80  }
0x2c: {  	[sflag:s29] =	ssyncset.done $0x0  }
0x2d: {  	s1 =	simm.s32 $0x0;
	[sflag:s29] =	ssyncadd.s32 $0xFFFFFF80  }
0x2e: {  	v8 =	vld [tilespmem:s1+$0x1400];
	_ =	sdelay $0x2  }
0x2f: {  	v10 =	vld [tilespmem:s1+$0x1500];
	_ =	sdelay $0x1  }
0x30: {  	s0 =	simm.s32 $0x10;
	v0 =	vshrl.u32 v8, $0x1  }
0x31: {  	v3 =	vld [tilespmem:s0+$0x1400];
	_ =	sdelay $0x1  }
0x32: {  	v2 =	vld [tilespmem:s0+$0x1500];
	v1 =	vshrl.u32 v10, $0x1;
	_ =	sdelay $0x1  }
0x33: {  	s2 =	simm.s32 $0x20;
	v5 =	vld.idx.msk [tilespmem:v0+s5+$0x0], $0xffff  }
0x34: {  	v7 =	vshrl.u32 v3, $0x1;
	v0 =	vld [tilespmem:s2+$0x1400];
	_ =	sdelay $0x1  }
0x35: {  	v6 =	vshrl.u32 v2, $0x1;
	v4 =	vld.idx.msk [tilespmem:v1+s5+$0x0], $0xffff  }
0x36: {  	v1 =	vld [tilespmem:s2+$0x1500]  }
0x37: {  	s4 =	simm.s32 $0xC0;
	v9 =	vand.u32 $0x1, v8;
	v8 =	vand.u32 $0x1, v10  }
.LBB2_2:
0x38: {  	s8 =	sshra.s32 s4, $0x2;
	vm0 =	veq.s32 v9, $0x0;
	v9 =	vshrl.u32 v5, $0x10;
	v10 =	vand.u32 $0xFFFF, v5;
	v5 =	vld.idx.msk [tilespmem:v7+s5+$0x0], $0xffff;
	v11 =	vmovc v0;
	p0 =	sne.s32 s4, $0x1C0  }
.Ltmp0:
0x39: {  	s4 =	sadd.s32 $0x40, s4;
	v0 =	vld [tilespmem:s8+$0x1400];
	v7 =	vshrl.u32 v11, $0x1;
	v9 =	vsel vm0, v10, v9;
	vm0 =	veq.s32 v8, $0x0;
	(pc) =	sbr.rel @p0 .LBB2_2-.Ltmp0, $4  }
0x3a: {  	v8 =	vshrl.u32 v4, $0x10;
	v12 =	vand.u32 $0xFFFF, v4;
	v4 =	vld.idx.msk [tilespmem:v6+s5+$0x0], $0xffff;
	v9 =	vmul.u32 $0x60, v9  }
0x3b: {  	v8 =	vsel vm0, v12, v8;
	v6 =	vshrl.u32 v1, $0x1;
	v10 =	vmov v1  }
0x3c: {  	v1 =	vld [tilespmem:s8+$0x1500];
	v12 =	vadd.s32 v9, v8  }
0x3d: {  	v9 =	vand.u32 $0x1, v3;
	v8 =	vand.u32 $0x1, v2;
	v3 =	vmovc v11;
	v2 =	vmov v10;
	[tilespmem:s1+$0x1600] =	vst v12;
	s1 =	smov.u32 s0;
	s0 =	smov.u32 s2;
	s2 =	smov.u32 s8  }
0x3e: {  	_ = 	snop  }
0x3f: {  	v10 =	vshrl.u32 v0, $0x1;
	_ =	sdelay $0x1  }
0x40: {  	vm0 =	veq.s32 v9, $0x0;
	v11 =	vshrl.u32 v1, $0x1  }
0x41: {  	v7 =	vld.idx.msk [tilespmem:v7+s5+$0x0], $0xffff;
	v51 =	vshrl.u32 v5, $0x10;
	v52 =	vand.u32 $0xFFFF, v5;
	vm11 =	veq.s32 v8, $0x0  }
0x42: {  	v6 =	vld.idx.msk [tilespmem:v6+s5+$0x0], $0xffff;
	v3 =	vand.u32 $0x1, v3;
	v2 =	vand.u32 $0x1, v2;
	v59 =	vand.u32 $0x1, v0  }
0x43: {  	v5 =	vsel vm0, v52, v51;
	v53 =	vshrl.u32 v4, $0x10;
	v54 =	vand.u32 $0xFFFF, v4;
	v55 =	vld.idx.msk [tilespmem:v10+s5+$0x0], $0xffff  }
0x44: {  	vm12 =	veq.s32 v3, $0x0;
	vm13 =	veq.s32 v2, $0x0;
	v5 =	vmul.u32 $0x60, v5  }
0x45: {  	vm14 =	veq.s32 v59, $0x0;
	v4 =	vsel vm11, v54, v53;
	v60 =	vand.u32 $0x1, v1;
	v57 =	vld.idx.msk [tilespmem:v11+s5+$0x0], $0xffff  }
0x46: {  	v4 =	vadd.s32 v5, v4;
	vm15 =	veq.s32 v60, $0x0;
	v56 =	vshrl.u32 v7, $0x10  }
0x47: {  	v7 =	vand.u32 $0xFFFF, v7;
	v58 =	vshrl.u32 v6, $0x10;
	v6 =	vand.u32 $0xFFFF, v6  }
0x48: {  	v3 =	vsel vm12, v7, v56;
	v61 =	vshrl.u32 v55, $0x10;
	v62 =	vand.u32 $0xFFFF, v55  }
0x49: {  	v2 =	vsel vm13, v6, v58;
	v3 =	vmul.u32 $0x60, v3;
	v0 =	vsel vm14, v62, v61  }
0x4a: {  	v0 =	vmul.u32 $0x60, v0;
	v63 =	vshrl.u32 v57, $0x10;
	v5 =	vand.u32 $0xFFFF, v57  }
0x4b: {  	[tilespmem:s1+$0x1600] =	vst v4;
	v2 =	vadd.s32 v3, v2;
	v1 =	vsel vm15, v5, v63  }
0x4c: {  	s28 =	simm.s32 $0x80;
	s30 =	simm.s32 $0x1600;
	[tilespmem:s0+$0x1600] =	vst v2;
	v0 =	vadd.s32 v0, v1  }
0x4d: {  	s31 =	simm.s32 $0x1700;
	s21 =	simm.s32 $0x0;
	s18 =	simm.s32 $0x0;
	[tilespmem:s2+$0x1600] =	vst v0  }
0x4e: {  	[tilespmem:s31], [sflag:$0x3] =	stream.indirect.gather [hbm4b:s6+s28], $0x80, s30, s28, $0xb8;
	[tilespmem:$0x15700] =	vst v63  }
.LBB2_4:
0x4f: {  	s15 =	sshll.u32 s18, $0x8  }
0x50: {  	s1 =	rddreg [dreg:$0xd];
	s0 =	smin.u32 s15, $0x2590  }
0x51: {  	s4 =	sadd.s32 s0, s1  }
0x52: {  	s0 =	sshrl.u32 s4, $0x3  }
0x53: {  	s2 =	simm.s32 $0x1400;
	s28 =	sadd.s32 s25, s0  }
0x54: {  	[tilespmem:s2], [sflag:$0x1] =	stream.linear.gather [hbm4b:s28+s21], $0x80, $0x38;
	[tilespmem:$0x15700] =	vst v63  }
0x55: {  	s31 =	simm.s32 $0x1500;
	s0 =	sadd.s32 s26, s0  }
0x56: {  	[tilespmem:s31], [sflag:$0x1] =	stream.linear.gather [hbm4b:s0+s21], $0x80, $0x38;
	[tilespmem:$0x15700] =	vst v63  }
0x57: {  	_ =	swait.ge [sflag:s3], $0x80  }
0x58: {  	[sflag:s3] =	ssyncset.done $0x0  }
0x59: {  	[sflag:s3] =	ssyncadd.s32 $0xFFFFFF80  }
0x5a: {  	_ =	swait.ge [sflag:s3], $0x80  }
0x5b: {  	[sflag:s3] =	ssyncset.done $0x0  }
0x5c: {  	s1 =	simm.s32 $0x0;
	[sflag:s3] =	ssyncadd.s32 $0xFFFFFF80  }
0x5d: {  	v8 =	vld [tilespmem:s1+$0x1480];
	_ =	sdelay $0x2  }
0x5e: {  	v10 =	vld [tilespmem:s1+$0x1580];
	_ =	sdelay $0x1  }
0x5f: {  	s0 =	simm.s32 $0x10;
	v0 =	vshrl.u32 v8, $0x1  }
0x60: {  	v3 =	vld [tilespmem:s0+$0x1480];
	_ =	sdelay $0x1  }
0x61: {  	v2 =	vld [tilespmem:s0+$0x1580];
	v1 =	vshrl.u32 v10, $0x1;
	_ =	sdelay $0x1  }
0x62: {  	s2 =	simm.s32 $0x20;
	v5 =	vld.idx.msk [tilespmem:v0+s5+$0x0], $0xffff  }
0x63: {  	v7 =	vshrl.u32 v3, $0x1;
	v0 =	vld [tilespmem:s2+$0x1480];
	_ =	sdelay $0x1  }
0x64: {  	v6 =	vshrl.u32 v2, $0x1;
	v4 =	vld.idx.msk [tilespmem:v1+s5+$0x0], $0xffff  }
0x65: {  	v1 =	vld [tilespmem:s2+$0x1580]  }
0x66: {  	s7 =	smov.u32 s25;
	s30 =	smov.u32 s26;
	s8 =	simm.s32 $0xC0;
	v9 =	vand.u32 $0x1, v8;
	v8 =	vand.u32 $0x1, v10  }
.LBB2_5:
0x67: {  	s10 =	sshra.s32 s8, $0x2;
	vm0 =	veq.s32 v9, $0x0;
	v9 =	vshrl.u32 v5, $0x10;
	v10 =	vand.u32 $0xFFFF, v5;
	v5 =	vld.idx.msk [tilespmem:v7+s5+$0x0], $0xffff;
	v11 =	vmovc v0;
	p0 =	sne.s32 s8, $0x1C0  }
.Ltmp1:
0x68: {  	s8 =	sadd.s32 $0x40, s8;
	v0 =	vld [tilespmem:s10+$0x1480];
	v7 =	vshrl.u32 v11, $0x1;
	v9 =	vsel vm0, v10, v9;
	vm0 =	veq.s32 v8, $0x0;
	(pc) =	sbr.rel @p0 .LBB2_5-.Ltmp1, $4  }
0x69: {  	v8 =	vshrl.u32 v4, $0x10;
	v12 =	vand.u32 $0xFFFF, v4;
	v4 =	vld.idx.msk [tilespmem:v6+s5+$0x0], $0xffff;
	v9 =	vmul.u32 $0x60, v9  }
0x6a: {  	v8 =	vsel vm0, v12, v8;
	v6 =	vshrl.u32 v1, $0x1;
	v10 =	vmov v1  }
0x6b: {  	v1 =	vld [tilespmem:s10+$0x1580];
	v12 =	vadd.s32 v9, v8  }
0x6c: {  	v9 =	vand.u32 $0x1, v3;
	v8 =	vand.u32 $0x1, v2;
	v3 =	vmovc v11;
	v2 =	vmov v10;
	[tilespmem:s1+$0x1680] =	vst v12;
	s1 =	smov.u32 s0;
	s0 =	smov.u32 s2;
	s2 =	smov.u32 s10  }
0x6d: {  	_ = 	snop  }
0x6e: {  	v10 =	vshrl.u32 v0, $0x1;
	_ =	sdelay $0x1  }
0x6f: {  	vm0 =	veq.s32 v9, $0x0;
	v11 =	vshrl.u32 v1, $0x1  }
0x70: {  	v7 =	vld.idx.msk [tilespmem:v7+s5+$0x0], $0xffff;
	v9 =	vshrl.u32 v5, $0x10;
	v5 =	vand.u32 $0xFFFF, v5;
	vm11 =	veq.s32 v8, $0x0  }
0x71: {  	v6 =	vld.idx.msk [tilespmem:v6+s5+$0x0], $0xffff;
	v5 =	vsel vm0, v5, v9;
	v8 =	vshrl.u32 v4, $0x10;
	v4 =	vand.u32 $0xFFFF, v4  }
0x72: {  	v3 =	vand.u32 $0x1, v3;
	v5 =	vmul.u32 $0x60, v5;
	v4 =	vsel vm11, v4, v8;
	v8 =	vld.idx.msk [tilespmem:v10+s5+$0x0], $0xffff  }
0x73: {  	v2 =	vand.u32 $0x1, v2;
	v0 =	vand.u32 $0x1, v0;
	vm12 =	veq.s32 v3, $0x0  }
0x74: {  	vm13 =	veq.s32 v2, $0x0;
	vm14 =	veq.s32 v0, $0x0;
	v4 =	vadd.s32 v5, v4;
	v5 =	vld.idx.msk [tilespmem:v11+s5+$0x0], $0xffff  }
0x75: {  	v1 =	vand.u32 $0x1, v1;
	v3 =	vshrl.u32 v7, $0x10;
	v7 =	vand.u32 $0xFFFF, v7  }
0x76: {  	v2 =	vshrl.u32 v6, $0x10;
	v6 =	vand.u32 $0xFFFF, v6;
	v3 =	vsel vm12, v7, v3  }
0x77: {  	v2 =	vsel vm13, v6, v2;
	v0 =	vshrl.u32 v8, $0x10;
	v6 =	vand.u32 $0xFFFF, v8  }
0x78: {  	vm15 =	veq.s32 v1, $0x0;
	v3 =	vmul.u32 $0x60, v3;
	v0 =	vsel vm14, v6, v0  }
0x79: {  	v0 =	vmul.u32 $0x60, v0;
	v1 =	vshrl.u32 v5, $0x10;
	v5 =	vand.u32 $0xFFFF, v5  }
0x7a: {  	[tilespmem:s1+$0x1680] =	vst v4;
	v2 =	vadd.s32 v3, v2;
	v1 =	vsel vm15, v5, v1  }
0x7b: {  	[tilespmem:s0+$0x1680] =	vst v2;
	v0 =	vadd.s32 v0, v1  }
0x7c: {  	s12 =	simm.s32 $0x80;
	s14 =	simm.s32 $0x1680;
	s16 =	simm.s32 $0x5700;
	[tilespmem:s2+$0x1680] =	vst v0  }
0x7d: {  	[tilespmem:s16], [sflag:$0x4] =	stream.indirect.gather [hbm4b:s6+s12], $0x80, s14, s12, $0xb8;
	[tilespmem:$0x15700] =	vst v63  }
0x7e: {  	_ =	swait.ge [sflag:s11], $0x2000  }
0x7f: {  	[sflag:s11] =	ssyncset.done $0x0  }
0x80: {  	[sflag:s11] =	ssyncadd.s32 $0xFFFFE000  }
0x81: {  	_ =	swait.ge [sflag:s11], $0x4000  }
0x82: {  	p0 =	seq.s32 s18, $0x0;
	[sflag:s11] =	ssyncset.done $0x0  }
0x83: {  	s0 =	simm.s32 @!p0 $0x5;
	[sflag:s11] =	ssyncadd.s32 $0xFFFFC000  }
0x84: {  	_ =	swait.ge @!p0 [sflag:s0], $0x4000  }
0x85: {  	[sflag:s0] =	ssyncset.done @!p0 $0x0  }
0x86: {  	s17 =	simm.s32 $0x9740;
	[sflag:s0] =	ssyncadd.s32 @!p0 $0xFFFFC000  }
0x87: {  	s8 =	simm.s32 $0x0;
	v0 =	vld [tilespmem:s17+$0xFFFFFFC0]  }
0x88: {  	v1 =	vld [tilespmem:s8+$0x1700]  }
0x89: {  	v2 =	vld [tilespmem:s8+$0x1780];
	_ =	sdelay $0x2  }
0x8a: {  	v3 =	vunpack.i.l.bf16.f32 v0  }
0x8b: {  	v0 =	vunpack.i.u.bf16.f32 v0;
	v1 =	vadd.f32 v1, v3  }
0x8c: {  	v2 =	vadd.f32 v2, v0  }
0x8d: {  	v0 =	vsub.f32 $0.0e+00, v1  }
0x8e: {  	v3 =	vsub.f32 $0.0e+00, v2  }
0x8f: {  	v0 =	vmul.f32 $1.442695020e+00, v0  }
0x90: {  	v3 =	vmul.f32 $1.442695020e+00, v3  }
0x91: {  	(erf) = vpow2.f32 v0  }
0x92: {  	(erf) = vpow2.f32 v3;
	_ =	sdelay $0x7  }
0x93: {  	v0 =	vpop (erf)  }
0x94: {  	v0 =	vadd.f32 $1.000000000e+00, v0;
	v3 =	vpop (erf)  }
0x95: {  	v3 =	vadd.f32 $1.000000000e+00, v3  }
0x96: {  	(erf) = vrcp.f32 v0  }
0x97: {  	(erf) = vrcp.f32 v3;
	_ =	sdelay $0x7  }
0x98: {  	v0 =	vpop (erf)  }
0x99: {  	v1 =	vmul.f32 v0, v1;
	v3 =	vpop (erf)  }
0x9a: {  	s20 =	simm.s32 $0x97C0;
	v2 =	vmul.f32 v3, v2  }
0x9b: {  	s10 =	simm.s32 $0x100;
	v3 =	vld [tilespmem:s20+$0xFFFFFFC0];
	[tilespmem:s8+$0xD700] =	vst v1  }
0x9c: {  	v1 =	vld [tilespmem:s10+$0x1700];
	[tilespmem:s8+$0xD780] =	vst v2  }
0x9d: {  	v2 =	vld [tilespmem:s17+$0xFFFFFFD0]  }
0x9e: {  	v4 =	vld [tilespmem:s8+$0x1710]  }
0x9f: {  	v5 =	vld [tilespmem:s8+$0x1790];
	_ =	sdelay $0x1  }
0xa0: {  	v6 =	vunpack.i.l.bf16.f32 v3  }
0xa1: {  	v1 =	vadd.f32 v1, v6;
	v6 =	vunpack.i.l.bf16.f32 v2  }
0xa2: {  	v2 =	vunpack.i.u.bf16.f32 v2;
	v4 =	vadd.f32 v4, v6  }
0xa3: {  	v6 =	vsub.f32 $0.0e+00, v1;
	v2 =	vadd.f32 v5, v2  }
0xa4: {  	v8 =	vld [tilespmem:s10+$0x1780];
	v5 =	vsub.f32 $0.0e+00, v4  }
0xa5: {  	v6 =	vmul.f32 $1.442695020e+00, v6;
	v7 =	vsub.f32 $0.0e+00, v2  }
0xa6: {  	v5 =	vmul.f32 $1.442695020e+00, v5  }
0xa7: {  	(erf) = vpow2.f32 v6;
	v6 =	vmul.f32 $1.442695020e+00, v7  }
0xa8: {  	v3 =	vunpack.i.u.bf16.f32 v3;
	(erf) = vpow2.f32 v5  }
0xa9: {  	v3 =	vadd.f32 v8, v3;
	(erf) = vpow2.f32 v6;
	_ =	sdelay $0x1  }
0xaa: {  	v5 =	vsub.f32 $0.0e+00, v3;
	_ =	sdelay $0x1  }
0xab: {  	v5 =	vmul.f32 $1.442695020e+00, v5;
	_ =	sdelay $0x1  }
0xac: {  	(erf) = vpow2.f32 v5  }
0xad: {  	v6 =	vpop (erf)  }
0xae: {  	v5 =	vadd.f32 $1.000000000e+00, v6;
	v6 =	vpop (erf)  }
0xaf: {  	v6 =	vadd.f32 $1.000000000e+00, v6;
	v7 =	vpop (erf)  }
0xb0: {  	(erf) = vrcp.f32 v5;
	v5 =	vadd.f32 $1.000000000e+00, v7  }
0xb1: {  	(erf) = vrcp.f32 v6  }
0xb2: {  	(erf) = vrcp.f32 v5;
	_ =	sdelay $0x2  }
0xb3: {  	v5 =	vpop (erf)  }
0xb4: {  	v5 =	vadd.f32 $1.000000000e+00, v5;
	_ =	sdelay $0x2  }
0xb5: {  	v6 =	vpop (erf)  }
0xb6: {  	(erf) = vrcp.f32 v5;
	v5 =	vpop (erf)  }
0xb7: {  	v4 =	vmul.f32 v5, v4;
	v5 =	vpop (erf)  }
0xb8: {  	v2 =	vmul.f32 v5, v2  }
0xb9: {  	[tilespmem:s8+$0xD710] =	vst v4  }
0xba: {  	[tilespmem:s8+$0xD790] =	vst v2  }
0xbb: {  	v2 =	vld [tilespmem:s17+$0xFFFFFFE0]  }
0xbc: {  	v4 =	vld [tilespmem:s8+$0x1720];
	_ =	sdelay $0x1  }
0xbd: {  	v5 =	vld [tilespmem:s8+$0x17A0]  }
0xbe: {  	v1 =	vmul.f32 v6, v1;
	v7 =	vpop (erf)  }
0xbf: {  	s19 =	simm.s32 $0x9840;
	v10 =	vld [tilespmem:s10+$0x1790];
	v3 =	vmul.f32 v7, v3;
	v7 =	vunpack.i.l.bf16.f32 v2  }
0xc0: {  	s14 =	simm.s32 $0x200;
	v8 =	vld [tilespmem:s19+$0xFFFFFFC0];
	[tilespmem:s10+$0xD700] =	vst v1;
	v4 =	vadd.f32 v4, v7  }
0xc1: {  	[tilespmem:s10+$0xD780] =	vst v3;
	v1 =	vunpack.i.u.bf16.f32 v2;
	v2 =	vld [tilespmem:s14+$0x1700]  }
0xc2: {  	v3 =	vld [tilespmem:s20+$0xFFFFFFD0];
	v1 =	vadd.f32 v5, v1;
	v5 =	vsub.f32 $0.0e+00, v4  }
0xc3: {  	v7 =	vld [tilespmem:s10+$0x1710]  }
0xc4: {  	v9 =	vsub.f32 $0.0e+00, v1;
	v5 =	vmul.f32 $1.442695020e+00, v5;
	_ =	sdelay $0x1  }
0xc5: {  	v12 =	vld [tilespmem:s14+$0x1780];
	v11 =	vunpack.i.l.bf16.f32 v8;
	v9 =	vmul.f32 $1.442695020e+00, v9;
	(erf) = vpow2.f32 v5  }
0xc6: {  	v5 =	vadd.f32 v2, v11;
	v2 =	vunpack.i.l.bf16.f32 v3;
	v3 =	vunpack.i.u.bf16.f32 v3  }
0xc7: {  	(erf) = vpow2.f32 v9;
	v7 =	vadd.f32 v7, v2;
	v3 =	vadd.f32 v10, v3  }
0xc8: {  	v2 =	vsub.f32 $0.0e+00, v5  }
0xc9: {  	v8 =	vunpack.i.u.bf16.f32 v8;
	v9 =	vsub.f32 $0.0e+00, v7;
	v10 =	vsub.f32 $0.0e+00, v3  }
0xca: {  	v8 =	vadd.f32 v12, v8;
	v2 =	vmul.f32 $1.442695020e+00, v2  }
0xcb: {  	v9 =	vmul.f32 $1.442695020e+00, v9;
	v10 =	vmul.f32 $1.442695020e+00, v10  }
0xcc: {  	v11 =	vsub.f32 $0.0e+00, v8;
	(erf) = vpow2.f32 v2  }
0xcd: {  	(erf) = vpow2.f32 v9  }
0xce: {  	v0 =	vld [tilespmem:s8+$0x1770];
	(erf) = vpow2.f32 v10  }
0xcf: {  	v6 =	vld [tilespmem:s10+$0x1770];
	v9 =	vmul.f32 $1.442695020e+00, v11;
	v10 =	vpop (erf)  }
0xd0: {  	v2 =	vld [tilespmem:s14+$0x1770];
	v11 =	vpop (erf)  }
0xd1: {  	v10 =	vadd.f32 $1.000000000e+00, v10;
	(erf) = vpow2.f32 v9;
	v9 =	vadd.f32 $1.000000000e+00, v11;
	_ =	sdelay $0x1  }
0xd2: {  	(erf) = vrcp.f32 v10  }
0xd3: {  	(erf) = vrcp.f32 v9  }
0xd4: {  	v9 =	vpop (erf)  }
0xd5: {  	v9 =	vadd.f32 $1.000000000e+00, v9;
	v10 =	vpop (erf)  }
0xd6: {  	v11 =	vpop (erf)  }
0xd7: {  	(erf) = vrcp.f32 v9;
	v9 =	vadd.f32 $1.000000000e+00, v11  }
0xd8: {  	v10 =	vadd.f32 $1.000000000e+00, v10;
	_ =	sdelay $0x1  }
0xd9: {  	(erf) = vrcp.f32 v10;
	v11 =	vpop (erf)  }
0xda: {  	(erf) = vrcp.f32 v9;
	v9 =	vpop (erf)  }
0xdb: {  	v4 =	vmul.f32 v9, v4;
	v9 =	vpop (erf)  }
0xdc: {  	v1 =	vmul.f32 v9, v1  }
0xdd: {  	[tilespmem:s8+$0xD720] =	vst v4  }
0xde: {  	v4 =	vadd.f32 $1.000000000e+00, v11;
	[tilespmem:s8+$0xD7A0] =	vst v1  }
0xdf: {  	v1 =	vld [tilespmem:s17+$0xFFFFFFF0]  }
0xe0: {  	v9 =	vld [tilespmem:s8+$0x1730]  }
0xe1: {  	v10 =	vpop (erf)  }
0xe2: {  	(erf) = vrcp.f32 v4;
	v4 =	vpop (erf)  }
0xe3: {  	v4 =	vmul.f32 v4, v7;
	v7 =	vpop (erf)  }
0xe4: {  	v11 =	vld [tilespmem:s8+$0x17B0];
	v3 =	vmul.f32 v7, v3;
	v7 =	vunpack.i.l.bf16.f32 v1  }
0xe5: {  	[tilespmem:s10+$0xD710] =	vst v4;
	v4 =	vadd.f32 v9, v7  }
0xe6: {  	[tilespmem:s10+$0xD790] =	vst v3  }
0xe7: {  	v3 =	vld [tilespmem:s20+$0xFFFFFFE0];
	v7 =	vsub.f32 $0.0e+00, v4  }
0xe8: {  	v12 =	vld [tilespmem:s10+$0x17A0];
	v1 =	vunpack.i.u.bf16.f32 v1  }
0xe9: {  	s0 =	simm.s32 $0x98C0;
	v1 =	vadd.f32 v11, v1;
	v9 =	vld [tilespmem:s10+$0x1720];
	v7 =	vmul.f32 $1.442695020e+00, v7  }
0xea: {  	s22 =	simm.s32 $0x300;
	v13 =	vld [tilespmem:s0+$0xFFFFFFC0]  }
0xeb: {  	v14 =	vld [tilespmem:s22+$0x1700];
	v5 =	vmul.f32 v10, v5;
	v11 =	vsub.f32 $0.0e+00, v1;
	v10 =	vpop (erf);
	(erf) = vpow2.f32 v7  }
0xec: {  	v7 =	vmul.f32 v10, v8;
	v8 =	vunpack.i.l.bf16.f32 v3;
	v3 =	vunpack.i.u.bf16.f32 v3  }
0xed: {  	v11 =	vmul.f32 $1.442695020e+00, v11;
	v3 =	vadd.f32 v12, v3  }
0xee: {  	[tilespmem:s14+$0xD700] =	vst v5;
	v5 =	vadd.f32 v9, v8  }
0xef: {  	(erf) = vpow2.f32 v11;
	[tilespmem:s14+$0xD780] =	vst v7;
	v7 =	vunpack.i.l.bf16.f32 v13;
	v11 =	vsub.f32 $0.0e+00, v3  }
0xf0: {  	v8 =	vld [tilespmem:s19+$0xFFFFFFD0];
	v9 =	vsub.f32 $0.0e+00, v5;
	v7 =	vadd.f32 v14, v7  }
0xf1: {  	v12 =	vld [tilespmem:s14+$0x1790];
	v11 =	vmul.f32 $1.442695020e+00, v11  }
0xf2: {  	v10 =	vld [tilespmem:s14+$0x1710];
	v9 =	vmul.f32 $1.442695020e+00, v9;
	v14 =	vsub.f32 $0.0e+00, v7  }
0xf3: {  	v15 =	vld [tilespmem:s22+$0x1780]  }
0xf4: {  	(erf) = vpow2.f32 v9;
	v9 =	vmul.f32 $1.442695020e+00, v14  }
0xf5: {  	v14 =	vunpack.i.l.bf16.f32 v8;
	(erf) = vpow2.f32 v11;
	v8 =	vunpack.i.u.bf16.f32 v8;
	v11 =	vpop (erf)  }
0xf6: {  	v8 =	vadd.f32 v12, v8;
	v11 =	vadd.f32 $1.000000000e+00, v11  }
0xf7: {  	v10 =	vadd.f32 v10, v14;
	(erf) = vpow2.f32 v9;
	v12 =	vunpack.i.u.bf16.f32 v13  }
0xf8: {  	v14 =	vpop (erf);
	(erf) = vrcp.f32 v11;
	v11 =	vadd.f32 v15, v12;
	v12 =	vsub.f32 $0.0e+00, v8  }
0xf9: {  	v13 =	vsub.f32 $0.0e+00, v10;
	v9 =	vadd.f32 $1.000000000e+00, v14  }
0xfa: {  	v12 =	vmul.f32 $1.442695020e+00, v12  }
0xfb: {  	(erf) = vrcp.f32 v9;
	v9 =	vmul.f32 $1.442695020e+00, v13;
	v13 =	vsub.f32 $0.0e+00, v11;
	_ =	sdelay $0x1  }
0xfc: {  	(erf) = vpow2.f32 v9  }
0xfd: {  	v9 =	vmul.f32 $1.442695020e+00, v13;
	(erf) = vpow2.f32 v12;
	v12 =	vpop (erf)  }
0xfe: {  	v13 =	vpop (erf)  }
0xff: {  	(erf) = vpow2.f32 v9;
	v9 =	vadd.f32 $1.000000000e+00, v13  }
0x100: {  	v12 =	vadd.f32 $1.000000000e+00, v12;
	_ =	sdelay $0x1  }
0x101: {  	v13 =	vpop (erf);
	(erf) = vrcp.f32 v12  }
0x102: {  	(erf) = vrcp.f32 v9;
	v9 =	vpop (erf)  }
0x103: {  	v4 =	vmul.f32 v9, v4;
	v9 =	vpop (erf)  }
0x104: {  	v1 =	vmul.f32 v9, v1  }
0x105: {  	v9 =	vpop (erf);
	[tilespmem:s8+$0xD730] =	vst v4;
	v4 =	vadd.f32 $1.000000000e+00, v13  }
0x106: {  	[tilespmem:s8+$0xD7B0] =	vst v1;
	v1 =	vadd.f32 $1.000000000e+00, v9;
	v9 =	vpop (erf)  }
0x107: {  	(erf) = vrcp.f32 v4;
	v4 =	vadd.f32 $1.000000000e+00, v9  }
0x108: {  	v12 =	vld [tilespmem:s17+$0x0]  }
0x109: {  	v9 =	vld [tilespmem:s8+$0x1740];
	(erf) = vrcp.f32 v1  }
0x10a: {  	v13 =	vpop (erf);
	v1 =	vld [tilespmem:s8+$0x17C0];
	(erf) = vrcp.f32 v4  }
0x10b: {  	v4 =	vpop (erf)  }
0x10c: {  	v4 =	vmul.f32 v4, v5;
	v5 =	vpop (erf)  }
0x10d: {  	v3 =	vmul.f32 v5, v3;
	v5 =	vunpack.i.l.bf16.f32 v12  }
0x10e: {  	[tilespmem:s10+$0xD720] =	vst v4;
	v4 =	vunpack.i.u.bf16.f32 v12;
	v5 =	vadd.f32 v9, v5;
	v9 =	vadd.f32 $1.000000000e+00, v13  }
0x10f: {  	[tilespmem:s10+$0xD7A0] =	vst v3;
	v1 =	vadd.f32 v1, v4  }
0x110: {  	v3 =	vld [tilespmem:s20+$0xFFFFFFF0];
	v4 =	vsub.f32 $0.0e+00, v5  }
0x111: {  	v15 =	vld [tilespmem:s10+$0x17B0];
	v14 =	vpop (erf);
	v13 =	vsub.f32 $0.0e+00, v1  }
0x112: {  	v12 =	vld [tilespmem:s10+$0x1730];
	(erf) = vrcp.f32 v9;
	v4 =	vmul.f32 $1.442695020e+00, v4;
	v9 =	vpop (erf)  }
0x113: {  	v13 =	vmul.f32 $1.442695020e+00, v13;
	v9 =	vmul.f32 v9, v10;
	v10 =	vpop (erf)  }
0x114: {  	(erf) = vpow2.f32 v4;
	v4 =	vmul.f32 v10, v8  }
0x115: {  	v8 =	vunpack.i.l.bf16.f32 v3;
	v3 =	vunpack.i.u.bf16.f32 v3  }
0x116: {  	(erf) = vpow2.f32 v13;
	[tilespmem:s14+$0xD790] =	vst v4;
	v4 =	vadd.f32 v15, v3  }
0x117: {  	[tilespmem:s14+$0xD710] =	vst v9;
	v8 =	vadd.f32 v12, v8  }
0x118: {  	v9 =	vld [tilespmem:s19+$0xFFFFFFE0];
	v12 =	vsub.f32 $0.0e+00, v4  }
0x119: {  	v10 =	vld [tilespmem:s14+$0x1720];
	v3 =	vsub.f32 $0.0e+00, v8  }
0x11a: {  	s26 =	simm.s32 $0x9940;
	v13 =	vld [tilespmem:s14+$0x17A0];
	v12 =	vmul.f32 $1.442695020e+00, v12  }
0x11b: {  	s23 =	simm.s32 $0x400;
	v15 =	vld [tilespmem:s26+$0xFFFFFFC0];
	v3 =	vmul.f32 $1.442695020e+00, v3  }
0x11c: {  	v16 =	vld [tilespmem:s23+$0x1700];
	v7 =	vmul.f32 v14, v7;
	v14 =	vpop (erf)  }
0x11d: {  	v11 =	vmul.f32 v14, v11;
	(erf) = vpow2.f32 v3;
	v14 =	vunpack.i.l.bf16.f32 v9  }
0x11e: {  	[tilespmem:s22+$0xD700] =	vst v7;
	v7 =	vunpack.i.u.bf16.f32 v9;
	(erf) = vpow2.f32 v12;
	v9 =	vadd.f32 v10, v14;
	v12 =	vpop (erf)  }
0x11f: {  	[tilespmem:s22+$0xD780] =	vst v11;
	v7 =	vadd.f32 v13, v7;
	v10 =	vadd.f32 $1.000000000e+00, v12;
	v12 =	vpop (erf)  }
0x120: {  	v13 =	vld [tilespmem:s0+$0xFFFFFFD0];
	v14 =	vsub.f32 $0.0e+00, v9;
	v11 =	vadd.f32 $1.000000000e+00, v12;
	v12 =	vunpack.i.l.bf16.f32 v15  }
0x121: {  	(erf) = vrcp.f32 v10;
	v10 =	vadd.f32 v16, v12;
	v16 =	vsub.f32 $0.0e+00, v7;
	_ =	sdelay $0x1  }
0x122: {  	v12 =	vld [tilespmem:s22+$0x1710];
	v14 =	vmul.f32 $1.442695020e+00, v14;
	v17 =	vsub.f32 $0.0e+00, v10;
	v16 =	vmul.f32 $1.442695020e+00, v16  }
0x123: {  	(erf) = vrcp.f32 v11;
	v11 =	vld [tilespmem:s22+$0x1790]  }
0x124: {  	(erf) = vpow2.f32 v14;
	v14 =	vmul.f32 $1.442695020e+00, v17;
	v17 =	vunpack.i.l.bf16.f32 v13;
	_ =	sdelay $0x1  }
0x125: {  	v18 =	vld [tilespmem:s23+$0x1780];
	(erf) = vpow2.f32 v16;
	v16 =	vpop (erf)  }
0x126: {  	v13 =	vunpack.i.u.bf16.f32 v13;
	v12 =	vadd.f32 v12, v17;
	v17 =	vpop (erf)  }
0x127: {  	v11 =	vadd.f32 v11, v13;
	v13 =	vadd.f32 $1.000000000e+00, v17  }
0x128: {  	v16 =	vadd.f32 $1.000000000e+00, v16  }
0x129: {  	(erf) = vpow2.f32 v14;
	v14 =	vunpack.i.u.bf16.f32 v15  }
0x12a: {  	v15 =	vsub.f32 $0.0e+00, v12;
	v14 =	vadd.f32 v18, v14;
	(erf) = vrcp.f32 v16  }
0x12b: {  	v16 =	vsub.f32 $0.0e+00, v11;
	(erf) = vrcp.f32 v13;
	v13 =	vpop (erf)  }
0x12c: {  	v15 =	vmul.f32 $1.442695020e+00, v15;
	v17 =	vsub.f32 $0.0e+00, v14;
	v5 =	vmul.f32 v13, v5;
	v13 =	vpop (erf)  }
0x12d: {  	v16 =	vmul.f32 $1.442695020e+00, v16;
	v1 =	vmul.f32 v13, v1  }
0x12e: {  	(erf) = vpow2.f32 v15;
	v13 =	vpop (erf);
	[tilespmem:s8+$0xD740] =	vst v5;
	v5 =	vmul.f32 $1.442695020e+00, v17  }
0x12f: {  	(erf) = vpow2.f32 v16;
	[tilespmem:s8+$0xD7C0] =	vst v1;
	v1 =	vadd.f32 $1.000000000e+00, v13;
	v13 =	vpop (erf)  }
0x130: {  	(erf) = vpow2.f32 v5;
	v5 =	vadd.f32 $1.000000000e+00, v13;
	_ =	sdelay $0x1  }
0x131: {  	v15 =	vld [tilespmem:s17+$0x10]  }
0x132: {  	v16 =	vpop (erf);
	(erf) = vrcp.f32 v1  }
0x133: {  	v13 =	vld [tilespmem:s8+$0x1750];
	(erf) = vrcp.f32 v5;
	v5 =	vpop (erf)  }
0x134: {  	v1 =	vld [tilespmem:s8+$0x17D0];
	v5 =	vmul.f32 v5, v8;
	_ =	sdelay $0x1  }
0x135: {  	v8 =	vpop (erf);
	[tilespmem:s10+$0xD730] =	vst v5;
	v5 =	vunpack.i.u.bf16.f32 v15  }
0x136: {  	v4 =	vmul.f32 v8, v4;
	v8 =	vunpack.i.l.bf16.f32 v15  }
0x137: {  	v8 =	vadd.f32 v13, v8;
	v13 =	vadd.f32 $1.000000000e+00, v16;
	v15 =	vpop (erf)  }
0x138: {  	[tilespmem:s10+$0xD7B0] =	vst v4;
	v4 =	vadd.f32 v1, v5;
	v1 =	vadd.f32 $1.000000000e+00, v15;
	v5 =	vpop (erf)  }
0x139: {  	(erf) = vrcp.f32 v13;
	v5 =	vadd.f32 $1.000000000e+00, v5  }
0x13a: {  	v15 =	vld [tilespmem:s20+$0x0];
	(erf) = vrcp.f32 v1  }
0x13b: {  	v16 =	vsub.f32 $0.0e+00, v8;
	v13 =	vld [tilespmem:s10+$0x1740]  }
0x13c: {  	v17 =	vsub.f32 $0.0e+00, v4;
	v18 =	vpop (erf);
	v1 =	vld [tilespmem:s10+$0x17C0];
	(erf) = vrcp.f32 v5  }
0x13d: {  	v16 =	vmul.f32 $1.442695020e+00, v16;
	v5 =	vpop (erf)  }
0x13e: {  	v17 =	vmul.f32 $1.442695020e+00, v17;
	v5 =	vmul.f32 v5, v9;
	v9 =	vpop (erf)  }
0x13f: {  	v7 =	vmul.f32 v9, v7;
	v9 =	vunpack.i.l.bf16.f32 v15  }
0x140: {  	(erf) = vpow2.f32 v16;
	[tilespmem:s14+$0xD720] =	vst v5;
	v5 =	vunpack.i.u.bf16.f32 v15;
	v9 =	vadd.f32 v13, v9  }
0x141: {  	(erf) = vpow2.f32 v17;
	[tilespmem:s14+$0xD7A0] =	vst v7;
	v7 =	vadd.f32 v1, v5;
	v1 =	vadd.f32 $1.000000000e+00, v18  }
0x142: {  	v17 =	vpop (erf);
	v5 =	vld [tilespmem:s19+$0xFFFFFFF0]  }
0x143: {  	v13 =	vsub.f32 $0.0e+00, v9;
	v18 =	vpop (erf);
	v16 =	vsub.f32 $0.0e+00, v7;
	(erf) = vrcp.f32 v1;
	v1 =	vld [tilespmem:s14+$0x17B0]  }
0x144: {  	v15 =	vld [tilespmem:s14+$0x1730];
	v12 =	vmul.f32 v18, v12  }
0x145: {  	v13 =	vmul.f32 $1.442695020e+00, v13;
	v18 =	vpop (erf);
	v16 =	vmul.f32 $1.442695020e+00, v16  }
0x146: {  	v11 =	vmul.f32 v18, v11  }
0x147: {  	(erf) = vpow2.f32 v13;
	v13 =	vunpack.i.l.bf16.f32 v5;
	v5 =	vunpack.i.u.bf16.f32 v5  }
0x148: {  	(erf) = vpow2.f32 v16;
	[tilespmem:s22+$0xD790] =	vst v11;
	v11 =	vadd.f32 v1, v5  }
0x149: {  	[tilespmem:s22+$0xD710] =	vst v12;
	v12 =	vadd.f32 v15, v13;
	v16 =	vpop (erf)  }
0x14a: {  	v13 =	vadd.f32 $1.000000000e+00, v16;
	v15 =	vpop (erf);
	v16 =	vsub.f32 $0.0e+00, v11  }
0x14b: {  	v10 =	vmul.f32 v17, v10;
	v5 =	vld [tilespmem:s0+$0xFFFFFFE0];
	v1 =	vadd.f32 $1.000000000e+00, v15;
	v15 =	vsub.f32 $0.0e+00, v12  }
0x14c: {  	(erf) = vrcp.f32 v13;
	v13 =	vld [tilespmem:s22+$0x1720];
	v17 =	vpop (erf);
	v16 =	vmul.f32 $1.442695020e+00, v16  }
0x14d: {  	v18 =	vld [tilespmem:s22+$0x17A0];
	v15 =	vmul.f32 $1.442695020e+00, v15;
	v14 =	vmul.f32 v17, v14  }
0x14e: {  	s28 =	simm.s32 $0x99C0;
	(erf) = vrcp.f32 v1  }
0x14f: {  	s24 =	simm.s32 $0x500;
	v19 =	vld [tilespmem:s28+$0xFFFFFFC0];
	[tilespmem:s23+$0xD700] =	vst v10;
	(erf) = vpow2.f32 v15  }
0x150: {  	v10 =	vunpack.i.l.bf16.f32 v5;
	v15 =	vld [tilespmem:s24+$0x1700];
	[tilespmem:s23+$0xD780] =	vst v14;
	(erf) = vpow2.f32 v16;
	v16 =	vpop (erf)  }
0x151: {  	v5 =	vunpack.i.u.bf16.f32 v5;
	v10 =	vadd.f32 v13, v10;
	v13 =	vadd.f32 $1.000000000e+00, v16;
	v14 =	vpop (erf);
	v16 =	vld [tilespmem:s26+$0xFFFFFFD0]  }
0x152: {  	v17 =	vadd.f32 v18, v5;
	v5 =	vadd.f32 $1.000000000e+00, v14;
	v14 =	vld [tilespmem:s23+$0x1710]  }
0x153: {  	v18 =	vsub.f32 $0.0e+00, v10  }
0x154: {  	v20 =	vld [tilespmem:s23+$0x1790];
	v21 =	vsub.f32 $0.0e+00, v17;
	(erf) = vrcp.f32 v13;
	v13 =	vunpack.i.l.bf16.f32 v19  }
0x155: {  	(erf) = vrcp.f32 v5;
	v5 =	vadd.f32 v15, v13;
	v22 =	vpop (erf);
	v13 =	vmul.f32 $1.442695020e+00, v18  }
0x156: {  	v8 =	vmul.f32 v22, v8;
	v22 =	vunpack.i.l.bf16.f32 v16  }
0x157: {  	v21 =	vmul.f32 $1.442695020e+00, v21;
	v18 =	vld [tilespmem:s24+$0x1780];
	v15 =	vpop (erf);
	(erf) = vpow2.f32 v13;
	v13 =	vadd.f32 v14, v22  }
0x158: {  	v4 =	vmul.f32 v15, v4;
	v15 =	vsub.f32 $0.0e+00, v5;
	[tilespmem:s8+$0xD750] =	vst v8;
	v8 =	vunpack.i.u.bf16.f32 v16  }
0x159: {  	v8 =	vadd.f32 v20, v8;
	v20 =	vsub.f32 $0.0e+00, v13  }
0x15a: {  	(erf) = vpow2.f32 v21;
	v14 =	vpop (erf);
	[tilespmem:s8+$0xD7D0] =	vst v4;
	v4 =	vmul.f32 $1.442695020e+00, v15  }
0x15b: {  	v16 =	vunpack.i.u.bf16.f32 v19;
	v14 =	vadd.f32 $1.000000000e+00, v14;
	v15 =	vld [tilespmem:s17+$0x20]  }
0x15c: {  	v21 =	vld [tilespmem:s8+$0x1760];
	v19 =	vpop (erf);
	v16 =	vadd.f32 v18, v16;
	(erf) = vpow2.f32 v4  }
0x15d: {  	v18 =	vld [tilespmem:s8+$0x17E0];
	v4 =	vadd.f32 $1.000000000e+00, v19;
	(erf) = vrcp.f32 v14;
	v14 =	vmul.f32 $1.442695020e+00, v20;
	v20 =	vpop (erf)  }
0x15e: {  	v19 =	vsub.f32 $0.0e+00, v8;
	v9 =	vmul.f32 v20, v9  }
0x15f: {  	(erf) = vrcp.f32 v4;
	v4 =	vsub.f32 $0.0e+00, v16;
	v20 =	vpop (erf)  }
0x160: {  	v19 =	vmul.f32 $1.442695020e+00, v19;
	v7 =	vmul.f32 v20, v7;
	v20 =	vunpack.i.l.bf16.f32 v15  }
0x161: {  	(erf) = vpow2.f32 v14;
	v14 =	vunpack.i.u.bf16.f32 v15;
	v15 =	vadd.f32 v21, v20  }
0x162: {  	v4 =	vmul.f32 $1.442695020e+00, v4;
	[tilespmem:s10+$0xD740] =	vst v9;
	v14 =	vadd.f32 v18, v14;
	v9 =	vpop (erf)  }
0x163: {  	(erf) = vpow2.f32 v19;
	[tilespmem:s10+$0xD7C0] =	vst v7;
	v18 =	vsub.f32 $0.0e+00, v15;
	v7 =	vadd.f32 $1.000000000e+00, v9;
	v9 =	vpop (erf)  }
0x164: {  	(erf) = vpow2.f32 v4;
	v4 =	vadd.f32 $1.000000000e+00, v9  }
0x165: {  	(erf) = vrcp.f32 v7;
	v7 =	vmul.f32 $1.442695020e+00, v18;
	_ =	sdelay $0x1  }
0x166: {  	v19 =	vld [tilespmem:s20+$0x10];
	v18 =	vpop (erf)  }
0x167: {  	v9 =	vld [tilespmem:s10+$0x1750];
	(erf) = vrcp.f32 v4;
	v4 =	vpop (erf)  }
0x168: {  	v21 =	vld [tilespmem:s10+$0x17D0];
	(erf) = vpow2.f32 v7;
	v7 =	vpop (erf)  }
0x169: {  	v7 =	vmul.f32 v7, v11  }
0x16a: {  	v20 =	vsub.f32 $0.0e+00, v14;
	v4 =	vmul.f32 v4, v12  }
0x16b: {  	v11 =	vunpack.i.l.bf16.f32 v19  }
0x16c: {  	v20 =	vmul.f32 $1.442695020e+00, v20;
	v12 =	vpop (erf);
	[tilespmem:s14+$0xD730] =	vst v4;
	v4 =	vunpack.i.u.bf16.f32 v19;
	v9 =	vadd.f32 v9, v11  }
0x16d: {  	v11 =	vadd.f32 $1.000000000e+00, v18;
	[tilespmem:s14+$0xD7B0] =	vst v7;
	v18 =	vadd.f32 v21, v4;
	v7 =	vpop (erf)  }
0x16e: {  	(erf) = vpow2.f32 v20;
	v4 =	vadd.f32 $1.000000000e+00, v12;
	v12 =	vld [tilespmem:s19+$0x0];
	v7 =	vadd.f32 $1.000000000e+00, v7  }
0x16f: {  	v19 =	vsub.f32 $0.0e+00, v9;
	(erf) = vrcp.f32 v11;
	v11 =	vld [tilespmem:s14+$0x1740]  }
0x170: {  	v20 =	vsub.f32 $0.0e+00, v18  }
0x171: {  	v21 =	vpop (erf);
	(erf) = vrcp.f32 v4;
	v19 =	vmul.f32 $1.442695020e+00, v19  }
0x172: {  	v4 =	vld [tilespmem:s14+$0x17C0];
	v20 =	vmul.f32 $1.442695020e+00, v20;
	(erf) = vrcp.f32 v7;
	v7 =	vpop (erf)  }
0x173: {  	(erf) = vpow2.f32 v19;
	v19 =	vunpack.i.l.bf16.f32 v12;
	v7 =	vmul.f32 v7, v10;
	v10 =	vpop (erf)  }
0x174: {  	v11 =	vadd.f32 v11, v19;
	v10 =	vmul.f32 v10, v17  }
0x175: {  	v3 =	vld [tilespmem:s22+$0x1770];
	(erf) = vpow2.f32 v20;
	[tilespmem:s22+$0xD720] =	vst v7  }
0x176: {  	v21 =	vadd.f32 $1.000000000e+00, v21;
	v17 =	vpop (erf);
	v7 =	vunpack.i.u.bf16.f32 v12;
	[tilespmem:s22+$0xD7A0] =	vst v10;
	v10 =	vsub.f32 $0.0e+00, v11  }
0x177: {  	v17 =	vadd.f32 $1.000000000e+00, v17;
	v12 =	vpop (erf);
	v19 =	vadd.f32 v4, v7  }
0x178: {  	(erf) = vrcp.f32 v21;
	v4 =	vadd.f32 $1.000000000e+00, v12;
	v7 =	vld [tilespmem:s0+$0xFFFFFFF0]  }
0x179: {  	v21 =	vld [tilespmem:s22+$0x17B0];
	v20 =	vpop (erf);
	(erf) = vrcp.f32 v17;
	v17 =	vsub.f32 $0.0e+00, v19  }
0x17a: {  	v12 =	vld [tilespmem:s22+$0x1730];
	(erf) = vrcp.f32 v4;
	v4 =	vmul.f32 $1.442695020e+00, v10;
	v10 =	vpop (erf)  }
0x17b: {  	s31 =	simm.s32 $0x9A40;
	v17 =	vmul.f32 $1.442695020e+00, v17;
	v10 =	vmul.f32 v10, v13;
	v13 =	vpop (erf)  }
0x17c: {  	s25 =	simm.s32 $0x600;
	v22 =	vld [tilespmem:s31+$0xFFFFFFC0];
	(erf) = vpow2.f32 v4;
	v8 =	vmul.f32 v13, v8  }
0x17d: {  	v4 =	vunpack.i.l.bf16.f32 v7;
	(erf) = vpow2.f32 v17;
	v13 =	vpop (erf);
	v17 =	vld [tilespmem:s25+$0x1700];
	v7 =	vunpack.i.u.bf16.f32 v7  }
0x17e: {  	[tilespmem:s23+$0xD710] =	vst v10;
	v10 =	vadd.f32 $1.000000000e+00, v13;
	v13 =	vpop (erf);
	v21 =	vadd.f32 v21, v7  }
0x17f: {  	v12 =	vadd.f32 v12, v4;
	v7 =	vadd.f32 $1.000000000e+00, v13  }
0x180: {  	v5 =	vmul.f32 v20, v5;
	[tilespmem:s23+$0xD790] =	vst v8;
	(erf) = vrcp.f32 v10;
	v24 =	vsub.f32 $0.0e+00, v21  }
0x181: {  	v13 =	vld [tilespmem:s26+$0xFFFFFFE0];
	v20 =	vsub.f32 $0.0e+00, v12;
	v8 =	vpop (erf);
	(erf) = vrcp.f32 v7;
	v7 =	vunpack.i.l.bf16.f32 v22  }
0x182: {  	v23 =	vld [tilespmem:s23+$0x1720];
	v10 =	vpop (erf);
	v7 =	vadd.f32 v17, v7;
	v17 =	vmul.f32 $1.442695020e+00, v24  }
0x183: {  	[tilespmem:s24+$0xD700] =	vst v5;
	v5 =	vld [tilespmem:s23+$0x17A0];
	v10 =	vmul.f32 v10, v15;
	v15 =	vmul.f32 $1.442695020e+00, v20  }
0x184: {  	v8 =	vmul.f32 v8, v16;
	v16 =	vpop (erf)  }
0x185: {  	v14 =	vmul.f32 v16, v14;
	(erf) = vpow2.f32 v15  }
0x186: {  	[tilespmem:s24+$0xD780] =	vst v8;
	v16 =	vunpack.i.l.bf16.f32 v13;
	(erf) = vpow2.f32 v17;
	v17 =	vpop (erf)  }
0x187: {  	v8 =	vld [tilespmem:s8+$0x17F0];
	v13 =	vunpack.i.u.bf16.f32 v13;
	[tilespmem:s8+$0xD7E0] =	vst v14;
	v14 =	vadd.f32 v23, v16;
	v16 =	vadd.f32 $1.000000000e+00, v17;
	v17 =	vpop (erf)  }
0x188: {  	[tilespmem:s8+$0xD760] =	vst v10;
	v15 =	vld [tilespmem:s28+$0xFFFFFFD0];
	v5 =	vadd.f32 v5, v13;
	v13 =	vadd.f32 $1.000000000e+00, v17  }
0x189: {  	v20 =	vld [tilespmem:s17+$0x30]  }
0x18a: {  	v10 =	vsub.f32 $0.0e+00, v7;
	v23 =	vld [tilespmem:s24+$0x1710]  }
0x18b: {  	v17 =	vld [tilespmem:s24+$0x1790];
	v24 =	vsub.f32 $0.0e+00, v14;
	(erf) = vrcp.f32 v16  }
0x18c: {  	v10 =	vmul.f32 $1.442695020e+00, v10;
	v16 =	vsub.f32 $0.0e+00, v5;
	(erf) = vrcp.f32 v13;
	v13 =	vpop (erf)  }
0x18d: {  	v24 =	vmul.f32 $1.442695020e+00, v24;
	v9 =	vmul.f32 v13, v9;
	v13 =	vpop (erf)  }
0x18e: {  	v26 =	vld [tilespmem:s25+$0x1780];
	v16 =	vmul.f32 $1.442695020e+00, v16;
	v13 =	vmul.f32 v13, v18;
	v18 =	vunpack.i.u.bf16.f32 v20  }
0x18f: {  	v25 =	vunpack.i.u.bf16.f32 v15;
	v15 =	vunpack.i.l.bf16.f32 v15;
	v8 =	vadd.f32 v8, v18  }
0x190: {  	v15 =	vadd.f32 v23, v15;
	(erf) = vpow2.f32 v24;
	v17 =	vadd.f32 v17, v25;
	[tilespmem:s10+$0xD750] =	vst v9  }
0x191: {  	(erf) = vpow2.f32 v16;
	[tilespmem:s10+$0xD7D0] =	vst v13;
	v13 =	vunpack.i.u.bf16.f32 v22;
	v9 =	vpop (erf);
	v22 =	vsub.f32 $0.0e+00, v8  }
0x192: {  	v23 =	vsub.f32 $0.0e+00, v15;
	(erf) = vpow2.f32 v10;
	v9 =	vadd.f32 $1.000000000e+00, v9;
	v16 =	vpop (erf)  }
0x193: {  	v10 =	vadd.f32 v26, v13;
	v16 =	vadd.f32 $1.000000000e+00, v16;
	v13 =	vmul.f32 $1.442695020e+00, v22  }
0x194: {  	v18 =	vld [tilespmem:s20+$0x20];
	v22 =	vmul.f32 $1.442695020e+00, v23;
	v23 =	vsub.f32 $0.0e+00, v17;
	(erf) = vrcp.f32 v9  }
0x195: {  	v24 =	vld [tilespmem:s10+$0x1760];
	(erf) = vrcp.f32 v16  }
0x196: {  	v9 =	vld [tilespmem:s10+$0x17E0];
	(erf) = vpow2.f32 v13;
	v13 =	vmul.f32 $1.442695020e+00, v23  }
0x197: {  	v16 =	vpop (erf)  }
0x198: {  	v25 =	vsub.f32 $0.0e+00, v10;
	(erf) = vpow2.f32 v22;
	v11 =	vmul.f32 v16, v11;
	v16 =	vpop (erf)  }
0x199: {  	(erf) = vpow2.f32 v13;
	v16 =	vmul.f32 v16, v19;
	v19 =	vunpack.i.l.bf16.f32 v18  }
0x19a: {  	v18 =	vunpack.i.u.bf16.f32 v18;
	v19 =	vadd.f32 v24, v19;
	[tilespmem:s14+$0xD740] =	vst v11;
	v11 =	vmul.f32 $1.442695020e+00, v25;
	v13 =	vpop (erf)  }
0x19b: {  	v18 =	vadd.f32 v9, v18;
	v9 =	vadd.f32 $1.000000000e+00, v13;
	v13 =	vpop (erf)  }
0x19c: {  	[tilespmem:s14+$0xD7C0] =	vst v16;
	(erf) = vpow2.f32 v11;
	v11 =	vadd.f32 $1.000000000e+00, v13  }
0x19d: {  	v16 =	vsub.f32 $0.0e+00, v19;
	v22 =	vld [tilespmem:s19+$0x10]  }
0x19e: {  	v13 =	vld [tilespmem:s14+$0x1750]  }
0x19f: {  	v23 =	vsub.f32 $0.0e+00, v18;
	v24 =	vpop (erf);
	(erf) = vrcp.f32 v9;
	v9 =	vmul.f32 $1.442695020e+00, v16;
	v16 =	vld [tilespmem:s14+$0x17D0]  }
0x1a0: {  	(erf) = vrcp.f32 v11;
	v11 =	vpop (erf)  }
0x1a1: {  	v23 =	vmul.f32 $1.442695020e+00, v23;
	v25 =	vpop (erf);
	v11 =	vmul.f32 v11, v12  }
0x1a2: {  	(erf) = vpow2.f32 v9;
	v9 =	vunpack.i.l.bf16.f32 v20;
	v12 =	vmul.f32 v25, v21;
	v20 =	vpop (erf)  }
0x1a3: {  	v21 =	vunpack.i.l.bf16.f32 v22;
	v20 =	vadd.f32 $1.000000000e+00, v20;
	[tilespmem:s22+$0xD730] =	vst v11;
	v11 =	vunpack.i.u.bf16.f32 v22;
	v22 =	vpop (erf)  }
0x1a4: {  	v13 =	vadd.f32 v13, v21;
	v11 =	vadd.f32 v16, v11;
	v16 =	vpop (erf)  }
0x1a5: {  	(erf) = vpow2.f32 v23;
	v21 =	vadd.f32 $1.000000000e+00, v24;
	[tilespmem:s22+$0xD7B0] =	vst v12;
	v16 =	vadd.f32 $1.000000000e+00, v16  }
0x1a6: {  	v12 =	vadd.f32 $1.000000000e+00, v22;
	(erf) = vrcp.f32 v20;
	v20 =	vld [tilespmem:s0+$0x0];
	v22 =	vsub.f32 $0.0e+00, v13  }
0x1a7: {  	v0 =	vadd.f32 v0, v9;
	v9 =	vld [tilespmem:s22+$0x1740];
	(erf) = vrcp.f32 v21;
	v21 =	vsub.f32 $0.0e+00, v11  }
0x1a8: {  	v23 =	vpop (erf);
	(erf) = vrcp.f32 v12;
	v22 =	vmul.f32 $1.442695020e+00, v22  }
0x1a9: {  	(erf) = vrcp.f32 v16;
	v21 =	vmul.f32 $1.442695020e+00, v21;
	v16 =	vpop (erf)  }
0x1aa: {  	v23 =	vadd.f32 $1.000000000e+00, v23;
	v12 =	vld [tilespmem:s22+$0x17C0];
	(erf) = vpow2.f32 v22;
	v14 =	vmul.f32 v16, v14;
	v16 =	vpop (erf)  }
0x1ab: {  	v22 =	vunpack.i.l.bf16.f32 v20;
	(erf) = vpow2.f32 v21;
	v5 =	vmul.f32 v16, v5;
	v16 =	vpop (erf)  }
0x1ac: {  	v1 =	vld [tilespmem:s23+$0x1770];
	v16 =	vadd.f32 $1.000000000e+00, v16;
	[tilespmem:s23+$0xD720] =	vst v14;
	v14 =	vunpack.i.u.bf16.f32 v20;
	v20 =	vadd.f32 v9, v22  }
0x1ad: {  	v24 =	vsub.f32 $0.0e+00, v0;
	(erf) = vrcp.f32 v23  }
0x1ae: {  	v9 =	vpop (erf);
	[tilespmem:s23+$0xD7A0] =	vst v5;
	(erf) = vrcp.f32 v16;
	v16 =	vsub.f32 $0.0e+00, v20  }
0x1af: {  	v14 =	vadd.f32 v12, v14;
	v5 =	vadd.f32 $1.000000000e+00, v9;
	v12 =	vld [tilespmem:s26+$0xFFFFFFF0]  }
0x1b0: {  	v21 =	vmul.f32 $1.442695020e+00, v24;
	v22 =	vld [tilespmem:s23+$0x1730];
	v9 =	vpop (erf)  }
0x1b1: {  	v25 =	vld [tilespmem:s23+$0x17B0];
	v23 =	vsub.f32 $0.0e+00, v14;
	(erf) = vrcp.f32 v5;
	v24 =	vpop (erf)  }
0x1b2: {  	v5 =	vmul.f32 $1.442695020e+00, v16;
	(erf) = vpow2.f32 v21;
	v16 =	vpop (erf)  }
0x1b3: {  	v23 =	vmul.f32 $1.442695020e+00, v23;
	v15 =	vmul.f32 v16, v15;
	v16 =	vpop (erf)  }
0x1b4: {  	s1 =	simm.s32 $0x9AC0;
	(erf) = vpow2.f32 v5;
	v5 =	vunpack.i.l.bf16.f32 v12;
	v16 =	vmul.f32 v16, v17;
	v17 =	vpop (erf)  }
0x1b5: {  	s12 =	simm.s32 $0x700;
	v21 =	vld [tilespmem:s1+$0xFFFFFFC0];
	v12 =	vunpack.i.u.bf16.f32 v12;
	[tilespmem:s24+$0xD710] =	vst v15;
	v15 =	vadd.f32 v22, v5;
	v17 =	vadd.f32 $1.000000000e+00, v17  }
0x1b6: {  	(erf) = vpow2.f32 v23;
	v23 =	vld [tilespmem:s12+$0x1700];
	v22 =	vpop (erf);
	[tilespmem:s24+$0xD790] =	vst v16;
	v16 =	vadd.f32 v25, v12  }
0x1b7: {  	v7 =	vmul.f32 v24, v7;
	v12 =	vadd.f32 $1.000000000e+00, v22;
	v25 =	vsub.f32 $0.0e+00, v15  }
0x1b8: {  	v22 =	vpop (erf);
	v24 =	vld [tilespmem:s28+$0xFFFFFFE0];
	(erf) = vrcp.f32 v17  }
0x1b9: {  	[tilespmem:s25+$0xD700] =	vst v7;
	v27 =	vsub.f32 $0.0e+00, v16;
	(erf) = vrcp.f32 v12;
	v17 =	vpop (erf);
	v7 =	vmul.f32 $1.442695020e+00, v25  }
0x1ba: {  	v12 =	vmul.f32 v17, v19;
	v17 =	vmul.f32 v22, v10;
	v10 =	vunpack.i.l.bf16.f32 v21  }
0x1bb: {  	v26 =	vld [tilespmem:s24+$0x1720];
	v10 =	vadd.f32 v23, v10;
	v23 =	vmul.f32 $1.442695020e+00, v27  }
0x1bc: {  	v19 =	vld [tilespmem:s24+$0x17A0]  }
0x1bd: {  	v22 =	vpop (erf);
	v25 =	vunpack.i.l.bf16.f32 v24  }
0x1be: {  	v18 =	vmul.f32 v22, v18;
	(erf) = vpow2.f32 v7;
	v7 =	vpop (erf)  }
0x1bf: {  	[tilespmem:s25+$0xD780] =	vst v17;
	(erf) = vpow2.f32 v23;
	v23 =	vpop (erf)  }
0x1c0: {  	v27 =	vld [tilespmem:s25+$0x1710];
	[tilespmem:s10+$0xD7E0] =	vst v18;
	v18 =	vunpack.i.u.bf16.f32 v24;
	v24 =	vadd.f32 v26, v25;
	v25 =	vpop (erf)  }
0x1c1: {  	[tilespmem:s10+$0xD760] =	vst v12;
	v22 =	vld [tilespmem:s31+$0xFFFFFFD0];
	v18 =	vadd.f32 v19, v18;
	v19 =	vadd.f32 $1.000000000e+00, v25  }
0x1c2: {  	v17 =	vsub.f32 $0.0e+00, v10;
	v26 =	vld [tilespmem:s20+$0x30];
	v23 =	vadd.f32 $1.000000000e+00, v23  }
0x1c3: {  	v12 =	vld [tilespmem:s10+$0x17F0];
	v28 =	vsub.f32 $0.0e+00, v24  }
0x1c4: {  	v17 =	vmul.f32 $1.442695020e+00, v17;
	v25 =	vld [tilespmem:s25+$0x1790];
	(erf) = vrcp.f32 v23  }
0x1c5: {  	v28 =	vmul.f32 $1.442695020e+00, v28;
	v23 =	vsub.f32 $0.0e+00, v18;
	(erf) = vrcp.f32 v19;
	v19 =	vpop (erf)  }
0x1c6: {  	v29 =	vunpack.i.u.bf16.f32 v22;
	v22 =	vunpack.i.l.bf16.f32 v22;
	v13 =	vmul.f32 v19, v13;
	v19 =	vpop (erf)  }
0x1c7: {  	v23 =	vmul.f32 $1.442695020e+00, v23;
	v11 =	vmul.f32 v19, v11;
	v19 =	vunpack.i.u.bf16.f32 v26  }
0x1c8: {  	(erf) = vpow2.f32 v28;
	[tilespmem:s14+$0xD750] =	vst v13;
	v13 =	vadd.f32 v12, v19;
	v19 =	vadd.f32 v27, v22;
	v12 =	vpop (erf)  }
0x1c9: {  	v22 =	vadd.f32 v25, v29;
	[tilespmem:s14+$0xD7D0] =	vst v11;
	v11 =	vunpack.i.u.bf16.f32 v21;
	v21 =	vadd.f32 $1.000000000e+00, v12;
	v12 =	vpop (erf)  }
0x1ca: {  	(erf) = vpow2.f32 v23;
	v25 =	vsub.f32 $0.0e+00, v13;
	v27 =	vadd.f32 $1.000000000e+00, v12  }
0x1cb: {  	(erf) = vpow2.f32 v17  }
0x1cc: {  	v30 =	vld [tilespmem:s12+$0x1780];
	(erf) = vrcp.f32 v21;
	v21 =	vmul.f32 $1.442695020e+00, v25  }
0x1cd: {  	v25 =	vsub.f32 $0.0e+00, v22;
	(erf) = vrcp.f32 v27  }
0x1ce: {  	v17 =	vsub.f32 $0.0e+00, v19;
	v27 =	vpop (erf);
	(erf) = vpow2.f32 v21  }
0x1cf: {  	v23 =	vld [tilespmem:s19+$0x20];
	v21 =	vmul.f32 $1.442695020e+00, v25;
	v20 =	vmul.f32 v27, v20;
	v27 =	vpop (erf)  }
0x1d0: {  	v28 =	vld [tilespmem:s14+$0x1760];
	v17 =	vmul.f32 $1.442695020e+00, v17;
	v14 =	vmul.f32 v27, v14  }
0x1d1: {  	v12 =	vadd.f32 v30, v11;
	v11 =	vld [tilespmem:s14+$0x17E0]  }
0x1d2: {  	(erf) = vpow2.f32 v17  }
0x1d3: {  	v29 =	vsub.f32 $0.0e+00, v12;
	(erf) = vpow2.f32 v21;
	v21 =	vpop (erf)  }
0x1d4: {  	v25 =	vunpack.i.l.bf16.f32 v23;
	v17 =	vunpack.i.u.bf16.f32 v23;
	[tilespmem:s22+$0xD7C0] =	vst v14;
	v14 =	vpop (erf)  }
0x1d5: {  	v23 =	vadd.f32 v28, v25;
	[tilespmem:s22+$0xD740] =	vst v20;
	v20 =	vmul.f32 $1.442695020e+00, v29;
	v14 =	vadd.f32 $1.000000000e+00, v14  }
0x1d6: {  	v17 =	vadd.f32 v11, v17;
	v11 =	vadd.f32 $1.000000000e+00, v21  }
0x1d7: {  	v21 =	vsub.f32 $0.0e+00, v23;
	v25 =	vld [tilespmem:s0+$0x10];
	(erf) = vpow2.f32 v20  }
0x1d8: {  	v20 =	vsub.f32 $0.0e+00, v17;
	v28 =	vpop (erf);
	(erf) = vrcp.f32 v11  }
0x1d9: {  	v11 =	vmul.f32 $1.442695020e+00, v21;
	v21 =	vld [tilespmem:s22+$0x17D0];
	(erf) = vrcp.f32 v14;
	v14 =	vpop (erf)  }
0x1da: {  	v27 =	vld [tilespmem:s22+$0x1750];
	v20 =	vmul.f32 $1.442695020e+00, v20;
	v14 =	vmul.f32 v14, v15;
	v15 =	vpop (erf)  }
0x1db: {  	(erf) = vpow2.f32 v11;
	v11 =	vmul.f32 v15, v16;
	v15 =	vpop (erf)  }
0x1dc: {  	v16 =	vunpack.i.l.bf16.f32 v25;
	[tilespmem:s23+$0xD730] =	vst v14;
	v14 =	vadd.f32 $1.000000000e+00, v15  }
0x1dd: {  	(erf) = vpow2.f32 v20;
	v20 =	vadd.f32 $1.000000000e+00, v28;
	v15 =	vunpack.i.u.bf16.f32 v25;
	v25 =	vpop (erf)  }
0x1de: {  	v15 =	vadd.f32 v21, v15;
	v21 =	vpop (erf);
	(erf) = vrcp.f32 v14  }
0x1df: {  	v16 =	vadd.f32 v27, v16;
	[tilespmem:s23+$0xD7B0] =	vst v11;
	(erf) = vrcp.f32 v20;
	v20 =	vadd.f32 $1.000000000e+00, v21  }
0x1e0: {  	v11 =	vadd.f32 $1.000000000e+00, v25;
	v25 =	vld [tilespmem:s26+$0x0]  }
0x1e1: {  	v14 =	vsub.f32 $0.0e+00, v16;
	v21 =	vld [tilespmem:s23+$0x1740]  }
0x1e2: {  	v26 =	vunpack.i.l.bf16.f32 v26;
	v28 =	vpop (erf);
	(erf) = vrcp.f32 v11;
	v11 =	vld [tilespmem:s23+$0x17C0]  }
0x1e3: {  	v27 =	vsub.f32 $0.0e+00, v15;
	v14 =	vmul.f32 $1.442695020e+00, v14;
	(erf) = vrcp.f32 v20;
	v20 =	vpop (erf)  }
0x1e4: {  	v6 =	vadd.f32 v6, v26;
	v20 =	vmul.f32 v20, v24  }
0x1e5: {  	v26 =	vmul.f32 $1.442695020e+00, v27;
	v27 =	vadd.f32 $1.000000000e+00, v28;
	(erf) = vpow2.f32 v14;
	v24 =	vpop (erf)  }
0x1e6: {  	v4 =	vld [tilespmem:s24+$0x1770];
	v14 =	vmul.f32 v24, v18;
	v18 =	vunpack.i.l.bf16.f32 v25;
	v24 =	vpop (erf);
	[tilespmem:s24+$0xD720] =	vst v20;
	v20 =	vunpack.i.u.bf16.f32 v25  }
0x1e7: {  	v18 =	vadd.f32 v21, v18;
	v21 =	vpop (erf);
	v25 =	vadd.f32 v11, v20  }
0x1e8: {  	(erf) = vpow2.f32 v26;
	[tilespmem:s24+$0xD7A0] =	vst v14;
	v11 =	vsub.f32 $0.0e+00, v6;
	v14 =	vadd.f32 $1.000000000e+00, v21  }
0x1e9: {  	(erf) = vrcp.f32 v27;
	v24 =	vadd.f32 $1.000000000e+00, v24  }
0x1ea: {  	v20 =	vld [tilespmem:s28+$0xFFFFFFF0];
	v21 =	vsub.f32 $0.0e+00, v18;
	v11 =	vmul.f32 $1.442695020e+00, v11  }
0x1eb: {  	v27 =	vpop (erf);
	(erf) = vrcp.f32 v24;
	v24 =	vld [tilespmem:s24+$0x1730];
	v26 =	vsub.f32 $0.0e+00, v25  }
0x1ec: {  	v28 =	vld [tilespmem:s24+$0x17B0];
	(erf) = vrcp.f32 v14;
	v21 =	vmul.f32 $1.442695020e+00, v21;
	v14 =	vpop (erf)  }
0x1ed: {  	v26 =	vmul.f32 $1.442695020e+00, v26;
	v29 =	vpop (erf)  }
0x1ee: {  	v30 =	vadd.f32 $1.000000000e+00, v7;
	(erf) = vpow2.f32 v11;
	v7 =	vmul.f32 v29, v19;
	v11 =	vpop (erf)  }
0x1ef: {  	s17 =	simm.s32 $0x9B40;
	(erf) = vpow2.f32 v21;
	v19 =	vmul.f32 v11, v22;
	v11 =	vunpack.i.l.bf16.f32 v20  }
0x1f0: {  	s2 =	simm.s32 $0x800;
	v29 =	vld [tilespmem:s17+$0xFFFFFFC0];
	(erf) = vpow2.f32 v26;
	v21 =	vpop (erf);
	v20 =	vunpack.i.u.bf16.f32 v20;
	[tilespmem:s25+$0xD710] =	vst v7;
	v11 =	vadd.f32 v24, v11  }
0x1f1: {  	v10 =	vmul.f32 v14, v10;
	v22 =	vld [tilespmem:s2+$0x1700];
	v21 =	vadd.f32 $1.000000000e+00, v21;
	v24 =	vpop (erf);
	[tilespmem:s25+$0xD790] =	vst v19;
	v19 =	vadd.f32 v28, v20  }
0x1f2: {  	(erf) = vrcp.f32 v30;
	v20 =	vadd.f32 $1.000000000e+00, v24;
	v14 =	vpop (erf);
	v24 =	vld [tilespmem:s31+$0xFFFFFFE0];
	v26 =	vsub.f32 $0.0e+00, v11  }
0x1f3: {  	(erf) = vrcp.f32 v21;
	v21 =	vld [tilespmem:s25+$0x1720];
	v14 =	vmul.f32 v14, v12  }
0x1f4: {  	v30 =	vpop (erf);
	v28 =	vsub.f32 $0.0e+00, v19;
	(erf) = vrcp.f32 v20  }
0x1f5: {  	v31 =	vld [tilespmem:s25+$0x17A0];
	[tilespmem:s12+$0xD700] =	vst v10;
	v20 =	vunpack.i.l.bf16.f32 v29;
	v23 =	vmul.f32 v30, v23;
	v10 =	vmul.f32 $1.442695020e+00, v26  }
0x1f6: {  	v12 =	vadd.f32 v22, v20;
	[tilespmem:s12+$0xD780] =	vst v14;
	v20 =	vmul.f32 $1.442695020e+00, v28;
	v26 =	vpop (erf)  }
0x1f7: {  	[tilespmem:s14+$0xD760] =	vst v23;
	(erf) = vpow2.f32 v10;
	v17 =	vmul.f32 v26, v17;
	v14 =	vpop (erf);
	v23 =	vunpack.i.l.bf16.f32 v24  }
0x1f8: {  	(erf) = vpow2.f32 v20;
	v28 =	vpop (erf);
	v20 =	vadd.f32 v21, v23  }
0x1f9: {  	v10 =	vld [tilespmem:s14+$0x17F0];
	v23 =	vmul.f32 v9, v8;
	[tilespmem:s14+$0xD7E0] =	vst v17;
	v17 =	vunpack.i.u.bf16.f32 v24;
	v8 =	vadd.f32 $1.000000000e+00, v28;
	v9 =	vpop (erf)  }
0x1fa: {  	v26 =	vld [tilespmem:s1+$0xFFFFFFD0];
	v21 =	vadd.f32 v31, v17;
	v9 =	vadd.f32 $1.000000000e+00, v9  }
0x1fb: {  	v27 =	vmul.f32 v27, v13;
	v24 =	vld [tilespmem:s19+$0x30];
	v13 =	vsub.f32 $0.0e+00, v20  }
0x1fc: {  	v17 =	vld [tilespmem:s12+$0x1710];
	v30 =	vsub.f32 $0.0e+00, v21  }
0x1fd: {  	v28 =	vld [tilespmem:s12+$0x1790];
	(erf) = vrcp.f32 v8;
	v31 =	vmul.f32 $1.442695020e+00, v13;
	v8 =	vpop (erf)  }
0x1fe: {  	v22 =	vsub.f32 $0.0e+00, v12;
	(erf) = vrcp.f32 v9;
	v9 =	vpop (erf);
	v30 =	vmul.f32 $1.442695020e+00, v30  }
0x1ff: {  	v13 =	vadd.f32 $1.000000000e+00, v14;
	(erf) = vpow2.f32 v31;
	v9 =	vmul.f32 v9, v16;
	v14 =	vpop (erf)  }
0x200: {  	v16 =	vunpack.i.l.bf16.f32 v26;
	v14 =	vmul.f32 v14, v15;
	v15 =	vunpack.i.u.bf16.f32 v24  }
0x201: {  	v31 =	vunpack.i.u.bf16.f32 v26;
	v16 =	vadd.f32 v17, v16;
	[tilespmem:s22+$0xD750] =	vst v9;
	v9 =	vadd.f32 v10, v15;
	v10 =	vpop (erf)  }
0x202: {  	v32 =	vld [tilespmem:s2+$0x1780];
	v22 =	vmul.f32 $1.442695020e+00, v22;
	v15 =	vadd.f32 v28, v31;
	v10 =	vadd.f32 $1.000000000e+00, v10;
	v17 =	vpop (erf)  }
0x203: {  	(erf) = vpow2.f32 v30;
	[tilespmem:s22+$0xD7D0] =	vst v14;
	v28 =	vsub.f32 $0.0e+00, v9;
	v17 =	vadd.f32 $1.000000000e+00, v17  }
0x204: {  	(erf) = vpow2.f32 v22;
	v14 =	vunpack.i.u.bf16.f32 v29;
	v26 =	vld [tilespmem:s0+$0x20]  }
0x205: {  	v22 =	vsub.f32 $0.0e+00, v16;
	v29 =	vld [tilespmem:s22+$0x1760];
	(erf) = vrcp.f32 v10;
	v10 =	vmul.f32 $1.442695020e+00, v28  }
0x206: {  	v30 =	vld [tilespmem:s22+$0x17E0];
	v28 =	vsub.f32 $0.0e+00, v15;
	(erf) = vrcp.f32 v17  }
0x207: {  	v14 =	vadd.f32 v32, v14;
	v22 =	vmul.f32 $1.442695020e+00, v22;
	v17 =	vpop (erf);
	(erf) = vpow2.f32 v10  }
0x208: {  	[tilespmem:s8+$0xD7F0] =	vst v23;
	v23 =	vunpack.i.l.bf16.f32 v24;
	v28 =	vmul.f32 $1.442695020e+00, v28;
	v17 =	vmul.f32 v17, v18;
	v18 =	vpop (erf)  }
0x209: {  	v5 =	vld [tilespmem:s25+$0x1770];
	v31 =	vsub.f32 $0.0e+00, v14;
	v10 =	vunpack.i.l.bf16.f32 v26;
	v18 =	vmul.f32 v18, v25  }
0x20a: {  	v7 =	vld [tilespmem:s12+$0x1770];
	(erf) = vpow2.f32 v22;
	v22 =	vunpack.i.u.bf16.f32 v26;
	[tilespmem:s23+$0xD740] =	vst v17;
	v17 =	vadd.f32 v29, v10  }
0x20b: {  	v24 =	vld [tilespmem:s23+$0x1750];
	(erf) = vpow2.f32 v28;
	v25 =	vpop (erf);
	v29 =	vmul.f32 $1.442695020e+00, v31;
	[tilespmem:s23+$0xD7C0] =	vst v18;
	v18 =	vadd.f32 v30, v22  }
0x20c: {  	v25 =	vadd.f32 $1.000000000e+00, v25;
	v28 =	vpop (erf);
	v22 =	vld [tilespmem:s26+$0x10];
	v26 =	vsub.f32 $0.0e+00, v17  }
0x20d: {  	s16 =	simm.s32 $0x9B40;
	s20 =	simm.s32 $0x2400;
	[tilespmem:s10+$0xD7F0] =	vst v27;
	s19 =	sshll.u32 s18, $0x1;
	v10 =	vld [tilespmem:s2+$0x1770];
	(erf) = vpow2.f32 v29;
	v27 =	vadd.f32 $1.000000000e+00, v28;
	v28 =	vsub.f32 $0.0e+00, v18  }
.LBB2_7:
0x20e: {  	p1 =	sne.s32 s20, $0xFC00;
	v29 =	vpop (erf);
	(erf) = vrcp.f32 v25;
	v25 =	vld [tilespmem:s23+$0x17D0];
	v26 =	vmul.f32 $1.442695020e+00, v26;
	v30 =	vadd.f32 v2, v23  }
0x20f: {  	v2 =	vmov v3;
	(erf) = vrcp.f32 v27;
	v23 =	vpop (erf);
	v27 =	vmul.f32 $1.442695020e+00, v28  }
0x210: {  	v28 =	vmul.f32 v23, v11;
	v11 =	vpop (erf);
	(erf) = vpow2.f32 v26;
	v26 =	vsub.f32 $0.0e+00, v30  }
0x211: {  	v11 =	vmul.f32 v11, v19;
	v19 =	vunpack.i.l.bf16.f32 v22;
	(erf) = vpow2.f32 v27;
	v23 =	vpop (erf)  }
0x212: {  	v3 =	vmovc v1;
	v1 =	vmovc v4;
	v27 =	vunpack.i.u.bf16.f32 v22;
	[tilespmem:s24+$0xD730] =	vst v28;
	v22 =	vadd.f32 v24, v19;
	v19 =	vadd.f32 $1.000000000e+00, v23  }
0x213: {  	v31 =	vadd.f32 $1.000000000e+00, v29;
	v24 =	vpop (erf);
	[tilespmem:s24+$0xD7B0] =	vst v11;
	v23 =	vadd.f32 v25, v27;
	v11 =	vmul.f32 $1.442695020e+00, v26  }
0x214: {  	v24 =	vadd.f32 $1.000000000e+00, v24;
	v25 =	vpop (erf);
	v26 =	vld [tilespmem:s28+$0x0];
	v27 =	vsub.f32 $0.0e+00, v22;
	(erf) = vrcp.f32 v19  }
0x215: {  	v4 =	vmovc v5;
	v5 =	vmovc v7;
	(erf) = vrcp.f32 v31;
	v19 =	vadd.f32 $1.000000000e+00, v25;
	v25 =	vld [tilespmem:s24+$0x1740];
	v28 =	vsub.f32 $0.0e+00, v23  }
0x216: {  	v7 =	vmov v10;
	v29 =	vpop (erf);
	(erf) = vrcp.f32 v24;
	v31 =	vld [tilespmem:s24+$0x17C0];
	v24 =	vmul.f32 $1.442695020e+00, v27  }
0x217: {  	(erf) = vrcp.f32 v19;
	v10 =	vpop (erf);
	v28 =	vmul.f32 $1.442695020e+00, v28  }
0x218: {  	v27 =	vadd.f32 $1.000000000e+00, v29;
	v10 =	vmul.f32 v10, v20;
	v20 =	vpop (erf);
	(erf) = vpow2.f32 v24  }
0x219: {  	v20 =	vmul.f32 v20, v21;
	v29 =	vunpack.i.l.bf16.f32 v26;
	(erf) = vpow2.f32 v28;
	v19 =	vpop (erf)  }
0x21a: {  	[tilespmem:s25+$0xD720] =	vst v10;
	v10 =	vunpack.i.u.bf16.f32 v26;
	v24 =	vadd.f32 v25, v29;
	v19 =	vadd.f32 $1.000000000e+00, v19;
	v21 =	vpop (erf)  }
0x21b: {  	(erf) = vrcp.f32 v27;
	[tilespmem:s25+$0xD7A0] =	vst v20;
	v25 =	vadd.f32 v31, v10;
	v28 =	vadd.f32 $1.000000000e+00, v21  }
0x21c: {  	v29 =	vmul.f32 v8, v0;
	v0 =	vmovc v6;
	v6 =	vmovc v30;
	v20 =	vld [tilespmem:s31+$0xFFFFFFF0];
	v21 =	vsub.f32 $0.0e+00, v24;
	(erf) = vrcp.f32 v19  }
0x21d: {  	v19 =	vld [tilespmem:s25+$0x1730];
	v26 =	vsub.f32 $0.0e+00, v25;
	(erf) = vrcp.f32 v28;
	v10 =	vpop (erf)  }
0x21e: {  	v27 =	vpop (erf);
	v28 =	vld [tilespmem:s25+$0x17B0];
	v21 =	vmul.f32 $1.442695020e+00, v21;
	v9 =	vmul.f32 v10, v9;
	[tilespmem:s8+$0xD770] =	vst v29;
	s8 =	smov.u32 s10;
	s10 =	smov.u32 s14;
	s14 =	smov.u32 s22  }
0x21f: {  	s22 =	smov.u32 s23;
	s23 =	smov.u32 s24;
	s24 =	smov.u32 s25;
	v8 =	vpop (erf);
	v29 =	vmul.f32 $1.442695020e+00, v26;
	(erf) = vpow2.f32 v11  }
0x220: {  	s17 =	sadd.s32 $0x80, s17;
	s25 =	smov.u32 s12;
	s12 =	smov.u32 s2;
	v8 =	vmul.f32 v8, v16;
	v11 =	vpop (erf);
	(erf) = vpow2.f32 v21;
	[tilespmem:s10+$0xD7F0] =	vst v9  }
0x221: {  	s2 =	sshra.s32 s20, $0x2;
	v26 =	vld [tilespmem:s17+$0xFFFFFFC0];
	v9 =	vmul.f32 v11, v15;
	v11 =	vunpack.i.l.bf16.f32 v20;
	(erf) = vpow2.f32 v29;
	v10 =	vpop (erf)  }
0x222: {  	v15 =	vld [tilespmem:s2+$0x1700];
	[tilespmem:s25+$0xD710] =	vst v8;
	v8 =	vunpack.i.u.bf16.f32 v20;
	v11 =	vadd.f32 v19, v11;
	v16 =	vadd.f32 $1.000000000e+00, v10;
	v20 =	vpop (erf)  }
0x223: {  	v10 =	vld [tilespmem:s2+$0x1770];
	[tilespmem:s25+$0xD790] =	vst v9;
	v19 =	vadd.f32 v28, v8;
	v28 =	vadd.f32 $1.000000000e+00, v20;
	(erf) = vrcp.f32 v13  }
0x224: {  	v9 =	vmul.f32 v27, v12;
	v12 =	vpop (erf);
	v13 =	vld [tilespmem:s1+$0xFFFFFFE0];
	v20 =	vsub.f32 $0.0e+00, v11;
	(erf) = vrcp.f32 v16  }
0x225: {  	v14 =	vmul.f32 v12, v14;
	v16 =	vld [tilespmem:s25+$0x1720];
	v21 =	vsub.f32 $0.0e+00, v19;
	(erf) = vrcp.f32 v28;
	v8 =	vpop (erf)  }
0x226: {  	v12 =	vunpack.i.l.bf16.f32 v26;
	[tilespmem:s12+$0xD700] =	vst v9;
	v9 =	vld [tilespmem:s25+$0x17A0];
	v20 =	vmul.f32 $1.442695020e+00, v20;
	v27 =	vmul.f32 v8, v17;
	v17 =	vpop (erf)  }
0x227: {  	v12 =	vadd.f32 v15, v12;
	[tilespmem:s12+$0xD780] =	vst v14;
	v21 =	vmul.f32 $1.442695020e+00, v21;
	v28 =	vmul.f32 v17, v18  }
0x228: {  	(erf) = vpow2.f32 v20;
	[tilespmem:s14+$0xD760] =	vst v27;
	v17 =	vld [tilespmem:s14+$0x17F0];
	v8 =	vpop (erf)  }
0x229: {  	v18 =	vsub.f32 $0.0e+00, v12;
	v27 =	vld [tilespmem:s16+$0xFFFFFFD0];
	v20 =	vunpack.i.l.bf16.f32 v13;
	(erf) = vpow2.f32 v21;
	v14 =	vpop (erf);
	[tilespmem:s14+$0xD7E0] =	vst v28  }
0x22a: {  	v13 =	vunpack.i.u.bf16.f32 v13;
	v20 =	vadd.f32 v16, v20;
	v14 =	vadd.f32 $1.000000000e+00, v14;
	v15 =	vpop (erf);
	v28 =	vld [tilespmem:s0+$0x30];
	s0 =	smov.u32 s26;
	s26 =	smov.u32 s28;
	s28 =	smov.u32 s31  }
0x22b: {  	s31 =	smov.u32 s1;
	s1 =	smov.u32 s16;
	s16 =	smov.u32 s17;
	v16 =	vld [tilespmem:s12+$0x1710];
	v21 =	vadd.f32 v9, v13;
	v30 =	vadd.f32 $1.000000000e+00, v15  }
0x22c: {  	v13 =	vadd.f32 $1.000000000e+00, v8;
	v15 =	vld [tilespmem:s12+$0x1790];
	v29 =	vsub.f32 $0.0e+00, v20;
	(erf) = vrcp.f32 v14;
	v8 =	vpop (erf)  }
0x22d: {  	v14 =	vmul.f32 $1.442695020e+00, v18;
	v18 =	vsub.f32 $0.0e+00, v21;
	(erf) = vrcp.f32 v30;
	v9 =	vpop (erf)  }
0x22e: {  	v30 =	vunpack.i.u.bf16.f32 v27;
	v29 =	vmul.f32 $1.442695020e+00, v29;
	v9 =	vmul.f32 v9, v22;
	v22 =	vpop (erf)  }
0x22f: {  	v31 =	vld [tilespmem:s2+$0x1780];
	v18 =	vmul.f32 $1.442695020e+00, v18;
	v32 =	vmul.f32 v22, v23;
	v23 =	vunpack.i.u.bf16.f32 v28  }
0x230: {  	v27 =	vunpack.i.l.bf16.f32 v27;
	(erf) = vpow2.f32 v29;
	[tilespmem:s22+$0xD750] =	vst v9;
	v9 =	vadd.f32 v17, v23  }
0x231: {  	v16 =	vadd.f32 v16, v27;
	v15 =	vadd.f32 v15, v30;
	(erf) = vpow2.f32 v18;
	v17 =	vpop (erf);
	[tilespmem:s22+$0xD7D0] =	vst v32  }
0x232: {  	v18 =	vunpack.i.u.bf16.f32 v26;
	v17 =	vadd.f32 $1.000000000e+00, v17;
	v22 =	vpop (erf);
	v23 =	vld [tilespmem:s0+$0x20];
	v26 =	vsub.f32 $0.0e+00, v9  }
0x233: {  	v27 =	vsub.f32 $0.0e+00, v16;
	(erf) = vpow2.f32 v14;
	v30 =	vadd.f32 $1.000000000e+00, v22;
	v29 =	vld [tilespmem:s22+$0x1760]  }
0x234: {  	v14 =	vadd.f32 v31, v18;
	(erf) = vrcp.f32 v17;
	v18 =	vld [tilespmem:s22+$0x17E0];
	v17 =	vmul.f32 $1.442695020e+00, v26  }
0x235: {  	v26 =	vmul.f32 $1.442695020e+00, v27;
	v27 =	vsub.f32 $0.0e+00, v15;
	(erf) = vrcp.f32 v30;
	v22 =	vpop (erf)  }
0x236: {  	v30 =	vsub.f32 $0.0e+00, v14;
	v22 =	vmul.f32 v22, v24;
	v24 =	vpop (erf);
	(erf) = vpow2.f32 v17  }
.Ltmp2:
0x237: {  	v27 =	vmul.f32 $1.442695020e+00, v27;
	v31 =	vmul.f32 v24, v25;
	v17 =	vunpack.i.l.bf16.f32 v23;
	(pc) =	sbr.rel @p1 .LBB2_7-.Ltmp2, $4  }
0x238: {  	(erf) = vpow2.f32 v26;
	[tilespmem:s23+$0xD740] =	vst v22;
	v22 =	vunpack.i.u.bf16.f32 v23;
	v17 =	vadd.f32 v29, v17  }
0x239: {  	v29 =	vmul.f32 $1.442695020e+00, v30;
	(erf) = vpow2.f32 v27;
	v23 =	vpop (erf);
	[tilespmem:s23+$0xD7C0] =	vst v31;
	v18 =	vadd.f32 v18, v22  }
0x23a: {  	v25 =	vadd.f32 $1.000000000e+00, v23;
	v24 =	vpop (erf);
	v22 =	vld [tilespmem:s26+$0x10];
	v26 =	vsub.f32 $0.0e+00, v17;
	v23 =	vunpack.i.l.bf16.f32 v28  }
0x23b: {  	s20 =	sadd.s32 $0x400, s20;
	(erf) = vpow2.f32 v29;
	v27 =	vadd.f32 $1.000000000e+00, v24;
	v24 =	vld [tilespmem:s23+$0x1750];
	v28 =	vsub.f32 $0.0e+00, v18  }
0x23c: {  	v29 =	vpop (erf);
	(erf) = vrcp.f32 v25;
	v26 =	vmul.f32 $1.442695020e+00, v26  }
0x23d: {  	v38 =	vld [tilespmem:s23+$0x17D0];
	(erf) = vrcp.f32 v27;
	v39 =	vpop (erf)  }
0x23e: {  	v28 =	vmul.f32 $1.442695020e+00, v28;
	v40 =	vpop (erf);
	(erf) = vpow2.f32 v26  }
0x23f: {  	v11 =	vmul.f32 v39, v11;
	v19 =	vmul.f32 v40, v19;
	v42 =	vpop (erf)  }
0x240: {  	v41 =	vunpack.i.l.bf16.f32 v22;
	(erf) = vpow2.f32 v28;
	v43 =	vadd.f32 $1.000000000e+00, v42  }
0x241: {  	v44 =	vadd.f32 $1.000000000e+00, v29;
	[tilespmem:s24+$0xD730] =	vst v11;
	v11 =	vunpack.i.u.bf16.f32 v22;
	v22 =	vadd.f32 v24, v41;
	v45 =	vpop (erf)  }
0x242: {  	[tilespmem:s24+$0xD7B0] =	vst v19;
	v19 =	vadd.f32 v38, v11;
	v11 =	vadd.f32 $1.000000000e+00, v45;
	v46 =	vpop (erf);
	(erf) = vrcp.f32 v43  }
0x243: {  	v47 =	vld [tilespmem:s28+$0x0];
	v48 =	vsub.f32 $0.0e+00, v22;
	(erf) = vrcp.f32 v44;
	v49 =	vadd.f32 $1.000000000e+00, v46  }
0x244: {  	v50 =	vld [tilespmem:s24+$0x1740];
	v2 =	vadd.f32 v2, v23;
	v51 =	vsub.f32 $0.0e+00, v19;
	v52 =	vpop (erf);
	(erf) = vrcp.f32 v11  }
0x245: {  	v11 =	vld [tilespmem:s24+$0x17C0];
	v28 =	vmul.f32 $1.442695020e+00, v48;
	(erf) = vrcp.f32 v49;
	v53 =	vpop (erf)  }
0x246: {  	v60 =	vsub.f32 $0.0e+00, v2;
	v54 =	vmul.f32 $1.442695020e+00, v51;
	v20 =	vmul.f32 v53, v20;
	v56 =	vpop (erf)  }
0x247: {  	v55 =	vadd.f32 $1.000000000e+00, v52;
	(erf) = vpow2.f32 v28;
	v21 =	vmul.f32 v56, v21;
	v58 =	vpop (erf)  }
0x248: {  	v57 =	vunpack.i.l.bf16.f32 v47;
	(erf) = vpow2.f32 v54;
	v24 =	vadd.f32 $1.000000000e+00, v58  }
0x249: {  	v59 =	vunpack.i.u.bf16.f32 v47;
	[tilespmem:s25+$0xD720] =	vst v20;
	v23 =	vadd.f32 v50, v57;
	v61 =	vpop (erf);
	(erf) = vrcp.f32 v55  }
0x24a: {  	[tilespmem:s25+$0xD7A0] =	vst v21;
	v20 =	vadd.f32 v11, v59;
	v62 =	vadd.f32 $1.000000000e+00, v61;
	(erf) = vrcp.f32 v24  }
0x24b: {  	v33 =	vmul.f32 $1.442695020e+00, v60;
	v63 =	vld [tilespmem:s31+$0xFFFFFFF0];
	v32 =	vsub.f32 $0.0e+00, v23;
	v11 =	vpop (erf)  }
0x24c: {  	v34 =	vld [tilespmem:s25+$0x1730];
	v35 =	vsub.f32 $0.0e+00, v20;
	(erf) = vrcp.f32 v62;
	v36 =	vpop (erf)  }
0x24d: {  	v37 =	vld [tilespmem:s25+$0x17B0];
	v27 =	vmul.f32 $1.442695020e+00, v32;
	(erf) = vpow2.f32 v33;
	v30 =	vpop (erf)  }
0x24e: {  	v28 =	vmul.f32 $1.442695020e+00, v35;
	v16 =	vmul.f32 v30, v16;
	v38 =	vpop (erf)  }
0x24f: {  	(erf) = vpow2.f32 v27;
	v15 =	vmul.f32 v38, v15  }
0x250: {  	v12 =	vmul.f32 v36, v12;
	v39 =	vunpack.i.l.bf16.f32 v63;
	(erf) = vpow2.f32 v28;
	v40 =	vpop (erf);
	[tilespmem:s12+$0xD710] =	vst v16  }
0x251: {  	v41 =	vunpack.i.u.bf16.f32 v63;
	v24 =	vadd.f32 v34, v39;
	v42 =	vadd.f32 $1.000000000e+00, v40;
	v43 =	vpop (erf);
	[tilespmem:s12+$0xD790] =	vst v15  }
0x252: {  	v16 =	vadd.f32 v37, v41;
	(erf) = vrcp.f32 v13;
	v44 =	vadd.f32 $1.000000000e+00, v43;
	v45 =	vpop (erf);
	v46 =	vld [tilespmem:s1+$0xFFFFFFE0]  }
0x253: {  	v48 =	vld [tilespmem:s12+$0x1720];
	v47 =	vsub.f32 $0.0e+00, v24;
	(erf) = vrcp.f32 v42;
	v13 =	vmul.f32 v45, v14;
	v50 =	vpop (erf)  }
0x254: {  	v51 =	vld [tilespmem:s12+$0x17A0];
	v49 =	vsub.f32 $0.0e+00, v16;
	(erf) = vrcp.f32 v44;
	v15 =	vmul.f32 v50, v17  }
0x255: {  	[tilespmem:s2+$0xD700] =	vst v12;
	v27 =	vmul.f32 $1.442695020e+00, v47;
	v52 =	vpop (erf)  }
0x256: {  	v53 =	vmul.f32 $1.442695020e+00, v49;
	[tilespmem:s2+$0xD780] =	vst v13;
	v12 =	vmul.f32 v52, v18  }
0x257: {  	v60 =	vld [tilespmem:s2+$0x1710];
	(erf) = vpow2.f32 v27;
	[tilespmem:s22+$0xD760] =	vst v15;
	v55 =	vunpack.i.l.bf16.f32 v46  }
0x258: {  	v57 =	vld [tilespmem:s16+$0xFFFFFFD0];
	[tilespmem:s22+$0xD7E0] =	vst v12;
	v58 =	vunpack.i.u.bf16.f32 v46;
	v15 =	vpop (erf);
	(erf) = vpow2.f32 v53;
	v17 =	vadd.f32 v48, v55  }
0x259: {  	v25 =	vld [tilespmem:s0+$0x30];
	v26 =	vadd.f32 v51, v58;
	v56 =	vpop (erf)  }
0x25a: {  	v54 =	vld [tilespmem:s22+$0x17F0];
	v14 =	vadd.f32 $1.000000000e+00, v56;
	v59 =	vpop (erf);
	v61 =	vsub.f32 $0.0e+00, v17  }
0x25b: {  	v62 =	vld [tilespmem:s2+$0x1790];
	v21 =	vadd.f32 $1.000000000e+00, v59;
	v12 =	vpop (erf)  }
0x25c: {  	v63 =	vsub.f32 $0.0e+00, v26;
	(erf) = vrcp.f32 v14;
	v33 =	vpop (erf);
	v28 =	vmul.f32 $1.442695020e+00, v61  }
0x25d: {  	v35 =	vunpack.i.u.bf16.f32 v57;
	(erf) = vrcp.f32 v21;
	v21 =	vmul.f32 v33, v22;
	v34 =	vpop (erf)  }
0x25e: {  	v29 =	vmul.f32 $1.442695020e+00, v63;
	v36 =	vunpack.i.u.bf16.f32 v25;
	v19 =	vmul.f32 v34, v19  }
0x25f: {  	v18 =	vunpack.i.l.bf16.f32 v57;
	(erf) = vpow2.f32 v28;
	v13 =	vadd.f32 v54, v36;
	[tilespmem:s23+$0xD750] =	vst v21  }
0x260: {  	v18 =	vadd.f32 v60, v18;
	v22 =	vadd.f32 v62, v35;
	(erf) = vpow2.f32 v29;
	v37 =	vpop (erf);
	[tilespmem:s23+$0xD7D0] =	vst v19  }
0x261: {  	v38 =	vadd.f32 $1.000000000e+00, v37;
	v41 =	vsub.f32 $0.0e+00, v13;
	v39 =	vpop (erf);
	v40 =	vld [tilespmem:s26+$0x20]  }
0x262: {  	v43 =	vld [tilespmem:s23+$0x1760];
	v42 =	vsub.f32 $0.0e+00, v18;
	v19 =	vadd.f32 $1.000000000e+00, v39  }
0x263: {  	v44 =	vld [tilespmem:s23+$0x17E0];
	v30 =	vsub.f32 $0.0e+00, v22;
	(erf) = vrcp.f32 v38;
	v27 =	vmul.f32 $1.442695020e+00, v41  }
0x264: {  	v28 =	vmul.f32 $1.442695020e+00, v42;
	(erf) = vrcp.f32 v19  }
0x265: {  	v47 =	vmul.f32 $1.442695020e+00, v30;
	v45 =	vpop (erf);
	(erf) = vpow2.f32 v27  }
0x266: {  	v19 =	vmul.f32 v45, v23;
	v46 =	vpop (erf);
	v48 =	vunpack.i.l.bf16.f32 v40;
	(erf) = vpow2.f32 v28  }
0x267: {  	v49 =	vunpack.i.u.bf16.f32 v40;
	v20 =	vmul.f32 v46, v20;
	v21 =	vadd.f32 v43, v48  }
0x268: {  	(erf) = vpow2.f32 v47;
	v50 =	vpop (erf);
	[tilespmem:s24+$0xD740] =	vst v19;
	v19 =	vadd.f32 v44, v49  }
0x269: {  	v51 =	vadd.f32 $1.000000000e+00, v50;
	v52 =	vpop (erf);
	[tilespmem:s24+$0xD7C0] =	vst v20;
	v54 =	vsub.f32 $0.0e+00, v21  }
0x26a: {  	v20 =	vadd.f32 $1.000000000e+00, v52;
	v53 =	vld [tilespmem:s28+$0x10]  }
0x26b: {  	v55 =	vld [tilespmem:s24+$0x1750];
	v56 =	vsub.f32 $0.0e+00, v19;
	(erf) = vrcp.f32 v51;
	v27 =	vmul.f32 $1.442695020e+00, v54  }
0x26c: {  	v57 =	vld [tilespmem:s24+$0x17D0];
	(erf) = vrcp.f32 v20  }
0x26d: {  	v58 =	vpop (erf);
	v29 =	vmul.f32 $1.442695020e+00, v56;
	(erf) = vpow2.f32 v27  }
0x26e: {  	v20 =	vmul.f32 v58, v24;
	v59 =	vpop (erf)  }
0x26f: {  	v16 =	vmul.f32 v59, v16;
	(erf) = vpow2.f32 v29;
	v61 =	vpop (erf);
	v60 =	vunpack.i.l.bf16.f32 v53  }
0x270: {  	[tilespmem:s25+$0xD730] =	vst v20;
	v62 =	vunpack.i.u.bf16.f32 v53;
	v63 =	vadd.f32 $1.000000000e+00, v61;
	v31 =	vpop (erf);
	v23 =	vadd.f32 v55, v60  }
0x271: {  	[tilespmem:s25+$0xD7B0] =	vst v16;
	v16 =	vadd.f32 v57, v62;
	v32 =	vadd.f32 $1.000000000e+00, v31;
	v33 =	vpop (erf)  }
0x272: {  	v34 =	vld [tilespmem:s31+$0x0];
	(erf) = vrcp.f32 v63;
	v20 =	vadd.f32 $1.000000000e+00, v33  }
0x273: {  	v35 =	vld [tilespmem:s25+$0x1740];
	v28 =	vsub.f32 $0.0e+00, v23;
	v36 =	vsub.f32 $0.0e+00, v16;
	(erf) = vrcp.f32 v32  }
0x274: {  	v37 =	vld [tilespmem:s25+$0x17C0];
	(erf) = vrcp.f32 v20;
	v38 =	vpop (erf)  }
0x275: {  	v25 =	vunpack.i.l.bf16.f32 v25;
	v28 =	vmul.f32 $1.442695020e+00, v28;
	v39 =	vmul.f32 $1.442695020e+00, v36;
	v40 =	vpop (erf)  }
0x276: {  	v3 =	vadd.f32 v3, v25;
	v17 =	vmul.f32 v38, v17;
	v20 =	vmul.f32 v40, v26;
	v42 =	vpop (erf)  }
0x277: {  	(erf) = vpow2.f32 v28;
	v41 =	vunpack.i.l.bf16.f32 v34;
	v43 =	vadd.f32 $1.000000000e+00, v42  }
0x278: {  	v27 =	vunpack.i.u.bf16.f32 v34;
	v24 =	vadd.f32 v35, v41;
	(erf) = vpow2.f32 v39  }
0x279: {  	v45 =	vsub.f32 $0.0e+00, v3;
	[tilespmem:s12+$0xD720] =	vst v17;
	v44 =	vpop (erf);
	v27 =	vadd.f32 v37, v27;
	(erf) = vrcp.f32 v43  }
0x27a: {  	[tilespmem:s12+$0xD7A0] =	vst v20;
	v46 =	vadd.f32 $1.000000000e+00, v44;
	v47 =	vsub.f32 $0.0e+00, v24  }
0x27b: {  	v49 =	vmul.f32 $1.442695020e+00, v45;
	v50 =	vld [tilespmem:s1+$0xFFFFFFF0];
	v48 =	vsub.f32 $0.0e+00, v27;
	v14 =	vpop (erf)  }
0x27c: {  	v51 =	vld [tilespmem:s12+$0x1730];
	(erf) = vrcp.f32 v46;
	v20 =	vmul.f32 $1.442695020e+00, v47;
	v52 =	vpop (erf)  }
0x27d: {  	v53 =	vld [tilespmem:s12+$0x17B0];
	v25 =	vmul.f32 $1.442695020e+00, v48;
	v18 =	vmul.f32 v52, v18;
	v54 =	vpop (erf)  }
0x27e: {  	(erf) = vpow2.f32 v49;
	v55 =	vmul.f32 v54, v22  }
0x27f: {  	(erf) = vpow2.f32 v20;
	[tilespmem:s2+$0xD710] =	vst v18  }
0x280: {  	v15 =	vadd.f32 $1.000000000e+00, v15;
	v56 =	vunpack.i.l.bf16.f32 v50;
	(erf) = vpow2.f32 v25;
	v57 =	vpop (erf);
	[tilespmem:s2+$0xD790] =	vst v55  }
0x281: {  	v58 =	vunpack.i.u.bf16.f32 v50;
	v17 =	vadd.f32 v51, v56;
	v59 =	vadd.f32 $1.000000000e+00, v57;
	v60 =	vpop (erf);
	v61 =	vld [tilespmem:s16+$0xFFFFFFE0]  }
0x282: {  	v62 =	vld [tilespmem:s2+$0x1720];
	v20 =	vadd.f32 v53, v58;
	(erf) = vrcp.f32 v15;
	v22 =	vadd.f32 $1.000000000e+00, v60;
	v32 =	vpop (erf)  }
0x283: {  	v33 =	vld [tilespmem:s2+$0x17A0];
	(erf) = vrcp.f32 v59;
	v18 =	vmul.f32 v32, v21  }
0x284: {  	v63 =	vsub.f32 $0.0e+00, v17;
	v34 =	vsub.f32 $0.0e+00, v20;
	(erf) = vrcp.f32 v22;
	_ =	sdelay $0x1  }
0x285: {  	v35 =	vmul.f32 $1.442695020e+00, v63;
	v37 =	vmul.f32 $1.442695020e+00, v34;
	v36 =	vpop (erf);
	v38 =	vunpack.i.l.bf16.f32 v61  }
0x286: {  	v19 =	vmul.f32 v36, v19;
	[tilespmem:s23+$0xD760] =	vst v18;
	v25 =	vunpack.i.u.bf16.f32 v61;
	v22 =	vadd.f32 v62, v38;
	v18 =	vpop (erf)  }
0x287: {  	v25 =	vadd.f32 v33, v25;
	(erf) = vpow2.f32 v35;
	v40 =	vpop (erf)  }
0x288: {  	[tilespmem:s23+$0xD7E0] =	vst v19;
	(erf) = vpow2.f32 v37;
	v43 =	vsub.f32 $0.0e+00, v22;
	v41 =	vadd.f32 $1.000000000e+00, v40;
	v42 =	vpop (erf)  }
0x289: {  	v26 =	vld [tilespmem:s26+$0x30];
	v44 =	vsub.f32 $0.0e+00, v25;
	v19 =	vadd.f32 $1.000000000e+00, v42  }
0x28a: {  	v39 =	vld [tilespmem:s23+$0x17F0];
	v15 =	vpop (erf);
	v45 =	vmul.f32 $1.442695020e+00, v43;
	(erf) = vrcp.f32 v41  }
0x28b: {  	v29 =	vmul.f32 $1.442695020e+00, v44;
	v46 =	vpop (erf);
	(erf) = vrcp.f32 v19  }
0x28c: {  	v23 =	vmul.f32 v46, v23;
	v47 =	vpop (erf);
	(erf) = vpow2.f32 v45  }
0x28d: {  	v48 =	vmul.f32 v47, v16;
	(erf) = vpow2.f32 v29  }
0x28e: {  	v49 =	vunpack.i.u.bf16.f32 v26;
	[tilespmem:s24+$0xD750] =	vst v23  }
0x28f: {  	v16 =	vadd.f32 v39, v49;
	[tilespmem:s24+$0xD7D0] =	vst v48  }
0x290: {  	v50 =	vpop (erf);
	v23 =	vld [tilespmem:s28+$0x20]  }
0x291: {  	v54 =	vld [tilespmem:s24+$0x1760];
	v53 =	vsub.f32 $0.0e+00, v16;
	v51 =	vadd.f32 $1.000000000e+00, v50;
	v52 =	vpop (erf)  }
0x292: {  	v55 =	vld [tilespmem:s24+$0x17E0];
	v21 =	vadd.f32 $1.000000000e+00, v52  }
0x293: {  	v28 =	vmul.f32 $1.442695020e+00, v53;
	(erf) = vrcp.f32 v51;
	v56 =	vpop (erf)  }
0x294: {  	(erf) = vrcp.f32 v21;
	v57 =	vmul.f32 v56, v24;
	v58 =	vpop (erf)  }
0x295: {  	(erf) = vpow2.f32 v28;
	v59 =	vunpack.i.l.bf16.f32 v23;
	v24 =	vmul.f32 v58, v27;
	v60 =	vpop (erf)  }
0x296: {  	v23 =	vunpack.i.u.bf16.f32 v23;
	v27 =	vadd.f32 v54, v59;
	[tilespmem:s25+$0xD740] =	vst v57;
	v21 =	vadd.f32 $1.000000000e+00, v60;
	v61 =	vpop (erf)  }
0x297: {  	v19 =	vadd.f32 v55, v23;
	[tilespmem:s25+$0xD7C0] =	vst v24;
	v24 =	vadd.f32 $1.000000000e+00, v61  }
0x298: {  	v63 =	vsub.f32 $0.0e+00, v27;
	v62 =	vld [tilespmem:s31+$0x10];
	(erf) = vrcp.f32 v21  }
0x299: {  	v33 =	vld [tilespmem:s25+$0x1750];
	v34 =	vsub.f32 $0.0e+00, v19;
	(erf) = vrcp.f32 v24  }
0x29a: {  	v35 =	vld [tilespmem:s25+$0x17D0];
	v36 =	vmul.f32 $1.442695020e+00, v63  }
0x29b: {  	v21 =	vmul.f32 $1.442695020e+00, v34  }
0x29c: {  	v37 =	vpop (erf);
	(erf) = vpow2.f32 v36  }
0x29d: {  	v17 =	vmul.f32 v37, v17;
	v38 =	vpop (erf);
	(erf) = vpow2.f32 v21;
	v39 =	vunpack.i.l.bf16.f32 v62  }
0x29e: {  	v20 =	vmul.f32 v38, v20;
	v23 =	vunpack.i.u.bf16.f32 v62;
	v40 =	vpop (erf);
	v24 =	vadd.f32 v33, v39  }
0x29f: {  	[tilespmem:s12+$0xD730] =	vst v17;
	v23 =	vadd.f32 v35, v23;
	v41 =	vadd.f32 $1.000000000e+00, v40  }
0x2a0: {  	[tilespmem:s12+$0xD7B0] =	vst v20;
	v42 =	vsub.f32 $0.0e+00, v24  }
0x2a1: {  	v43 =	vld [tilespmem:s1+$0x0];
	v44 =	vsub.f32 $0.0e+00, v23;
	(erf) = vrcp.f32 v41;
	v46 =	vpop (erf)  }
0x2a2: {  	v45 =	vld [tilespmem:s12+$0x1740];
	v20 =	vmul.f32 $1.442695020e+00, v42;
	v22 =	vmul.f32 v46, v22;
	v48 =	vpop (erf)  }
0x2a3: {  	v26 =	vunpack.i.l.bf16.f32 v26;
	v47 =	vld [tilespmem:s12+$0x17C0];
	v28 =	vmul.f32 $1.442695020e+00, v44;
	v49 =	vmul.f32 v48, v25  }
0x2a4: {  	v1 =	vadd.f32 v1, v26;
	(erf) = vpow2.f32 v20;
	[tilespmem:s2+$0xD720] =	vst v22  }
0x2a5: {  	(erf) = vpow2.f32 v28;
	[tilespmem:s2+$0xD7A0] =	vst v49  }
0x2a6: {  	v51 =	vsub.f32 $0.0e+00, v1;
	v52 =	vpop (erf);
	v50 =	vunpack.i.l.bf16.f32 v43;
	v53 =	vld [tilespmem:s16+$0xFFFFFFF0]  }
0x2a7: {  	v56 =	vld [tilespmem:s2+$0x1730];
	v21 =	vunpack.i.u.bf16.f32 v43;
	v54 =	vadd.f32 $1.000000000e+00, v52;
	v55 =	vpop (erf);
	v22 =	vadd.f32 v45, v50  }
0x2a8: {  	v58 =	vld [tilespmem:s2+$0x17B0];
	v21 =	vadd.f32 v47, v21;
	v25 =	vadd.f32 $1.000000000e+00, v55  }
0x2a9: {  	v20 =	vmul.f32 $1.442695020e+00, v51;
	(erf) = vrcp.f32 v54;
	v57 =	vsub.f32 $0.0e+00, v22  }
0x2aa: {  	v31 =	vsub.f32 $0.0e+00, v21;
	(erf) = vrcp.f32 v25  }
0x2ab: {  	(erf) = vpow2.f32 v20;
	v59 =	vmul.f32 $1.442695020e+00, v57;
	v61 =	vunpack.i.l.bf16.f32 v53  }
0x2ac: {  	v17 =	vpop (erf);
	v60 =	vmul.f32 $1.442695020e+00, v31;
	v26 =	vunpack.i.u.bf16.f32 v53;
	v20 =	vadd.f32 v56, v61  }
0x2ad: {  	v18 =	vadd.f32 $1.000000000e+00, v18;
	(erf) = vpow2.f32 v59;
	v26 =	vadd.f32 v58, v26;
	v62 =	vpop (erf)  }
0x2ae: {  	(erf) = vpow2.f32 v60;
	v25 =	vadd.f32 $1.000000000e+00, v62;
	v63 =	vpop (erf);
	v30 =	vsub.f32 $0.0e+00, v20  }
0x2af: {  	(erf) = vrcp.f32 v18;
	v31 =	vsub.f32 $0.0e+00, v26;
	v28 =	vadd.f32 $1.000000000e+00, v63  }
0x2b0: {  	(erf) = vrcp.f32 v25;
	v18 =	vmul.f32 $1.442695020e+00, v30  }
0x2b1: {  	v25 =	vmul.f32 $1.442695020e+00, v31;
	(erf) = vrcp.f32 v28  }
0x2b2: {  	v32 =	vpop (erf);
	(erf) = vpow2.f32 v18  }
0x2b3: {  	v34 =	vpop (erf);
	(erf) = vpow2.f32 v25;
	_ =	sdelay $0x1  }
0x2b4: {  	v33 =	vmul.f32 v32, v27;
	v25 =	vpop (erf)  }
0x2b5: {  	v19 =	vmul.f32 v34, v19;
	v35 =	vpop (erf)  }
0x2b6: {  	[tilespmem:s24+$0xD760] =	vst v33;
	v37 =	vpop (erf);
	v38 =	vadd.f32 $1.000000000e+00, v35  }
0x2b7: {  	[tilespmem:s24+$0xD7E0] =	vst v19;
	v18 =	vpop (erf);
	v28 =	vadd.f32 $1.000000000e+00, v37  }
0x2b8: {  	v39 =	vld [tilespmem:s28+$0x30];
	(erf) = vrcp.f32 v38;
	v40 =	vpop (erf)  }
0x2b9: {  	v36 =	vld [tilespmem:s24+$0x17F0];
	(erf) = vrcp.f32 v28;
	v41 =	vmul.f32 v40, v24;
	v42 =	vpop (erf)  }
0x2ba: {  	v23 =	vmul.f32 v42, v23;
	v43 =	vpop (erf)  }
0x2bb: {  	[tilespmem:s25+$0xD750] =	vst v41;
	v44 =	vadd.f32 $1.000000000e+00, v43;
	v45 =	vpop (erf)  }
0x2bc: {  	[tilespmem:s25+$0xD7D0] =	vst v23;
	v48 =	vadd.f32 $1.000000000e+00, v45  }
0x2bd: {  	v46 =	vunpack.i.u.bf16.f32 v39;
	v47 =	vld [tilespmem:s31+$0x20];
	(erf) = vrcp.f32 v44  }
0x2be: {  	v49 =	vld [tilespmem:s25+$0x1760];
	v19 =	vadd.f32 v36, v46;
	(erf) = vrcp.f32 v48  }
0x2bf: {  	v50 =	vld [tilespmem:s25+$0x17E0]  }
0x2c0: {  	v27 =	vsub.f32 $0.0e+00, v19  }
0x2c1: {  	v51 =	vpop (erf)  }
0x2c2: {  	v27 =	vmul.f32 $1.442695020e+00, v27;
	v22 =	vmul.f32 v51, v22;
	v53 =	vpop (erf);
	v52 =	vunpack.i.l.bf16.f32 v47  }
0x2c3: {  	v28 =	vunpack.i.u.bf16.f32 v47;
	v21 =	vmul.f32 v53, v21;
	v24 =	vadd.f32 v49, v52  }
0x2c4: {  	(erf) = vpow2.f32 v27;
	v23 =	vadd.f32 v50, v28;
	[tilespmem:s12+$0xD740] =	vst v22  }
0x2c5: {  	[tilespmem:s12+$0xD7C0] =	vst v21;
	v54 =	vsub.f32 $0.0e+00, v24  }
0x2c6: {  	v55 =	vsub.f32 $0.0e+00, v23;
	v56 =	vld [tilespmem:s1+$0x10];
	v57 =	vpop (erf)  }
0x2c7: {  	v58 =	vld [tilespmem:s12+$0x1750];
	v22 =	vmul.f32 $1.442695020e+00, v54;
	v20 =	vmul.f32 v57, v20;
	v59 =	vpop (erf)  }
0x2c8: {  	v60 =	vld [tilespmem:s12+$0x17D0];
	v21 =	vmul.f32 $1.442695020e+00, v55;
	v61 =	vmul.f32 v59, v26  }
0x2c9: {  	(erf) = vpow2.f32 v22;
	[tilespmem:s2+$0xD730] =	vst v20  }
0x2ca: {  	(erf) = vpow2.f32 v21;
	[tilespmem:s2+$0xD7B0] =	vst v61  }
0x2cb: {  	v62 =	vunpack.i.l.bf16.f32 v56;
	v63 =	vld [tilespmem:s16+$0x0]  }
0x2cc: {  	v36 =	vunpack.i.l.bf16.f32 v39;
	v39 =	vld [tilespmem:s2+$0x1740];
	v37 =	vunpack.i.u.bf16.f32 v56;
	v38 =	vadd.f32 v58, v62  }
0x2cd: {  	v41 =	vld [tilespmem:s2+$0x17C0];
	v40 =	vpop (erf);
	v26 =	vadd.f32 v60, v37  }
0x2ce: {  	v22 =	vadd.f32 $1.000000000e+00, v40;
	v42 =	vsub.f32 $0.0e+00, v38  }
0x2cf: {  	v4 =	vadd.f32 v4, v36;
	v31 =	vsub.f32 $0.0e+00, v26  }
0x2d0: {  	(erf) = vrcp.f32 v22;
	v44 =	vmul.f32 $1.442695020e+00, v42;
	v45 =	vunpack.i.l.bf16.f32 v63  }
0x2d1: {  	v31 =	vmul.f32 $1.442695020e+00, v31;
	v21 =	vunpack.i.u.bf16.f32 v63;
	v29 =	vadd.f32 v39, v45  }
0x2d2: {  	v43 =	vsub.f32 $0.0e+00, v4;
	(erf) = vpow2.f32 v44;
	v28 =	vadd.f32 v41, v21;
	v32 =	vpop (erf)  }
0x2d3: {  	(erf) = vpow2.f32 v31;
	v46 =	vadd.f32 $1.000000000e+00, v32;
	v47 =	vpop (erf);
	v49 =	vsub.f32 $0.0e+00, v29  }
0x2d4: {  	v30 =	vmul.f32 $1.442695020e+00, v43;
	v50 =	vsub.f32 $0.0e+00, v28;
	v48 =	vadd.f32 $1.000000000e+00, v47  }
0x2d5: {  	(erf) = vrcp.f32 v46;
	v51 =	vmul.f32 $1.442695020e+00, v49  }
0x2d6: {  	v20 =	vmul.f32 $1.442695020e+00, v50;
	(erf) = vrcp.f32 v48  }
0x2d7: {  	(erf) = vpow2.f32 v30  }
0x2d8: {  	(erf) = vpow2.f32 v51  }
0x2d9: {  	(erf) = vpow2.f32 v20  }
0x2da: {  	v20 =	vpop (erf)  }
0x2db: {  	v53 =	vadd.f32 $1.000000000e+00, v25;
	v52 =	vpop (erf)  }
0x2dc: {  	v54 =	vpop (erf);
	v21 =	vadd.f32 $1.000000000e+00, v52  }
0x2dd: {  	(erf) = vrcp.f32 v53;
	v25 =	vadd.f32 $1.000000000e+00, v54  }
0x2de: {  	(erf) = vrcp.f32 v21;
	v55 =	vpop (erf)  }
0x2df: {  	(erf) = vrcp.f32 v25;
	v56 =	vpop (erf)  }
0x2e0: {  	v58 =	vpop (erf)  }
0x2e1: {  	v57 =	vmul.f32 v55, v24;
	v59 =	vpop (erf)  }
0x2e2: {  	v22 =	vmul.f32 v56, v23;
	v60 =	vadd.f32 $1.000000000e+00, v59;
	v61 =	vpop (erf)  }
0x2e3: {  	[tilespmem:s25+$0xD760] =	vst v57;
	v23 =	vadd.f32 $1.000000000e+00, v61  }
0x2e4: {  	[tilespmem:s25+$0xD7E0] =	vst v22;
	(erf) = vrcp.f32 v60  }
0x2e5: {  	v63 =	vld [tilespmem:s31+$0x30];
	(erf) = vrcp.f32 v23  }
0x2e6: {  	v62 =	vld [tilespmem:s25+$0x17F0];
	v21 =	vpop (erf)  }
0x2e7: {  	v34 =	vpop (erf)  }
0x2e8: {  	v35 =	vmul.f32 v34, v38;
	v36 =	vpop (erf)  }
0x2e9: {  	v26 =	vmul.f32 v36, v26  }
0x2ea: {  	v37 =	vunpack.i.u.bf16.f32 v63;
	[tilespmem:s12+$0xD750] =	vst v35  }
0x2eb: {  	v22 =	vadd.f32 v62, v37;
	[tilespmem:s12+$0xD7D0] =	vst v26  }
0x2ec: {  	v26 =	vld [tilespmem:s1+$0x20]  }
0x2ed: {  	v41 =	vld [tilespmem:s12+$0x1760];
	v38 =	vsub.f32 $0.0e+00, v22;
	v39 =	vpop (erf)  }
0x2ee: {  	v25 =	vmul.f32 v39, v29;
	v40 =	vpop (erf)  }
0x2ef: {  	v23 =	vmul.f32 $1.442695020e+00, v38;
	v27 =	vmul.f32 v40, v28  }
0x2f0: {  	v42 =	vld [tilespmem:s12+$0x17E0];
	[tilespmem:s2+$0xD740] =	vst v25  }
0x2f1: {  	(erf) = vpow2.f32 v23;
	v44 =	vunpack.i.l.bf16.f32 v26;
	[tilespmem:s2+$0xD7C0] =	vst v27  }
0x2f2: {  	v25 =	vadd.f32 v41, v44;
	v43 =	vld [tilespmem:s16+$0x10]  }
0x2f3: {  	v45 =	vld [tilespmem:s2+$0x1750]  }
0x2f4: {  	v46 =	vld [tilespmem:s2+$0x17D0];
	v26 =	vunpack.i.u.bf16.f32 v26;
	v47 =	vsub.f32 $0.0e+00, v25  }
0x2f5: {  	v26 =	vadd.f32 v42, v26  }
0x2f6: {  	v28 =	vmul.f32 $1.442695020e+00, v47  }
0x2f7: {  	v48 =	vsub.f32 $0.0e+00, v26;
	v49 =	vunpack.i.l.bf16.f32 v43  }
0x2f8: {  	v23 =	vunpack.i.u.bf16.f32 v43;
	(erf) = vpow2.f32 v28;
	v27 =	vadd.f32 v45, v49  }
0x2f9: {  	v31 =	vmul.f32 $1.442695020e+00, v48;
	v23 =	vadd.f32 v46, v23  }
0x2fa: {  	v50 =	vpop (erf);
	v51 =	vsub.f32 $0.0e+00, v27  }
0x2fb: {  	(erf) = vpow2.f32 v31;
	v28 =	vadd.f32 $1.000000000e+00, v50;
	v52 =	vsub.f32 $0.0e+00, v23  }
0x2fc: {  	v29 =	vmul.f32 $1.442695020e+00, v51  }
0x2fd: {  	(erf) = vrcp.f32 v28;
	v53 =	vmul.f32 $1.442695020e+00, v52  }
0x2fe: {  	(erf) = vpow2.f32 v29  }
0x2ff: {  	(erf) = vpow2.f32 v53;
	_ =	sdelay $0x1  }
0x300: {  	v54 =	vunpack.i.l.bf16.f32 v63;
	v55 =	vpop (erf)  }
0x301: {  	v5 =	vadd.f32 v5, v54;
	v28 =	vadd.f32 $1.000000000e+00, v55;
	_ =	sdelay $0x1  }
0x302: {  	v56 =	vsub.f32 $0.0e+00, v5;
	v57 =	vpop (erf)  }
0x303: {  	v30 =	vadd.f32 $1.000000000e+00, v57  }
0x304: {  	v29 =	vmul.f32 $1.442695020e+00, v56;
	(erf) = vrcp.f32 v28;
	v28 =	vpop (erf)  }
0x305: {  	v24 =	vadd.f32 $1.000000000e+00, v58;
	(erf) = vrcp.f32 v30;
	v58 =	vpop (erf)  }
0x306: {  	(erf) = vpow2.f32 v29;
	v59 =	vadd.f32 $1.000000000e+00, v58;
	v60 =	vpop (erf)  }
0x307: {  	(erf) = vrcp.f32 v24;
	v30 =	vadd.f32 $1.000000000e+00, v60  }
0x308: {  	(erf) = vrcp.f32 v59  }
0x309: {  	(erf) = vrcp.f32 v30;
	_ =	sdelay $0x3  }
0x30a: {  	v61 =	vpop (erf)  }
0x30b: {  	v62 =	vpop (erf)  }
0x30c: {  	v63 =	vpop (erf)  }
0x30d: {  	v24 =	vmul.f32 v61, v25;
	v36 =	vpop (erf)  }
0x30e: {  	v26 =	vmul.f32 v62, v26;
	v37 =	vpop (erf)  }
0x30f: {  	[tilespmem:s12+$0xD760] =	vst v24;
	v24 =	vmul.f32 v37, v27;
	v39 =	vpop (erf)  }
0x310: {  	[tilespmem:s12+$0xD7E0] =	vst v26;
	v23 =	vmul.f32 v39, v23  }
0x311: {  	v38 =	vld [tilespmem:s12+$0x17F0];
	[tilespmem:s2+$0xD750] =	vst v24  }
0x312: {  	v40 =	vld [tilespmem:s1+$0x30];
	[tilespmem:s2+$0xD7D0] =	vst v23  }
0x313: {  	v23 =	vld [tilespmem:s16+$0x20]  }
0x314: {  	v41 =	vld [tilespmem:s2+$0x1760]  }
0x315: {  	v42 =	vld [tilespmem:s2+$0x17E0];
	_ =	sdelay $0x1  }
0x316: {  	v43 =	vunpack.i.u.bf16.f32 v40  }
0x317: {  	v29 =	vadd.f32 v38, v43;
	v44 =	vunpack.i.l.bf16.f32 v23  }
0x318: {  	v23 =	vunpack.i.u.bf16.f32 v23;
	v26 =	vadd.f32 v41, v44  }
0x319: {  	v45 =	vsub.f32 $0.0e+00, v29;
	v23 =	vadd.f32 v42, v23  }
0x31a: {  	v46 =	vsub.f32 $0.0e+00, v26  }
0x31b: {  	v31 =	vmul.f32 $1.442695020e+00, v45;
	v47 =	vsub.f32 $0.0e+00, v23  }
0x31c: {  	v27 =	vmul.f32 $1.442695020e+00, v46  }
0x31d: {  	(erf) = vpow2.f32 v31;
	v48 =	vmul.f32 $1.442695020e+00, v47  }
0x31e: {  	(erf) = vpow2.f32 v27  }
0x31f: {  	(erf) = vpow2.f32 v48;
	_ =	sdelay $0x6  }
0x320: {  	v49 =	vpop (erf)  }
0x321: {  	v27 =	vadd.f32 $1.000000000e+00, v49;
	v50 =	vpop (erf)  }
0x322: {  	v31 =	vadd.f32 $1.000000000e+00, v50;
	v51 =	vpop (erf)  }
0x323: {  	(erf) = vrcp.f32 v27;
	v27 =	vadd.f32 $1.000000000e+00, v51  }
0x324: {  	(erf) = vrcp.f32 v31  }
0x325: {  	(erf) = vrcp.f32 v27;
	_ =	sdelay $0x6  }
0x326: {  	v52 =	vpop (erf)  }
0x327: {  	v31 =	vpop (erf)  }
0x328: {  	v26 =	vmul.f32 v31, v26;
	v53 =	vpop (erf)  }
0x329: {  	v23 =	vmul.f32 v53, v23  }
0x32a: {  	[tilespmem:s2+$0xD760] =	vst v26  }
0x32b: {  	[tilespmem:s2+$0xD7E0] =	vst v23  }
0x32c: {  	v23 =	vld [tilespmem:s16+$0x30]  }
0x32d: {  	v54 =	vld [tilespmem:s2+$0x17F0];
	_ =	sdelay $0x1  }
0x32e: {  	v24 =	vunpack.i.l.bf16.f32 v40  }
0x32f: {  	v7 =	vadd.f32 v7, v24  }
0x330: {  	v55 =	vunpack.i.u.bf16.f32 v23  }
0x331: {  	v56 =	vsub.f32 $0.0e+00, v7;
	v24 =	vadd.f32 v54, v55;
	_ =	sdelay $0x1  }
0x332: {  	v57 =	vmul.f32 $1.442695020e+00, v56;
	v58 =	vsub.f32 $0.0e+00, v24  }
0x333: {  	v25 =	vadd.f32 $1.000000000e+00, v63  }
0x334: {  	(erf) = vpow2.f32 v57;
	v59 =	vmul.f32 $1.442695020e+00, v58  }
0x335: {  	(erf) = vrcp.f32 v25  }
0x336: {  	(erf) = vpow2.f32 v59;
	_ =	sdelay $0x5  }
0x337: {  	v23 =	vunpack.i.l.bf16.f32 v23  }
0x338: {  	v60 =	vpop (erf);
	v10 =	vadd.f32 v10, v23  }
0x339: {  	v61 =	vpop (erf)  }
0x33a: {  	v62 =	vsub.f32 $0.0e+00, v10;
	v63 =	vpop (erf)  }
0x33b: {  	v31 =	vadd.f32 $1.000000000e+00, v63  }
0x33c: {  	v26 =	vmul.f32 $1.442695020e+00, v62  }
0x33d: {  	(erf) = vrcp.f32 v31  }
0x33e: {  	(erf) = vpow2.f32 v26;
	_ =	sdelay $0x6  }
0x33f: {  	v0 =	vmul.f32 v8, v0  }
0x340: {  	v8 =	vmul.f32 v11, v9;
	v9 =	vpop (erf)  }
0x341: {  	[tilespmem:s8+$0xD770] =	vst v0;
	v0 =	vmul.f32 v12, v6;
	v6 =	vadd.f32 $1.000000000e+00, v60;
	v11 =	vpop (erf)  }
0x342: {  	[tilespmem:s14+$0xD7F0] =	vst v8;
	v8 =	vmul.f32 v14, v13;
	v11 =	vadd.f32 $1.000000000e+00, v11  }
0x343: {  	[tilespmem:s10+$0xD770] =	vst v0;
	v0 =	vmul.f32 v15, v2;
	(erf) = vrcp.f32 v6  }
0x344: {  	[tilespmem:s22+$0xD7F0] =	vst v8;
	v2 =	vmul.f32 v17, v16;
	(erf) = vrcp.f32 v11  }
0x345: {  	[tilespmem:s14+$0xD770] =	vst v0;
	v0 =	vmul.f32 v18, v3  }
0x346: {  	[tilespmem:s23+$0xD7F0] =	vst v2;
	v2 =	vmul.f32 v20, v19  }
0x347: {  	[tilespmem:s22+$0xD770] =	vst v0;
	v0 =	vmul.f32 v21, v1  }
0x348: {  	[tilespmem:s24+$0xD7F0] =	vst v2;
	v1 =	vmul.f32 v28, v22  }
0x349: {  	[tilespmem:s23+$0xD770] =	vst v0;
	v0 =	vmul.f32 v36, v4  }
0x34a: {  	[tilespmem:s25+$0xD7F0] =	vst v1;
	v1 =	vmul.f32 v52, v29  }
0x34b: {  	[tilespmem:s24+$0xD770] =	vst v0;
	v0 =	vmul.f32 v61, v5  }
0x34c: {  	[tilespmem:s12+$0xD7F0] =	vst v1;
	v1 =	vmul.f32 v9, v24;
	v2 =	vpop (erf)  }
0x34d: {  	[tilespmem:s25+$0xD770] =	vst v0;
	v0 =	vmul.f32 v2, v7;
	v2 =	vpop (erf)  }
0x34e: {  	[tilespmem:s2+$0xD7F0] =	vst v1;
	v1 =	vmul.f32 v2, v10  }
0x34f: {  	[tilespmem:s12+$0xD770] =	vst v0  }
0x350: {  	[tilespmem:s2+$0xD770] =	vst v1  }
0x351: {  	s26 =	simm.s32 $0xD700;
	s23 =	sshll.u32 s18, $0xC;
	s24 =	rddreg [dreg:$0x11]  }
0x352: {  	s28 =	sshll.u32 s4, $0x3;
	s25 =	simm.s32 $0x0;
	s0 =	sadd.s32 s24, s23  }
0x353: {  	[hbm4b:s0+s25] =	stream.linear.scatter [tilespmem:s26], [sflag:$0x5], $0x4000, $0x38;
	[tilespmem:$0x15700] =	vst v63  }
0x354: {  	s31 =	simm.s32 $0x9700;
	s0 =	sadd.s32 s9, s28  }
0x355: {  	[tilespmem:s31], [sflag:$0x3] =	stream.linear.gather [hbm4b:s0+s25], $0x2000, $0x38;
	[tilespmem:$0x15700] =	vst v63  }
0x356: {  	_ =	swait.ge [sflag:s29], $0x80  }
0x357: {  	[sflag:s29] =	ssyncset.done $0x0  }
0x358: {  	[sflag:s29] =	ssyncadd.s32 $0xFFFFFF80  }
0x359: {  	_ =	swait.ge [sflag:s29], $0x80  }
0x35a: {  	[sflag:s29] =	ssyncset.done $0x0  }
0x35b: {  	s1 =	simm.s32 $0x0;
	[sflag:s29] =	ssyncadd.s32 $0xFFFFFF80  }
0x35c: {  	v8 =	vld [tilespmem:s1+$0x1400];
	_ =	sdelay $0x2  }
0x35d: {  	v10 =	vld [tilespmem:s1+$0x1500];
	_ =	sdelay $0x1  }
0x35e: {  	s0 =	simm.s32 $0x10;
	v0 =	vshrl.u32 v8, $0x1  }
0x35f: {  	v3 =	vld [tilespmem:s0+$0x1400];
	_ =	sdelay $0x1  }
0x360: {  	v2 =	vld [tilespmem:s0+$0x1500];
	v1 =	vshrl.u32 v10, $0x1;
	_ =	sdelay $0x1  }
0x361: {  	s2 =	simm.s32 $0x20;
	v5 =	vld.idx.msk [tilespmem:v0+s5+$0x0], $0xffff  }
0x362: {  	v7 =	vshrl.u32 v3, $0x1;
	v0 =	vld [tilespmem:s2+$0x1400];
	_ =	sdelay $0x1  }
0x363: {  	v6 =	vshrl.u32 v2, $0x1;
	v4 =	vld.idx.msk [tilespmem:v1+s5+$0x0], $0xffff  }
0x364: {  	v1 =	vld [tilespmem:s2+$0x1500]  }
0x365: {  	s4 =	simm.s32 $0xC0;
	v9 =	vand.u32 $0x1, v8;
	v8 =	vand.u32 $0x1, v10  }
.LBB2_9:
0x366: {  	s8 =	sshra.s32 s4, $0x2;
	vm0 =	veq.s32 v9, $0x0;
	v9 =	vshrl.u32 v5, $0x10;
	v10 =	vand.u32 $0xFFFF, v5;
	v5 =	vld.idx.msk [tilespmem:v7+s5+$0x0], $0xffff;
	v11 =	vmovc v0;
	p1 =	sne.s32 s4, $0x1C0  }
.Ltmp3:
0x367: {  	s4 =	sadd.s32 $0x40, s4;
	v0 =	vld [tilespmem:s8+$0x1400];
	v7 =	vshrl.u32 v11, $0x1;
	v9 =	vsel vm0, v10, v9;
	vm0 =	veq.s32 v8, $0x0;
	(pc) =	sbr.rel @p1 .LBB2_9-.Ltmp3, $4  }
0x368: {  	v8 =	vshrl.u32 v4, $0x10;
	v12 =	vand.u32 $0xFFFF, v4;
	v4 =	vld.idx.msk [tilespmem:v6+s5+$0x0], $0xffff;
	v9 =	vmul.u32 $0x60, v9  }
0x369: {  	v8 =	vsel vm0, v12, v8;
	v6 =	vshrl.u32 v1, $0x1;
	v10 =	vmov v1  }
0x36a: {  	v1 =	vld [tilespmem:s8+$0x1500];
	v12 =	vadd.s32 v9, v8  }
0x36b: {  	v9 =	vand.u32 $0x1, v3;
	v8 =	vand.u32 $0x1, v2;
	v3 =	vmovc v11;
	v2 =	vmov v10;
	[tilespmem:s1+$0x1600] =	vst v12;
	s1 =	smov.u32 s0;
	s0 =	smov.u32 s2;
	s2 =	smov.u32 s8  }
0x36c: {  	_ = 	snop  }
0x36d: {  	v10 =	vshrl.u32 v0, $0x1;
	_ =	sdelay $0x1  }
0x36e: {  	vm0 =	veq.s32 v9, $0x0;
	v11 =	vshrl.u32 v1, $0x1  }
0x36f: {  	v7 =	vld.idx.msk [tilespmem:v7+s5+$0x0], $0xffff;
	v9 =	vshrl.u32 v5, $0x10;
	v5 =	vand.u32 $0xFFFF, v5;
	vm11 =	veq.s32 v8, $0x0  }
0x370: {  	v6 =	vld.idx.msk [tilespmem:v6+s5+$0x0], $0xffff;
	v5 =	vsel vm0, v5, v9;
	v8 =	vshrl.u32 v4, $0x10;
	v4 =	vand.u32 $0xFFFF, v4  }
0x371: {  	v3 =	vand.u32 $0x1, v3;
	v5 =	vmul.u32 $0x60, v5;
	v4 =	vsel vm11, v4, v8;
	v8 =	vld.idx.msk [tilespmem:v10+s5+$0x0], $0xffff  }
0x372: {  	v2 =	vand.u32 $0x1, v2;
	v0 =	vand.u32 $0x1, v0;
	vm12 =	veq.s32 v3, $0x0  }
0x373: {  	vm13 =	veq.s32 v2, $0x0;
	vm14 =	veq.s32 v0, $0x0;
	v4 =	vadd.s32 v5, v4;
	v5 =	vld.idx.msk [tilespmem:v11+s5+$0x0], $0xffff  }
0x374: {  	v1 =	vand.u32 $0x1, v1;
	v3 =	vshrl.u32 v7, $0x10;
	v7 =	vand.u32 $0xFFFF, v7  }
0x375: {  	v2 =	vshrl.u32 v6, $0x10;
	v6 =	vand.u32 $0xFFFF, v6;
	v3 =	vsel vm12, v7, v3  }
0x376: {  	v2 =	vsel vm13, v6, v2;
	v0 =	vshrl.u32 v8, $0x10;
	v6 =	vand.u32 $0xFFFF, v8  }
0x377: {  	vm15 =	veq.s32 v1, $0x0;
	v3 =	vmul.u32 $0x60, v3;
	v0 =	vsel vm14, v6, v0  }
0x378: {  	v0 =	vmul.u32 $0x60, v0;
	v1 =	vshrl.u32 v5, $0x10;
	v5 =	vand.u32 $0xFFFF, v5  }
0x379: {  	[tilespmem:s1+$0x1600] =	vst v4;
	v2 =	vadd.s32 v3, v2;
	v1 =	vsel vm15, v5, v1  }
0x37a: {  	[tilespmem:s0+$0x1600] =	vst v2;
	v0 =	vadd.s32 v0, v1  }
0x37b: {  	s12 =	simm.s32 $0x80;
	s14 =	simm.s32 $0x1600;
	s16 =	simm.s32 $0x1700;
	[tilespmem:s2+$0x1600] =	vst v0  }
0x37c: {  	[tilespmem:s16], [sflag:$0x3] =	stream.indirect.gather [hbm4b:s6+s12], $0x80, s14, s12, $0xb8;
	[tilespmem:$0x15700] =	vst v63  }
0x37d: {  	_ =	swait.ge [sflag:s13], $0x2000  }
0x37e: {  	[sflag:s13] =	ssyncset.done $0x0  }
0x37f: {  	[sflag:s13] =	ssyncadd.s32 $0xFFFFE000  }
0x380: {  	_ =	swait.ge [sflag:s13], $0x4000  }
0x381: {  	[sflag:s13] =	ssyncset.done $0x0  }
0x382: {  	s0 =	simm.s32 @!p0 $0x6;
	[sflag:s13] =	ssyncadd.s32 $0xFFFFC000  }
0x383: {  	_ =	swait.ge @!p0 [sflag:s0], $0x4000  }
0x384: {  	[sflag:s0] =	ssyncset.done @!p0 $0x0  }
0x385: {  	s17 =	simm.s32 $0xB770;
	[sflag:s0] =	ssyncadd.s32 @!p0 $0xFFFFC000  }
0x386: {  	s4 =	simm.s32 $0x0;
	v0 =	vld [tilespmem:s17+$0xFFFFFF90]  }
0x387: {  	v1 =	vld [tilespmem:s4+$0x5700]  }
0x388: {  	v2 =	vld [tilespmem:s4+$0x5780];
	_ =	sdelay $0x2  }
0x389: {  	v3 =	vunpack.i.l.bf16.f32 v0  }
0x38a: {  	v0 =	vunpack.i.u.bf16.f32 v0;
	v1 =	vadd.f32 v1, v3  }
0x38b: {  	v2 =	vadd.f32 v2, v0  }
0x38c: {  	v0 =	vsub.f32 $0.0e+00, v1  }
0x38d: {  	v3 =	vsub.f32 $0.0e+00, v2  }
0x38e: {  	v0 =	vmul.f32 $1.442695020e+00, v0  }
0x38f: {  	v3 =	vmul.f32 $1.442695020e+00, v3  }
0x390: {  	(erf) = vpow2.f32 v0  }
0x391: {  	(erf) = vpow2.f32 v3;
	_ =	sdelay $0x7  }
0x392: {  	v0 =	vpop (erf)  }
0x393: {  	v0 =	vadd.f32 $1.000000000e+00, v0;
	v3 =	vpop (erf)  }
0x394: {  	v3 =	vadd.f32 $1.000000000e+00, v3  }
0x395: {  	(erf) = vrcp.f32 v0  }
0x396: {  	(erf) = vrcp.f32 v3;
	_ =	sdelay $0x7  }
0x397: {  	v0 =	vpop (erf)  }
0x398: {  	v1 =	vmul.f32 v0, v1;
	v3 =	vpop (erf)  }
0x399: {  	s16 =	simm.s32 $0xB7F0;
	v2 =	vmul.f32 v3, v2  }
0x39a: {  	s8 =	simm.s32 $0x100;
	v3 =	vld [tilespmem:s16+$0xFFFFFF90];
	[tilespmem:s4+$0x11700] =	vst v1  }
0x39b: {  	v1 =	vld [tilespmem:s8+$0x5700];
	[tilespmem:s4+$0x11780] =	vst v2  }
0x39c: {  	v2 =	vld [tilespmem:s17+$0xFFFFFFA0]  }
0x39d: {  	v4 =	vld [tilespmem:s4+$0x5710]  }
0x39e: {  	v5 =	vld [tilespmem:s4+$0x5790];
	_ =	sdelay $0x1  }
0x39f: {  	v6 =	vunpack.i.l.bf16.f32 v3  }
0x3a0: {  	v1 =	vadd.f32 v1, v6;
	v6 =	vunpack.i.l.bf16.f32 v2  }
0x3a1: {  	v2 =	vunpack.i.u.bf16.f32 v2;
	v4 =	vadd.f32 v4, v6  }
0x3a2: {  	v6 =	vsub.f32 $0.0e+00, v1;
	v2 =	vadd.f32 v5, v2  }
0x3a3: {  	v8 =	vld [tilespmem:s8+$0x5780];
	v5 =	vsub.f32 $0.0e+00, v4  }
0x3a4: {  	v6 =	vmul.f32 $1.442695020e+00, v6;
	v7 =	vsub.f32 $0.0e+00, v2  }
0x3a5: {  	v5 =	vmul.f32 $1.442695020e+00, v5  }
0x3a6: {  	(erf) = vpow2.f32 v6;
	v6 =	vmul.f32 $1.442695020e+00, v7  }
0x3a7: {  	v3 =	vunpack.i.u.bf16.f32 v3;
	(erf) = vpow2.f32 v5  }
0x3a8: {  	v3 =	vadd.f32 v8, v3;
	(erf) = vpow2.f32 v6;
	_ =	sdelay $0x1  }
0x3a9: {  	v5 =	vsub.f32 $0.0e+00, v3;
	_ =	sdelay $0x1  }
0x3aa: {  	v5 =	vmul.f32 $1.442695020e+00, v5;
	_ =	sdelay $0x1  }
0x3ab: {  	(erf) = vpow2.f32 v5  }
0x3ac: {  	v6 =	vpop (erf)  }
0x3ad: {  	v5 =	vadd.f32 $1.000000000e+00, v6;
	v6 =	vpop (erf)  }
0x3ae: {  	v6 =	vadd.f32 $1.000000000e+00, v6;
	v7 =	vpop (erf)  }
0x3af: {  	(erf) = vrcp.f32 v5;
	v5 =	vadd.f32 $1.000000000e+00, v7  }
0x3b0: {  	(erf) = vrcp.f32 v6  }
0x3b1: {  	(erf) = vrcp.f32 v5;
	_ =	sdelay $0x2  }
0x3b2: {  	v5 =	vpop (erf)  }
0x3b3: {  	v5 =	vadd.f32 $1.000000000e+00, v5;
	_ =	sdelay $0x2  }
0x3b4: {  	v6 =	vpop (erf)  }
0x3b5: {  	(erf) = vrcp.f32 v5;
	v5 =	vpop (erf)  }
0x3b6: {  	v4 =	vmul.f32 v5, v4;
	v5 =	vpop (erf)  }
0x3b7: {  	v2 =	vmul.f32 v5, v2  }
0x3b8: {  	[tilespmem:s4+$0x11710] =	vst v4  }
0x3b9: {  	[tilespmem:s4+$0x11790] =	vst v2  }
0x3ba: {  	v2 =	vld [tilespmem:s17+$0xFFFFFFB0]  }
0x3bb: {  	v4 =	vld [tilespmem:s4+$0x5720];
	_ =	sdelay $0x1  }
0x3bc: {  	v5 =	vld [tilespmem:s4+$0x57A0]  }
0x3bd: {  	v1 =	vmul.f32 v6, v1;
	v7 =	vpop (erf)  }
0x3be: {  	s20 =	simm.s32 $0xB870;
	v10 =	vld [tilespmem:s8+$0x5790];
	v3 =	vmul.f32 v7, v3;
	v7 =	vunpack.i.l.bf16.f32 v2  }
0x3bf: {  	s10 =	simm.s32 $0x200;
	v8 =	vld [tilespmem:s20+$0xFFFFFF90];
	[tilespmem:s8+$0x11700] =	vst v1;
	v4 =	vadd.f32 v4, v7  }
0x3c0: {  	[tilespmem:s8+$0x11780] =	vst v3;
	v1 =	vunpack.i.u.bf16.f32 v2;
	v2 =	vld [tilespmem:s10+$0x5700]  }
0x3c1: {  	v3 =	vld [tilespmem:s16+$0xFFFFFFA0];
	v1 =	vadd.f32 v5, v1;
	v5 =	vsub.f32 $0.0e+00, v4  }
0x3c2: {  	v7 =	vld [tilespmem:s8+$0x5710]  }
0x3c3: {  	v9 =	vsub.f32 $0.0e+00, v1;
	v5 =	vmul.f32 $1.442695020e+00, v5;
	_ =	sdelay $0x1  }
0x3c4: {  	v12 =	vld [tilespmem:s10+$0x5780];
	v11 =	vunpack.i.l.bf16.f32 v8;
	v9 =	vmul.f32 $1.442695020e+00, v9;
	(erf) = vpow2.f32 v5  }
0x3c5: {  	v5 =	vadd.f32 v2, v11;
	v2 =	vunpack.i.l.bf16.f32 v3;
	v3 =	vunpack.i.u.bf16.f32 v3  }
0x3c6: {  	(erf) = vpow2.f32 v9;
	v7 =	vadd.f32 v7, v2;
	v3 =	vadd.f32 v10, v3  }
0x3c7: {  	v2 =	vsub.f32 $0.0e+00, v5  }
0x3c8: {  	v8 =	vunpack.i.u.bf16.f32 v8;
	v9 =	vsub.f32 $0.0e+00, v7;
	v10 =	vsub.f32 $0.0e+00, v3  }
0x3c9: {  	v8 =	vadd.f32 v12, v8;
	v2 =	vmul.f32 $1.442695020e+00, v2  }
0x3ca: {  	v9 =	vmul.f32 $1.442695020e+00, v9;
	v10 =	vmul.f32 $1.442695020e+00, v10  }
0x3cb: {  	v11 =	vsub.f32 $0.0e+00, v8;
	(erf) = vpow2.f32 v2  }
0x3cc: {  	(erf) = vpow2.f32 v9  }
0x3cd: {  	v0 =	vld [tilespmem:s4+$0x5770];
	(erf) = vpow2.f32 v10  }
0x3ce: {  	v6 =	vld [tilespmem:s8+$0x5770];
	v9 =	vmul.f32 $1.442695020e+00, v11;
	v10 =	vpop (erf)  }
0x3cf: {  	v2 =	vld [tilespmem:s10+$0x5770];
	v11 =	vpop (erf)  }
0x3d0: {  	v10 =	vadd.f32 $1.000000000e+00, v10;
	(erf) = vpow2.f32 v9;
	v9 =	vadd.f32 $1.000000000e+00, v11;
	_ =	sdelay $0x1  }
0x3d1: {  	(erf) = vrcp.f32 v10  }
0x3d2: {  	(erf) = vrcp.f32 v9  }
0x3d3: {  	v9 =	vpop (erf)  }
0x3d4: {  	v9 =	vadd.f32 $1.000000000e+00, v9;
	v10 =	vpop (erf)  }
0x3d5: {  	v11 =	vpop (erf)  }
0x3d6: {  	(erf) = vrcp.f32 v9;
	v9 =	vadd.f32 $1.000000000e+00, v11  }
0x3d7: {  	v10 =	vadd.f32 $1.000000000e+00, v10;
	_ =	sdelay $0x1  }
0x3d8: {  	(erf) = vrcp.f32 v10;
	v11 =	vpop (erf)  }
0x3d9: {  	(erf) = vrcp.f32 v9;
	v9 =	vpop (erf)  }
0x3da: {  	v4 =	vmul.f32 v9, v4;
	v9 =	vpop (erf)  }
0x3db: {  	v1 =	vmul.f32 v9, v1  }
0x3dc: {  	[tilespmem:s4+$0x11720] =	vst v4  }
0x3dd: {  	v4 =	vadd.f32 $1.000000000e+00, v11;
	[tilespmem:s4+$0x117A0] =	vst v1  }
0x3de: {  	v1 =	vld [tilespmem:s17+$0xFFFFFFC0]  }
0x3df: {  	v9 =	vld [tilespmem:s4+$0x5730]  }
0x3e0: {  	v10 =	vpop (erf)  }
0x3e1: {  	(erf) = vrcp.f32 v4;
	v4 =	vpop (erf)  }
0x3e2: {  	v4 =	vmul.f32 v4, v7;
	v7 =	vpop (erf)  }
0x3e3: {  	v11 =	vld [tilespmem:s4+$0x57B0];
	v3 =	vmul.f32 v7, v3;
	v7 =	vunpack.i.l.bf16.f32 v1  }
0x3e4: {  	[tilespmem:s8+$0x11710] =	vst v4;
	v4 =	vadd.f32 v9, v7  }
0x3e5: {  	[tilespmem:s8+$0x11790] =	vst v3  }
0x3e6: {  	v3 =	vld [tilespmem:s16+$0xFFFFFFB0];
	v7 =	vsub.f32 $0.0e+00, v4  }
0x3e7: {  	v12 =	vld [tilespmem:s8+$0x57A0];
	v1 =	vunpack.i.u.bf16.f32 v1  }
0x3e8: {  	s28 =	simm.s32 $0xB8F0;
	v1 =	vadd.f32 v11, v1;
	v9 =	vld [tilespmem:s8+$0x5720];
	v7 =	vmul.f32 $1.442695020e+00, v7  }
0x3e9: {  	s14 =	simm.s32 $0x300;
	v13 =	vld [tilespmem:s28+$0xFFFFFF90]  }
0x3ea: {  	v14 =	vld [tilespmem:s14+$0x5700];
	v5 =	vmul.f32 v10, v5;
	v11 =	vsub.f32 $0.0e+00, v1;
	v10 =	vpop (erf);
	(erf) = vpow2.f32 v7  }
0x3eb: {  	v7 =	vmul.f32 v10, v8;
	v8 =	vunpack.i.l.bf16.f32 v3;
	v3 =	vunpack.i.u.bf16.f32 v3  }
0x3ec: {  	v11 =	vmul.f32 $1.442695020e+00, v11;
	v3 =	vadd.f32 v12, v3  }
0x3ed: {  	[tilespmem:s10+$0x11700] =	vst v5;
	v5 =	vadd.f32 v9, v8  }
0x3ee: {  	(erf) = vpow2.f32 v11;
	[tilespmem:s10+$0x11780] =	vst v7;
	v7 =	vunpack.i.l.bf16.f32 v13;
	v11 =	vsub.f32 $0.0e+00, v3  }
0x3ef: {  	v8 =	vld [tilespmem:s20+$0xFFFFFFA0];
	v9 =	vsub.f32 $0.0e+00, v5;
	v7 =	vadd.f32 v14, v7  }
0x3f0: {  	v12 =	vld [tilespmem:s10+$0x5790];
	v11 =	vmul.f32 $1.442695020e+00, v11  }
0x3f1: {  	v10 =	vld [tilespmem:s10+$0x5710];
	v9 =	vmul.f32 $1.442695020e+00, v9;
	v14 =	vsub.f32 $0.0e+00, v7  }
0x3f2: {  	v15 =	vld [tilespmem:s14+$0x5780]  }
0x3f3: {  	(erf) = vpow2.f32 v9;
	v9 =	vmul.f32 $1.442695020e+00, v14  }
0x3f4: {  	v14 =	vunpack.i.l.bf16.f32 v8;
	(erf) = vpow2.f32 v11;
	v8 =	vunpack.i.u.bf16.f32 v8;
	v11 =	vpop (erf)  }
0x3f5: {  	v8 =	vadd.f32 v12, v8;
	v11 =	vadd.f32 $1.000000000e+00, v11  }
0x3f6: {  	v10 =	vadd.f32 v10, v14;
	(erf) = vpow2.f32 v9;
	v12 =	vunpack.i.u.bf16.f32 v13  }
0x3f7: {  	v14 =	vpop (erf);
	(erf) = vrcp.f32 v11;
	v11 =	vadd.f32 v15, v12;
	v12 =	vsub.f32 $0.0e+00, v8  }
0x3f8: {  	v13 =	vsub.f32 $0.0e+00, v10;
	v9 =	vadd.f32 $1.000000000e+00, v14  }
0x3f9: {  	v12 =	vmul.f32 $1.442695020e+00, v12  }
0x3fa: {  	(erf) = vrcp.f32 v9;
	v9 =	vmul.f32 $1.442695020e+00, v13;
	v13 =	vsub.f32 $0.0e+00, v11;
	_ =	sdelay $0x1  }
0x3fb: {  	(erf) = vpow2.f32 v9  }
0x3fc: {  	v9 =	vmul.f32 $1.442695020e+00, v13;
	(erf) = vpow2.f32 v12;
	v12 =	vpop (erf)  }
0x3fd: {  	v13 =	vpop (erf)  }
0x3fe: {  	(erf) = vpow2.f32 v9;
	v9 =	vadd.f32 $1.000000000e+00, v13  }
0x3ff: {  	v12 =	vadd.f32 $1.000000000e+00, v12;
	_ =	sdelay $0x1  }
0x400: {  	v13 =	vpop (erf);
	(erf) = vrcp.f32 v12  }
0x401: {  	(erf) = vrcp.f32 v9;
	v9 =	vpop (erf)  }
0x402: {  	v4 =	vmul.f32 v9, v4;
	v9 =	vpop (erf)  }
0x403: {  	v1 =	vmul.f32 v9, v1  }
0x404: {  	v9 =	vpop (erf);
	[tilespmem:s4+$0x11730] =	vst v4;
	v4 =	vadd.f32 $1.000000000e+00, v13  }
0x405: {  	[tilespmem:s4+$0x117B0] =	vst v1;
	v1 =	vadd.f32 $1.000000000e+00, v9;
	v9 =	vpop (erf)  }
0x406: {  	(erf) = vrcp.f32 v4;
	v4 =	vadd.f32 $1.000000000e+00, v9  }
0x407: {  	v12 =	vld [tilespmem:s17+$0xFFFFFFD0]  }
0x408: {  	v9 =	vld [tilespmem:s4+$0x5740];
	(erf) = vrcp.f32 v1  }
0x409: {  	v13 =	vpop (erf);
	v1 =	vld [tilespmem:s4+$0x57C0];
	(erf) = vrcp.f32 v4  }
0x40a: {  	v4 =	vpop (erf)  }
0x40b: {  	v4 =	vmul.f32 v4, v5;
	v5 =	vpop (erf)  }
0x40c: {  	v3 =	vmul.f32 v5, v3;
	v5 =	vunpack.i.l.bf16.f32 v12  }
0x40d: {  	[tilespmem:s8+$0x11720] =	vst v4;
	v4 =	vunpack.i.u.bf16.f32 v12;
	v5 =	vadd.f32 v9, v5;
	v9 =	vadd.f32 $1.000000000e+00, v13  }
0x40e: {  	[tilespmem:s8+$0x117A0] =	vst v3;
	v1 =	vadd.f32 v1, v4  }
0x40f: {  	v3 =	vld [tilespmem:s16+$0xFFFFFFC0];
	v4 =	vsub.f32 $0.0e+00, v5  }
0x410: {  	v15 =	vld [tilespmem:s8+$0x57B0];
	v14 =	vpop (erf);
	v13 =	vsub.f32 $0.0e+00, v1  }
0x411: {  	v12 =	vld [tilespmem:s8+$0x5730];
	(erf) = vrcp.f32 v9;
	v4 =	vmul.f32 $1.442695020e+00, v4;
	v9 =	vpop (erf)  }
0x412: {  	v13 =	vmul.f32 $1.442695020e+00, v13;
	v9 =	vmul.f32 v9, v10;
	v10 =	vpop (erf)  }
0x413: {  	(erf) = vpow2.f32 v4;
	v4 =	vmul.f32 v10, v8  }
0x414: {  	v8 =	vunpack.i.l.bf16.f32 v3;
	v3 =	vunpack.i.u.bf16.f32 v3  }
0x415: {  	(erf) = vpow2.f32 v13;
	[tilespmem:s10+$0x11790] =	vst v4;
	v4 =	vadd.f32 v15, v3  }
0x416: {  	[tilespmem:s10+$0x11710] =	vst v9;
	v8 =	vadd.f32 v12, v8  }
0x417: {  	v9 =	vld [tilespmem:s20+$0xFFFFFFB0];
	v12 =	vsub.f32 $0.0e+00, v4  }
0x418: {  	v10 =	vld [tilespmem:s10+$0x5720];
	v3 =	vsub.f32 $0.0e+00, v8  }
0x419: {  	s25 =	simm.s32 $0xB970;
	v13 =	vld [tilespmem:s10+$0x57A0];
	v12 =	vmul.f32 $1.442695020e+00, v12  }
0x41a: {  	s22 =	simm.s32 $0x400;
	v15 =	vld [tilespmem:s25+$0xFFFFFF90];
	v3 =	vmul.f32 $1.442695020e+00, v3  }
0x41b: {  	v16 =	vld [tilespmem:s22+$0x5700];
	v7 =	vmul.f32 v14, v7;
	v14 =	vpop (erf)  }
0x41c: {  	v11 =	vmul.f32 v14, v11;
	(erf) = vpow2.f32 v3;
	v14 =	vunpack.i.l.bf16.f32 v9  }
0x41d: {  	[tilespmem:s14+$0x11700] =	vst v7;
	v7 =	vunpack.i.u.bf16.f32 v9;
	(erf) = vpow2.f32 v12;
	v9 =	vadd.f32 v10, v14;
	v12 =	vpop (erf)  }
0x41e: {  	[tilespmem:s14+$0x11780] =	vst v11;
	v7 =	vadd.f32 v13, v7;
	v10 =	vadd.f32 $1.000000000e+00, v12;
	v12 =	vpop (erf)  }
0x41f: {  	v13 =	vld [tilespmem:s28+$0xFFFFFFA0];
	v14 =	vsub.f32 $0.0e+00, v9;
	v11 =	vadd.f32 $1.000000000e+00, v12;
	v12 =	vunpack.i.l.bf16.f32 v15  }
0x420: {  	(erf) = vrcp.f32 v10;
	v10 =	vadd.f32 v16, v12;
	v16 =	vsub.f32 $0.0e+00, v7;
	_ =	sdelay $0x1  }
0x421: {  	v12 =	vld [tilespmem:s14+$0x5710];
	v14 =	vmul.f32 $1.442695020e+00, v14;
	v17 =	vsub.f32 $0.0e+00, v10;
	v16 =	vmul.f32 $1.442695020e+00, v16  }
0x422: {  	(erf) = vrcp.f32 v11;
	v11 =	vld [tilespmem:s14+$0x5790]  }
0x423: {  	(erf) = vpow2.f32 v14;
	v14 =	vmul.f32 $1.442695020e+00, v17;
	v17 =	vunpack.i.l.bf16.f32 v13;
	_ =	sdelay $0x1  }
0x424: {  	v18 =	vld [tilespmem:s22+$0x5780];
	(erf) = vpow2.f32 v16;
	v16 =	vpop (erf)  }
0x425: {  	v13 =	vunpack.i.u.bf16.f32 v13;
	v12 =	vadd.f32 v12, v17;
	v17 =	vpop (erf)  }
0x426: {  	v11 =	vadd.f32 v11, v13;
	v13 =	vadd.f32 $1.000000000e+00, v17  }
0x427: {  	v16 =	vadd.f32 $1.000000000e+00, v16  }
0x428: {  	(erf) = vpow2.f32 v14;
	v14 =	vunpack.i.u.bf16.f32 v15  }
0x429: {  	v15 =	vsub.f32 $0.0e+00, v12;
	v14 =	vadd.f32 v18, v14;
	(erf) = vrcp.f32 v16  }
0x42a: {  	v16 =	vsub.f32 $0.0e+00, v11;
	(erf) = vrcp.f32 v13;
	v13 =	vpop (erf)  }
0x42b: {  	v15 =	vmul.f32 $1.442695020e+00, v15;
	v17 =	vsub.f32 $0.0e+00, v14;
	v5 =	vmul.f32 v13, v5;
	v13 =	vpop (erf)  }
0x42c: {  	v16 =	vmul.f32 $1.442695020e+00, v16;
	v1 =	vmul.f32 v13, v1  }
0x42d: {  	(erf) = vpow2.f32 v15;
	v13 =	vpop (erf);
	[tilespmem:s4+$0x11740] =	vst v5;
	v5 =	vmul.f32 $1.442695020e+00, v17  }
0x42e: {  	(erf) = vpow2.f32 v16;
	[tilespmem:s4+$0x117C0] =	vst v1;
	v1 =	vadd.f32 $1.000000000e+00, v13;
	v13 =	vpop (erf)  }
0x42f: {  	(erf) = vpow2.f32 v5;
	v5 =	vadd.f32 $1.000000000e+00, v13;
	_ =	sdelay $0x1  }
0x430: {  	v15 =	vld [tilespmem:s17+$0xFFFFFFE0]  }
0x431: {  	v16 =	vpop (erf);
	(erf) = vrcp.f32 v1  }
0x432: {  	v13 =	vld [tilespmem:s4+$0x5750];
	(erf) = vrcp.f32 v5;
	v5 =	vpop (erf)  }
0x433: {  	v1 =	vld [tilespmem:s4+$0x57D0];
	v5 =	vmul.f32 v5, v8;
	_ =	sdelay $0x1  }
0x434: {  	v8 =	vpop (erf);
	[tilespmem:s8+$0x11730] =	vst v5;
	v5 =	vunpack.i.u.bf16.f32 v15  }
0x435: {  	v4 =	vmul.f32 v8, v4;
	v8 =	vunpack.i.l.bf16.f32 v15  }
0x436: {  	v8 =	vadd.f32 v13, v8;
	v13 =	vadd.f32 $1.000000000e+00, v16;
	v15 =	vpop (erf)  }
0x437: {  	[tilespmem:s8+$0x117B0] =	vst v4;
	v4 =	vadd.f32 v1, v5;
	v1 =	vadd.f32 $1.000000000e+00, v15;
	v5 =	vpop (erf)  }
0x438: {  	(erf) = vrcp.f32 v13;
	v5 =	vadd.f32 $1.000000000e+00, v5  }
0x439: {  	v15 =	vld [tilespmem:s16+$0xFFFFFFD0];
	(erf) = vrcp.f32 v1  }
0x43a: {  	v16 =	vsub.f32 $0.0e+00, v8;
	v13 =	vld [tilespmem:s8+$0x5740]  }
0x43b: {  	v17 =	vsub.f32 $0.0e+00, v4;
	v18 =	vpop (erf);
	v1 =	vld [tilespmem:s8+$0x57C0];
	(erf) = vrcp.f32 v5  }
0x43c: {  	v16 =	vmul.f32 $1.442695020e+00, v16;
	v5 =	vpop (erf)  }
0x43d: {  	v17 =	vmul.f32 $1.442695020e+00, v17;
	v5 =	vmul.f32 v5, v9;
	v9 =	vpop (erf)  }
0x43e: {  	v7 =	vmul.f32 v9, v7;
	v9 =	vunpack.i.l.bf16.f32 v15  }
0x43f: {  	(erf) = vpow2.f32 v16;
	[tilespmem:s10+$0x11720] =	vst v5;
	v5 =	vunpack.i.u.bf16.f32 v15;
	v9 =	vadd.f32 v13, v9  }
0x440: {  	(erf) = vpow2.f32 v17;
	[tilespmem:s10+$0x117A0] =	vst v7;
	v7 =	vadd.f32 v1, v5;
	v1 =	vadd.f32 $1.000000000e+00, v18  }
0x441: {  	v17 =	vpop (erf);
	v5 =	vld [tilespmem:s20+$0xFFFFFFC0]  }
0x442: {  	v13 =	vsub.f32 $0.0e+00, v9;
	v18 =	vpop (erf);
	v16 =	vsub.f32 $0.0e+00, v7;
	(erf) = vrcp.f32 v1;
	v1 =	vld [tilespmem:s10+$0x57B0]  }
0x443: {  	v15 =	vld [tilespmem:s10+$0x5730];
	v12 =	vmul.f32 v18, v12  }
0x444: {  	v13 =	vmul.f32 $1.442695020e+00, v13;
	v18 =	vpop (erf);
	v16 =	vmul.f32 $1.442695020e+00, v16  }
0x445: {  	v11 =	vmul.f32 v18, v11  }
0x446: {  	(erf) = vpow2.f32 v13;
	v13 =	vunpack.i.l.bf16.f32 v5;
	v5 =	vunpack.i.u.bf16.f32 v5  }
0x447: {  	(erf) = vpow2.f32 v16;
	[tilespmem:s14+$0x11790] =	vst v11;
	v11 =	vadd.f32 v1, v5  }
0x448: {  	[tilespmem:s14+$0x11710] =	vst v12;
	v12 =	vadd.f32 v15, v13;
	v16 =	vpop (erf)  }
0x449: {  	v13 =	vadd.f32 $1.000000000e+00, v16;
	v15 =	vpop (erf);
	v16 =	vsub.f32 $0.0e+00, v11  }
0x44a: {  	v10 =	vmul.f32 v17, v10;
	v5 =	vld [tilespmem:s28+$0xFFFFFFB0];
	v1 =	vadd.f32 $1.000000000e+00, v15;
	v15 =	vsub.f32 $0.0e+00, v12  }
0x44b: {  	(erf) = vrcp.f32 v13;
	v13 =	vld [tilespmem:s14+$0x5720];
	v17 =	vpop (erf);
	v16 =	vmul.f32 $1.442695020e+00, v16  }
0x44c: {  	v18 =	vld [tilespmem:s14+$0x57A0];
	v15 =	vmul.f32 $1.442695020e+00, v15;
	v14 =	vmul.f32 v17, v14  }
0x44d: {  	s26 =	simm.s32 $0xB9F0;
	(erf) = vrcp.f32 v1  }
0x44e: {  	s23 =	simm.s32 $0x500;
	v19 =	vld [tilespmem:s26+$0xFFFFFF90];
	[tilespmem:s22+$0x11700] =	vst v10;
	(erf) = vpow2.f32 v15  }
0x44f: {  	v10 =	vunpack.i.l.bf16.f32 v5;
	v15 =	vld [tilespmem:s23+$0x5700];
	[tilespmem:s22+$0x11780] =	vst v14;
	(erf) = vpow2.f32 v16;
	v16 =	vpop (erf)  }
0x450: {  	v5 =	vunpack.i.u.bf16.f32 v5;
	v10 =	vadd.f32 v13, v10;
	v13 =	vadd.f32 $1.000000000e+00, v16;
	v14 =	vpop (erf);
	v16 =	vld [tilespmem:s25+$0xFFFFFFA0]  }
0x451: {  	v17 =	vadd.f32 v18, v5;
	v5 =	vadd.f32 $1.000000000e+00, v14;
	v14 =	vld [tilespmem:s22+$0x5710]  }
0x452: {  	v18 =	vsub.f32 $0.0e+00, v10  }
0x453: {  	v20 =	vld [tilespmem:s22+$0x5790];
	v21 =	vsub.f32 $0.0e+00, v17;
	(erf) = vrcp.f32 v13;
	v13 =	vunpack.i.l.bf16.f32 v19  }
0x454: {  	(erf) = vrcp.f32 v5;
	v5 =	vadd.f32 v15, v13;
	v22 =	vpop (erf);
	v13 =	vmul.f32 $1.442695020e+00, v18  }
0x455: {  	v8 =	vmul.f32 v22, v8;
	v22 =	vunpack.i.l.bf16.f32 v16  }
0x456: {  	v21 =	vmul.f32 $1.442695020e+00, v21;
	v18 =	vld [tilespmem:s23+$0x5780];
	v15 =	vpop (erf);
	(erf) = vpow2.f32 v13;
	v13 =	vadd.f32 v14, v22  }
0x457: {  	v4 =	vmul.f32 v15, v4;
	v15 =	vsub.f32 $0.0e+00, v5;
	[tilespmem:s4+$0x11750] =	vst v8;
	v8 =	vunpack.i.u.bf16.f32 v16  }
0x458: {  	v8 =	vadd.f32 v20, v8;
	v20 =	vsub.f32 $0.0e+00, v13  }
0x459: {  	(erf) = vpow2.f32 v21;
	v14 =	vpop (erf);
	[tilespmem:s4+$0x117D0] =	vst v4;
	v4 =	vmul.f32 $1.442695020e+00, v15  }
0x45a: {  	v16 =	vunpack.i.u.bf16.f32 v19;
	v14 =	vadd.f32 $1.000000000e+00, v14;
	v15 =	vld [tilespmem:s17+$0xFFFFFFF0]  }
0x45b: {  	v21 =	vld [tilespmem:s4+$0x5760];
	v19 =	vpop (erf);
	v16 =	vadd.f32 v18, v16;
	(erf) = vpow2.f32 v4  }
0x45c: {  	v18 =	vld [tilespmem:s4+$0x57E0];
	v4 =	vadd.f32 $1.000000000e+00, v19;
	(erf) = vrcp.f32 v14;
	v14 =	vmul.f32 $1.442695020e+00, v20;
	v20 =	vpop (erf)  }
0x45d: {  	v19 =	vsub.f32 $0.0e+00, v8;
	v9 =	vmul.f32 v20, v9  }
0x45e: {  	(erf) = vrcp.f32 v4;
	v4 =	vsub.f32 $0.0e+00, v16;
	v20 =	vpop (erf)  }
0x45f: {  	v19 =	vmul.f32 $1.442695020e+00, v19;
	v7 =	vmul.f32 v20, v7;
	v20 =	vunpack.i.l.bf16.f32 v15  }
0x460: {  	(erf) = vpow2.f32 v14;
	v14 =	vunpack.i.u.bf16.f32 v15;
	v15 =	vadd.f32 v21, v20  }
0x461: {  	v4 =	vmul.f32 $1.442695020e+00, v4;
	[tilespmem:s8+$0x11740] =	vst v9;
	v14 =	vadd.f32 v18, v14;
	v9 =	vpop (erf)  }
0x462: {  	(erf) = vpow2.f32 v19;
	[tilespmem:s8+$0x117C0] =	vst v7;
	v18 =	vsub.f32 $0.0e+00, v15;
	v7 =	vadd.f32 $1.000000000e+00, v9;
	v9 =	vpop (erf)  }
0x463: {  	(erf) = vpow2.f32 v4;
	v4 =	vadd.f32 $1.000000000e+00, v9  }
0x464: {  	(erf) = vrcp.f32 v7;
	v7 =	vmul.f32 $1.442695020e+00, v18;
	_ =	sdelay $0x1  }
0x465: {  	v19 =	vld [tilespmem:s16+$0xFFFFFFE0];
	v18 =	vpop (erf)  }
0x466: {  	v9 =	vld [tilespmem:s8+$0x5750];
	(erf) = vrcp.f32 v4;
	v4 =	vpop (erf)  }
0x467: {  	v21 =	vld [tilespmem:s8+$0x57D0];
	(erf) = vpow2.f32 v7;
	v7 =	vpop (erf)  }
0x468: {  	v7 =	vmul.f32 v7, v11  }
0x469: {  	v20 =	vsub.f32 $0.0e+00, v14;
	v4 =	vmul.f32 v4, v12  }
0x46a: {  	v11 =	vunpack.i.l.bf16.f32 v19  }
0x46b: {  	v20 =	vmul.f32 $1.442695020e+00, v20;
	v12 =	vpop (erf);
	[tilespmem:s10+$0x11730] =	vst v4;
	v4 =	vunpack.i.u.bf16.f32 v19;
	v9 =	vadd.f32 v9, v11  }
0x46c: {  	v11 =	vadd.f32 $1.000000000e+00, v18;
	[tilespmem:s10+$0x117B0] =	vst v7;
	v18 =	vadd.f32 v21, v4;
	v7 =	vpop (erf)  }
0x46d: {  	(erf) = vpow2.f32 v20;
	v4 =	vadd.f32 $1.000000000e+00, v12;
	v12 =	vld [tilespmem:s20+$0xFFFFFFD0];
	v7 =	vadd.f32 $1.000000000e+00, v7  }
0x46e: {  	v19 =	vsub.f32 $0.0e+00, v9;
	(erf) = vrcp.f32 v11;
	v11 =	vld [tilespmem:s10+$0x5740]  }
0x46f: {  	v20 =	vsub.f32 $0.0e+00, v18  }
0x470: {  	v21 =	vpop (erf);
	(erf) = vrcp.f32 v4;
	v19 =	vmul.f32 $1.442695020e+00, v19  }
0x471: {  	v4 =	vld [tilespmem:s10+$0x57C0];
	v20 =	vmul.f32 $1.442695020e+00, v20;
	(erf) = vrcp.f32 v7;
	v7 =	vpop (erf)  }
0x472: {  	(erf) = vpow2.f32 v19;
	v19 =	vunpack.i.l.bf16.f32 v12;
	v7 =	vmul.f32 v7, v10;
	v10 =	vpop (erf)  }
0x473: {  	v11 =	vadd.f32 v11, v19;
	v10 =	vmul.f32 v10, v17  }
0x474: {  	v3 =	vld [tilespmem:s14+$0x5770];
	(erf) = vpow2.f32 v20;
	[tilespmem:s14+$0x11720] =	vst v7  }
0x475: {  	v21 =	vadd.f32 $1.000000000e+00, v21;
	v17 =	vpop (erf);
	v7 =	vunpack.i.u.bf16.f32 v12;
	[tilespmem:s14+$0x117A0] =	vst v10;
	v10 =	vsub.f32 $0.0e+00, v11  }
0x476: {  	v17 =	vadd.f32 $1.000000000e+00, v17;
	v12 =	vpop (erf);
	v19 =	vadd.f32 v4, v7  }
0x477: {  	(erf) = vrcp.f32 v21;
	v4 =	vadd.f32 $1.000000000e+00, v12;
	v7 =	vld [tilespmem:s28+$0xFFFFFFC0]  }
0x478: {  	v21 =	vld [tilespmem:s14+$0x57B0];
	v20 =	vpop (erf);
	(erf) = vrcp.f32 v17;
	v17 =	vsub.f32 $0.0e+00, v19  }
0x479: {  	v12 =	vld [tilespmem:s14+$0x5730];
	(erf) = vrcp.f32 v4;
	v4 =	vmul.f32 $1.442695020e+00, v10;
	v10 =	vpop (erf)  }
0x47a: {  	s0 =	simm.s32 $0xBA70;
	v17 =	vmul.f32 $1.442695020e+00, v17;
	v10 =	vmul.f32 v10, v13;
	v13 =	vpop (erf)  }
0x47b: {  	s24 =	simm.s32 $0x600;
	v22 =	vld [tilespmem:s0+$0xFFFFFF90];
	(erf) = vpow2.f32 v4;
	v8 =	vmul.f32 v13, v8  }
0x47c: {  	v4 =	vunpack.i.l.bf16.f32 v7;
	(erf) = vpow2.f32 v17;
	v13 =	vpop (erf);
	v17 =	vld [tilespmem:s24+$0x5700];
	v7 =	vunpack.i.u.bf16.f32 v7  }
0x47d: {  	[tilespmem:s22+$0x11710] =	vst v10;
	v10 =	vadd.f32 $1.000000000e+00, v13;
	v13 =	vpop (erf);
	v21 =	vadd.f32 v21, v7  }
0x47e: {  	v12 =	vadd.f32 v12, v4;
	v7 =	vadd.f32 $1.000000000e+00, v13  }
0x47f: {  	v5 =	vmul.f32 v20, v5;
	[tilespmem:s22+$0x11790] =	vst v8;
	(erf) = vrcp.f32 v10;
	v24 =	vsub.f32 $0.0e+00, v21  }
0x480: {  	v13 =	vld [tilespmem:s25+$0xFFFFFFB0];
	v20 =	vsub.f32 $0.0e+00, v12;
	v8 =	vpop (erf);
	(erf) = vrcp.f32 v7;
	v7 =	vunpack.i.l.bf16.f32 v22  }
0x481: {  	v23 =	vld [tilespmem:s22+$0x5720];
	v10 =	vpop (erf);
	v7 =	vadd.f32 v17, v7;
	v17 =	vmul.f32 $1.442695020e+00, v24  }
0x482: {  	[tilespmem:s23+$0x11700] =	vst v5;
	v5 =	vld [tilespmem:s22+$0x57A0];
	v10 =	vmul.f32 v10, v15;
	v15 =	vmul.f32 $1.442695020e+00, v20  }
0x483: {  	v8 =	vmul.f32 v8, v16;
	v16 =	vpop (erf)  }
0x484: {  	v14 =	vmul.f32 v16, v14;
	(erf) = vpow2.f32 v15  }
0x485: {  	[tilespmem:s23+$0x11780] =	vst v8;
	v16 =	vunpack.i.l.bf16.f32 v13;
	(erf) = vpow2.f32 v17;
	v17 =	vpop (erf)  }
0x486: {  	v8 =	vld [tilespmem:s4+$0x57F0];
	v13 =	vunpack.i.u.bf16.f32 v13;
	[tilespmem:s4+$0x117E0] =	vst v14;
	v14 =	vadd.f32 v23, v16;
	v16 =	vadd.f32 $1.000000000e+00, v17;
	v17 =	vpop (erf)  }
0x487: {  	[tilespmem:s4+$0x11760] =	vst v10;
	v15 =	vld [tilespmem:s26+$0xFFFFFFA0];
	v5 =	vadd.f32 v5, v13;
	v13 =	vadd.f32 $1.000000000e+00, v17  }
0x488: {  	v20 =	vld [tilespmem:s17+$0x0]  }
0x489: {  	v10 =	vsub.f32 $0.0e+00, v7;
	v23 =	vld [tilespmem:s23+$0x5710]  }
0x48a: {  	v17 =	vld [tilespmem:s23+$0x5790];
	v24 =	vsub.f32 $0.0e+00, v14;
	(erf) = vrcp.f32 v16  }
0x48b: {  	v10 =	vmul.f32 $1.442695020e+00, v10;
	v16 =	vsub.f32 $0.0e+00, v5;
	(erf) = vrcp.f32 v13;
	v13 =	vpop (erf)  }
0x48c: {  	v24 =	vmul.f32 $1.442695020e+00, v24;
	v9 =	vmul.f32 v13, v9;
	v13 =	vpop (erf)  }
0x48d: {  	v26 =	vld [tilespmem:s24+$0x5780];
	v16 =	vmul.f32 $1.442695020e+00, v16;
	v13 =	vmul.f32 v13, v18;
	v18 =	vunpack.i.u.bf16.f32 v20  }
0x48e: {  	v25 =	vunpack.i.u.bf16.f32 v15;
	v15 =	vunpack.i.l.bf16.f32 v15;
	v8 =	vadd.f32 v8, v18  }
0x48f: {  	v15 =	vadd.f32 v23, v15;
	(erf) = vpow2.f32 v24;
	v17 =	vadd.f32 v17, v25;
	[tilespmem:s8+$0x11750] =	vst v9  }
0x490: {  	(erf) = vpow2.f32 v16;
	[tilespmem:s8+$0x117D0] =	vst v13;
	v13 =	vunpack.i.u.bf16.f32 v22;
	v9 =	vpop (erf);
	v22 =	vsub.f32 $0.0e+00, v8  }
0x491: {  	v23 =	vsub.f32 $0.0e+00, v15;
	(erf) = vpow2.f32 v10;
	v9 =	vadd.f32 $1.000000000e+00, v9;
	v16 =	vpop (erf)  }
0x492: {  	v10 =	vadd.f32 v26, v13;
	v16 =	vadd.f32 $1.000000000e+00, v16;
	v13 =	vmul.f32 $1.442695020e+00, v22  }
0x493: {  	v18 =	vld [tilespmem:s16+$0xFFFFFFF0];
	v22 =	vmul.f32 $1.442695020e+00, v23;
	v23 =	vsub.f32 $0.0e+00, v17;
	(erf) = vrcp.f32 v9  }
0x494: {  	v24 =	vld [tilespmem:s8+$0x5760];
	(erf) = vrcp.f32 v16  }
0x495: {  	v9 =	vld [tilespmem:s8+$0x57E0];
	(erf) = vpow2.f32 v13;
	v13 =	vmul.f32 $1.442695020e+00, v23  }
0x496: {  	v16 =	vpop (erf)  }
0x497: {  	v25 =	vsub.f32 $0.0e+00, v10;
	(erf) = vpow2.f32 v22;
	v11 =	vmul.f32 v16, v11;
	v16 =	vpop (erf)  }
0x498: {  	(erf) = vpow2.f32 v13;
	v16 =	vmul.f32 v16, v19;
	v19 =	vunpack.i.l.bf16.f32 v18  }
0x499: {  	v18 =	vunpack.i.u.bf16.f32 v18;
	v19 =	vadd.f32 v24, v19;
	[tilespmem:s10+$0x11740] =	vst v11;
	v11 =	vmul.f32 $1.442695020e+00, v25;
	v13 =	vpop (erf)  }
0x49a: {  	v18 =	vadd.f32 v9, v18;
	v9 =	vadd.f32 $1.000000000e+00, v13;
	v13 =	vpop (erf)  }
0x49b: {  	[tilespmem:s10+$0x117C0] =	vst v16;
	(erf) = vpow2.f32 v11;
	v11 =	vadd.f32 $1.000000000e+00, v13  }
0x49c: {  	v16 =	vsub.f32 $0.0e+00, v19;
	v22 =	vld [tilespmem:s20+$0xFFFFFFE0]  }
0x49d: {  	v13 =	vld [tilespmem:s10+$0x5750]  }
0x49e: {  	v23 =	vsub.f32 $0.0e+00, v18;
	v24 =	vpop (erf);
	(erf) = vrcp.f32 v9;
	v9 =	vmul.f32 $1.442695020e+00, v16;
	v16 =	vld [tilespmem:s10+$0x57D0]  }
0x49f: {  	(erf) = vrcp.f32 v11;
	v11 =	vpop (erf)  }
0x4a0: {  	v23 =	vmul.f32 $1.442695020e+00, v23;
	v25 =	vpop (erf);
	v11 =	vmul.f32 v11, v12  }
0x4a1: {  	(erf) = vpow2.f32 v9;
	v9 =	vunpack.i.l.bf16.f32 v20;
	v12 =	vmul.f32 v25, v21;
	v20 =	vpop (erf)  }
0x4a2: {  	v21 =	vunpack.i.l.bf16.f32 v22;
	v20 =	vadd.f32 $1.000000000e+00, v20;
	[tilespmem:s14+$0x11730] =	vst v11;
	v11 =	vunpack.i.u.bf16.f32 v22;
	v22 =	vpop (erf)  }
0x4a3: {  	v13 =	vadd.f32 v13, v21;
	v11 =	vadd.f32 v16, v11;
	v16 =	vpop (erf)  }
0x4a4: {  	(erf) = vpow2.f32 v23;
	v21 =	vadd.f32 $1.000000000e+00, v24;
	[tilespmem:s14+$0x117B0] =	vst v12;
	v16 =	vadd.f32 $1.000000000e+00, v16  }
0x4a5: {  	v12 =	vadd.f32 $1.000000000e+00, v22;
	(erf) = vrcp.f32 v20;
	v20 =	vld [tilespmem:s28+$0xFFFFFFD0];
	v22 =	vsub.f32 $0.0e+00, v13  }
0x4a6: {  	v0 =	vadd.f32 v0, v9;
	v9 =	vld [tilespmem:s14+$0x5740];
	(erf) = vrcp.f32 v21;
	v21 =	vsub.f32 $0.0e+00, v11  }
0x4a7: {  	v23 =	vpop (erf);
	(erf) = vrcp.f32 v12;
	v22 =	vmul.f32 $1.442695020e+00, v22  }
0x4a8: {  	(erf) = vrcp.f32 v16;
	v21 =	vmul.f32 $1.442695020e+00, v21;
	v16 =	vpop (erf)  }
0x4a9: {  	v23 =	vadd.f32 $1.000000000e+00, v23;
	v12 =	vld [tilespmem:s14+$0x57C0];
	(erf) = vpow2.f32 v22;
	v14 =	vmul.f32 v16, v14;
	v16 =	vpop (erf)  }
0x4aa: {  	v22 =	vunpack.i.l.bf16.f32 v20;
	(erf) = vpow2.f32 v21;
	v5 =	vmul.f32 v16, v5;
	v16 =	vpop (erf)  }
0x4ab: {  	v1 =	vld [tilespmem:s22+$0x5770];
	v16 =	vadd.f32 $1.000000000e+00, v16;
	[tilespmem:s22+$0x11720] =	vst v14;
	v14 =	vunpack.i.u.bf16.f32 v20;
	v20 =	vadd.f32 v9, v22  }
0x4ac: {  	v24 =	vsub.f32 $0.0e+00, v0;
	(erf) = vrcp.f32 v23  }
0x4ad: {  	v9 =	vpop (erf);
	[tilespmem:s22+$0x117A0] =	vst v5;
	(erf) = vrcp.f32 v16;
	v16 =	vsub.f32 $0.0e+00, v20  }
0x4ae: {  	v14 =	vadd.f32 v12, v14;
	v5 =	vadd.f32 $1.000000000e+00, v9;
	v12 =	vld [tilespmem:s25+$0xFFFFFFC0]  }
0x4af: {  	v21 =	vmul.f32 $1.442695020e+00, v24;
	v22 =	vld [tilespmem:s22+$0x5730];
	v9 =	vpop (erf)  }
0x4b0: {  	v25 =	vld [tilespmem:s22+$0x57B0];
	v23 =	vsub.f32 $0.0e+00, v14;
	(erf) = vrcp.f32 v5;
	v24 =	vpop (erf)  }
0x4b1: {  	v5 =	vmul.f32 $1.442695020e+00, v16;
	(erf) = vpow2.f32 v21;
	v16 =	vpop (erf)  }
0x4b2: {  	v23 =	vmul.f32 $1.442695020e+00, v23;
	v15 =	vmul.f32 v16, v15;
	v16 =	vpop (erf)  }
0x4b3: {  	s1 =	simm.s32 $0xBAF0;
	(erf) = vpow2.f32 v5;
	v5 =	vunpack.i.l.bf16.f32 v12;
	v16 =	vmul.f32 v16, v17;
	v17 =	vpop (erf)  }
0x4b4: {  	s12 =	simm.s32 $0x700;
	v21 =	vld [tilespmem:s1+$0xFFFFFF90];
	v12 =	vunpack.i.u.bf16.f32 v12;
	[tilespmem:s23+$0x11710] =	vst v15;
	v15 =	vadd.f32 v22, v5;
	v17 =	vadd.f32 $1.000000000e+00, v17  }
0x4b5: {  	(erf) = vpow2.f32 v23;
	v23 =	vld [tilespmem:s12+$0x5700];
	v22 =	vpop (erf);
	[tilespmem:s23+$0x11790] =	vst v16;
	v16 =	vadd.f32 v25, v12  }
0x4b6: {  	v7 =	vmul.f32 v24, v7;
	v12 =	vadd.f32 $1.000000000e+00, v22;
	v25 =	vsub.f32 $0.0e+00, v15  }
0x4b7: {  	v22 =	vpop (erf);
	v24 =	vld [tilespmem:s26+$0xFFFFFFB0];
	(erf) = vrcp.f32 v17  }
0x4b8: {  	[tilespmem:s24+$0x11700] =	vst v7;
	v27 =	vsub.f32 $0.0e+00, v16;
	(erf) = vrcp.f32 v12;
	v17 =	vpop (erf);
	v7 =	vmul.f32 $1.442695020e+00, v25  }
0x4b9: {  	v12 =	vmul.f32 v17, v19;
	v17 =	vmul.f32 v22, v10;
	v10 =	vunpack.i.l.bf16.f32 v21  }
0x4ba: {  	v26 =	vld [tilespmem:s23+$0x5720];
	v10 =	vadd.f32 v23, v10;
	v23 =	vmul.f32 $1.442695020e+00, v27  }
0x4bb: {  	v19 =	vld [tilespmem:s23+$0x57A0]  }
0x4bc: {  	v22 =	vpop (erf);
	v25 =	vunpack.i.l.bf16.f32 v24  }
0x4bd: {  	v18 =	vmul.f32 v22, v18;
	(erf) = vpow2.f32 v7;
	v7 =	vpop (erf)  }
0x4be: {  	[tilespmem:s24+$0x11780] =	vst v17;
	(erf) = vpow2.f32 v23;
	v23 =	vpop (erf)  }
0x4bf: {  	v27 =	vld [tilespmem:s24+$0x5710];
	[tilespmem:s8+$0x117E0] =	vst v18;
	v18 =	vunpack.i.u.bf16.f32 v24;
	v24 =	vadd.f32 v26, v25;
	v25 =	vpop (erf)  }
0x4c0: {  	[tilespmem:s8+$0x11760] =	vst v12;
	v22 =	vld [tilespmem:s0+$0xFFFFFFA0];
	v18 =	vadd.f32 v19, v18;
	v19 =	vadd.f32 $1.000000000e+00, v25  }
0x4c1: {  	v17 =	vsub.f32 $0.0e+00, v10;
	v26 =	vld [tilespmem:s16+$0x0];
	v23 =	vadd.f32 $1.000000000e+00, v23  }
0x4c2: {  	v12 =	vld [tilespmem:s8+$0x57F0];
	v28 =	vsub.f32 $0.0e+00, v24  }
0x4c3: {  	v17 =	vmul.f32 $1.442695020e+00, v17;
	v25 =	vld [tilespmem:s24+$0x5790];
	(erf) = vrcp.f32 v23  }
0x4c4: {  	v28 =	vmul.f32 $1.442695020e+00, v28;
	v23 =	vsub.f32 $0.0e+00, v18;
	(erf) = vrcp.f32 v19;
	v19 =	vpop (erf)  }
0x4c5: {  	v29 =	vunpack.i.u.bf16.f32 v22;
	v22 =	vunpack.i.l.bf16.f32 v22;
	v13 =	vmul.f32 v19, v13;
	v19 =	vpop (erf)  }
0x4c6: {  	v23 =	vmul.f32 $1.442695020e+00, v23;
	v11 =	vmul.f32 v19, v11;
	v19 =	vunpack.i.u.bf16.f32 v26  }
0x4c7: {  	(erf) = vpow2.f32 v28;
	[tilespmem:s10+$0x11750] =	vst v13;
	v13 =	vadd.f32 v12, v19;
	v19 =	vadd.f32 v27, v22;
	v12 =	vpop (erf)  }
0x4c8: {  	v22 =	vadd.f32 v25, v29;
	[tilespmem:s10+$0x117D0] =	vst v11;
	v11 =	vunpack.i.u.bf16.f32 v21;
	v21 =	vadd.f32 $1.000000000e+00, v12;
	v12 =	vpop (erf)  }
0x4c9: {  	(erf) = vpow2.f32 v23;
	v25 =	vsub.f32 $0.0e+00, v13;
	v27 =	vadd.f32 $1.000000000e+00, v12  }
0x4ca: {  	(erf) = vpow2.f32 v17  }
0x4cb: {  	v30 =	vld [tilespmem:s12+$0x5780];
	(erf) = vrcp.f32 v21;
	v21 =	vmul.f32 $1.442695020e+00, v25  }
0x4cc: {  	v25 =	vsub.f32 $0.0e+00, v22;
	(erf) = vrcp.f32 v27  }
0x4cd: {  	v17 =	vsub.f32 $0.0e+00, v19;
	v27 =	vpop (erf);
	(erf) = vpow2.f32 v21  }
0x4ce: {  	v23 =	vld [tilespmem:s20+$0xFFFFFFF0];
	v21 =	vmul.f32 $1.442695020e+00, v25;
	v20 =	vmul.f32 v27, v20;
	v27 =	vpop (erf)  }
0x4cf: {  	v28 =	vld [tilespmem:s10+$0x5760];
	v17 =	vmul.f32 $1.442695020e+00, v17;
	v14 =	vmul.f32 v27, v14  }
0x4d0: {  	v12 =	vadd.f32 v30, v11;
	v11 =	vld [tilespmem:s10+$0x57E0]  }
0x4d1: {  	(erf) = vpow2.f32 v17  }
0x4d2: {  	v29 =	vsub.f32 $0.0e+00, v12;
	(erf) = vpow2.f32 v21;
	v21 =	vpop (erf)  }
0x4d3: {  	v25 =	vunpack.i.l.bf16.f32 v23;
	v17 =	vunpack.i.u.bf16.f32 v23;
	[tilespmem:s14+$0x117C0] =	vst v14;
	v14 =	vpop (erf)  }
0x4d4: {  	v23 =	vadd.f32 v28, v25;
	[tilespmem:s14+$0x11740] =	vst v20;
	v20 =	vmul.f32 $1.442695020e+00, v29;
	v14 =	vadd.f32 $1.000000000e+00, v14  }
0x4d5: {  	v17 =	vadd.f32 v11, v17;
	v11 =	vadd.f32 $1.000000000e+00, v21  }
0x4d6: {  	v21 =	vsub.f32 $0.0e+00, v23;
	v25 =	vld [tilespmem:s28+$0xFFFFFFE0];
	(erf) = vpow2.f32 v20  }
0x4d7: {  	v20 =	vsub.f32 $0.0e+00, v17;
	v28 =	vpop (erf);
	(erf) = vrcp.f32 v11  }
0x4d8: {  	v11 =	vmul.f32 $1.442695020e+00, v21;
	v21 =	vld [tilespmem:s14+$0x57D0];
	(erf) = vrcp.f32 v14;
	v14 =	vpop (erf)  }
0x4d9: {  	v27 =	vld [tilespmem:s14+$0x5750];
	v20 =	vmul.f32 $1.442695020e+00, v20;
	v14 =	vmul.f32 v14, v15;
	v15 =	vpop (erf)  }
0x4da: {  	(erf) = vpow2.f32 v11;
	v11 =	vmul.f32 v15, v16;
	v15 =	vpop (erf)  }
0x4db: {  	v16 =	vunpack.i.l.bf16.f32 v25;
	[tilespmem:s22+$0x11730] =	vst v14;
	v14 =	vadd.f32 $1.000000000e+00, v15  }
0x4dc: {  	(erf) = vpow2.f32 v20;
	v20 =	vadd.f32 $1.000000000e+00, v28;
	v15 =	vunpack.i.u.bf16.f32 v25;
	v25 =	vpop (erf)  }
0x4dd: {  	v15 =	vadd.f32 v21, v15;
	v21 =	vpop (erf);
	(erf) = vrcp.f32 v14  }
0x4de: {  	v16 =	vadd.f32 v27, v16;
	[tilespmem:s22+$0x117B0] =	vst v11;
	(erf) = vrcp.f32 v20;
	v20 =	vadd.f32 $1.000000000e+00, v21  }
0x4df: {  	v11 =	vadd.f32 $1.000000000e+00, v25;
	v25 =	vld [tilespmem:s25+$0xFFFFFFD0]  }
0x4e0: {  	v14 =	vsub.f32 $0.0e+00, v16;
	v21 =	vld [tilespmem:s22+$0x5740]  }
0x4e1: {  	v26 =	vunpack.i.l.bf16.f32 v26;
	v28 =	vpop (erf);
	(erf) = vrcp.f32 v11;
	v11 =	vld [tilespmem:s22+$0x57C0]  }
0x4e2: {  	v27 =	vsub.f32 $0.0e+00, v15;
	v14 =	vmul.f32 $1.442695020e+00, v14;
	(erf) = vrcp.f32 v20;
	v20 =	vpop (erf)  }
0x4e3: {  	v6 =	vadd.f32 v6, v26;
	v20 =	vmul.f32 v20, v24  }
0x4e4: {  	v26 =	vmul.f32 $1.442695020e+00, v27;
	v27 =	vadd.f32 $1.000000000e+00, v28;
	(erf) = vpow2.f32 v14;
	v24 =	vpop (erf)  }
0x4e5: {  	v4 =	vld [tilespmem:s23+$0x5770];
	v14 =	vmul.f32 v24, v18;
	v18 =	vunpack.i.l.bf16.f32 v25;
	v24 =	vpop (erf);
	[tilespmem:s23+$0x11720] =	vst v20;
	v20 =	vunpack.i.u.bf16.f32 v25  }
0x4e6: {  	v18 =	vadd.f32 v21, v18;
	v21 =	vpop (erf);
	v25 =	vadd.f32 v11, v20  }
0x4e7: {  	(erf) = vpow2.f32 v26;
	[tilespmem:s23+$0x117A0] =	vst v14;
	v11 =	vsub.f32 $0.0e+00, v6;
	v14 =	vadd.f32 $1.000000000e+00, v21  }
0x4e8: {  	(erf) = vrcp.f32 v27;
	v24 =	vadd.f32 $1.000000000e+00, v24  }
0x4e9: {  	v20 =	vld [tilespmem:s26+$0xFFFFFFC0];
	v21 =	vsub.f32 $0.0e+00, v18;
	v11 =	vmul.f32 $1.442695020e+00, v11  }
0x4ea: {  	v27 =	vpop (erf);
	(erf) = vrcp.f32 v24;
	v24 =	vld [tilespmem:s23+$0x5730];
	v26 =	vsub.f32 $0.0e+00, v25  }
0x4eb: {  	v28 =	vld [tilespmem:s23+$0x57B0];
	(erf) = vrcp.f32 v14;
	v21 =	vmul.f32 $1.442695020e+00, v21;
	v14 =	vpop (erf)  }
0x4ec: {  	v26 =	vmul.f32 $1.442695020e+00, v26;
	v29 =	vpop (erf)  }
0x4ed: {  	v30 =	vadd.f32 $1.000000000e+00, v7;
	(erf) = vpow2.f32 v11;
	v7 =	vmul.f32 v29, v19;
	v11 =	vpop (erf)  }
0x4ee: {  	s16 =	simm.s32 $0xBB70;
	(erf) = vpow2.f32 v21;
	v19 =	vmul.f32 v11, v22;
	v11 =	vunpack.i.l.bf16.f32 v20  }
0x4ef: {  	s31 =	simm.s32 $0x800;
	v29 =	vld [tilespmem:s16+$0xFFFFFF90];
	(erf) = vpow2.f32 v26;
	v21 =	vpop (erf);
	v20 =	vunpack.i.u.bf16.f32 v20;
	[tilespmem:s24+$0x11710] =	vst v7;
	v11 =	vadd.f32 v24, v11  }
0x4f0: {  	v10 =	vmul.f32 v14, v10;
	v22 =	vld [tilespmem:s31+$0x5700];
	v21 =	vadd.f32 $1.000000000e+00, v21;
	v24 =	vpop (erf);
	[tilespmem:s24+$0x11790] =	vst v19;
	v19 =	vadd.f32 v28, v20  }
0x4f1: {  	(erf) = vrcp.f32 v30;
	v20 =	vadd.f32 $1.000000000e+00, v24;
	v14 =	vpop (erf);
	v24 =	vld [tilespmem:s0+$0xFFFFFFB0];
	v26 =	vsub.f32 $0.0e+00, v11  }
0x4f2: {  	(erf) = vrcp.f32 v21;
	v21 =	vld [tilespmem:s24+$0x5720];
	v14 =	vmul.f32 v14, v12  }
0x4f3: {  	v30 =	vpop (erf);
	v28 =	vsub.f32 $0.0e+00, v19;
	(erf) = vrcp.f32 v20  }
0x4f4: {  	v31 =	vld [tilespmem:s24+$0x57A0];
	[tilespmem:s12+$0x11700] =	vst v10;
	v20 =	vunpack.i.l.bf16.f32 v29;
	v23 =	vmul.f32 v30, v23;
	v10 =	vmul.f32 $1.442695020e+00, v26  }
0x4f5: {  	v12 =	vadd.f32 v22, v20;
	[tilespmem:s12+$0x11780] =	vst v14;
	v20 =	vmul.f32 $1.442695020e+00, v28;
	v26 =	vpop (erf)  }
0x4f6: {  	[tilespmem:s10+$0x11760] =	vst v23;
	(erf) = vpow2.f32 v10;
	v17 =	vmul.f32 v26, v17;
	v14 =	vpop (erf);
	v23 =	vunpack.i.l.bf16.f32 v24  }
0x4f7: {  	(erf) = vpow2.f32 v20;
	v28 =	vpop (erf);
	v20 =	vadd.f32 v21, v23  }
0x4f8: {  	v10 =	vld [tilespmem:s10+$0x57F0];
	v23 =	vmul.f32 v9, v8;
	[tilespmem:s10+$0x117E0] =	vst v17;
	v17 =	vunpack.i.u.bf16.f32 v24;
	v8 =	vadd.f32 $1.000000000e+00, v28;
	v9 =	vpop (erf)  }
0x4f9: {  	v26 =	vld [tilespmem:s1+$0xFFFFFFA0];
	v21 =	vadd.f32 v31, v17;
	v9 =	vadd.f32 $1.000000000e+00, v9  }
0x4fa: {  	v27 =	vmul.f32 v27, v13;
	v24 =	vld [tilespmem:s20+$0x0];
	v13 =	vsub.f32 $0.0e+00, v20  }
0x4fb: {  	v17 =	vld [tilespmem:s12+$0x5710];
	v30 =	vsub.f32 $0.0e+00, v21  }
0x4fc: {  	v28 =	vld [tilespmem:s12+$0x5790];
	(erf) = vrcp.f32 v8;
	v31 =	vmul.f32 $1.442695020e+00, v13;
	v8 =	vpop (erf)  }
0x4fd: {  	v22 =	vsub.f32 $0.0e+00, v12;
	(erf) = vrcp.f32 v9;
	v9 =	vpop (erf);
	v30 =	vmul.f32 $1.442695020e+00, v30  }
0x4fe: {  	v13 =	vadd.f32 $1.000000000e+00, v14;
	(erf) = vpow2.f32 v31;
	v9 =	vmul.f32 v9, v16;
	v14 =	vpop (erf)  }
0x4ff: {  	v16 =	vunpack.i.l.bf16.f32 v26;
	v14 =	vmul.f32 v14, v15;
	v15 =	vunpack.i.u.bf16.f32 v24  }
0x500: {  	v31 =	vunpack.i.u.bf16.f32 v26;
	v16 =	vadd.f32 v17, v16;
	[tilespmem:s14+$0x11750] =	vst v9;
	v9 =	vadd.f32 v10, v15;
	v10 =	vpop (erf)  }
0x501: {  	v32 =	vld [tilespmem:s31+$0x5780];
	v22 =	vmul.f32 $1.442695020e+00, v22;
	v15 =	vadd.f32 v28, v31;
	v10 =	vadd.f32 $1.000000000e+00, v10;
	v17 =	vpop (erf)  }
0x502: {  	(erf) = vpow2.f32 v30;
	[tilespmem:s14+$0x117D0] =	vst v14;
	v28 =	vsub.f32 $0.0e+00, v9;
	v17 =	vadd.f32 $1.000000000e+00, v17  }
0x503: {  	(erf) = vpow2.f32 v22;
	v14 =	vunpack.i.u.bf16.f32 v29;
	v26 =	vld [tilespmem:s28+$0xFFFFFFF0]  }
0x504: {  	v22 =	vsub.f32 $0.0e+00, v16;
	v29 =	vld [tilespmem:s14+$0x5760];
	(erf) = vrcp.f32 v10;
	v10 =	vmul.f32 $1.442695020e+00, v28  }
0x505: {  	v30 =	vld [tilespmem:s14+$0x57E0];
	v28 =	vsub.f32 $0.0e+00, v15;
	(erf) = vrcp.f32 v17  }
0x506: {  	v14 =	vadd.f32 v32, v14;
	v22 =	vmul.f32 $1.442695020e+00, v22;
	v17 =	vpop (erf);
	(erf) = vpow2.f32 v10  }
0x507: {  	[tilespmem:s4+$0x117F0] =	vst v23;
	v23 =	vunpack.i.l.bf16.f32 v24;
	v28 =	vmul.f32 $1.442695020e+00, v28;
	v17 =	vmul.f32 v17, v18;
	v18 =	vpop (erf)  }
0x508: {  	v5 =	vld [tilespmem:s24+$0x5770];
	v31 =	vsub.f32 $0.0e+00, v14;
	v10 =	vunpack.i.l.bf16.f32 v26;
	v18 =	vmul.f32 v18, v25  }
0x509: {  	v7 =	vld [tilespmem:s12+$0x5770];
	(erf) = vpow2.f32 v22;
	v22 =	vunpack.i.u.bf16.f32 v26;
	[tilespmem:s22+$0x11740] =	vst v17;
	v17 =	vadd.f32 v29, v10  }
0x50a: {  	v24 =	vld [tilespmem:s22+$0x5750];
	(erf) = vpow2.f32 v28;
	v25 =	vpop (erf);
	v29 =	vmul.f32 $1.442695020e+00, v31;
	[tilespmem:s22+$0x117C0] =	vst v18;
	v18 =	vadd.f32 v30, v22  }
0x50b: {  	v25 =	vadd.f32 $1.000000000e+00, v25;
	v28 =	vpop (erf);
	v22 =	vld [tilespmem:s25+$0xFFFFFFE0];
	v26 =	vsub.f32 $0.0e+00, v17  }
0x50c: {  	s2 =	simm.s32 $0xBB70;
	s17 =	simm.s32 $0x2400;
	[tilespmem:s8+$0x117F0] =	vst v27;
	v10 =	vld [tilespmem:s31+$0x5770];
	(erf) = vpow2.f32 v29;
	v27 =	vadd.f32 $1.000000000e+00, v28;
	v28 =	vsub.f32 $0.0e+00, v18  }
.LBB2_11:
0x50d: {  	p0 =	sne.s32 s17, $0xFC00;
	v29 =	vpop (erf);
	(erf) = vrcp.f32 v25;
	v25 =	vld [tilespmem:s22+$0x57D0];
	v26 =	vmul.f32 $1.442695020e+00, v26;
	v30 =	vadd.f32 v2, v23  }
0x50e: {  	v2 =	vmov v3;
	(erf) = vrcp.f32 v27;
	v23 =	vpop (erf);
	v27 =	vmul.f32 $1.442695020e+00, v28  }
0x50f: {  	v28 =	vmul.f32 v23, v11;
	v11 =	vpop (erf);
	(erf) = vpow2.f32 v26;
	v26 =	vsub.f32 $0.0e+00, v30  }
0x510: {  	v11 =	vmul.f32 v11, v19;
	v19 =	vunpack.i.l.bf16.f32 v22;
	(erf) = vpow2.f32 v27;
	v23 =	vpop (erf)  }
0x511: {  	v3 =	vmovc v1;
	v1 =	vmovc v4;
	v27 =	vunpack.i.u.bf16.f32 v22;
	[tilespmem:s23+$0x11730] =	vst v28;
	v22 =	vadd.f32 v24, v19;
	v19 =	vadd.f32 $1.000000000e+00, v23  }
0x512: {  	v31 =	vadd.f32 $1.000000000e+00, v29;
	v24 =	vpop (erf);
	[tilespmem:s23+$0x117B0] =	vst v11;
	v23 =	vadd.f32 v25, v27;
	v11 =	vmul.f32 $1.442695020e+00, v26  }
0x513: {  	v24 =	vadd.f32 $1.000000000e+00, v24;
	v25 =	vpop (erf);
	v26 =	vld [tilespmem:s26+$0xFFFFFFD0];
	v27 =	vsub.f32 $0.0e+00, v22;
	(erf) = vrcp.f32 v19  }
0x514: {  	v4 =	vmovc v5;
	v5 =	vmovc v7;
	(erf) = vrcp.f32 v31;
	v19 =	vadd.f32 $1.000000000e+00, v25;
	v25 =	vld [tilespmem:s23+$0x5740];
	v28 =	vsub.f32 $0.0e+00, v23  }
0x515: {  	v7 =	vmov v10;
	v29 =	vpop (erf);
	(erf) = vrcp.f32 v24;
	v31 =	vld [tilespmem:s23+$0x57C0];
	v24 =	vmul.f32 $1.442695020e+00, v27  }
0x516: {  	(erf) = vrcp.f32 v19;
	v10 =	vpop (erf);
	v28 =	vmul.f32 $1.442695020e+00, v28  }
0x517: {  	v27 =	vadd.f32 $1.000000000e+00, v29;
	v10 =	vmul.f32 v10, v20;
	v20 =	vpop (erf);
	(erf) = vpow2.f32 v24  }
0x518: {  	v20 =	vmul.f32 v20, v21;
	v29 =	vunpack.i.l.bf16.f32 v26;
	(erf) = vpow2.f32 v28;
	v19 =	vpop (erf)  }
0x519: {  	[tilespmem:s24+$0x11720] =	vst v10;
	v10 =	vunpack.i.u.bf16.f32 v26;
	v24 =	vadd.f32 v25, v29;
	v19 =	vadd.f32 $1.000000000e+00, v19;
	v21 =	vpop (erf)  }
0x51a: {  	(erf) = vrcp.f32 v27;
	[tilespmem:s24+$0x117A0] =	vst v20;
	v25 =	vadd.f32 v31, v10;
	v28 =	vadd.f32 $1.000000000e+00, v21  }
0x51b: {  	v29 =	vmul.f32 v8, v0;
	v0 =	vmovc v6;
	v6 =	vmovc v30;
	v20 =	vld [tilespmem:s0+$0xFFFFFFC0];
	v21 =	vsub.f32 $0.0e+00, v24;
	(erf) = vrcp.f32 v19  }
0x51c: {  	v19 =	vld [tilespmem:s24+$0x5730];
	v26 =	vsub.f32 $0.0e+00, v25;
	(erf) = vrcp.f32 v28;
	v10 =	vpop (erf)  }
0x51d: {  	v27 =	vpop (erf);
	v28 =	vld [tilespmem:s24+$0x57B0];
	v21 =	vmul.f32 $1.442695020e+00, v21;
	v9 =	vmul.f32 v10, v9;
	[tilespmem:s4+$0x11770] =	vst v29;
	s4 =	smov.u32 s8;
	s8 =	smov.u32 s10;
	s10 =	smov.u32 s14  }
0x51e: {  	s14 =	smov.u32 s22;
	s22 =	smov.u32 s23;
	s23 =	smov.u32 s24;
	v8 =	vpop (erf);
	v29 =	vmul.f32 $1.442695020e+00, v26;
	(erf) = vpow2.f32 v11  }
0x51f: {  	s16 =	sadd.s32 $0x80, s16;
	s24 =	smov.u32 s12;
	s12 =	smov.u32 s31;
	v8 =	vmul.f32 v8, v16;
	v11 =	vpop (erf);
	(erf) = vpow2.f32 v21;
	[tilespmem:s8+$0x117F0] =	vst v9  }
0x520: {  	s31 =	sshra.s32 s17, $0x2;
	v26 =	vld [tilespmem:s16+$0xFFFFFF90];
	v9 =	vmul.f32 v11, v15;
	v11 =	vunpack.i.l.bf16.f32 v20;
	(erf) = vpow2.f32 v29;
	v10 =	vpop (erf)  }
0x521: {  	v15 =	vld [tilespmem:s31+$0x5700];
	[tilespmem:s24+$0x11710] =	vst v8;
	v8 =	vunpack.i.u.bf16.f32 v20;
	v11 =	vadd.f32 v19, v11;
	v16 =	vadd.f32 $1.000000000e+00, v10;
	v20 =	vpop (erf)  }
0x522: {  	v10 =	vld [tilespmem:s31+$0x5770];
	[tilespmem:s24+$0x11790] =	vst v9;
	v19 =	vadd.f32 v28, v8;
	v28 =	vadd.f32 $1.000000000e+00, v20;
	(erf) = vrcp.f32 v13  }
0x523: {  	v9 =	vmul.f32 v27, v12;
	v12 =	vpop (erf);
	v13 =	vld [tilespmem:s1+$0xFFFFFFB0];
	v20 =	vsub.f32 $0.0e+00, v11;
	(erf) = vrcp.f32 v16  }
0x524: {  	v14 =	vmul.f32 v12, v14;
	v16 =	vld [tilespmem:s24+$0x5720];
	v21 =	vsub.f32 $0.0e+00, v19;
	(erf) = vrcp.f32 v28;
	v8 =	vpop (erf)  }
0x525: {  	v12 =	vunpack.i.l.bf16.f32 v26;
	[tilespmem:s12+$0x11700] =	vst v9;
	v9 =	vld [tilespmem:s24+$0x57A0];
	v20 =	vmul.f32 $1.442695020e+00, v20;
	v27 =	vmul.f32 v8, v17;
	v17 =	vpop (erf)  }
0x526: {  	v12 =	vadd.f32 v15, v12;
	[tilespmem:s12+$0x11780] =	vst v14;
	v21 =	vmul.f32 $1.442695020e+00, v21;
	v28 =	vmul.f32 v17, v18  }
0x527: {  	(erf) = vpow2.f32 v20;
	[tilespmem:s10+$0x11760] =	vst v27;
	v17 =	vld [tilespmem:s10+$0x57F0];
	v8 =	vpop (erf)  }
0x528: {  	v18 =	vsub.f32 $0.0e+00, v12;
	v27 =	vld [tilespmem:s2+$0xFFFFFFA0];
	v20 =	vunpack.i.l.bf16.f32 v13;
	(erf) = vpow2.f32 v21;
	v14 =	vpop (erf);
	[tilespmem:s10+$0x117E0] =	vst v28  }
0x529: {  	v13 =	vunpack.i.u.bf16.f32 v13;
	v20 =	vadd.f32 v16, v20;
	v14 =	vadd.f32 $1.000000000e+00, v14;
	v15 =	vpop (erf);
	v28 =	vld [tilespmem:s28+$0x0];
	s28 =	smov.u32 s25;
	s25 =	smov.u32 s26;
	s26 =	smov.u32 s0  }
0x52a: {  	s0 =	smov.u32 s1;
	s1 =	smov.u32 s2;
	s2 =	smov.u32 s16;
	v16 =	vld [tilespmem:s12+$0x5710];
	v21 =	vadd.f32 v9, v13;
	v30 =	vadd.f32 $1.000000000e+00, v15  }
0x52b: {  	v13 =	vadd.f32 $1.000000000e+00, v8;
	v15 =	vld [tilespmem:s12+$0x5790];
	v29 =	vsub.f32 $0.0e+00, v20;
	(erf) = vrcp.f32 v14;
	v8 =	vpop (erf)  }
0x52c: {  	v14 =	vmul.f32 $1.442695020e+00, v18;
	v18 =	vsub.f32 $0.0e+00, v21;
	(erf) = vrcp.f32 v30;
	v9 =	vpop (erf)  }
0x52d: {  	v30 =	vunpack.i.u.bf16.f32 v27;
	v29 =	vmul.f32 $1.442695020e+00, v29;
	v9 =	vmul.f32 v9, v22;
	v22 =	vpop (erf)  }
0x52e: {  	v31 =	vld [tilespmem:s31+$0x5780];
	v18 =	vmul.f32 $1.442695020e+00, v18;
	v32 =	vmul.f32 v22, v23;
	v23 =	vunpack.i.u.bf16.f32 v28  }
0x52f: {  	v27 =	vunpack.i.l.bf16.f32 v27;
	(erf) = vpow2.f32 v29;
	[tilespmem:s14+$0x11750] =	vst v9;
	v9 =	vadd.f32 v17, v23  }
0x530: {  	v16 =	vadd.f32 v16, v27;
	v15 =	vadd.f32 v15, v30;
	(erf) = vpow2.f32 v18;
	v17 =	vpop (erf);
	[tilespmem:s14+$0x117D0] =	vst v32  }
0x531: {  	v18 =	vunpack.i.u.bf16.f32 v26;
	v17 =	vadd.f32 $1.000000000e+00, v17;
	v22 =	vpop (erf);
	v23 =	vld [tilespmem:s28+$0xFFFFFFF0];
	v26 =	vsub.f32 $0.0e+00, v9  }
0x532: {  	v27 =	vsub.f32 $0.0e+00, v16;
	(erf) = vpow2.f32 v14;
	v30 =	vadd.f32 $1.000000000e+00, v22;
	v29 =	vld [tilespmem:s14+$0x5760]  }
0x533: {  	v14 =	vadd.f32 v31, v18;
	(erf) = vrcp.f32 v17;
	v18 =	vld [tilespmem:s14+$0x57E0];
	v17 =	vmul.f32 $1.442695020e+00, v26  }
0x534: {  	v26 =	vmul.f32 $1.442695020e+00, v27;
	v27 =	vsub.f32 $0.0e+00, v15;
	(erf) = vrcp.f32 v30;
	v22 =	vpop (erf)  }
0x535: {  	v30 =	vsub.f32 $0.0e+00, v14;
	v22 =	vmul.f32 v22, v24;
	v24 =	vpop (erf);
	(erf) = vpow2.f32 v17  }
.Ltmp4:
0x536: {  	v27 =	vmul.f32 $1.442695020e+00, v27;
	v31 =	vmul.f32 v24, v25;
	v17 =	vunpack.i.l.bf16.f32 v23;
	(pc) =	sbr.rel @p0 .LBB2_11-.Ltmp4, $4  }
0x537: {  	(erf) = vpow2.f32 v26;
	[tilespmem:s22+$0x11740] =	vst v22;
	v22 =	vunpack.i.u.bf16.f32 v23;
	v17 =	vadd.f32 v29, v17  }
0x538: {  	v29 =	vmul.f32 $1.442695020e+00, v30;
	(erf) = vpow2.f32 v27;
	v23 =	vpop (erf);
	[tilespmem:s22+$0x117C0] =	vst v31;
	v18 =	vadd.f32 v18, v22  }
0x539: {  	v25 =	vadd.f32 $1.000000000e+00, v23;
	v24 =	vpop (erf);
	v22 =	vld [tilespmem:s25+$0xFFFFFFE0];
	v26 =	vsub.f32 $0.0e+00, v17;
	v23 =	vunpack.i.l.bf16.f32 v28  }
0x53a: {  	s17 =	sadd.s32 $0x400, s17;
	(erf) = vpow2.f32 v29;
	v27 =	vadd.f32 $1.000000000e+00, v24;
	v24 =	vld [tilespmem:s22+$0x5750];
	v28 =	vsub.f32 $0.0e+00, v18  }
0x53b: {  	v29 =	vpop (erf);
	(erf) = vrcp.f32 v25;
	v26 =	vmul.f32 $1.442695020e+00, v26  }
0x53c: {  	v60 =	vld [tilespmem:s22+$0x57D0];
	(erf) = vrcp.f32 v27;
	v61 =	vpop (erf);
	v28 =	vmul.f32 $1.442695020e+00, v28  }
0x53d: {  	v11 =	vmul.f32 v61, v11;
	v62 =	vpop (erf);
	(erf) = vpow2.f32 v26  }
0x53e: {  	v19 =	vmul.f32 v62, v19;
	v30 =	vpop (erf)  }
0x53f: {  	v63 =	vunpack.i.l.bf16.f32 v22;
	(erf) = vpow2.f32 v28;
	[tilespmem:s23+$0x11730] =	vst v11;
	v32 =	vadd.f32 $1.000000000e+00, v30  }
0x540: {  	v33 =	vadd.f32 $1.000000000e+00, v29;
	v31 =	vunpack.i.u.bf16.f32 v22;
	v22 =	vadd.f32 v24, v63;
	v34 =	vpop (erf);
	[tilespmem:s23+$0x117B0] =	vst v19  }
0x541: {  	v19 =	vadd.f32 v60, v31;
	v35 =	vadd.f32 $1.000000000e+00, v34;
	v36 =	vpop (erf);
	v37 =	vld [tilespmem:s26+$0xFFFFFFD0];
	(erf) = vrcp.f32 v32  }
0x542: {  	v40 =	vld [tilespmem:s23+$0x5740];
	v38 =	vsub.f32 $0.0e+00, v22;
	(erf) = vrcp.f32 v33;
	v39 =	vadd.f32 $1.000000000e+00, v36  }
0x543: {  	v43 =	vld [tilespmem:s23+$0x57C0];
	v41 =	vsub.f32 $0.0e+00, v19;
	v42 =	vpop (erf);
	(erf) = vrcp.f32 v35  }
0x544: {  	v2 =	vadd.f32 v2, v23;
	v28 =	vmul.f32 $1.442695020e+00, v38;
	(erf) = vrcp.f32 v39;
	v44 =	vpop (erf)  }
0x545: {  	v45 =	vmul.f32 $1.442695020e+00, v41;
	v46 =	vadd.f32 $1.000000000e+00, v42;
	v20 =	vmul.f32 v44, v20;
	v47 =	vpop (erf)  }
0x546: {  	(erf) = vpow2.f32 v28;
	v21 =	vmul.f32 v47, v21;
	v48 =	vunpack.i.l.bf16.f32 v37;
	v49 =	vpop (erf)  }
0x547: {  	(erf) = vpow2.f32 v45;
	v50 =	vunpack.i.u.bf16.f32 v37;
	v24 =	vadd.f32 $1.000000000e+00, v49  }
0x548: {  	[tilespmem:s24+$0x11720] =	vst v20;
	v23 =	vadd.f32 v40, v48;
	v52 =	vpop (erf);
	(erf) = vrcp.f32 v46;
	v20 =	vadd.f32 v43, v50  }
0x549: {  	v51 =	vsub.f32 $0.0e+00, v2;
	[tilespmem:s24+$0x117A0] =	vst v21;
	v53 =	vadd.f32 $1.000000000e+00, v52;
	(erf) = vrcp.f32 v24  }
0x54a: {  	v54 =	vld [tilespmem:s0+$0xFFFFFFC0];
	v55 =	vsub.f32 $0.0e+00, v23;
	v58 =	vsub.f32 $0.0e+00, v20;
	v11 =	vpop (erf)  }
0x54b: {  	v57 =	vld [tilespmem:s24+$0x5730];
	v56 =	vmul.f32 $1.442695020e+00, v51;
	(erf) = vrcp.f32 v53;
	v59 =	vpop (erf)  }
0x54c: {  	v60 =	vld [tilespmem:s24+$0x57B0];
	v27 =	vmul.f32 $1.442695020e+00, v55;
	v28 =	vmul.f32 $1.442695020e+00, v58;
	v30 =	vpop (erf)  }
0x54d: {  	(erf) = vpow2.f32 v56;
	v16 =	vmul.f32 v30, v16;
	v61 =	vpop (erf)  }
0x54e: {  	(erf) = vpow2.f32 v27;
	v15 =	vmul.f32 v61, v15  }
0x54f: {  	v12 =	vmul.f32 v59, v12;
	v62 =	vunpack.i.l.bf16.f32 v54;
	(erf) = vpow2.f32 v28;
	v63 =	vpop (erf);
	[tilespmem:s12+$0x11710] =	vst v16  }
0x550: {  	v30 =	vunpack.i.u.bf16.f32 v54;
	v24 =	vadd.f32 v57, v62;
	v31 =	vadd.f32 $1.000000000e+00, v63;
	v32 =	vpop (erf);
	[tilespmem:s12+$0x11790] =	vst v15  }
0x551: {  	v16 =	vadd.f32 v60, v30;
	(erf) = vrcp.f32 v13;
	v33 =	vadd.f32 $1.000000000e+00, v32;
	v34 =	vpop (erf);
	v35 =	vld [tilespmem:s1+$0xFFFFFFB0]  }
0x552: {  	v37 =	vld [tilespmem:s12+$0x5720];
	v36 =	vsub.f32 $0.0e+00, v24;
	(erf) = vrcp.f32 v31;
	v13 =	vmul.f32 v34, v14;
	v39 =	vpop (erf)  }
0x553: {  	v40 =	vld [tilespmem:s12+$0x57A0];
	v38 =	vsub.f32 $0.0e+00, v16;
	(erf) = vrcp.f32 v33;
	v15 =	vmul.f32 v39, v17  }
0x554: {  	[tilespmem:s31+$0x11700] =	vst v12;
	v27 =	vmul.f32 $1.442695020e+00, v36;
	v41 =	vpop (erf)  }
0x555: {  	v42 =	vmul.f32 $1.442695020e+00, v38;
	[tilespmem:s31+$0x11780] =	vst v13;
	v12 =	vmul.f32 v41, v18  }
0x556: {  	v51 =	vld [tilespmem:s31+$0x5790];
	(erf) = vpow2.f32 v27;
	[tilespmem:s14+$0x11760] =	vst v15;
	v44 =	vunpack.i.l.bf16.f32 v35  }
0x557: {  	v46 =	vld [tilespmem:s2+$0xFFFFFFA0];
	[tilespmem:s14+$0x117E0] =	vst v12;
	v47 =	vunpack.i.u.bf16.f32 v35;
	v15 =	vpop (erf);
	(erf) = vpow2.f32 v42;
	v17 =	vadd.f32 v37, v44  }
0x558: {  	v25 =	vld [tilespmem:s28+$0x0];
	v26 =	vadd.f32 v40, v47;
	v45 =	vpop (erf)  }
0x559: {  	v43 =	vld [tilespmem:s14+$0x57F0];
	v14 =	vadd.f32 $1.000000000e+00, v45;
	v48 =	vpop (erf);
	v50 =	vsub.f32 $0.0e+00, v17  }
0x55a: {  	v49 =	vld [tilespmem:s31+$0x5710];
	v21 =	vadd.f32 $1.000000000e+00, v48;
	v12 =	vpop (erf)  }
0x55b: {  	v52 =	vsub.f32 $0.0e+00, v26;
	(erf) = vrcp.f32 v14;
	v53 =	vpop (erf);
	v28 =	vmul.f32 $1.442695020e+00, v50  }
0x55c: {  	v55 =	vunpack.i.u.bf16.f32 v46;
	(erf) = vrcp.f32 v21;
	v21 =	vmul.f32 v53, v22;
	v54 =	vpop (erf)  }
0x55d: {  	v29 =	vmul.f32 $1.442695020e+00, v52;
	v56 =	vunpack.i.u.bf16.f32 v25;
	v19 =	vmul.f32 v54, v19  }
0x55e: {  	v18 =	vunpack.i.l.bf16.f32 v46;
	(erf) = vpow2.f32 v28;
	v13 =	vadd.f32 v43, v56;
	[tilespmem:s22+$0x11750] =	vst v21  }
0x55f: {  	v18 =	vadd.f32 v49, v18;
	v22 =	vadd.f32 v51, v55;
	(erf) = vpow2.f32 v29;
	v57 =	vpop (erf);
	[tilespmem:s22+$0x117D0] =	vst v19  }
0x560: {  	v58 =	vadd.f32 $1.000000000e+00, v57;
	v61 =	vsub.f32 $0.0e+00, v13;
	v59 =	vpop (erf);
	v60 =	vld [tilespmem:s25+$0xFFFFFFF0]  }
0x561: {  	v63 =	vld [tilespmem:s22+$0x5760];
	v62 =	vsub.f32 $0.0e+00, v18;
	v19 =	vadd.f32 $1.000000000e+00, v59  }
0x562: {  	v33 =	vld [tilespmem:s22+$0x57E0];
	v30 =	vsub.f32 $0.0e+00, v22;
	(erf) = vrcp.f32 v58;
	v27 =	vmul.f32 $1.442695020e+00, v61  }
0x563: {  	v28 =	vmul.f32 $1.442695020e+00, v62;
	(erf) = vrcp.f32 v19  }
0x564: {  	v36 =	vmul.f32 $1.442695020e+00, v30;
	v34 =	vpop (erf);
	(erf) = vpow2.f32 v27  }
0x565: {  	v19 =	vmul.f32 v34, v23;
	v35 =	vpop (erf);
	v37 =	vunpack.i.l.bf16.f32 v60;
	(erf) = vpow2.f32 v28  }
0x566: {  	v38 =	vunpack.i.u.bf16.f32 v60;
	v20 =	vmul.f32 v35, v20;
	v21 =	vadd.f32 v63, v37  }
0x567: {  	(erf) = vpow2.f32 v36;
	v39 =	vpop (erf);
	[tilespmem:s23+$0x11740] =	vst v19;
	v19 =	vadd.f32 v33, v38  }
0x568: {  	v40 =	vadd.f32 $1.000000000e+00, v39;
	v41 =	vpop (erf);
	[tilespmem:s23+$0x117C0] =	vst v20;
	v43 =	vsub.f32 $0.0e+00, v21  }
0x569: {  	v20 =	vadd.f32 $1.000000000e+00, v41;
	v42 =	vld [tilespmem:s26+$0xFFFFFFE0]  }
0x56a: {  	v44 =	vld [tilespmem:s23+$0x5750];
	v45 =	vsub.f32 $0.0e+00, v19;
	(erf) = vrcp.f32 v40;
	v27 =	vmul.f32 $1.442695020e+00, v43  }
0x56b: {  	v46 =	vld [tilespmem:s23+$0x57D0];
	(erf) = vrcp.f32 v20  }
0x56c: {  	v47 =	vpop (erf);
	v29 =	vmul.f32 $1.442695020e+00, v45;
	(erf) = vpow2.f32 v27  }
0x56d: {  	v20 =	vmul.f32 v47, v24;
	v48 =	vpop (erf)  }
0x56e: {  	v16 =	vmul.f32 v48, v16;
	(erf) = vpow2.f32 v29;
	v50 =	vpop (erf);
	v49 =	vunpack.i.l.bf16.f32 v42  }
0x56f: {  	[tilespmem:s24+$0x11730] =	vst v20;
	v51 =	vunpack.i.u.bf16.f32 v42;
	v52 =	vadd.f32 $1.000000000e+00, v50;
	v53 =	vpop (erf);
	v23 =	vadd.f32 v44, v49  }
0x570: {  	[tilespmem:s24+$0x117B0] =	vst v16;
	v16 =	vadd.f32 v46, v51;
	v54 =	vadd.f32 $1.000000000e+00, v53;
	v55 =	vpop (erf)  }
0x571: {  	v56 =	vld [tilespmem:s0+$0xFFFFFFD0];
	(erf) = vrcp.f32 v52;
	v20 =	vadd.f32 $1.000000000e+00, v55  }
0x572: {  	v57 =	vld [tilespmem:s24+$0x5740];
	v28 =	vsub.f32 $0.0e+00, v23;
	v58 =	vsub.f32 $0.0e+00, v16;
	(erf) = vrcp.f32 v54  }
0x573: {  	v59 =	vld [tilespmem:s24+$0x57C0];
	(erf) = vrcp.f32 v20;
	v60 =	vpop (erf)  }
0x574: {  	v25 =	vunpack.i.l.bf16.f32 v25;
	v28 =	vmul.f32 $1.442695020e+00, v28;
	v61 =	vmul.f32 $1.442695020e+00, v58;
	v62 =	vpop (erf)  }
0x575: {  	v3 =	vadd.f32 v3, v25;
	v17 =	vmul.f32 v60, v17;
	v20 =	vmul.f32 v62, v26;
	v32 =	vpop (erf)  }
0x576: {  	(erf) = vpow2.f32 v28;
	v63 =	vunpack.i.l.bf16.f32 v56;
	v33 =	vadd.f32 $1.000000000e+00, v32  }
0x577: {  	v27 =	vunpack.i.u.bf16.f32 v56;
	v24 =	vadd.f32 v57, v63;
	(erf) = vpow2.f32 v61  }
0x578: {  	v35 =	vsub.f32 $0.0e+00, v3;
	[tilespmem:s12+$0x11720] =	vst v17;
	v34 =	vpop (erf);
	v27 =	vadd.f32 v59, v27;
	(erf) = vrcp.f32 v33  }
0x579: {  	[tilespmem:s12+$0x117A0] =	vst v20;
	v36 =	vadd.f32 $1.000000000e+00, v34;
	v37 =	vsub.f32 $0.0e+00, v24  }
0x57a: {  	v39 =	vmul.f32 $1.442695020e+00, v35;
	v40 =	vld [tilespmem:s1+$0xFFFFFFC0];
	v38 =	vsub.f32 $0.0e+00, v27;
	v14 =	vpop (erf)  }
0x57b: {  	v41 =	vld [tilespmem:s12+$0x5730];
	(erf) = vrcp.f32 v36;
	v20 =	vmul.f32 $1.442695020e+00, v37;
	v42 =	vpop (erf)  }
0x57c: {  	v43 =	vld [tilespmem:s12+$0x57B0];
	v25 =	vmul.f32 $1.442695020e+00, v38;
	v18 =	vmul.f32 v42, v18;
	v44 =	vpop (erf)  }
0x57d: {  	(erf) = vpow2.f32 v39;
	v45 =	vmul.f32 v44, v22  }
0x57e: {  	(erf) = vpow2.f32 v20;
	[tilespmem:s31+$0x11710] =	vst v18  }
0x57f: {  	v15 =	vadd.f32 $1.000000000e+00, v15;
	v46 =	vunpack.i.l.bf16.f32 v40;
	(erf) = vpow2.f32 v25;
	v47 =	vpop (erf);
	[tilespmem:s31+$0x11790] =	vst v45  }
0x580: {  	v48 =	vunpack.i.u.bf16.f32 v40;
	v17 =	vadd.f32 v41, v46;
	v49 =	vadd.f32 $1.000000000e+00, v47;
	v50 =	vpop (erf);
	v51 =	vld [tilespmem:s2+$0xFFFFFFB0]  }
0x581: {  	v52 =	vld [tilespmem:s31+$0x5720];
	v20 =	vadd.f32 v43, v48;
	(erf) = vrcp.f32 v15;
	v22 =	vadd.f32 $1.000000000e+00, v50;
	v54 =	vpop (erf)  }
0x582: {  	v55 =	vld [tilespmem:s31+$0x57A0];
	(erf) = vrcp.f32 v49;
	v18 =	vmul.f32 v54, v21  }
0x583: {  	v53 =	vsub.f32 $0.0e+00, v17;
	v56 =	vsub.f32 $0.0e+00, v20;
	(erf) = vrcp.f32 v22;
	_ =	sdelay $0x1  }
0x584: {  	v57 =	vmul.f32 $1.442695020e+00, v53;
	v59 =	vmul.f32 $1.442695020e+00, v56;
	v58 =	vpop (erf);
	v60 =	vunpack.i.l.bf16.f32 v51  }
0x585: {  	v19 =	vmul.f32 v58, v19;
	[tilespmem:s22+$0x11760] =	vst v18;
	v25 =	vunpack.i.u.bf16.f32 v51;
	v22 =	vadd.f32 v52, v60;
	v18 =	vpop (erf)  }
0x586: {  	v25 =	vadd.f32 v55, v25;
	(erf) = vpow2.f32 v57;
	v62 =	vpop (erf)  }
0x587: {  	[tilespmem:s22+$0x117E0] =	vst v19;
	(erf) = vpow2.f32 v59;
	v32 =	vsub.f32 $0.0e+00, v22;
	v63 =	vadd.f32 $1.000000000e+00, v62;
	v31 =	vpop (erf)  }
0x588: {  	v26 =	vld [tilespmem:s25+$0x0];
	v33 =	vsub.f32 $0.0e+00, v25;
	v19 =	vadd.f32 $1.000000000e+00, v31  }
0x589: {  	v61 =	vld [tilespmem:s22+$0x57F0];
	v15 =	vpop (erf);
	v34 =	vmul.f32 $1.442695020e+00, v32;
	(erf) = vrcp.f32 v63  }
0x58a: {  	v29 =	vmul.f32 $1.442695020e+00, v33;
	v35 =	vpop (erf);
	(erf) = vrcp.f32 v19  }
0x58b: {  	v23 =	vmul.f32 v35, v23;
	v36 =	vpop (erf);
	(erf) = vpow2.f32 v34  }
0x58c: {  	v37 =	vmul.f32 v36, v16;
	(erf) = vpow2.f32 v29  }
0x58d: {  	v38 =	vunpack.i.u.bf16.f32 v26;
	[tilespmem:s23+$0x11750] =	vst v23  }
0x58e: {  	v16 =	vadd.f32 v61, v38;
	[tilespmem:s23+$0x117D0] =	vst v37  }
0x58f: {  	v39 =	vpop (erf);
	v23 =	vld [tilespmem:s26+$0xFFFFFFF0]  }
0x590: {  	v43 =	vld [tilespmem:s23+$0x5760];
	v42 =	vsub.f32 $0.0e+00, v16;
	v40 =	vadd.f32 $1.000000000e+00, v39;
	v41 =	vpop (erf)  }
0x591: {  	v44 =	vld [tilespmem:s23+$0x57E0];
	v21 =	vadd.f32 $1.000000000e+00, v41  }
0x592: {  	v28 =	vmul.f32 $1.442695020e+00, v42;
	(erf) = vrcp.f32 v40;
	v45 =	vpop (erf)  }
0x593: {  	(erf) = vrcp.f32 v21;
	v46 =	vmul.f32 v45, v24;
	v47 =	vpop (erf)  }
0x594: {  	(erf) = vpow2.f32 v28;
	v48 =	vunpack.i.l.bf16.f32 v23;
	v24 =	vmul.f32 v47, v27;
	v49 =	vpop (erf)  }
0x595: {  	v23 =	vunpack.i.u.bf16.f32 v23;
	v27 =	vadd.f32 v43, v48;
	[tilespmem:s24+$0x11740] =	vst v46;
	v21 =	vadd.f32 $1.000000000e+00, v49;
	v50 =	vpop (erf)  }
0x596: {  	v19 =	vadd.f32 v44, v23;
	[tilespmem:s24+$0x117C0] =	vst v24;
	v24 =	vadd.f32 $1.000000000e+00, v50  }
0x597: {  	v52 =	vsub.f32 $0.0e+00, v27;
	v51 =	vld [tilespmem:s0+$0xFFFFFFE0];
	(erf) = vrcp.f32 v21  }
0x598: {  	v53 =	vld [tilespmem:s24+$0x5750];
	v54 =	vsub.f32 $0.0e+00, v19;
	(erf) = vrcp.f32 v24  }
0x599: {  	v55 =	vld [tilespmem:s24+$0x57D0];
	v56 =	vmul.f32 $1.442695020e+00, v52  }
0x59a: {  	v21 =	vmul.f32 $1.442695020e+00, v54  }
0x59b: {  	v57 =	vpop (erf);
	(erf) = vpow2.f32 v56  }
0x59c: {  	v17 =	vmul.f32 v57, v17;
	v58 =	vpop (erf);
	(erf) = vpow2.f32 v21;
	v59 =	vunpack.i.l.bf16.f32 v51  }
0x59d: {  	v20 =	vmul.f32 v58, v20;
	v23 =	vunpack.i.u.bf16.f32 v51;
	v60 =	vpop (erf);
	v24 =	vadd.f32 v53, v59  }
0x59e: {  	[tilespmem:s12+$0x11730] =	vst v17;
	v23 =	vadd.f32 v55, v23;
	v61 =	vadd.f32 $1.000000000e+00, v60  }
0x59f: {  	[tilespmem:s12+$0x117B0] =	vst v20;
	v62 =	vsub.f32 $0.0e+00, v24  }
0x5a0: {  	v63 =	vld [tilespmem:s1+$0xFFFFFFD0];
	v33 =	vsub.f32 $0.0e+00, v23;
	(erf) = vrcp.f32 v61;
	v35 =	vpop (erf)  }
0x5a1: {  	v34 =	vld [tilespmem:s12+$0x5740];
	v20 =	vmul.f32 $1.442695020e+00, v62;
	v22 =	vmul.f32 v35, v22;
	v37 =	vpop (erf)  }
0x5a2: {  	v26 =	vunpack.i.l.bf16.f32 v26;
	v36 =	vld [tilespmem:s12+$0x57C0];
	v28 =	vmul.f32 $1.442695020e+00, v33;
	v38 =	vmul.f32 v37, v25  }
0x5a3: {  	v1 =	vadd.f32 v1, v26;
	(erf) = vpow2.f32 v20;
	[tilespmem:s31+$0x11720] =	vst v22  }
0x5a4: {  	(erf) = vpow2.f32 v28;
	[tilespmem:s31+$0x117A0] =	vst v38  }
0x5a5: {  	v40 =	vsub.f32 $0.0e+00, v1;
	v41 =	vpop (erf);
	v39 =	vunpack.i.l.bf16.f32 v63;
	v42 =	vld [tilespmem:s2+$0xFFFFFFC0]  }
0x5a6: {  	v45 =	vld [tilespmem:s31+$0x5730];
	v21 =	vunpack.i.u.bf16.f32 v63;
	v43 =	vadd.f32 $1.000000000e+00, v41;
	v44 =	vpop (erf);
	v22 =	vadd.f32 v34, v39  }
0x5a7: {  	v47 =	vld [tilespmem:s31+$0x57B0];
	v21 =	vadd.f32 v36, v21;
	v25 =	vadd.f32 $1.000000000e+00, v44  }
0x5a8: {  	v20 =	vmul.f32 $1.442695020e+00, v40;
	(erf) = vrcp.f32 v43;
	v46 =	vsub.f32 $0.0e+00, v22  }
0x5a9: {  	v31 =	vsub.f32 $0.0e+00, v21;
	(erf) = vrcp.f32 v25  }
0x5aa: {  	(erf) = vpow2.f32 v20;
	v48 =	vmul.f32 $1.442695020e+00, v46;
	v50 =	vunpack.i.l.bf16.f32 v42  }
0x5ab: {  	v17 =	vpop (erf);
	v49 =	vmul.f32 $1.442695020e+00, v31;
	v26 =	vunpack.i.u.bf16.f32 v42;
	v20 =	vadd.f32 v45, v50  }
0x5ac: {  	v18 =	vadd.f32 $1.000000000e+00, v18;
	(erf) = vpow2.f32 v48;
	v26 =	vadd.f32 v47, v26;
	v51 =	vpop (erf)  }
0x5ad: {  	(erf) = vpow2.f32 v49;
	v25 =	vadd.f32 $1.000000000e+00, v51;
	v52 =	vpop (erf);
	v53 =	vsub.f32 $0.0e+00, v20  }
0x5ae: {  	(erf) = vrcp.f32 v18;
	v54 =	vsub.f32 $0.0e+00, v26;
	v28 =	vadd.f32 $1.000000000e+00, v52  }
0x5af: {  	(erf) = vrcp.f32 v25;
	v18 =	vmul.f32 $1.442695020e+00, v53  }
0x5b0: {  	v25 =	vmul.f32 $1.442695020e+00, v54;
	(erf) = vrcp.f32 v28  }
0x5b1: {  	v55 =	vpop (erf);
	(erf) = vpow2.f32 v18  }
0x5b2: {  	v57 =	vpop (erf);
	(erf) = vpow2.f32 v25;
	_ =	sdelay $0x1  }
0x5b3: {  	v56 =	vmul.f32 v55, v27;
	v25 =	vpop (erf)  }
0x5b4: {  	v19 =	vmul.f32 v57, v19;
	v58 =	vpop (erf)  }
0x5b5: {  	[tilespmem:s23+$0x11760] =	vst v56;
	v60 =	vpop (erf);
	v61 =	vadd.f32 $1.000000000e+00, v58  }
0x5b6: {  	[tilespmem:s23+$0x117E0] =	vst v19;
	v18 =	vpop (erf);
	v28 =	vadd.f32 $1.000000000e+00, v60  }
0x5b7: {  	v62 =	vld [tilespmem:s26+$0x0];
	(erf) = vrcp.f32 v61;
	v63 =	vpop (erf)  }
0x5b8: {  	v59 =	vld [tilespmem:s23+$0x57F0];
	(erf) = vrcp.f32 v28;
	v30 =	vmul.f32 v63, v24;
	v31 =	vpop (erf)  }
0x5b9: {  	v23 =	vmul.f32 v31, v23;
	v32 =	vpop (erf)  }
0x5ba: {  	[tilespmem:s24+$0x11750] =	vst v30;
	v33 =	vadd.f32 $1.000000000e+00, v32;
	v34 =	vpop (erf)  }
0x5bb: {  	[tilespmem:s24+$0x117D0] =	vst v23;
	v37 =	vadd.f32 $1.000000000e+00, v34  }
0x5bc: {  	v35 =	vunpack.i.u.bf16.f32 v62;
	v36 =	vld [tilespmem:s0+$0xFFFFFFF0];
	(erf) = vrcp.f32 v33  }
0x5bd: {  	v38 =	vld [tilespmem:s24+$0x5760];
	v19 =	vadd.f32 v59, v35;
	(erf) = vrcp.f32 v37  }
0x5be: {  	v39 =	vld [tilespmem:s24+$0x57E0]  }
0x5bf: {  	v27 =	vsub.f32 $0.0e+00, v19  }
0x5c0: {  	v40 =	vpop (erf)  }
0x5c1: {  	v27 =	vmul.f32 $1.442695020e+00, v27;
	v22 =	vmul.f32 v40, v22;
	v42 =	vpop (erf);
	v41 =	vunpack.i.l.bf16.f32 v36  }
0x5c2: {  	v28 =	vunpack.i.u.bf16.f32 v36;
	v21 =	vmul.f32 v42, v21;
	v24 =	vadd.f32 v38, v41  }
0x5c3: {  	(erf) = vpow2.f32 v27;
	v23 =	vadd.f32 v39, v28;
	[tilespmem:s12+$0x11740] =	vst v22  }
0x5c4: {  	[tilespmem:s12+$0x117C0] =	vst v21;
	v43 =	vsub.f32 $0.0e+00, v24  }
0x5c5: {  	v44 =	vsub.f32 $0.0e+00, v23;
	v45 =	vld [tilespmem:s1+$0xFFFFFFE0];
	v46 =	vpop (erf)  }
0x5c6: {  	v47 =	vld [tilespmem:s12+$0x5750];
	v22 =	vmul.f32 $1.442695020e+00, v43;
	v20 =	vmul.f32 v46, v20;
	v48 =	vpop (erf)  }
0x5c7: {  	v49 =	vld [tilespmem:s12+$0x57D0];
	v21 =	vmul.f32 $1.442695020e+00, v44;
	v50 =	vmul.f32 v48, v26  }
0x5c8: {  	(erf) = vpow2.f32 v22;
	[tilespmem:s31+$0x11730] =	vst v20  }
0x5c9: {  	(erf) = vpow2.f32 v21;
	[tilespmem:s31+$0x117B0] =	vst v50  }
0x5ca: {  	v51 =	vunpack.i.l.bf16.f32 v45;
	v52 =	vld [tilespmem:s2+$0xFFFFFFD0]  }
0x5cb: {  	v56 =	vld [tilespmem:s31+$0x5740];
	v54 =	vunpack.i.u.bf16.f32 v45;
	v55 =	vadd.f32 v47, v51  }
0x5cc: {  	v58 =	vld [tilespmem:s31+$0x57C0];
	v57 =	vpop (erf);
	v26 =	vadd.f32 v49, v54  }
0x5cd: {  	v53 =	vunpack.i.l.bf16.f32 v62;
	v22 =	vadd.f32 $1.000000000e+00, v57;
	v59 =	vsub.f32 $0.0e+00, v55  }
0x5ce: {  	v4 =	vadd.f32 v4, v53;
	v31 =	vsub.f32 $0.0e+00, v26  }
0x5cf: {  	(erf) = vrcp.f32 v22;
	v61 =	vmul.f32 $1.442695020e+00, v59;
	v62 =	vunpack.i.l.bf16.f32 v52  }
0x5d0: {  	v31 =	vmul.f32 $1.442695020e+00, v31;
	v21 =	vunpack.i.u.bf16.f32 v52;
	v29 =	vadd.f32 v56, v62  }
0x5d1: {  	v60 =	vsub.f32 $0.0e+00, v4;
	(erf) = vpow2.f32 v61;
	v28 =	vadd.f32 v58, v21;
	v32 =	vpop (erf)  }
0x5d2: {  	(erf) = vpow2.f32 v31;
	v63 =	vadd.f32 $1.000000000e+00, v32;
	v32 =	vpop (erf);
	v34 =	vsub.f32 $0.0e+00, v29  }
0x5d3: {  	v30 =	vmul.f32 $1.442695020e+00, v60;
	v35 =	vsub.f32 $0.0e+00, v28;
	v33 =	vadd.f32 $1.000000000e+00, v32  }
0x5d4: {  	(erf) = vrcp.f32 v63;
	v36 =	vmul.f32 $1.442695020e+00, v34  }
0x5d5: {  	v20 =	vmul.f32 $1.442695020e+00, v35;
	(erf) = vrcp.f32 v33  }
0x5d6: {  	(erf) = vpow2.f32 v30  }
0x5d7: {  	(erf) = vpow2.f32 v36  }
0x5d8: {  	(erf) = vpow2.f32 v20  }
0x5d9: {  	v20 =	vpop (erf)  }
0x5da: {  	v38 =	vadd.f32 $1.000000000e+00, v25;
	v37 =	vpop (erf)  }
0x5db: {  	v39 =	vpop (erf);
	v21 =	vadd.f32 $1.000000000e+00, v37  }
0x5dc: {  	(erf) = vrcp.f32 v38;
	v25 =	vadd.f32 $1.000000000e+00, v39  }
0x5dd: {  	(erf) = vrcp.f32 v21;
	v40 =	vpop (erf)  }
0x5de: {  	(erf) = vrcp.f32 v25;
	v41 =	vpop (erf)  }
0x5df: {  	v42 =	vmul.f32 v40, v24;
	v24 =	vpop (erf)  }
0x5e0: {  	v43 =	vpop (erf)  }
0x5e1: {  	v22 =	vmul.f32 v41, v23;
	v44 =	vadd.f32 $1.000000000e+00, v43;
	v45 =	vpop (erf)  }
0x5e2: {  	[tilespmem:s24+$0x11760] =	vst v42;
	v23 =	vadd.f32 $1.000000000e+00, v45  }
0x5e3: {  	[tilespmem:s24+$0x117E0] =	vst v22;
	(erf) = vrcp.f32 v44  }
0x5e4: {  	v47 =	vld [tilespmem:s0+$0x0];
	(erf) = vrcp.f32 v23  }
0x5e5: {  	v46 =	vld [tilespmem:s24+$0x57F0];
	v21 =	vpop (erf)  }
0x5e6: {  	v48 =	vpop (erf)  }
0x5e7: {  	v49 =	vmul.f32 v48, v55;
	v50 =	vpop (erf)  }
0x5e8: {  	v26 =	vmul.f32 v50, v26  }
0x5e9: {  	v51 =	vunpack.i.u.bf16.f32 v47;
	[tilespmem:s12+$0x11750] =	vst v49  }
0x5ea: {  	v22 =	vadd.f32 v46, v51;
	[tilespmem:s12+$0x117D0] =	vst v26  }
0x5eb: {  	v26 =	vld [tilespmem:s1+$0xFFFFFFF0]  }
0x5ec: {  	v55 =	vld [tilespmem:s12+$0x5760];
	v52 =	vsub.f32 $0.0e+00, v22;
	v53 =	vpop (erf)  }
0x5ed: {  	v25 =	vmul.f32 v53, v29;
	v54 =	vpop (erf)  }
0x5ee: {  	v23 =	vmul.f32 $1.442695020e+00, v52;
	v27 =	vmul.f32 v54, v28  }
0x5ef: {  	v56 =	vld [tilespmem:s12+$0x57E0];
	[tilespmem:s31+$0x11740] =	vst v25  }
0x5f0: {  	(erf) = vpow2.f32 v23;
	v58 =	vunpack.i.l.bf16.f32 v26;
	[tilespmem:s31+$0x117C0] =	vst v27  }
0x5f1: {  	v25 =	vadd.f32 v55, v58;
	v57 =	vld [tilespmem:s2+$0xFFFFFFE0]  }
0x5f2: {  	v59 =	vld [tilespmem:s31+$0x5750]  }
0x5f3: {  	v60 =	vld [tilespmem:s31+$0x57D0];
	v26 =	vunpack.i.u.bf16.f32 v26;
	v61 =	vsub.f32 $0.0e+00, v25  }
0x5f4: {  	v26 =	vadd.f32 v56, v26  }
0x5f5: {  	v28 =	vmul.f32 $1.442695020e+00, v61  }
0x5f6: {  	v62 =	vsub.f32 $0.0e+00, v26;
	v63 =	vunpack.i.l.bf16.f32 v57  }
0x5f7: {  	v23 =	vunpack.i.u.bf16.f32 v57;
	(erf) = vpow2.f32 v28;
	v27 =	vadd.f32 v59, v63  }
0x5f8: {  	v31 =	vmul.f32 $1.442695020e+00, v62;
	v23 =	vadd.f32 v60, v23  }
0x5f9: {  	v36 =	vpop (erf);
	v37 =	vsub.f32 $0.0e+00, v27  }
0x5fa: {  	(erf) = vpow2.f32 v31;
	v28 =	vadd.f32 $1.000000000e+00, v36;
	v38 =	vsub.f32 $0.0e+00, v23  }
0x5fb: {  	v29 =	vmul.f32 $1.442695020e+00, v37  }
0x5fc: {  	(erf) = vrcp.f32 v28;
	v39 =	vmul.f32 $1.442695020e+00, v38  }
0x5fd: {  	(erf) = vpow2.f32 v29  }
0x5fe: {  	(erf) = vpow2.f32 v39;
	_ =	sdelay $0x1  }
0x5ff: {  	v40 =	vunpack.i.l.bf16.f32 v47;
	v41 =	vpop (erf)  }
0x600: {  	v5 =	vadd.f32 v5, v40;
	v28 =	vadd.f32 $1.000000000e+00, v41;
	_ =	sdelay $0x1  }
0x601: {  	v42 =	vsub.f32 $0.0e+00, v5;
	v43 =	vpop (erf)  }
0x602: {  	v30 =	vadd.f32 $1.000000000e+00, v43  }
0x603: {  	v29 =	vmul.f32 $1.442695020e+00, v42;
	(erf) = vrcp.f32 v28;
	v28 =	vpop (erf)  }
0x604: {  	v24 =	vadd.f32 $1.000000000e+00, v24;
	(erf) = vrcp.f32 v30;
	v44 =	vpop (erf)  }
0x605: {  	(erf) = vpow2.f32 v29;
	v45 =	vadd.f32 $1.000000000e+00, v44;
	v46 =	vpop (erf)  }
0x606: {  	(erf) = vrcp.f32 v24;
	v30 =	vadd.f32 $1.000000000e+00, v46  }
0x607: {  	(erf) = vrcp.f32 v45  }
0x608: {  	(erf) = vrcp.f32 v30;
	_ =	sdelay $0x3  }
0x609: {  	v47 =	vpop (erf)  }
0x60a: {  	v48 =	vpop (erf)  }
0x60b: {  	v49 =	vpop (erf)  }
0x60c: {  	v24 =	vmul.f32 v47, v25;
	v30 =	vpop (erf)  }
0x60d: {  	v26 =	vmul.f32 v48, v26;
	v50 =	vpop (erf)  }
0x60e: {  	[tilespmem:s12+$0x11760] =	vst v24;
	v24 =	vmul.f32 v50, v27;
	v52 =	vpop (erf)  }
0x60f: {  	[tilespmem:s12+$0x117E0] =	vst v26;
	v23 =	vmul.f32 v52, v23  }
0x610: {  	v51 =	vld [tilespmem:s12+$0x57F0];
	[tilespmem:s31+$0x11750] =	vst v24  }
0x611: {  	v53 =	vld [tilespmem:s1+$0x0];
	[tilespmem:s31+$0x117D0] =	vst v23  }
0x612: {  	v23 =	vld [tilespmem:s2+$0xFFFFFFF0]  }
0x613: {  	v54 =	vld [tilespmem:s31+$0x5760]  }
0x614: {  	v55 =	vld [tilespmem:s31+$0x57E0];
	_ =	sdelay $0x1  }
0x615: {  	v56 =	vunpack.i.u.bf16.f32 v53  }
0x616: {  	v29 =	vadd.f32 v51, v56;
	v57 =	vunpack.i.l.bf16.f32 v23  }
0x617: {  	v23 =	vunpack.i.u.bf16.f32 v23;
	v26 =	vadd.f32 v54, v57  }
0x618: {  	v58 =	vsub.f32 $0.0e+00, v29;
	v23 =	vadd.f32 v55, v23  }
0x619: {  	v59 =	vsub.f32 $0.0e+00, v26  }
0x61a: {  	v31 =	vmul.f32 $1.442695020e+00, v58;
	v60 =	vsub.f32 $0.0e+00, v23  }
0x61b: {  	v27 =	vmul.f32 $1.442695020e+00, v59  }
0x61c: {  	(erf) = vpow2.f32 v31;
	v61 =	vmul.f32 $1.442695020e+00, v60  }
0x61d: {  	(erf) = vpow2.f32 v27  }
0x61e: {  	(erf) = vpow2.f32 v61;
	_ =	sdelay $0x6  }
0x61f: {  	v62 =	vpop (erf)  }
0x620: {  	v27 =	vadd.f32 $1.000000000e+00, v62;
	v63 =	vpop (erf)  }
0x621: {  	v31 =	vadd.f32 $1.000000000e+00, v63;
	v33 =	vpop (erf)  }
0x622: {  	(erf) = vrcp.f32 v27;
	v27 =	vadd.f32 $1.000000000e+00, v33  }
0x623: {  	(erf) = vrcp.f32 v31  }
0x624: {  	(erf) = vrcp.f32 v27;
	_ =	sdelay $0x6  }
0x625: {  	v34 =	vpop (erf)  }
0x626: {  	v31 =	vpop (erf)  }
0x627: {  	v26 =	vmul.f32 v31, v26;
	v35 =	vpop (erf)  }
0x628: {  	v23 =	vmul.f32 v35, v23  }
0x629: {  	[tilespmem:s31+$0x11760] =	vst v26  }
0x62a: {  	[tilespmem:s31+$0x117E0] =	vst v23  }
0x62b: {  	v23 =	vld [tilespmem:s2+$0x0]  }
0x62c: {  	v36 =	vld [tilespmem:s31+$0x57F0];
	_ =	sdelay $0x1  }
0x62d: {  	v24 =	vunpack.i.l.bf16.f32 v53  }
0x62e: {  	v7 =	vadd.f32 v7, v24  }
0x62f: {  	v37 =	vunpack.i.u.bf16.f32 v23  }
0x630: {  	v38 =	vsub.f32 $0.0e+00, v7;
	v24 =	vadd.f32 v36, v37;
	_ =	sdelay $0x1  }
0x631: {  	v39 =	vmul.f32 $1.442695020e+00, v38;
	v40 =	vsub.f32 $0.0e+00, v24  }
0x632: {  	v25 =	vadd.f32 $1.000000000e+00, v49  }
0x633: {  	(erf) = vpow2.f32 v39;
	v41 =	vmul.f32 $1.442695020e+00, v40  }
0x634: {  	(erf) = vrcp.f32 v25  }
0x635: {  	(erf) = vpow2.f32 v41;
	_ =	sdelay $0x5  }
0x636: {  	v23 =	vunpack.i.l.bf16.f32 v23  }
0x637: {  	v42 =	vpop (erf);
	v10 =	vadd.f32 v10, v23  }
0x638: {  	v43 =	vpop (erf)  }
0x639: {  	v44 =	vsub.f32 $0.0e+00, v10;
	v45 =	vpop (erf)  }
0x63a: {  	v31 =	vadd.f32 $1.000000000e+00, v45  }
0x63b: {  	v26 =	vmul.f32 $1.442695020e+00, v44  }
0x63c: {  	(erf) = vrcp.f32 v31  }
0x63d: {  	(erf) = vpow2.f32 v26;
	_ =	sdelay $0x4  }
0x63e: {  	v0 =	vmul.f32 v8, v0  }
0x63f: {  	v6 =	vmul.f32 v12, v6  }
0x640: {  	[tilespmem:s4+$0x11770] =	vst v0;
	v2 =	vmul.f32 v15, v2  }
0x641: {  	[tilespmem:s8+$0x11770] =	vst v6;
	v1 =	vmul.f32 v21, v1;
	v47 =	vpop (erf)  }
0x642: {  	[tilespmem:s10+$0x11770] =	vst v2;
	v48 =	vmul.f32 v11, v9;
	v46 =	vadd.f32 $1.000000000e+00, v42;
	v49 =	vpop (erf)  }
0x643: {  	[tilespmem:s22+$0x11770] =	vst v1;
	v52 =	vmul.f32 v18, v3;
	v50 =	vadd.f32 $1.000000000e+00, v49  }
0x644: {  	[tilespmem:s10+$0x117F0] =	vst v48;
	v53 =	vmul.f32 v17, v16;
	(erf) = vrcp.f32 v46  }
0x645: {  	v51 =	vmul.f32 v14, v13;
	[tilespmem:s14+$0x11770] =	vst v52;
	(erf) = vrcp.f32 v50  }
0x646: {  	v56 =	vmul.f32 v28, v22;
	[tilespmem:s22+$0x117F0] =	vst v53  }
0x647: {  	[tilespmem:s14+$0x117F0] =	vst v51;
	v54 =	vmul.f32 v20, v19  }
0x648: {  	[tilespmem:s24+$0x117F0] =	vst v56;
	v55 =	vmul.f32 v30, v4  }
0x649: {  	[tilespmem:s23+$0x117F0] =	vst v54;
	v58 =	vmul.f32 v34, v29  }
0x64a: {  	[tilespmem:s23+$0x11770] =	vst v55;
	v57 =	vmul.f32 v43, v5  }
0x64b: {  	[tilespmem:s12+$0x117F0] =	vst v58  }
0x64c: {  	[tilespmem:s24+$0x11770] =	vst v57  }
0x64d: {  	s20 =	rddreg [dreg:$0x5];
	v61 =	vmul.f32 v47, v24;
	v59 =	vpop (erf)  }
0x64e: {  	s0 =	sadd.s32 s15, s20;
	v60 =	vmul.f32 v59, v7;
	v62 =	vpop (erf)  }
0x64f: {  	s22 =	rddreg [dreg:$0x3];
	s0 =	sshll.u32 s0, $0x4;
	[tilespmem:s31+$0x117F0] =	vst v61;
	v63 =	vmul.f32 v62, v10  }
0x650: {  	s0 =	sadd.s32 s22, s0;
	[tilespmem:s12+$0x11770] =	vst v60  }
0x651: {  	s23 =	simm.s32 $0x11700;
	s24 =	smin.u32 s19, $0x4B;
	s0 =	sadd.s32 $0x800, s0;
	[tilespmem:s31+$0x11770] =	vst v63  }
0x652: {  	[hbm4b:s0+s5] =	stream.linear.scatter [tilespmem:s23], [sflag:$0x6], $0x4000, $0x38;
	[tilespmem:$0x15700] =	vst v63  }
0x653: {  	s0 =	sshll.u32 s24, $0x7  }
0x654: {  	s25 =	rddreg [dreg:$0xe];
	s0 =	smin.u32 s0, $0x2510  }
0x655: {  	s0 =	sadd.s32 s0, s25  }
0x656: {  	s18 =	sadd.s32 $0x1, s18;
	s1 =	sshrl.u32 s0, $0x3  }
0x657: {  	p0 =	sne.s32 s18, $0x27;
	s28 =	simm.s32 $0x1480;
	s26 =	sadd.s32 s7, s1  }
0x658: {  	[tilespmem:s28], [sflag:$0x2] =	stream.linear.gather [hbm4b:s26+s5], $0x80, $0x38;
	[tilespmem:$0x15700] =	vst v63  }
.Ltmp5:
0x659: {  	s0 =	sshll.u32 s0, $0x3;
	(pc) =	sbr.rel @p0 .LBB2_4-.Ltmp5, $4  }
0x65a: {  	s1 =	sadd.s32 s30, s1;
	s26 =	smov.u32 s30;
	s30 =	simm.s32 $0x1580  }
0x65b: {  	[tilespmem:s30], [sflag:$0x2] =	stream.linear.gather [hbm4b:s1+s5], $0x80, $0x38;
	[tilespmem:$0x15700] =	vst v63  }
0x65c: {  	s31 =	simm.s32 $0xB700;
	s25 =	smov.u32 s7;
	s0 =	sadd.s32 s9, s0  }
0x65d: {  	[tilespmem:s31], [sflag:$0x4] =	stream.linear.gather [hbm4b:s0+s5], $0x2000, $0x38;
	[tilespmem:$0x15700] =	vst v63  }
0x65e: {  	_ =	swait.ge [sflag:s11], $0x2000  }
0x65f: {  	[sflag:s11] =	ssyncset.done $0x0  }
0x660: {  	[sflag:s11] =	ssyncadd.s32 $0xFFFFE000  }
0x661: {  	_ =	swait.ge [sflag:s11], $0x4000  }
0x662: {  	[sflag:s11] =	ssyncset.done $0x0  }
0x663: {  	s7 =	simm.s32 $0x5;
	[sflag:s11] =	ssyncadd.s32 $0xFFFFC000  }
0x664: {  	_ =	swait.ge [sflag:s7], $0x4000  }
0x665: {  	[sflag:s7] =	ssyncset.done $0x0  }
0x666: {  	s1 =	simm.s32 $0x9740;
	[sflag:s7] =	ssyncadd.s32 $0xFFFFC000  }
0x667: {  	s4 =	simm.s32 $0x0;
	v0 =	vld [tilespmem:s1+$0xFFFFFFC0]  }
0x668: {  	v1 =	vld [tilespmem:s4+$0x1700]  }
0x669: {  	v2 =	vld [tilespmem:s4+$0x1780];
	_ =	sdelay $0x2  }
0x66a: {  	v3 =	vunpack.i.l.bf16.f32 v0  }
0x66b: {  	v0 =	vunpack.i.u.bf16.f32 v0;
	v1 =	vadd.f32 v1, v3  }
0x66c: {  	v2 =	vadd.f32 v2, v0  }
0x66d: {  	v0 =	vsub.f32 $0.0e+00, v1  }
0x66e: {  	v3 =	vsub.f32 $0.0e+00, v2  }
0x66f: {  	v0 =	vmul.f32 $1.442695020e+00, v0  }
0x670: {  	v3 =	vmul.f32 $1.442695020e+00, v3  }
0x671: {  	(erf) = vpow2.f32 v0  }
0x672: {  	(erf) = vpow2.f32 v3;
	_ =	sdelay $0x7  }
0x673: {  	v0 =	vpop (erf)  }
0x674: {  	v0 =	vadd.f32 $1.000000000e+00, v0;
	v3 =	vpop (erf)  }
0x675: {  	v3 =	vadd.f32 $1.000000000e+00, v3  }
0x676: {  	(erf) = vrcp.f32 v0  }
0x677: {  	(erf) = vrcp.f32 v3;
	_ =	sdelay $0x7  }
0x678: {  	v0 =	vpop (erf)  }
0x679: {  	v1 =	vmul.f32 v0, v1;
	v3 =	vpop (erf)  }
0x67a: {  	s2 =	simm.s32 $0x97C0;
	v2 =	vmul.f32 v3, v2  }
0x67b: {  	s8 =	simm.s32 $0x100;
	v3 =	vld [tilespmem:s2+$0xFFFFFFC0];
	[tilespmem:s4+$0xD700] =	vst v1  }
0x67c: {  	v1 =	vld [tilespmem:s8+$0x1700];
	[tilespmem:s4+$0xD780] =	vst v2  }
0x67d: {  	v2 =	vld [tilespmem:s1+$0xFFFFFFD0]  }
0x67e: {  	v4 =	vld [tilespmem:s4+$0x1710]  }
0x67f: {  	v5 =	vld [tilespmem:s4+$0x1790];
	_ =	sdelay $0x1  }
0x680: {  	v6 =	vunpack.i.l.bf16.f32 v3  }
0x681: {  	v1 =	vadd.f32 v1, v6;
	v6 =	vunpack.i.l.bf16.f32 v2  }
0x682: {  	v2 =	vunpack.i.u.bf16.f32 v2;
	v4 =	vadd.f32 v4, v6  }
0x683: {  	v6 =	vsub.f32 $0.0e+00, v1;
	v2 =	vadd.f32 v5, v2  }
0x684: {  	v8 =	vld [tilespmem:s8+$0x1780];
	v5 =	vsub.f32 $0.0e+00, v4  }
0x685: {  	v6 =	vmul.f32 $1.442695020e+00, v6;
	v7 =	vsub.f32 $0.0e+00, v2  }
0x686: {  	v5 =	vmul.f32 $1.442695020e+00, v5  }
0x687: {  	(erf) = vpow2.f32 v6;
	v6 =	vmul.f32 $1.442695020e+00, v7  }
0x688: {  	v3 =	vunpack.i.u.bf16.f32 v3;
	(erf) = vpow2.f32 v5  }
0x689: {  	v3 =	vadd.f32 v8, v3;
	(erf) = vpow2.f32 v6;
	_ =	sdelay $0x1  }
0x68a: {  	v5 =	vsub.f32 $0.0e+00, v3;
	_ =	sdelay $0x1  }
0x68b: {  	v5 =	vmul.f32 $1.442695020e+00, v5;
	_ =	sdelay $0x1  }
0x68c: {  	(erf) = vpow2.f32 v5  }
0x68d: {  	v6 =	vpop (erf)  }
0x68e: {  	v5 =	vadd.f32 $1.000000000e+00, v6;
	v6 =	vpop (erf)  }
0x68f: {  	v6 =	vadd.f32 $1.000000000e+00, v6;
	v7 =	vpop (erf)  }
0x690: {  	(erf) = vrcp.f32 v5;
	v5 =	vadd.f32 $1.000000000e+00, v7  }
0x691: {  	(erf) = vrcp.f32 v6  }
0x692: {  	(erf) = vrcp.f32 v5;
	_ =	sdelay $0x2  }
0x693: {  	v5 =	vpop (erf)  }
0x694: {  	v5 =	vadd.f32 $1.000000000e+00, v5;
	_ =	sdelay $0x2  }
0x695: {  	v6 =	vpop (erf)  }
0x696: {  	(erf) = vrcp.f32 v5;
	v5 =	vpop (erf)  }
0x697: {  	v4 =	vmul.f32 v5, v4;
	v5 =	vpop (erf)  }
0x698: {  	v2 =	vmul.f32 v5, v2  }
0x699: {  	[tilespmem:s4+$0xD710] =	vst v4  }
0x69a: {  	[tilespmem:s4+$0xD790] =	vst v2  }
0x69b: {  	v2 =	vld [tilespmem:s1+$0xFFFFFFE0]  }
0x69c: {  	v4 =	vld [tilespmem:s4+$0x1720];
	_ =	sdelay $0x1  }
0x69d: {  	v5 =	vld [tilespmem:s4+$0x17A0]  }
0x69e: {  	v1 =	vmul.f32 v6, v1;
	v7 =	vpop (erf)  }
0x69f: {  	s24 =	simm.s32 $0x9840;
	v10 =	vld [tilespmem:s8+$0x1790];
	v3 =	vmul.f32 v7, v3;
	v7 =	vunpack.i.l.bf16.f32 v2  }
0x6a0: {  	s10 =	simm.s32 $0x200;
	v8 =	vld [tilespmem:s24+$0xFFFFFFC0];
	[tilespmem:s8+$0xD700] =	vst v1;
	v4 =	vadd.f32 v4, v7  }
0x6a1: {  	[tilespmem:s8+$0xD780] =	vst v3;
	v1 =	vunpack.i.u.bf16.f32 v2;
	v2 =	vld [tilespmem:s10+$0x1700]  }
0x6a2: {  	v3 =	vld [tilespmem:s2+$0xFFFFFFD0];
	v1 =	vadd.f32 v5, v1;
	v5 =	vsub.f32 $0.0e+00, v4  }
0x6a3: {  	v7 =	vld [tilespmem:s8+$0x1710]  }
0x6a4: {  	v9 =	vsub.f32 $0.0e+00, v1;
	v5 =	vmul.f32 $1.442695020e+00, v5;
	_ =	sdelay $0x1  }
0x6a5: {  	v12 =	vld [tilespmem:s10+$0x1780];
	v11 =	vunpack.i.l.bf16.f32 v8;
	v9 =	vmul.f32 $1.442695020e+00, v9;
	(erf) = vpow2.f32 v5  }
0x6a6: {  	v5 =	vadd.f32 v2, v11;
	v2 =	vunpack.i.l.bf16.f32 v3;
	v3 =	vunpack.i.u.bf16.f32 v3  }
0x6a7: {  	(erf) = vpow2.f32 v9;
	v7 =	vadd.f32 v7, v2;
	v3 =	vadd.f32 v10, v3  }
0x6a8: {  	v2 =	vsub.f32 $0.0e+00, v5  }
0x6a9: {  	v8 =	vunpack.i.u.bf16.f32 v8;
	v9 =	vsub.f32 $0.0e+00, v7;
	v10 =	vsub.f32 $0.0e+00, v3  }
0x6aa: {  	v8 =	vadd.f32 v12, v8;
	v2 =	vmul.f32 $1.442695020e+00, v2  }
0x6ab: {  	v9 =	vmul.f32 $1.442695020e+00, v9;
	v10 =	vmul.f32 $1.442695020e+00, v10  }
0x6ac: {  	v11 =	vsub.f32 $0.0e+00, v8;
	(erf) = vpow2.f32 v2  }
0x6ad: {  	(erf) = vpow2.f32 v9  }
0x6ae: {  	v0 =	vld [tilespmem:s4+$0x1770];
	(erf) = vpow2.f32 v10  }
0x6af: {  	v6 =	vld [tilespmem:s8+$0x1770];
	v9 =	vmul.f32 $1.442695020e+00, v11;
	v10 =	vpop (erf)  }
0x6b0: {  	v2 =	vld [tilespmem:s10+$0x1770];
	v11 =	vpop (erf)  }
0x6b1: {  	v10 =	vadd.f32 $1.000000000e+00, v10;
	(erf) = vpow2.f32 v9;
	v9 =	vadd.f32 $1.000000000e+00, v11;
	_ =	sdelay $0x1  }
0x6b2: {  	(erf) = vrcp.f32 v10  }
0x6b3: {  	(erf) = vrcp.f32 v9  }
0x6b4: {  	v9 =	vpop (erf)  }
0x6b5: {  	v9 =	vadd.f32 $1.000000000e+00, v9;
	v10 =	vpop (erf)  }
0x6b6: {  	v11 =	vpop (erf)  }
0x6b7: {  	(erf) = vrcp.f32 v9;
	v9 =	vadd.f32 $1.000000000e+00, v11  }
0x6b8: {  	v10 =	vadd.f32 $1.000000000e+00, v10;
	_ =	sdelay $0x1  }
0x6b9: {  	(erf) = vrcp.f32 v10;
	v11 =	vpop (erf)  }
0x6ba: {  	(erf) = vrcp.f32 v9;
	v9 =	vpop (erf)  }
0x6bb: {  	v4 =	vmul.f32 v9, v4;
	v9 =	vpop (erf)  }
0x6bc: {  	v1 =	vmul.f32 v9, v1  }
0x6bd: {  	[tilespmem:s4+$0xD720] =	vst v4  }
0x6be: {  	v4 =	vadd.f32 $1.000000000e+00, v11;
	[tilespmem:s4+$0xD7A0] =	vst v1  }
0x6bf: {  	v1 =	vld [tilespmem:s1+$0xFFFFFFF0]  }
0x6c0: {  	v9 =	vld [tilespmem:s4+$0x1730]  }
0x6c1: {  	v10 =	vpop (erf)  }
0x6c2: {  	(erf) = vrcp.f32 v4;
	v4 =	vpop (erf)  }
0x6c3: {  	v4 =	vmul.f32 v4, v7;
	v7 =	vpop (erf)  }
0x6c4: {  	v11 =	vld [tilespmem:s4+$0x17B0];
	v3 =	vmul.f32 v7, v3;
	v7 =	vunpack.i.l.bf16.f32 v1  }
0x6c5: {  	[tilespmem:s8+$0xD710] =	vst v4;
	v4 =	vadd.f32 v9, v7  }
0x6c6: {  	[tilespmem:s8+$0xD790] =	vst v3  }
0x6c7: {  	v3 =	vld [tilespmem:s2+$0xFFFFFFE0];
	v7 =	vsub.f32 $0.0e+00, v4  }
0x6c8: {  	v12 =	vld [tilespmem:s8+$0x17A0];
	v1 =	vunpack.i.u.bf16.f32 v1  }
0x6c9: {  	s23 =	simm.s32 $0x98C0;
	v1 =	vadd.f32 v11, v1;
	v9 =	vld [tilespmem:s8+$0x1720];
	v7 =	vmul.f32 $1.442695020e+00, v7  }
0x6ca: {  	s14 =	simm.s32 $0x300;
	v13 =	vld [tilespmem:s23+$0xFFFFFFC0]  }
0x6cb: {  	v14 =	vld [tilespmem:s14+$0x1700];
	v5 =	vmul.f32 v10, v5;
	v11 =	vsub.f32 $0.0e+00, v1;
	v10 =	vpop (erf);
	(erf) = vpow2.f32 v7  }
0x6cc: {  	v7 =	vmul.f32 v10, v8;
	v8 =	vunpack.i.l.bf16.f32 v3;
	v3 =	vunpack.i.u.bf16.f32 v3  }
0x6cd: {  	v11 =	vmul.f32 $1.442695020e+00, v11;
	v3 =	vadd.f32 v12, v3  }
0x6ce: {  	[tilespmem:s10+$0xD700] =	vst v5;
	v5 =	vadd.f32 v9, v8  }
0x6cf: {  	(erf) = vpow2.f32 v11;
	[tilespmem:s10+$0xD780] =	vst v7;
	v7 =	vunpack.i.l.bf16.f32 v13;
	v11 =	vsub.f32 $0.0e+00, v3  }
0x6d0: {  	v8 =	vld [tilespmem:s24+$0xFFFFFFD0];
	v9 =	vsub.f32 $0.0e+00, v5;
	v7 =	vadd.f32 v14, v7  }
0x6d1: {  	v12 =	vld [tilespmem:s10+$0x1790];
	v11 =	vmul.f32 $1.442695020e+00, v11  }
0x6d2: {  	v10 =	vld [tilespmem:s10+$0x1710];
	v9 =	vmul.f32 $1.442695020e+00, v9;
	v14 =	vsub.f32 $0.0e+00, v7  }
0x6d3: {  	v15 =	vld [tilespmem:s14+$0x1780]  }
0x6d4: {  	(erf) = vpow2.f32 v9;
	v9 =	vmul.f32 $1.442695020e+00, v14  }
0x6d5: {  	v14 =	vunpack.i.l.bf16.f32 v8;
	(erf) = vpow2.f32 v11;
	v8 =	vunpack.i.u.bf16.f32 v8;
	v11 =	vpop (erf)  }
0x6d6: {  	v8 =	vadd.f32 v12, v8;
	v11 =	vadd.f32 $1.000000000e+00, v11  }
0x6d7: {  	v10 =	vadd.f32 v10, v14;
	(erf) = vpow2.f32 v9;
	v12 =	vunpack.i.u.bf16.f32 v13  }
0x6d8: {  	v14 =	vpop (erf);
	(erf) = vrcp.f32 v11;
	v11 =	vadd.f32 v15, v12;
	v12 =	vsub.f32 $0.0e+00, v8  }
0x6d9: {  	v13 =	vsub.f32 $0.0e+00, v10;
	v9 =	vadd.f32 $1.000000000e+00, v14  }
0x6da: {  	v12 =	vmul.f32 $1.442695020e+00, v12  }
0x6db: {  	(erf) = vrcp.f32 v9;
	v9 =	vmul.f32 $1.442695020e+00, v13;
	v13 =	vsub.f32 $0.0e+00, v11;
	_ =	sdelay $0x1  }
0x6dc: {  	(erf) = vpow2.f32 v9  }
0x6dd: {  	v9 =	vmul.f32 $1.442695020e+00, v13;
	(erf) = vpow2.f32 v12;
	v12 =	vpop (erf)  }
0x6de: {  	v13 =	vpop (erf)  }
0x6df: {  	(erf) = vpow2.f32 v9;
	v9 =	vadd.f32 $1.000000000e+00, v13  }
0x6e0: {  	v12 =	vadd.f32 $1.000000000e+00, v12;
	_ =	sdelay $0x1  }
0x6e1: {  	v13 =	vpop (erf);
	(erf) = vrcp.f32 v12  }
0x6e2: {  	(erf) = vrcp.f32 v9;
	v9 =	vpop (erf)  }
0x6e3: {  	v4 =	vmul.f32 v9, v4;
	v9 =	vpop (erf)  }
0x6e4: {  	v1 =	vmul.f32 v9, v1  }
0x6e5: {  	v9 =	vpop (erf);
	[tilespmem:s4+$0xD730] =	vst v4;
	v4 =	vadd.f32 $1.000000000e+00, v13  }
0x6e6: {  	[tilespmem:s4+$0xD7B0] =	vst v1;
	v1 =	vadd.f32 $1.000000000e+00, v9;
	v9 =	vpop (erf)  }
0x6e7: {  	(erf) = vrcp.f32 v4;
	v4 =	vadd.f32 $1.000000000e+00, v9  }
0x6e8: {  	v12 =	vld [tilespmem:s1+$0x0]  }
0x6e9: {  	v9 =	vld [tilespmem:s4+$0x1740];
	(erf) = vrcp.f32 v1  }
0x6ea: {  	v13 =	vpop (erf);
	v1 =	vld [tilespmem:s4+$0x17C0];
	(erf) = vrcp.f32 v4  }
0x6eb: {  	v4 =	vpop (erf)  }
0x6ec: {  	v4 =	vmul.f32 v4, v5;
	v5 =	vpop (erf)  }
0x6ed: {  	v3 =	vmul.f32 v5, v3;
	v5 =	vunpack.i.l.bf16.f32 v12  }
0x6ee: {  	[tilespmem:s8+$0xD720] =	vst v4;
	v4 =	vunpack.i.u.bf16.f32 v12;
	v5 =	vadd.f32 v9, v5;
	v9 =	vadd.f32 $1.000000000e+00, v13  }
0x6ef: {  	[tilespmem:s8+$0xD7A0] =	vst v3;
	v1 =	vadd.f32 v1, v4  }
0x6f0: {  	v3 =	vld [tilespmem:s2+$0xFFFFFFF0];
	v4 =	vsub.f32 $0.0e+00, v5  }
0x6f1: {  	v15 =	vld [tilespmem:s8+$0x17B0];
	v14 =	vpop (erf);
	v13 =	vsub.f32 $0.0e+00, v1  }
0x6f2: {  	v12 =	vld [tilespmem:s8+$0x1730];
	(erf) = vrcp.f32 v9;
	v4 =	vmul.f32 $1.442695020e+00, v4;
	v9 =	vpop (erf)  }
0x6f3: {  	v13 =	vmul.f32 $1.442695020e+00, v13;
	v9 =	vmul.f32 v9, v10;
	v10 =	vpop (erf)  }
0x6f4: {  	(erf) = vpow2.f32 v4;
	v4 =	vmul.f32 v10, v8  }
0x6f5: {  	v8 =	vunpack.i.l.bf16.f32 v3;
	v3 =	vunpack.i.u.bf16.f32 v3  }
0x6f6: {  	(erf) = vpow2.f32 v13;
	[tilespmem:s10+$0xD790] =	vst v4;
	v4 =	vadd.f32 v15, v3  }
0x6f7: {  	[tilespmem:s10+$0xD710] =	vst v9;
	v8 =	vadd.f32 v12, v8  }
0x6f8: {  	v9 =	vld [tilespmem:s24+$0xFFFFFFE0];
	v12 =	vsub.f32 $0.0e+00, v4  }
0x6f9: {  	v10 =	vld [tilespmem:s10+$0x1720];
	v3 =	vsub.f32 $0.0e+00, v8  }
0x6fa: {  	s21 =	simm.s32 $0x9940;
	v13 =	vld [tilespmem:s10+$0x17A0];
	v12 =	vmul.f32 $1.442695020e+00, v12  }
0x6fb: {  	s15 =	simm.s32 $0x400;
	v15 =	vld [tilespmem:s21+$0xFFFFFFC0];
	v3 =	vmul.f32 $1.442695020e+00, v3  }
0x6fc: {  	v16 =	vld [tilespmem:s15+$0x1700];
	v7 =	vmul.f32 v14, v7;
	v14 =	vpop (erf)  }
0x6fd: {  	v11 =	vmul.f32 v14, v11;
	(erf) = vpow2.f32 v3;
	v14 =	vunpack.i.l.bf16.f32 v9  }
0x6fe: {  	[tilespmem:s14+$0xD700] =	vst v7;
	v7 =	vunpack.i.u.bf16.f32 v9;
	(erf) = vpow2.f32 v12;
	v9 =	vadd.f32 v10, v14;
	v12 =	vpop (erf)  }
0x6ff: {  	[tilespmem:s14+$0xD780] =	vst v11;
	v7 =	vadd.f32 v13, v7;
	v10 =	vadd.f32 $1.000000000e+00, v12;
	v12 =	vpop (erf)  }
0x700: {  	v13 =	vld [tilespmem:s23+$0xFFFFFFD0];
	v14 =	vsub.f32 $0.0e+00, v9;
	v11 =	vadd.f32 $1.000000000e+00, v12;
	v12 =	vunpack.i.l.bf16.f32 v15  }
0x701: {  	(erf) = vrcp.f32 v10;
	v10 =	vadd.f32 v16, v12;
	v16 =	vsub.f32 $0.0e+00, v7;
	_ =	sdelay $0x1  }
0x702: {  	v12 =	vld [tilespmem:s14+$0x1710];
	v14 =	vmul.f32 $1.442695020e+00, v14;
	v17 =	vsub.f32 $0.0e+00, v10;
	v16 =	vmul.f32 $1.442695020e+00, v16  }
0x703: {  	(erf) = vrcp.f32 v11;
	v11 =	vld [tilespmem:s14+$0x1790]  }
0x704: {  	(erf) = vpow2.f32 v14;
	v14 =	vmul.f32 $1.442695020e+00, v17;
	v17 =	vunpack.i.l.bf16.f32 v13;
	_ =	sdelay $0x1  }
0x705: {  	v18 =	vld [tilespmem:s15+$0x1780];
	(erf) = vpow2.f32 v16;
	v16 =	vpop (erf)  }
0x706: {  	v13 =	vunpack.i.u.bf16.f32 v13;
	v12 =	vadd.f32 v12, v17;
	v17 =	vpop (erf)  }
0x707: {  	v11 =	vadd.f32 v11, v13;
	v13 =	vadd.f32 $1.000000000e+00, v17  }
0x708: {  	v16 =	vadd.f32 $1.000000000e+00, v16  }
0x709: {  	(erf) = vpow2.f32 v14;
	v14 =	vunpack.i.u.bf16.f32 v15  }
0x70a: {  	v15 =	vsub.f32 $0.0e+00, v12;
	v14 =	vadd.f32 v18, v14;
	(erf) = vrcp.f32 v16  }
0x70b: {  	v16 =	vsub.f32 $0.0e+00, v11;
	(erf) = vrcp.f32 v13;
	v13 =	vpop (erf)  }
0x70c: {  	v15 =	vmul.f32 $1.442695020e+00, v15;
	v17 =	vsub.f32 $0.0e+00, v14;
	v5 =	vmul.f32 v13, v5;
	v13 =	vpop (erf)  }
0x70d: {  	v16 =	vmul.f32 $1.442695020e+00, v16;
	v1 =	vmul.f32 v13, v1  }
0x70e: {  	(erf) = vpow2.f32 v15;
	v13 =	vpop (erf);
	[tilespmem:s4+$0xD740] =	vst v5;
	v5 =	vmul.f32 $1.442695020e+00, v17  }
0x70f: {  	(erf) = vpow2.f32 v16;
	[tilespmem:s4+$0xD7C0] =	vst v1;
	v1 =	vadd.f32 $1.000000000e+00, v13;
	v13 =	vpop (erf)  }
0x710: {  	(erf) = vpow2.f32 v5;
	v5 =	vadd.f32 $1.000000000e+00, v13;
	_ =	sdelay $0x1  }
0x711: {  	v15 =	vld [tilespmem:s1+$0x10]  }
0x712: {  	v16 =	vpop (erf);
	(erf) = vrcp.f32 v1  }
0x713: {  	v13 =	vld [tilespmem:s4+$0x1750];
	(erf) = vrcp.f32 v5;
	v5 =	vpop (erf)  }
0x714: {  	v1 =	vld [tilespmem:s4+$0x17D0];
	v5 =	vmul.f32 v5, v8;
	_ =	sdelay $0x1  }
0x715: {  	v8 =	vpop (erf);
	[tilespmem:s8+$0xD730] =	vst v5;
	v5 =	vunpack.i.u.bf16.f32 v15  }
0x716: {  	v4 =	vmul.f32 v8, v4;
	v8 =	vunpack.i.l.bf16.f32 v15  }
0x717: {  	v8 =	vadd.f32 v13, v8;
	v13 =	vadd.f32 $1.000000000e+00, v16;
	v15 =	vpop (erf)  }
0x718: {  	[tilespmem:s8+$0xD7B0] =	vst v4;
	v4 =	vadd.f32 v1, v5;
	v1 =	vadd.f32 $1.000000000e+00, v15;
	v5 =	vpop (erf)  }
0x719: {  	(erf) = vrcp.f32 v13;
	v5 =	vadd.f32 $1.000000000e+00, v5  }
0x71a: {  	v15 =	vld [tilespmem:s2+$0x0];
	(erf) = vrcp.f32 v1  }
0x71b: {  	v16 =	vsub.f32 $0.0e+00, v8;
	v13 =	vld [tilespmem:s8+$0x1740]  }
0x71c: {  	v17 =	vsub.f32 $0.0e+00, v4;
	v18 =	vpop (erf);
	v1 =	vld [tilespmem:s8+$0x17C0];
	(erf) = vrcp.f32 v5  }
0x71d: {  	v16 =	vmul.f32 $1.442695020e+00, v16;
	v5 =	vpop (erf)  }
0x71e: {  	v17 =	vmul.f32 $1.442695020e+00, v17;
	v5 =	vmul.f32 v5, v9;
	v9 =	vpop (erf)  }
0x71f: {  	v7 =	vmul.f32 v9, v7;
	v9 =	vunpack.i.l.bf16.f32 v15  }
0x720: {  	(erf) = vpow2.f32 v16;
	[tilespmem:s10+$0xD720] =	vst v5;
	v5 =	vunpack.i.u.bf16.f32 v15;
	v9 =	vadd.f32 v13, v9  }
0x721: {  	(erf) = vpow2.f32 v17;
	[tilespmem:s10+$0xD7A0] =	vst v7;
	v7 =	vadd.f32 v1, v5;
	v1 =	vadd.f32 $1.000000000e+00, v18  }
0x722: {  	v17 =	vpop (erf);
	v5 =	vld [tilespmem:s24+$0xFFFFFFF0]  }
0x723: {  	v13 =	vsub.f32 $0.0e+00, v9;
	v18 =	vpop (erf);
	v16 =	vsub.f32 $0.0e+00, v7;
	(erf) = vrcp.f32 v1;
	v1 =	vld [tilespmem:s10+$0x17B0]  }
0x724: {  	v15 =	vld [tilespmem:s10+$0x1730];
	v12 =	vmul.f32 v18, v12  }
0x725: {  	v13 =	vmul.f32 $1.442695020e+00, v13;
	v18 =	vpop (erf);
	v16 =	vmul.f32 $1.442695020e+00, v16  }
0x726: {  	v11 =	vmul.f32 v18, v11  }
0x727: {  	(erf) = vpow2.f32 v13;
	v13 =	vunpack.i.l.bf16.f32 v5;
	v5 =	vunpack.i.u.bf16.f32 v5  }
0x728: {  	(erf) = vpow2.f32 v16;
	[tilespmem:s14+$0xD790] =	vst v11;
	v11 =	vadd.f32 v1, v5  }
0x729: {  	[tilespmem:s14+$0xD710] =	vst v12;
	v12 =	vadd.f32 v15, v13;
	v16 =	vpop (erf)  }
0x72a: {  	v13 =	vadd.f32 $1.000000000e+00, v16;
	v15 =	vpop (erf);
	v16 =	vsub.f32 $0.0e+00, v11  }
0x72b: {  	v10 =	vmul.f32 v17, v10;
	v5 =	vld [tilespmem:s23+$0xFFFFFFE0];
	v1 =	vadd.f32 $1.000000000e+00, v15;
	v15 =	vsub.f32 $0.0e+00, v12  }
0x72c: {  	(erf) = vrcp.f32 v13;
	v13 =	vld [tilespmem:s14+$0x1720];
	v17 =	vpop (erf);
	v16 =	vmul.f32 $1.442695020e+00, v16  }
0x72d: {  	v18 =	vld [tilespmem:s14+$0x17A0];
	v15 =	vmul.f32 $1.442695020e+00, v15;
	v14 =	vmul.f32 v17, v14  }
0x72e: {  	s22 =	simm.s32 $0x99C0;
	(erf) = vrcp.f32 v1  }
0x72f: {  	s18 =	simm.s32 $0x500;
	v19 =	vld [tilespmem:s22+$0xFFFFFFC0];
	[tilespmem:s15+$0xD700] =	vst v10;
	(erf) = vpow2.f32 v15  }
0x730: {  	v10 =	vunpack.i.l.bf16.f32 v5;
	v15 =	vld [tilespmem:s18+$0x1700];
	[tilespmem:s15+$0xD780] =	vst v14;
	(erf) = vpow2.f32 v16;
	v16 =	vpop (erf)  }
0x731: {  	v5 =	vunpack.i.u.bf16.f32 v5;
	v10 =	vadd.f32 v13, v10;
	v13 =	vadd.f32 $1.000000000e+00, v16;
	v14 =	vpop (erf);
	v16 =	vld [tilespmem:s21+$0xFFFFFFD0]  }
0x732: {  	v17 =	vadd.f32 v18, v5;
	v5 =	vadd.f32 $1.000000000e+00, v14;
	v14 =	vld [tilespmem:s15+$0x1710]  }
0x733: {  	v18 =	vsub.f32 $0.0e+00, v10  }
0x734: {  	v20 =	vld [tilespmem:s15+$0x1790];
	v21 =	vsub.f32 $0.0e+00, v17;
	(erf) = vrcp.f32 v13;
	v13 =	vunpack.i.l.bf16.f32 v19  }
0x735: {  	(erf) = vrcp.f32 v5;
	v5 =	vadd.f32 v15, v13;
	v22 =	vpop (erf);
	v13 =	vmul.f32 $1.442695020e+00, v18  }
0x736: {  	v8 =	vmul.f32 v22, v8;
	v22 =	vunpack.i.l.bf16.f32 v16  }
0x737: {  	v21 =	vmul.f32 $1.442695020e+00, v21;
	v18 =	vld [tilespmem:s18+$0x1780];
	v15 =	vpop (erf);
	(erf) = vpow2.f32 v13;
	v13 =	vadd.f32 v14, v22  }
0x738: {  	v4 =	vmul.f32 v15, v4;
	v15 =	vsub.f32 $0.0e+00, v5;
	[tilespmem:s4+$0xD750] =	vst v8;
	v8 =	vunpack.i.u.bf16.f32 v16  }
0x739: {  	v8 =	vadd.f32 v20, v8;
	v20 =	vsub.f32 $0.0e+00, v13  }
0x73a: {  	(erf) = vpow2.f32 v21;
	v14 =	vpop (erf);
	[tilespmem:s4+$0xD7D0] =	vst v4;
	v4 =	vmul.f32 $1.442695020e+00, v15  }
0x73b: {  	v16 =	vunpack.i.u.bf16.f32 v19;
	v14 =	vadd.f32 $1.000000000e+00, v14;
	v15 =	vld [tilespmem:s1+$0x20]  }
0x73c: {  	v21 =	vld [tilespmem:s4+$0x1760];
	v19 =	vpop (erf);
	v16 =	vadd.f32 v18, v16;
	(erf) = vpow2.f32 v4  }
0x73d: {  	v18 =	vld [tilespmem:s4+$0x17E0];
	v4 =	vadd.f32 $1.000000000e+00, v19;
	(erf) = vrcp.f32 v14;
	v14 =	vmul.f32 $1.442695020e+00, v20;
	v20 =	vpop (erf)  }
0x73e: {  	v19 =	vsub.f32 $0.0e+00, v8;
	v9 =	vmul.f32 v20, v9  }
0x73f: {  	(erf) = vrcp.f32 v4;
	v4 =	vsub.f32 $0.0e+00, v16;
	v20 =	vpop (erf)  }
0x740: {  	v19 =	vmul.f32 $1.442695020e+00, v19;
	v7 =	vmul.f32 v20, v7;
	v20 =	vunpack.i.l.bf16.f32 v15  }
0x741: {  	(erf) = vpow2.f32 v14;
	v14 =	vunpack.i.u.bf16.f32 v15;
	v15 =	vadd.f32 v21, v20  }
0x742: {  	v4 =	vmul.f32 $1.442695020e+00, v4;
	[tilespmem:s8+$0xD740] =	vst v9;
	v14 =	vadd.f32 v18, v14;
	v9 =	vpop (erf)  }
0x743: {  	(erf) = vpow2.f32 v19;
	[tilespmem:s8+$0xD7C0] =	vst v7;
	v18 =	vsub.f32 $0.0e+00, v15;
	v7 =	vadd.f32 $1.000000000e+00, v9;
	v9 =	vpop (erf)  }
0x744: {  	(erf) = vpow2.f32 v4;
	v4 =	vadd.f32 $1.000000000e+00, v9  }
0x745: {  	(erf) = vrcp.f32 v7;
	v7 =	vmul.f32 $1.442695020e+00, v18;
	_ =	sdelay $0x1  }
0x746: {  	v19 =	vld [tilespmem:s2+$0x10];
	v18 =	vpop (erf)  }
0x747: {  	v9 =	vld [tilespmem:s8+$0x1750];
	(erf) = vrcp.f32 v4;
	v4 =	vpop (erf)  }
0x748: {  	v21 =	vld [tilespmem:s8+$0x17D0];
	(erf) = vpow2.f32 v7;
	v7 =	vpop (erf)  }
0x749: {  	v7 =	vmul.f32 v7, v11  }
0x74a: {  	v20 =	vsub.f32 $0.0e+00, v14;
	v4 =	vmul.f32 v4, v12  }
0x74b: {  	v11 =	vunpack.i.l.bf16.f32 v19  }
0x74c: {  	v20 =	vmul.f32 $1.442695020e+00, v20;
	v12 =	vpop (erf);
	[tilespmem:s10+$0xD730] =	vst v4;
	v4 =	vunpack.i.u.bf16.f32 v19;
	v9 =	vadd.f32 v9, v11  }
0x74d: {  	v11 =	vadd.f32 $1.000000000e+00, v18;
	[tilespmem:s10+$0xD7B0] =	vst v7;
	v18 =	vadd.f32 v21, v4;
	v7 =	vpop (erf)  }
0x74e: {  	(erf) = vpow2.f32 v20;
	v4 =	vadd.f32 $1.000000000e+00, v12;
	v12 =	vld [tilespmem:s24+$0x0];
	v7 =	vadd.f32 $1.000000000e+00, v7  }
0x74f: {  	v19 =	vsub.f32 $0.0e+00, v9;
	(erf) = vrcp.f32 v11;
	v11 =	vld [tilespmem:s10+$0x1740]  }
0x750: {  	v20 =	vsub.f32 $0.0e+00, v18  }
0x751: {  	v21 =	vpop (erf);
	(erf) = vrcp.f32 v4;
	v19 =	vmul.f32 $1.442695020e+00, v19  }
0x752: {  	v4 =	vld [tilespmem:s10+$0x17C0];
	v20 =	vmul.f32 $1.442695020e+00, v20;
	(erf) = vrcp.f32 v7;
	v7 =	vpop (erf)  }
0x753: {  	(erf) = vpow2.f32 v19;
	v19 =	vunpack.i.l.bf16.f32 v12;
	v7 =	vmul.f32 v7, v10;
	v10 =	vpop (erf)  }
0x754: {  	v11 =	vadd.f32 v11, v19;
	v10 =	vmul.f32 v10, v17  }
0x755: {  	v3 =	vld [tilespmem:s14+$0x1770];
	(erf) = vpow2.f32 v20;
	[tilespmem:s14+$0xD720] =	vst v7  }
0x756: {  	v21 =	vadd.f32 $1.000000000e+00, v21;
	v17 =	vpop (erf);
	v7 =	vunpack.i.u.bf16.f32 v12;
	[tilespmem:s14+$0xD7A0] =	vst v10;
	v10 =	vsub.f32 $0.0e+00, v11  }
0x757: {  	v17 =	vadd.f32 $1.000000000e+00, v17;
	v12 =	vpop (erf);
	v19 =	vadd.f32 v4, v7  }
0x758: {  	(erf) = vrcp.f32 v21;
	v4 =	vadd.f32 $1.000000000e+00, v12;
	v7 =	vld [tilespmem:s23+$0xFFFFFFF0]  }
0x759: {  	v21 =	vld [tilespmem:s14+$0x17B0];
	v20 =	vpop (erf);
	(erf) = vrcp.f32 v17;
	v17 =	vsub.f32 $0.0e+00, v19  }
0x75a: {  	v12 =	vld [tilespmem:s14+$0x1730];
	(erf) = vrcp.f32 v4;
	v4 =	vmul.f32 $1.442695020e+00, v10;
	v10 =	vpop (erf)  }
0x75b: {  	s0 =	simm.s32 $0x9A40;
	v17 =	vmul.f32 $1.442695020e+00, v17;
	v10 =	vmul.f32 v10, v13;
	v13 =	vpop (erf)  }
0x75c: {  	s19 =	simm.s32 $0x600;
	v22 =	vld [tilespmem:s0+$0xFFFFFFC0];
	(erf) = vpow2.f32 v4;
	v8 =	vmul.f32 v13, v8  }
0x75d: {  	v4 =	vunpack.i.l.bf16.f32 v7;
	(erf) = vpow2.f32 v17;
	v13 =	vpop (erf);
	v17 =	vld [tilespmem:s19+$0x1700];
	v7 =	vunpack.i.u.bf16.f32 v7  }
0x75e: {  	[tilespmem:s15+$0xD710] =	vst v10;
	v10 =	vadd.f32 $1.000000000e+00, v13;
	v13 =	vpop (erf);
	v21 =	vadd.f32 v21, v7  }
0x75f: {  	v12 =	vadd.f32 v12, v4;
	v7 =	vadd.f32 $1.000000000e+00, v13  }
0x760: {  	v5 =	vmul.f32 v20, v5;
	[tilespmem:s15+$0xD790] =	vst v8;
	(erf) = vrcp.f32 v10;
	v24 =	vsub.f32 $0.0e+00, v21  }
0x761: {  	v13 =	vld [tilespmem:s21+$0xFFFFFFE0];
	v20 =	vsub.f32 $0.0e+00, v12;
	v8 =	vpop (erf);
	(erf) = vrcp.f32 v7;
	v7 =	vunpack.i.l.bf16.f32 v22  }
0x762: {  	v23 =	vld [tilespmem:s15+$0x1720];
	v10 =	vpop (erf);
	v7 =	vadd.f32 v17, v7;
	v17 =	vmul.f32 $1.442695020e+00, v24  }
0x763: {  	[tilespmem:s18+$0xD700] =	vst v5;
	v5 =	vld [tilespmem:s15+$0x17A0];
	v10 =	vmul.f32 v10, v15;
	v15 =	vmul.f32 $1.442695020e+00, v20  }
0x764: {  	v8 =	vmul.f32 v8, v16;
	v16 =	vpop (erf)  }
0x765: {  	v14 =	vmul.f32 v16, v14;
	(erf) = vpow2.f32 v15  }
0x766: {  	[tilespmem:s18+$0xD780] =	vst v8;
	v16 =	vunpack.i.l.bf16.f32 v13;
	(erf) = vpow2.f32 v17;
	v17 =	vpop (erf)  }
0x767: {  	v8 =	vld [tilespmem:s4+$0x17F0];
	v13 =	vunpack.i.u.bf16.f32 v13;
	[tilespmem:s4+$0xD7E0] =	vst v14;
	v14 =	vadd.f32 v23, v16;
	v16 =	vadd.f32 $1.000000000e+00, v17;
	v17 =	vpop (erf)  }
0x768: {  	[tilespmem:s4+$0xD760] =	vst v10;
	v15 =	vld [tilespmem:s22+$0xFFFFFFD0];
	v5 =	vadd.f32 v5, v13;
	v13 =	vadd.f32 $1.000000000e+00, v17  }
0x769: {  	v20 =	vld [tilespmem:s1+$0x30]  }
0x76a: {  	v10 =	vsub.f32 $0.0e+00, v7;
	v23 =	vld [tilespmem:s18+$0x1710]  }
0x76b: {  	v17 =	vld [tilespmem:s18+$0x1790];
	v24 =	vsub.f32 $0.0e+00, v14;
	(erf) = vrcp.f32 v16  }
0x76c: {  	v10 =	vmul.f32 $1.442695020e+00, v10;
	v16 =	vsub.f32 $0.0e+00, v5;
	(erf) = vrcp.f32 v13;
	v13 =	vpop (erf)  }
0x76d: {  	v24 =	vmul.f32 $1.442695020e+00, v24;
	v9 =	vmul.f32 v13, v9;
	v13 =	vpop (erf)  }
0x76e: {  	v26 =	vld [tilespmem:s19+$0x1780];
	v16 =	vmul.f32 $1.442695020e+00, v16;
	v13 =	vmul.f32 v13, v18;
	v18 =	vunpack.i.u.bf16.f32 v20  }
0x76f: {  	v25 =	vunpack.i.u.bf16.f32 v15;
	v15 =	vunpack.i.l.bf16.f32 v15;
	v8 =	vadd.f32 v8, v18  }
0x770: {  	v15 =	vadd.f32 v23, v15;
	(erf) = vpow2.f32 v24;
	v17 =	vadd.f32 v17, v25;
	[tilespmem:s8+$0xD750] =	vst v9  }
0x771: {  	(erf) = vpow2.f32 v16;
	[tilespmem:s8+$0xD7D0] =	vst v13;
	v13 =	vunpack.i.u.bf16.f32 v22;
	v9 =	vpop (erf);
	v22 =	vsub.f32 $0.0e+00, v8  }
0x772: {  	v23 =	vsub.f32 $0.0e+00, v15;
	(erf) = vpow2.f32 v10;
	v9 =	vadd.f32 $1.000000000e+00, v9;
	v16 =	vpop (erf)  }
0x773: {  	v10 =	vadd.f32 v26, v13;
	v16 =	vadd.f32 $1.000000000e+00, v16;
	v13 =	vmul.f32 $1.442695020e+00, v22  }
0x774: {  	v18 =	vld [tilespmem:s2+$0x20];
	v22 =	vmul.f32 $1.442695020e+00, v23;
	v23 =	vsub.f32 $0.0e+00, v17;
	(erf) = vrcp.f32 v9  }
0x775: {  	v24 =	vld [tilespmem:s8+$0x1760];
	(erf) = vrcp.f32 v16  }
0x776: {  	v9 =	vld [tilespmem:s8+$0x17E0];
	(erf) = vpow2.f32 v13;
	v13 =	vmul.f32 $1.442695020e+00, v23  }
0x777: {  	v16 =	vpop (erf)  }
0x778: {  	v25 =	vsub.f32 $0.0e+00, v10;
	(erf) = vpow2.f32 v22;
	v11 =	vmul.f32 v16, v11;
	v16 =	vpop (erf)  }
0x779: {  	(erf) = vpow2.f32 v13;
	v16 =	vmul.f32 v16, v19;
	v19 =	vunpack.i.l.bf16.f32 v18  }
0x77a: {  	v18 =	vunpack.i.u.bf16.f32 v18;
	v19 =	vadd.f32 v24, v19;
	[tilespmem:s10+$0xD740] =	vst v11;
	v11 =	vmul.f32 $1.442695020e+00, v25;
	v13 =	vpop (erf)  }
0x77b: {  	v18 =	vadd.f32 v9, v18;
	v9 =	vadd.f32 $1.000000000e+00, v13;
	v13 =	vpop (erf)  }
0x77c: {  	[tilespmem:s10+$0xD7C0] =	vst v16;
	(erf) = vpow2.f32 v11;
	v11 =	vadd.f32 $1.000000000e+00, v13  }
0x77d: {  	v16 =	vsub.f32 $0.0e+00, v19;
	v22 =	vld [tilespmem:s24+$0x10]  }
0x77e: {  	v13 =	vld [tilespmem:s10+$0x1750]  }
0x77f: {  	v23 =	vsub.f32 $0.0e+00, v18;
	v24 =	vpop (erf);
	(erf) = vrcp.f32 v9;
	v9 =	vmul.f32 $1.442695020e+00, v16;
	v16 =	vld [tilespmem:s10+$0x17D0]  }
0x780: {  	(erf) = vrcp.f32 v11;
	v11 =	vpop (erf)  }
0x781: {  	v23 =	vmul.f32 $1.442695020e+00, v23;
	v25 =	vpop (erf);
	v11 =	vmul.f32 v11, v12  }
0x782: {  	(erf) = vpow2.f32 v9;
	v9 =	vunpack.i.l.bf16.f32 v20;
	v12 =	vmul.f32 v25, v21;
	v20 =	vpop (erf)  }
0x783: {  	v21 =	vunpack.i.l.bf16.f32 v22;
	v20 =	vadd.f32 $1.000000000e+00, v20;
	[tilespmem:s14+$0xD730] =	vst v11;
	v11 =	vunpack.i.u.bf16.f32 v22;
	v22 =	vpop (erf)  }
0x784: {  	v13 =	vadd.f32 v13, v21;
	v11 =	vadd.f32 v16, v11;
	v16 =	vpop (erf)  }
0x785: {  	(erf) = vpow2.f32 v23;
	v21 =	vadd.f32 $1.000000000e+00, v24;
	[tilespmem:s14+$0xD7B0] =	vst v12;
	v16 =	vadd.f32 $1.000000000e+00, v16  }
0x786: {  	v12 =	vadd.f32 $1.000000000e+00, v22;
	(erf) = vrcp.f32 v20;
	v20 =	vld [tilespmem:s23+$0x0];
	v22 =	vsub.f32 $0.0e+00, v13  }
0x787: {  	v0 =	vadd.f32 v0, v9;
	v9 =	vld [tilespmem:s14+$0x1740];
	(erf) = vrcp.f32 v21;
	v21 =	vsub.f32 $0.0e+00, v11  }
0x788: {  	v23 =	vpop (erf);
	(erf) = vrcp.f32 v12;
	v22 =	vmul.f32 $1.442695020e+00, v22  }
0x789: {  	(erf) = vrcp.f32 v16;
	v21 =	vmul.f32 $1.442695020e+00, v21;
	v16 =	vpop (erf)  }
0x78a: {  	v23 =	vadd.f32 $1.000000000e+00, v23;
	v12 =	vld [tilespmem:s14+$0x17C0];
	(erf) = vpow2.f32 v22;
	v14 =	vmul.f32 v16, v14;
	v16 =	vpop (erf)  }
0x78b: {  	v22 =	vunpack.i.l.bf16.f32 v20;
	(erf) = vpow2.f32 v21;
	v5 =	vmul.f32 v16, v5;
	v16 =	vpop (erf)  }
0x78c: {  	v1 =	vld [tilespmem:s15+$0x1770];
	v16 =	vadd.f32 $1.000000000e+00, v16;
	[tilespmem:s15+$0xD720] =	vst v14;
	v14 =	vunpack.i.u.bf16.f32 v20;
	v20 =	vadd.f32 v9, v22  }
0x78d: {  	v24 =	vsub.f32 $0.0e+00, v0;
	(erf) = vrcp.f32 v23  }
0x78e: {  	v9 =	vpop (erf);
	[tilespmem:s15+$0xD7A0] =	vst v5;
	(erf) = vrcp.f32 v16;
	v16 =	vsub.f32 $0.0e+00, v20  }
0x78f: {  	v14 =	vadd.f32 v12, v14;
	v5 =	vadd.f32 $1.000000000e+00, v9;
	v12 =	vld [tilespmem:s21+$0xFFFFFFF0]  }
0x790: {  	v21 =	vmul.f32 $1.442695020e+00, v24;
	v22 =	vld [tilespmem:s15+$0x1730];
	v9 =	vpop (erf)  }
0x791: {  	v25 =	vld [tilespmem:s15+$0x17B0];
	v23 =	vsub.f32 $0.0e+00, v14;
	(erf) = vrcp.f32 v5;
	v24 =	vpop (erf)  }
0x792: {  	v5 =	vmul.f32 $1.442695020e+00, v16;
	(erf) = vpow2.f32 v21;
	v16 =	vpop (erf)  }
0x793: {  	v23 =	vmul.f32 $1.442695020e+00, v23;
	v15 =	vmul.f32 v16, v15;
	v16 =	vpop (erf)  }
0x794: {  	s1 =	simm.s32 $0x9AC0;
	(erf) = vpow2.f32 v5;
	v5 =	vunpack.i.l.bf16.f32 v12;
	v16 =	vmul.f32 v16, v17;
	v17 =	vpop (erf)  }
0x795: {  	s12 =	simm.s32 $0x700;
	v21 =	vld [tilespmem:s1+$0xFFFFFFC0];
	v12 =	vunpack.i.u.bf16.f32 v12;
	[tilespmem:s18+$0xD710] =	vst v15;
	v15 =	vadd.f32 v22, v5;
	v17 =	vadd.f32 $1.000000000e+00, v17  }
0x796: {  	(erf) = vpow2.f32 v23;
	v23 =	vld [tilespmem:s12+$0x1700];
	v22 =	vpop (erf);
	[tilespmem:s18+$0xD790] =	vst v16;
	v16 =	vadd.f32 v25, v12  }
0x797: {  	v7 =	vmul.f32 v24, v7;
	v12 =	vadd.f32 $1.000000000e+00, v22;
	v25 =	vsub.f32 $0.0e+00, v15  }
0x798: {  	v22 =	vpop (erf);
	v24 =	vld [tilespmem:s22+$0xFFFFFFE0];
	(erf) = vrcp.f32 v17  }
0x799: {  	[tilespmem:s19+$0xD700] =	vst v7;
	v27 =	vsub.f32 $0.0e+00, v16;
	(erf) = vrcp.f32 v12;
	v17 =	vpop (erf);
	v7 =	vmul.f32 $1.442695020e+00, v25  }
0x79a: {  	v12 =	vmul.f32 v17, v19;
	v17 =	vmul.f32 v22, v10;
	v10 =	vunpack.i.l.bf16.f32 v21  }
0x79b: {  	v26 =	vld [tilespmem:s18+$0x1720];
	v10 =	vadd.f32 v23, v10;
	v23 =	vmul.f32 $1.442695020e+00, v27  }
0x79c: {  	v19 =	vld [tilespmem:s18+$0x17A0]  }
0x79d: {  	v22 =	vpop (erf);
	v25 =	vunpack.i.l.bf16.f32 v24  }
0x79e: {  	v18 =	vmul.f32 v22, v18;
	(erf) = vpow2.f32 v7;
	v7 =	vpop (erf)  }
0x79f: {  	[tilespmem:s19+$0xD780] =	vst v17;
	(erf) = vpow2.f32 v23;
	v23 =	vpop (erf)  }
0x7a0: {  	v27 =	vld [tilespmem:s19+$0x1710];
	[tilespmem:s8+$0xD7E0] =	vst v18;
	v18 =	vunpack.i.u.bf16.f32 v24;
	v24 =	vadd.f32 v26, v25;
	v25 =	vpop (erf)  }
0x7a1: {  	[tilespmem:s8+$0xD760] =	vst v12;
	v22 =	vld [tilespmem:s0+$0xFFFFFFD0];
	v18 =	vadd.f32 v19, v18;
	v19 =	vadd.f32 $1.000000000e+00, v25  }
0x7a2: {  	v17 =	vsub.f32 $0.0e+00, v10;
	v26 =	vld [tilespmem:s2+$0x30];
	v23 =	vadd.f32 $1.000000000e+00, v23  }
0x7a3: {  	v12 =	vld [tilespmem:s8+$0x17F0];
	v28 =	vsub.f32 $0.0e+00, v24  }
0x7a4: {  	v17 =	vmul.f32 $1.442695020e+00, v17;
	v25 =	vld [tilespmem:s19+$0x1790];
	(erf) = vrcp.f32 v23  }
0x7a5: {  	v28 =	vmul.f32 $1.442695020e+00, v28;
	v23 =	vsub.f32 $0.0e+00, v18;
	(erf) = vrcp.f32 v19;
	v19 =	vpop (erf)  }
0x7a6: {  	v29 =	vunpack.i.u.bf16.f32 v22;
	v22 =	vunpack.i.l.bf16.f32 v22;
	v13 =	vmul.f32 v19, v13;
	v19 =	vpop (erf)  }
0x7a7: {  	v23 =	vmul.f32 $1.442695020e+00, v23;
	v11 =	vmul.f32 v19, v11;
	v19 =	vunpack.i.u.bf16.f32 v26  }
0x7a8: {  	(erf) = vpow2.f32 v28;
	[tilespmem:s10+$0xD750] =	vst v13;
	v13 =	vadd.f32 v12, v19;
	v19 =	vadd.f32 v27, v22;
	v12 =	vpop (erf)  }
0x7a9: {  	v22 =	vadd.f32 v25, v29;
	[tilespmem:s10+$0xD7D0] =	vst v11;
	v11 =	vunpack.i.u.bf16.f32 v21;
	v21 =	vadd.f32 $1.000000000e+00, v12;
	v12 =	vpop (erf)  }
0x7aa: {  	(erf) = vpow2.f32 v23;
	v25 =	vsub.f32 $0.0e+00, v13;
	v27 =	vadd.f32 $1.000000000e+00, v12  }
0x7ab: {  	(erf) = vpow2.f32 v17  }
0x7ac: {  	v30 =	vld [tilespmem:s12+$0x1780];
	(erf) = vrcp.f32 v21;
	v21 =	vmul.f32 $1.442695020e+00, v25  }
0x7ad: {  	v25 =	vsub.f32 $0.0e+00, v22;
	(erf) = vrcp.f32 v27  }
0x7ae: {  	v17 =	vsub.f32 $0.0e+00, v19;
	v27 =	vpop (erf);
	(erf) = vpow2.f32 v21  }
0x7af: {  	v23 =	vld [tilespmem:s24+$0x20];
	v21 =	vmul.f32 $1.442695020e+00, v25;
	v20 =	vmul.f32 v27, v20;
	v27 =	vpop (erf)  }
0x7b0: {  	v28 =	vld [tilespmem:s10+$0x1760];
	v17 =	vmul.f32 $1.442695020e+00, v17;
	v14 =	vmul.f32 v27, v14  }
0x7b1: {  	v12 =	vadd.f32 v30, v11;
	v11 =	vld [tilespmem:s10+$0x17E0]  }
0x7b2: {  	(erf) = vpow2.f32 v17  }
0x7b3: {  	v29 =	vsub.f32 $0.0e+00, v12;
	(erf) = vpow2.f32 v21;
	v21 =	vpop (erf)  }
0x7b4: {  	v25 =	vunpack.i.l.bf16.f32 v23;
	v17 =	vunpack.i.u.bf16.f32 v23;
	[tilespmem:s14+$0xD7C0] =	vst v14;
	v14 =	vpop (erf)  }
0x7b5: {  	v23 =	vadd.f32 v28, v25;
	[tilespmem:s14+$0xD740] =	vst v20;
	v20 =	vmul.f32 $1.442695020e+00, v29;
	v14 =	vadd.f32 $1.000000000e+00, v14  }
0x7b6: {  	v17 =	vadd.f32 v11, v17;
	v11 =	vadd.f32 $1.000000000e+00, v21  }
0x7b7: {  	v21 =	vsub.f32 $0.0e+00, v23;
	v25 =	vld [tilespmem:s23+$0x10];
	(erf) = vpow2.f32 v20  }
0x7b8: {  	v20 =	vsub.f32 $0.0e+00, v17;
	v28 =	vpop (erf);
	(erf) = vrcp.f32 v11  }
0x7b9: {  	v11 =	vmul.f32 $1.442695020e+00, v21;
	v21 =	vld [tilespmem:s14+$0x17D0];
	(erf) = vrcp.f32 v14;
	v14 =	vpop (erf)  }
0x7ba: {  	v27 =	vld [tilespmem:s14+$0x1750];
	v20 =	vmul.f32 $1.442695020e+00, v20;
	v14 =	vmul.f32 v14, v15;
	v15 =	vpop (erf)  }
0x7bb: {  	(erf) = vpow2.f32 v11;
	v11 =	vmul.f32 v15, v16;
	v15 =	vpop (erf)  }
0x7bc: {  	v16 =	vunpack.i.l.bf16.f32 v25;
	[tilespmem:s15+$0xD730] =	vst v14;
	v14 =	vadd.f32 $1.000000000e+00, v15  }
0x7bd: {  	(erf) = vpow2.f32 v20;
	v20 =	vadd.f32 $1.000000000e+00, v28;
	v15 =	vunpack.i.u.bf16.f32 v25;
	v25 =	vpop (erf)  }
0x7be: {  	v15 =	vadd.f32 v21, v15;
	v21 =	vpop (erf);
	(erf) = vrcp.f32 v14  }
0x7bf: {  	v16 =	vadd.f32 v27, v16;
	[tilespmem:s15+$0xD7B0] =	vst v11;
	(erf) = vrcp.f32 v20;
	v20 =	vadd.f32 $1.000000000e+00, v21  }
0x7c0: {  	v11 =	vadd.f32 $1.000000000e+00, v25;
	v25 =	vld [tilespmem:s21+$0x0]  }
0x7c1: {  	v14 =	vsub.f32 $0.0e+00, v16;
	v21 =	vld [tilespmem:s15+$0x1740]  }
0x7c2: {  	v26 =	vunpack.i.l.bf16.f32 v26;
	v28 =	vpop (erf);
	(erf) = vrcp.f32 v11;
	v11 =	vld [tilespmem:s15+$0x17C0]  }
0x7c3: {  	v27 =	vsub.f32 $0.0e+00, v15;
	v14 =	vmul.f32 $1.442695020e+00, v14;
	(erf) = vrcp.f32 v20;
	v20 =	vpop (erf)  }
0x7c4: {  	v6 =	vadd.f32 v6, v26;
	v20 =	vmul.f32 v20, v24  }
0x7c5: {  	v26 =	vmul.f32 $1.442695020e+00, v27;
	v27 =	vadd.f32 $1.000000000e+00, v28;
	(erf) = vpow2.f32 v14;
	v24 =	vpop (erf)  }
0x7c6: {  	v4 =	vld [tilespmem:s18+$0x1770];
	v14 =	vmul.f32 v24, v18;
	v18 =	vunpack.i.l.bf16.f32 v25;
	v24 =	vpop (erf);
	[tilespmem:s18+$0xD720] =	vst v20;
	v20 =	vunpack.i.u.bf16.f32 v25  }
0x7c7: {  	v18 =	vadd.f32 v21, v18;
	v21 =	vpop (erf);
	v25 =	vadd.f32 v11, v20  }
0x7c8: {  	(erf) = vpow2.f32 v26;
	[tilespmem:s18+$0xD7A0] =	vst v14;
	v11 =	vsub.f32 $0.0e+00, v6;
	v14 =	vadd.f32 $1.000000000e+00, v21  }
0x7c9: {  	(erf) = vrcp.f32 v27;
	v24 =	vadd.f32 $1.000000000e+00, v24  }
0x7ca: {  	v20 =	vld [tilespmem:s22+$0xFFFFFFF0];
	v21 =	vsub.f32 $0.0e+00, v18;
	v11 =	vmul.f32 $1.442695020e+00, v11  }
0x7cb: {  	v27 =	vpop (erf);
	(erf) = vrcp.f32 v24;
	v24 =	vld [tilespmem:s18+$0x1730];
	v26 =	vsub.f32 $0.0e+00, v25  }
0x7cc: {  	v28 =	vld [tilespmem:s18+$0x17B0];
	(erf) = vrcp.f32 v14;
	v21 =	vmul.f32 $1.442695020e+00, v21;
	v14 =	vpop (erf)  }
0x7cd: {  	v26 =	vmul.f32 $1.442695020e+00, v26;
	v29 =	vpop (erf)  }
0x7ce: {  	v30 =	vadd.f32 $1.000000000e+00, v7;
	(erf) = vpow2.f32 v11;
	v7 =	vmul.f32 v29, v19;
	v11 =	vpop (erf)  }
0x7cf: {  	s17 =	simm.s32 $0x9B40;
	(erf) = vpow2.f32 v21;
	v19 =	vmul.f32 v11, v22;
	v11 =	vunpack.i.l.bf16.f32 v20  }
0x7d0: {  	s2 =	simm.s32 $0x800;
	v29 =	vld [tilespmem:s17+$0xFFFFFFC0];
	(erf) = vpow2.f32 v26;
	v21 =	vpop (erf);
	v20 =	vunpack.i.u.bf16.f32 v20;
	[tilespmem:s19+$0xD710] =	vst v7;
	v11 =	vadd.f32 v24, v11  }
0x7d1: {  	v10 =	vmul.f32 v14, v10;
	v22 =	vld [tilespmem:s2+$0x1700];
	v21 =	vadd.f32 $1.000000000e+00, v21;
	v24 =	vpop (erf);
	[tilespmem:s19+$0xD790] =	vst v19;
	v19 =	vadd.f32 v28, v20  }
0x7d2: {  	(erf) = vrcp.f32 v30;
	v20 =	vadd.f32 $1.000000000e+00, v24;
	v14 =	vpop (erf);
	v24 =	vld [tilespmem:s0+$0xFFFFFFE0];
	v26 =	vsub.f32 $0.0e+00, v11  }
0x7d3: {  	(erf) = vrcp.f32 v21;
	v21 =	vld [tilespmem:s19+$0x1720];
	v14 =	vmul.f32 v14, v12  }
0x7d4: {  	v30 =	vpop (erf);
	v28 =	vsub.f32 $0.0e+00, v19;
	(erf) = vrcp.f32 v20  }
0x7d5: {  	v31 =	vld [tilespmem:s19+$0x17A0];
	[tilespmem:s12+$0xD700] =	vst v10;
	v20 =	vunpack.i.l.bf16.f32 v29;
	v23 =	vmul.f32 v30, v23;
	v10 =	vmul.f32 $1.442695020e+00, v26  }
0x7d6: {  	v12 =	vadd.f32 v22, v20;
	[tilespmem:s12+$0xD780] =	vst v14;
	v20 =	vmul.f32 $1.442695020e+00, v28;
	v26 =	vpop (erf)  }
0x7d7: {  	[tilespmem:s10+$0xD760] =	vst v23;
	(erf) = vpow2.f32 v10;
	v17 =	vmul.f32 v26, v17;
	v14 =	vpop (erf);
	v23 =	vunpack.i.l.bf16.f32 v24  }
0x7d8: {  	(erf) = vpow2.f32 v20;
	v28 =	vpop (erf);
	v20 =	vadd.f32 v21, v23  }
0x7d9: {  	v10 =	vld [tilespmem:s10+$0x17F0];
	v23 =	vmul.f32 v9, v8;
	[tilespmem:s10+$0xD7E0] =	vst v17;
	v17 =	vunpack.i.u.bf16.f32 v24;
	v8 =	vadd.f32 $1.000000000e+00, v28;
	v9 =	vpop (erf)  }
0x7da: {  	v26 =	vld [tilespmem:s1+$0xFFFFFFD0];
	v21 =	vadd.f32 v31, v17;
	v9 =	vadd.f32 $1.000000000e+00, v9  }
0x7db: {  	v27 =	vmul.f32 v27, v13;
	v24 =	vld [tilespmem:s24+$0x30];
	v13 =	vsub.f32 $0.0e+00, v20  }
0x7dc: {  	v17 =	vld [tilespmem:s12+$0x1710];
	v30 =	vsub.f32 $0.0e+00, v21  }
0x7dd: {  	v28 =	vld [tilespmem:s12+$0x1790];
	(erf) = vrcp.f32 v8;
	v31 =	vmul.f32 $1.442695020e+00, v13;
	v8 =	vpop (erf)  }
0x7de: {  	v22 =	vsub.f32 $0.0e+00, v12;
	(erf) = vrcp.f32 v9;
	v9 =	vpop (erf);
	v30 =	vmul.f32 $1.442695020e+00, v30  }
0x7df: {  	v13 =	vadd.f32 $1.000000000e+00, v14;
	(erf) = vpow2.f32 v31;
	v9 =	vmul.f32 v9, v16;
	v14 =	vpop (erf)  }
0x7e0: {  	v16 =	vunpack.i.l.bf16.f32 v26;
	v14 =	vmul.f32 v14, v15;
	v15 =	vunpack.i.u.bf16.f32 v24  }
0x7e1: {  	v31 =	vunpack.i.u.bf16.f32 v26;
	v16 =	vadd.f32 v17, v16;
	[tilespmem:s14+$0xD750] =	vst v9;
	v9 =	vadd.f32 v10, v15;
	v10 =	vpop (erf)  }
0x7e2: {  	v32 =	vld [tilespmem:s2+$0x1780];
	v22 =	vmul.f32 $1.442695020e+00, v22;
	v15 =	vadd.f32 v28, v31;
	v10 =	vadd.f32 $1.000000000e+00, v10;
	v17 =	vpop (erf)  }
0x7e3: {  	(erf) = vpow2.f32 v30;
	[tilespmem:s14+$0xD7D0] =	vst v14;
	v28 =	vsub.f32 $0.0e+00, v9;
	v17 =	vadd.f32 $1.000000000e+00, v17  }
0x7e4: {  	(erf) = vpow2.f32 v22;
	v14 =	vunpack.i.u.bf16.f32 v29;
	v26 =	vld [tilespmem:s23+$0x20]  }
0x7e5: {  	v22 =	vsub.f32 $0.0e+00, v16;
	v29 =	vld [tilespmem:s14+$0x1760];
	(erf) = vrcp.f32 v10;
	v10 =	vmul.f32 $1.442695020e+00, v28  }
0x7e6: {  	v30 =	vld [tilespmem:s14+$0x17E0];
	v28 =	vsub.f32 $0.0e+00, v15;
	(erf) = vrcp.f32 v17  }
0x7e7: {  	v14 =	vadd.f32 v32, v14;
	v22 =	vmul.f32 $1.442695020e+00, v22;
	v17 =	vpop (erf);
	(erf) = vpow2.f32 v10  }
0x7e8: {  	[tilespmem:s4+$0xD7F0] =	vst v23;
	v23 =	vunpack.i.l.bf16.f32 v24;
	v28 =	vmul.f32 $1.442695020e+00, v28;
	v17 =	vmul.f32 v17, v18;
	v18 =	vpop (erf)  }
0x7e9: {  	v5 =	vld [tilespmem:s19+$0x1770];
	v31 =	vsub.f32 $0.0e+00, v14;
	v10 =	vunpack.i.l.bf16.f32 v26;
	v18 =	vmul.f32 v18, v25  }
0x7ea: {  	v7 =	vld [tilespmem:s12+$0x1770];
	(erf) = vpow2.f32 v22;
	v22 =	vunpack.i.u.bf16.f32 v26;
	[tilespmem:s15+$0xD740] =	vst v17;
	v17 =	vadd.f32 v29, v10  }
0x7eb: {  	v24 =	vld [tilespmem:s15+$0x1750];
	(erf) = vpow2.f32 v28;
	v25 =	vpop (erf);
	v29 =	vmul.f32 $1.442695020e+00, v31;
	[tilespmem:s15+$0xD7C0] =	vst v18;
	v18 =	vadd.f32 v30, v22  }
0x7ec: {  	v25 =	vadd.f32 $1.000000000e+00, v25;
	v28 =	vpop (erf);
	v22 =	vld [tilespmem:s21+$0x10];
	v26 =	vsub.f32 $0.0e+00, v17  }
0x7ed: {  	s20 =	simm.s32 $0x2400;
	s16 =	simm.s32 $0x9B40;
	[tilespmem:s8+$0xD7F0] =	vst v27;
	v10 =	vld [tilespmem:s2+$0x1770];
	(erf) = vpow2.f32 v29;
	v27 =	vadd.f32 $1.000000000e+00, v28;
	v28 =	vsub.f32 $0.0e+00, v18  }
.LBB2_14:
0x7ee: {  	p0 =	sne.s32 s20, $0xFC00;
	v29 =	vpop (erf);
	(erf) = vrcp.f32 v25;
	v25 =	vld [tilespmem:s15+$0x17D0];
	v26 =	vmul.f32 $1.442695020e+00, v26;
	v30 =	vadd.f32 v2, v23  }
0x7ef: {  	v2 =	vmov v3;
	(erf) = vrcp.f32 v27;
	v23 =	vpop (erf);
	v27 =	vmul.f32 $1.442695020e+00, v28  }
0x7f0: {  	v28 =	vmul.f32 v23, v11;
	v11 =	vpop (erf);
	(erf) = vpow2.f32 v26;
	v26 =	vsub.f32 $0.0e+00, v30  }
0x7f1: {  	v11 =	vmul.f32 v11, v19;
	v19 =	vunpack.i.l.bf16.f32 v22;
	(erf) = vpow2.f32 v27;
	v23 =	vpop (erf)  }
0x7f2: {  	v3 =	vmovc v1;
	v1 =	vmovc v4;
	v27 =	vunpack.i.u.bf16.f32 v22;
	[tilespmem:s18+$0xD730] =	vst v28;
	v22 =	vadd.f32 v24, v19;
	v19 =	vadd.f32 $1.000000000e+00, v23  }
0x7f3: {  	v31 =	vadd.f32 $1.000000000e+00, v29;
	v24 =	vpop (erf);
	[tilespmem:s18+$0xD7B0] =	vst v11;
	v23 =	vadd.f32 v25, v27;
	v11 =	vmul.f32 $1.442695020e+00, v26  }
0x7f4: {  	v24 =	vadd.f32 $1.000000000e+00, v24;
	v25 =	vpop (erf);
	v26 =	vld [tilespmem:s22+$0x0];
	v27 =	vsub.f32 $0.0e+00, v22;
	(erf) = vrcp.f32 v19  }
0x7f5: {  	v4 =	vmovc v5;
	v5 =	vmovc v7;
	(erf) = vrcp.f32 v31;
	v19 =	vadd.f32 $1.000000000e+00, v25;
	v25 =	vld [tilespmem:s18+$0x1740];
	v28 =	vsub.f32 $0.0e+00, v23  }
0x7f6: {  	v7 =	vmov v10;
	v29 =	vpop (erf);
	(erf) = vrcp.f32 v24;
	v31 =	vld [tilespmem:s18+$0x17C0];
	v24 =	vmul.f32 $1.442695020e+00, v27  }
0x7f7: {  	(erf) = vrcp.f32 v19;
	v10 =	vpop (erf);
	v28 =	vmul.f32 $1.442695020e+00, v28  }
0x7f8: {  	v27 =	vadd.f32 $1.000000000e+00, v29;
	v10 =	vmul.f32 v10, v20;
	v20 =	vpop (erf);
	(erf) = vpow2.f32 v24  }
0x7f9: {  	v20 =	vmul.f32 v20, v21;
	v29 =	vunpack.i.l.bf16.f32 v26;
	(erf) = vpow2.f32 v28;
	v19 =	vpop (erf)  }
0x7fa: {  	[tilespmem:s19+$0xD720] =	vst v10;
	v10 =	vunpack.i.u.bf16.f32 v26;
	v24 =	vadd.f32 v25, v29;
	v19 =	vadd.f32 $1.000000000e+00, v19;
	v21 =	vpop (erf)  }
0x7fb: {  	(erf) = vrcp.f32 v27;
	[tilespmem:s19+$0xD7A0] =	vst v20;
	v25 =	vadd.f32 v31, v10;
	v28 =	vadd.f32 $1.000000000e+00, v21  }
0x7fc: {  	v29 =	vmul.f32 v8, v0;
	v0 =	vmovc v6;
	v6 =	vmovc v30;
	v20 =	vld [tilespmem:s0+$0xFFFFFFF0];
	v21 =	vsub.f32 $0.0e+00, v24;
	(erf) = vrcp.f32 v19  }
0x7fd: {  	v19 =	vld [tilespmem:s19+$0x1730];
	v26 =	vsub.f32 $0.0e+00, v25;
	(erf) = vrcp.f32 v28;
	v10 =	vpop (erf)  }
0x7fe: {  	v27 =	vpop (erf);
	v28 =	vld [tilespmem:s19+$0x17B0];
	v21 =	vmul.f32 $1.442695020e+00, v21;
	v9 =	vmul.f32 v10, v9;
	[tilespmem:s4+$0xD770] =	vst v29;
	s4 =	smov.u32 s8;
	s8 =	smov.u32 s10;
	s10 =	smov.u32 s14  }
0x7ff: {  	s14 =	smov.u32 s15;
	s15 =	smov.u32 s18;
	s18 =	smov.u32 s19;
	v8 =	vpop (erf);
	v29 =	vmul.f32 $1.442695020e+00, v26;
	(erf) = vpow2.f32 v11  }
0x800: {  	s17 =	sadd.s32 $0x80, s17;
	s19 =	smov.u32 s12;
	s12 =	smov.u32 s2;
	v8 =	vmul.f32 v8, v16;
	v11 =	vpop (erf);
	(erf) = vpow2.f32 v21;
	[tilespmem:s8+$0xD7F0] =	vst v9  }
0x801: {  	s2 =	sshra.s32 s20, $0x2;
	v26 =	vld [tilespmem:s17+$0xFFFFFFC0];
	v9 =	vmul.f32 v11, v15;
	v11 =	vunpack.i.l.bf16.f32 v20;
	(erf) = vpow2.f32 v29;
	v10 =	vpop (erf)  }
0x802: {  	v15 =	vld [tilespmem:s2+$0x1700];
	[tilespmem:s19+$0xD710] =	vst v8;
	v8 =	vunpack.i.u.bf16.f32 v20;
	v11 =	vadd.f32 v19, v11;
	v16 =	vadd.f32 $1.000000000e+00, v10;
	v20 =	vpop (erf)  }
0x803: {  	v10 =	vld [tilespmem:s2+$0x1770];
	[tilespmem:s19+$0xD790] =	vst v9;
	v19 =	vadd.f32 v28, v8;
	v28 =	vadd.f32 $1.000000000e+00, v20;
	(erf) = vrcp.f32 v13  }
0x804: {  	v9 =	vmul.f32 v27, v12;
	v12 =	vpop (erf);
	v13 =	vld [tilespmem:s1+$0xFFFFFFE0];
	v20 =	vsub.f32 $0.0e+00, v11;
	(erf) = vrcp.f32 v16  }
0x805: {  	v14 =	vmul.f32 v12, v14;
	v16 =	vld [tilespmem:s19+$0x1720];
	v21 =	vsub.f32 $0.0e+00, v19;
	(erf) = vrcp.f32 v28;
	v8 =	vpop (erf)  }
0x806: {  	v12 =	vunpack.i.l.bf16.f32 v26;
	[tilespmem:s12+$0xD700] =	vst v9;
	v9 =	vld [tilespmem:s19+$0x17A0];
	v20 =	vmul.f32 $1.442695020e+00, v20;
	v27 =	vmul.f32 v8, v17;
	v17 =	vpop (erf)  }
0x807: {  	v12 =	vadd.f32 v15, v12;
	[tilespmem:s12+$0xD780] =	vst v14;
	v21 =	vmul.f32 $1.442695020e+00, v21;
	v28 =	vmul.f32 v17, v18  }
0x808: {  	(erf) = vpow2.f32 v20;
	[tilespmem:s10+$0xD760] =	vst v27;
	v17 =	vld [tilespmem:s10+$0x17F0];
	v8 =	vpop (erf)  }
0x809: {  	v18 =	vsub.f32 $0.0e+00, v12;
	v27 =	vld [tilespmem:s16+$0xFFFFFFD0];
	v20 =	vunpack.i.l.bf16.f32 v13;
	(erf) = vpow2.f32 v21;
	v14 =	vpop (erf);
	[tilespmem:s10+$0xD7E0] =	vst v28  }
0x80a: {  	v13 =	vunpack.i.u.bf16.f32 v13;
	v20 =	vadd.f32 v16, v20;
	v14 =	vadd.f32 $1.000000000e+00, v14;
	v15 =	vpop (erf);
	v28 =	vld [tilespmem:s23+$0x30];
	s23 =	smov.u32 s21;
	s21 =	smov.u32 s22;
	s22 =	smov.u32 s0  }
0x80b: {  	s0 =	smov.u32 s1;
	s1 =	smov.u32 s16;
	s16 =	smov.u32 s17;
	v16 =	vld [tilespmem:s12+$0x1710];
	v21 =	vadd.f32 v9, v13;
	v30 =	vadd.f32 $1.000000000e+00, v15  }
0x80c: {  	v13 =	vadd.f32 $1.000000000e+00, v8;
	v15 =	vld [tilespmem:s12+$0x1790];
	v29 =	vsub.f32 $0.0e+00, v20;
	(erf) = vrcp.f32 v14;
	v8 =	vpop (erf)  }
0x80d: {  	v14 =	vmul.f32 $1.442695020e+00, v18;
	v18 =	vsub.f32 $0.0e+00, v21;
	(erf) = vrcp.f32 v30;
	v9 =	vpop (erf)  }
0x80e: {  	v30 =	vunpack.i.u.bf16.f32 v27;
	v29 =	vmul.f32 $1.442695020e+00, v29;
	v9 =	vmul.f32 v9, v22;
	v22 =	vpop (erf)  }
0x80f: {  	v31 =	vld [tilespmem:s2+$0x1780];
	v18 =	vmul.f32 $1.442695020e+00, v18;
	v32 =	vmul.f32 v22, v23;
	v23 =	vunpack.i.u.bf16.f32 v28  }
0x810: {  	v27 =	vunpack.i.l.bf16.f32 v27;
	(erf) = vpow2.f32 v29;
	[tilespmem:s14+$0xD750] =	vst v9;
	v9 =	vadd.f32 v17, v23  }
0x811: {  	v16 =	vadd.f32 v16, v27;
	v15 =	vadd.f32 v15, v30;
	(erf) = vpow2.f32 v18;
	v17 =	vpop (erf);
	[tilespmem:s14+$0xD7D0] =	vst v32  }
0x812: {  	v18 =	vunpack.i.u.bf16.f32 v26;
	v17 =	vadd.f32 $1.000000000e+00, v17;
	v22 =	vpop (erf);
	v23 =	vld [tilespmem:s23+$0x20];
	v26 =	vsub.f32 $0.0e+00, v9  }
0x813: {  	v27 =	vsub.f32 $0.0e+00, v16;
	(erf) = vpow2.f32 v14;
	v30 =	vadd.f32 $1.000000000e+00, v22;
	v29 =	vld [tilespmem:s14+$0x1760]  }
0x814: {  	v14 =	vadd.f32 v31, v18;
	(erf) = vrcp.f32 v17;
	v18 =	vld [tilespmem:s14+$0x17E0];
	v17 =	vmul.f32 $1.442695020e+00, v26  }
0x815: {  	v26 =	vmul.f32 $1.442695020e+00, v27;
	v27 =	vsub.f32 $0.0e+00, v15;
	(erf) = vrcp.f32 v30;
	v22 =	vpop (erf)  }
0x816: {  	v30 =	vsub.f32 $0.0e+00, v14;
	v22 =	vmul.f32 v22, v24;
	v24 =	vpop (erf);
	(erf) = vpow2.f32 v17  }
.Ltmp6:
0x817: {  	v27 =	vmul.f32 $1.442695020e+00, v27;
	v31 =	vmul.f32 v24, v25;
	v17 =	vunpack.i.l.bf16.f32 v23;
	(pc) =	sbr.rel @p0 .LBB2_14-.Ltmp6, $4  }
0x818: {  	(erf) = vpow2.f32 v26;
	[tilespmem:s15+$0xD740] =	vst v22;
	v22 =	vunpack.i.u.bf16.f32 v23;
	v17 =	vadd.f32 v29, v17  }
0x819: {  	v29 =	vmul.f32 $1.442695020e+00, v30;
	(erf) = vpow2.f32 v27;
	v23 =	vpop (erf);
	[tilespmem:s15+$0xD7C0] =	vst v31;
	v18 =	vadd.f32 v18, v22  }
0x81a: {  	v25 =	vadd.f32 $1.000000000e+00, v23;
	v24 =	vpop (erf);
	v22 =	vld [tilespmem:s21+$0x10];
	v26 =	vsub.f32 $0.0e+00, v17;
	v23 =	vunpack.i.l.bf16.f32 v28  }
0x81b: {  	s20 =	sadd.s32 $0x400, s20;
	(erf) = vpow2.f32 v29;
	v27 =	vadd.f32 $1.000000000e+00, v24;
	v24 =	vld [tilespmem:s15+$0x1750];
	v28 =	vsub.f32 $0.0e+00, v18  }
0x81c: {  	v29 =	vpop (erf);
	(erf) = vrcp.f32 v25;
	v26 =	vmul.f32 $1.442695020e+00, v26  }
0x81d: {  	v53 =	vld [tilespmem:s15+$0x17D0];
	(erf) = vrcp.f32 v27;
	v54 =	vpop (erf);
	v28 =	vmul.f32 $1.442695020e+00, v28  }
0x81e: {  	v11 =	vmul.f32 v54, v11;
	v55 =	vpop (erf);
	(erf) = vpow2.f32 v26  }
0x81f: {  	v19 =	vmul.f32 v55, v19;
	v57 =	vpop (erf)  }
0x820: {  	v56 =	vunpack.i.l.bf16.f32 v22;
	(erf) = vpow2.f32 v28;
	[tilespmem:s18+$0xD730] =	vst v11;
	v59 =	vadd.f32 $1.000000000e+00, v57  }
0x821: {  	v60 =	vadd.f32 $1.000000000e+00, v29;
	v58 =	vunpack.i.u.bf16.f32 v22;
	v22 =	vadd.f32 v24, v56;
	v61 =	vpop (erf);
	[tilespmem:s18+$0xD7B0] =	vst v19  }
0x822: {  	v19 =	vadd.f32 v53, v58;
	v62 =	vadd.f32 $1.000000000e+00, v61;
	v63 =	vpop (erf);
	v32 =	vld [tilespmem:s22+$0x0];
	(erf) = vrcp.f32 v59  }
0x823: {  	v35 =	vld [tilespmem:s18+$0x1740];
	v33 =	vsub.f32 $0.0e+00, v22;
	(erf) = vrcp.f32 v60;
	v34 =	vadd.f32 $1.000000000e+00, v63  }
0x824: {  	v38 =	vld [tilespmem:s18+$0x17C0];
	v36 =	vsub.f32 $0.0e+00, v19;
	v37 =	vpop (erf);
	(erf) = vrcp.f32 v62  }
0x825: {  	v2 =	vadd.f32 v2, v23;
	v28 =	vmul.f32 $1.442695020e+00, v33;
	(erf) = vrcp.f32 v34;
	v39 =	vpop (erf)  }
0x826: {  	v40 =	vmul.f32 $1.442695020e+00, v36;
	v41 =	vadd.f32 $1.000000000e+00, v37;
	v20 =	vmul.f32 v39, v20;
	v42 =	vpop (erf)  }
0x827: {  	(erf) = vpow2.f32 v28;
	v21 =	vmul.f32 v42, v21;
	v43 =	vunpack.i.l.bf16.f32 v32;
	v44 =	vpop (erf)  }
0x828: {  	(erf) = vpow2.f32 v40;
	v45 =	vunpack.i.u.bf16.f32 v32;
	v24 =	vadd.f32 $1.000000000e+00, v44  }
0x829: {  	[tilespmem:s19+$0xD720] =	vst v20;
	v23 =	vadd.f32 v35, v43;
	v47 =	vpop (erf);
	(erf) = vrcp.f32 v41;
	v20 =	vadd.f32 v38, v45  }
0x82a: {  	v46 =	vsub.f32 $0.0e+00, v2;
	[tilespmem:s19+$0xD7A0] =	vst v21;
	v48 =	vadd.f32 $1.000000000e+00, v47;
	(erf) = vrcp.f32 v24  }
0x82b: {  	v49 =	vld [tilespmem:s0+$0xFFFFFFF0];
	v50 =	vsub.f32 $0.0e+00, v23;
	v53 =	vsub.f32 $0.0e+00, v20;
	v11 =	vpop (erf)  }
0x82c: {  	v52 =	vld [tilespmem:s19+$0x1730];
	v51 =	vmul.f32 $1.442695020e+00, v46;
	(erf) = vrcp.f32 v48;
	v54 =	vpop (erf)  }
0x82d: {  	v55 =	vld [tilespmem:s19+$0x17B0];
	v27 =	vmul.f32 $1.442695020e+00, v50;
	v28 =	vmul.f32 $1.442695020e+00, v53;
	v30 =	vpop (erf)  }
0x82e: {  	(erf) = vpow2.f32 v51;
	v16 =	vmul.f32 v30, v16;
	v56 =	vpop (erf)  }
0x82f: {  	(erf) = vpow2.f32 v27;
	v15 =	vmul.f32 v56, v15  }
0x830: {  	v12 =	vmul.f32 v54, v12;
	v57 =	vunpack.i.l.bf16.f32 v49;
	(erf) = vpow2.f32 v28;
	v58 =	vpop (erf);
	[tilespmem:s12+$0xD710] =	vst v16  }
0x831: {  	v59 =	vunpack.i.u.bf16.f32 v49;
	v24 =	vadd.f32 v52, v57;
	v60 =	vadd.f32 $1.000000000e+00, v58;
	v61 =	vpop (erf);
	[tilespmem:s12+$0xD790] =	vst v15  }
0x832: {  	v16 =	vadd.f32 v55, v59;
	(erf) = vrcp.f32 v13;
	v62 =	vadd.f32 $1.000000000e+00, v61;
	v63 =	vpop (erf);
	v32 =	vld [tilespmem:s1+$0xFFFFFFE0]  }
0x833: {  	v34 =	vld [tilespmem:s12+$0x1720];
	v33 =	vsub.f32 $0.0e+00, v24;
	(erf) = vrcp.f32 v60;
	v13 =	vmul.f32 v63, v14;
	v36 =	vpop (erf)  }
0x834: {  	v37 =	vld [tilespmem:s12+$0x17A0];
	v35 =	vsub.f32 $0.0e+00, v16;
	(erf) = vrcp.f32 v62;
	v15 =	vmul.f32 v36, v17  }
0x835: {  	[tilespmem:s2+$0xD700] =	vst v12;
	v27 =	vmul.f32 $1.442695020e+00, v33;
	v38 =	vpop (erf)  }
0x836: {  	v39 =	vmul.f32 $1.442695020e+00, v35;
	[tilespmem:s2+$0xD780] =	vst v13;
	v12 =	vmul.f32 v38, v18  }
0x837: {  	v46 =	vld [tilespmem:s2+$0x1710];
	(erf) = vpow2.f32 v27;
	[tilespmem:s14+$0xD760] =	vst v15;
	v41 =	vunpack.i.l.bf16.f32 v32  }
0x838: {  	v43 =	vld [tilespmem:s16+$0xFFFFFFD0];
	[tilespmem:s14+$0xD7E0] =	vst v12;
	v44 =	vunpack.i.u.bf16.f32 v32;
	v15 =	vpop (erf);
	(erf) = vpow2.f32 v39;
	v17 =	vadd.f32 v34, v41  }
0x839: {  	v25 =	vld [tilespmem:s23+$0x30];
	v26 =	vadd.f32 v37, v44;
	v42 =	vpop (erf)  }
0x83a: {  	v40 =	vld [tilespmem:s14+$0x17F0];
	v14 =	vadd.f32 $1.000000000e+00, v42;
	v45 =	vpop (erf);
	v47 =	vsub.f32 $0.0e+00, v17  }
0x83b: {  	v48 =	vld [tilespmem:s2+$0x1790];
	v21 =	vadd.f32 $1.000000000e+00, v45;
	v12 =	vpop (erf)  }
0x83c: {  	v49 =	vsub.f32 $0.0e+00, v26;
	(erf) = vrcp.f32 v14;
	v50 =	vpop (erf);
	v28 =	vmul.f32 $1.442695020e+00, v47  }
0x83d: {  	v52 =	vunpack.i.u.bf16.f32 v43;
	(erf) = vrcp.f32 v21;
	v21 =	vmul.f32 v50, v22;
	v51 =	vpop (erf)  }
0x83e: {  	v29 =	vmul.f32 $1.442695020e+00, v49;
	v53 =	vunpack.i.u.bf16.f32 v25;
	v19 =	vmul.f32 v51, v19  }
0x83f: {  	v18 =	vunpack.i.l.bf16.f32 v43;
	(erf) = vpow2.f32 v28;
	v13 =	vadd.f32 v40, v53;
	[tilespmem:s15+$0xD750] =	vst v21  }
0x840: {  	v18 =	vadd.f32 v46, v18;
	v22 =	vadd.f32 v48, v52;
	(erf) = vpow2.f32 v29;
	v54 =	vpop (erf);
	[tilespmem:s15+$0xD7D0] =	vst v19  }
0x841: {  	v55 =	vadd.f32 $1.000000000e+00, v54;
	v58 =	vsub.f32 $0.0e+00, v13;
	v56 =	vpop (erf);
	v57 =	vld [tilespmem:s21+$0x20]  }
0x842: {  	v60 =	vld [tilespmem:s15+$0x1760];
	v59 =	vsub.f32 $0.0e+00, v18;
	v19 =	vadd.f32 $1.000000000e+00, v56  }
0x843: {  	v61 =	vld [tilespmem:s15+$0x17E0];
	v30 =	vsub.f32 $0.0e+00, v22;
	(erf) = vrcp.f32 v55;
	v27 =	vmul.f32 $1.442695020e+00, v58  }
0x844: {  	v28 =	vmul.f32 $1.442695020e+00, v59;
	(erf) = vrcp.f32 v19  }
0x845: {  	v31 =	vmul.f32 $1.442695020e+00, v30;
	v62 =	vpop (erf);
	(erf) = vpow2.f32 v27  }
0x846: {  	v19 =	vmul.f32 v62, v23;
	v63 =	vpop (erf);
	v32 =	vunpack.i.l.bf16.f32 v57;
	(erf) = vpow2.f32 v28  }
0x847: {  	v33 =	vunpack.i.u.bf16.f32 v57;
	v20 =	vmul.f32 v63, v20;
	v21 =	vadd.f32 v60, v32  }
0x848: {  	(erf) = vpow2.f32 v31;
	v34 =	vpop (erf);
	[tilespmem:s18+$0xD740] =	vst v19;
	v19 =	vadd.f32 v61, v33  }
0x849: {  	v35 =	vadd.f32 $1.000000000e+00, v34;
	v36 =	vpop (erf);
	[tilespmem:s18+$0xD7C0] =	vst v20;
	v38 =	vsub.f32 $0.0e+00, v21  }
0x84a: {  	v20 =	vadd.f32 $1.000000000e+00, v36;
	v37 =	vld [tilespmem:s22+$0x10]  }
0x84b: {  	v39 =	vld [tilespmem:s18+$0x1750];
	v40 =	vsub.f32 $0.0e+00, v19;
	(erf) = vrcp.f32 v35;
	v27 =	vmul.f32 $1.442695020e+00, v38  }
0x84c: {  	v41 =	vld [tilespmem:s18+$0x17D0];
	(erf) = vrcp.f32 v20  }
0x84d: {  	v42 =	vpop (erf);
	v29 =	vmul.f32 $1.442695020e+00, v40;
	(erf) = vpow2.f32 v27  }
0x84e: {  	v20 =	vmul.f32 v42, v24;
	v43 =	vpop (erf)  }
0x84f: {  	v16 =	vmul.f32 v43, v16;
	(erf) = vpow2.f32 v29;
	v45 =	vpop (erf);
	v44 =	vunpack.i.l.bf16.f32 v37  }
0x850: {  	[tilespmem:s19+$0xD730] =	vst v20;
	v46 =	vunpack.i.u.bf16.f32 v37;
	v47 =	vadd.f32 $1.000000000e+00, v45;
	v48 =	vpop (erf);
	v23 =	vadd.f32 v39, v44  }
0x851: {  	[tilespmem:s19+$0xD7B0] =	vst v16;
	v16 =	vadd.f32 v41, v46;
	v49 =	vadd.f32 $1.000000000e+00, v48;
	v50 =	vpop (erf)  }
0x852: {  	v51 =	vld [tilespmem:s0+$0x0];
	(erf) = vrcp.f32 v47;
	v20 =	vadd.f32 $1.000000000e+00, v50  }
0x853: {  	v52 =	vld [tilespmem:s19+$0x1740];
	v28 =	vsub.f32 $0.0e+00, v23;
	v53 =	vsub.f32 $0.0e+00, v16;
	(erf) = vrcp.f32 v49  }
0x854: {  	v54 =	vld [tilespmem:s19+$0x17C0];
	(erf) = vrcp.f32 v20;
	v55 =	vpop (erf)  }
0x855: {  	v25 =	vunpack.i.l.bf16.f32 v25;
	v28 =	vmul.f32 $1.442695020e+00, v28;
	v56 =	vmul.f32 $1.442695020e+00, v53;
	v57 =	vpop (erf)  }
0x856: {  	v3 =	vadd.f32 v3, v25;
	v17 =	vmul.f32 v55, v17;
	v20 =	vmul.f32 v57, v26;
	v59 =	vpop (erf)  }
0x857: {  	(erf) = vpow2.f32 v28;
	v58 =	vunpack.i.l.bf16.f32 v51;
	v60 =	vadd.f32 $1.000000000e+00, v59  }
0x858: {  	v27 =	vunpack.i.u.bf16.f32 v51;
	v24 =	vadd.f32 v52, v58;
	(erf) = vpow2.f32 v56  }
0x859: {  	v62 =	vsub.f32 $0.0e+00, v3;
	[tilespmem:s12+$0xD720] =	vst v17;
	v61 =	vpop (erf);
	v27 =	vadd.f32 v54, v27;
	(erf) = vrcp.f32 v60  }
0x85a: {  	[tilespmem:s12+$0xD7A0] =	vst v20;
	v63 =	vadd.f32 $1.000000000e+00, v61;
	v32 =	vsub.f32 $0.0e+00, v24  }
0x85b: {  	v34 =	vmul.f32 $1.442695020e+00, v62;
	v35 =	vld [tilespmem:s1+$0xFFFFFFF0];
	v33 =	vsub.f32 $0.0e+00, v27;
	v14 =	vpop (erf)  }
0x85c: {  	v36 =	vld [tilespmem:s12+$0x1730];
	(erf) = vrcp.f32 v63;
	v20 =	vmul.f32 $1.442695020e+00, v32;
	v37 =	vpop (erf)  }
0x85d: {  	v38 =	vld [tilespmem:s12+$0x17B0];
	v25 =	vmul.f32 $1.442695020e+00, v33;
	v18 =	vmul.f32 v37, v18;
	v39 =	vpop (erf)  }
0x85e: {  	(erf) = vpow2.f32 v34;
	v40 =	vmul.f32 v39, v22  }
0x85f: {  	(erf) = vpow2.f32 v20;
	[tilespmem:s2+$0xD710] =	vst v18  }
0x860: {  	v15 =	vadd.f32 $1.000000000e+00, v15;
	v41 =	vunpack.i.l.bf16.f32 v35;
	(erf) = vpow2.f32 v25;
	v42 =	vpop (erf);
	[tilespmem:s2+$0xD790] =	vst v40  }
0x861: {  	v43 =	vunpack.i.u.bf16.f32 v35;
	v17 =	vadd.f32 v36, v41;
	v44 =	vadd.f32 $1.000000000e+00, v42;
	v45 =	vpop (erf);
	v46 =	vld [tilespmem:s16+$0xFFFFFFE0]  }
0x862: {  	v47 =	vld [tilespmem:s2+$0x1720];
	v20 =	vadd.f32 v38, v43;
	(erf) = vrcp.f32 v15;
	v22 =	vadd.f32 $1.000000000e+00, v45;
	v49 =	vpop (erf)  }
0x863: {  	v50 =	vld [tilespmem:s2+$0x17A0];
	(erf) = vrcp.f32 v44;
	v18 =	vmul.f32 v49, v21  }
0x864: {  	v48 =	vsub.f32 $0.0e+00, v17;
	v51 =	vsub.f32 $0.0e+00, v20;
	(erf) = vrcp.f32 v22;
	_ =	sdelay $0x1  }
0x865: {  	v52 =	vmul.f32 $1.442695020e+00, v48;
	v54 =	vmul.f32 $1.442695020e+00, v51;
	v53 =	vpop (erf);
	v55 =	vunpack.i.l.bf16.f32 v46  }
0x866: {  	v19 =	vmul.f32 v53, v19;
	[tilespmem:s15+$0xD760] =	vst v18;
	v25 =	vunpack.i.u.bf16.f32 v46;
	v22 =	vadd.f32 v47, v55;
	v18 =	vpop (erf)  }
0x867: {  	v25 =	vadd.f32 v50, v25;
	(erf) = vpow2.f32 v52;
	v57 =	vpop (erf)  }
0x868: {  	[tilespmem:s15+$0xD7E0] =	vst v19;
	(erf) = vpow2.f32 v54;
	v60 =	vsub.f32 $0.0e+00, v22;
	v58 =	vadd.f32 $1.000000000e+00, v57;
	v59 =	vpop (erf)  }
0x869: {  	v26 =	vld [tilespmem:s21+$0x30];
	v61 =	vsub.f32 $0.0e+00, v25;
	v19 =	vadd.f32 $1.000000000e+00, v59  }
0x86a: {  	v56 =	vld [tilespmem:s15+$0x17F0];
	v15 =	vpop (erf);
	v62 =	vmul.f32 $1.442695020e+00, v60;
	(erf) = vrcp.f32 v58  }
0x86b: {  	v29 =	vmul.f32 $1.442695020e+00, v61;
	v63 =	vpop (erf);
	(erf) = vrcp.f32 v19  }
0x86c: {  	v23 =	vmul.f32 v63, v23;
	v32 =	vpop (erf);
	(erf) = vpow2.f32 v62  }
0x86d: {  	v33 =	vmul.f32 v32, v16;
	(erf) = vpow2.f32 v29  }
0x86e: {  	v34 =	vunpack.i.u.bf16.f32 v26;
	[tilespmem:s18+$0xD750] =	vst v23  }
0x86f: {  	v16 =	vadd.f32 v56, v34;
	[tilespmem:s18+$0xD7D0] =	vst v33  }
0x870: {  	v35 =	vpop (erf);
	v23 =	vld [tilespmem:s22+$0x20]  }
0x871: {  	v39 =	vld [tilespmem:s18+$0x1760];
	v38 =	vsub.f32 $0.0e+00, v16;
	v36 =	vadd.f32 $1.000000000e+00, v35;
	v37 =	vpop (erf)  }
0x872: {  	v40 =	vld [tilespmem:s18+$0x17E0];
	v21 =	vadd.f32 $1.000000000e+00, v37  }
0x873: {  	v28 =	vmul.f32 $1.442695020e+00, v38;
	(erf) = vrcp.f32 v36;
	v41 =	vpop (erf)  }
0x874: {  	(erf) = vrcp.f32 v21;
	v42 =	vmul.f32 v41, v24;
	v43 =	vpop (erf)  }
0x875: {  	(erf) = vpow2.f32 v28;
	v44 =	vunpack.i.l.bf16.f32 v23;
	v24 =	vmul.f32 v43, v27;
	v45 =	vpop (erf)  }
0x876: {  	v23 =	vunpack.i.u.bf16.f32 v23;
	v27 =	vadd.f32 v39, v44;
	[tilespmem:s19+$0xD740] =	vst v42;
	v21 =	vadd.f32 $1.000000000e+00, v45;
	v46 =	vpop (erf)  }
0x877: {  	v19 =	vadd.f32 v40, v23;
	[tilespmem:s19+$0xD7C0] =	vst v24;
	v24 =	vadd.f32 $1.000000000e+00, v46  }
0x878: {  	v48 =	vsub.f32 $0.0e+00, v27;
	v47 =	vld [tilespmem:s0+$0x10];
	(erf) = vrcp.f32 v21  }
0x879: {  	v49 =	vld [tilespmem:s19+$0x1750];
	v50 =	vsub.f32 $0.0e+00, v19;
	(erf) = vrcp.f32 v24  }
0x87a: {  	v51 =	vld [tilespmem:s19+$0x17D0];
	v52 =	vmul.f32 $1.442695020e+00, v48  }
0x87b: {  	v21 =	vmul.f32 $1.442695020e+00, v50  }
0x87c: {  	v53 =	vpop (erf);
	(erf) = vpow2.f32 v52  }
0x87d: {  	v17 =	vmul.f32 v53, v17;
	v54 =	vpop (erf);
	(erf) = vpow2.f32 v21;
	v55 =	vunpack.i.l.bf16.f32 v47  }
0x87e: {  	v20 =	vmul.f32 v54, v20;
	v23 =	vunpack.i.u.bf16.f32 v47;
	v56 =	vpop (erf);
	v24 =	vadd.f32 v49, v55  }
0x87f: {  	[tilespmem:s12+$0xD730] =	vst v17;
	v23 =	vadd.f32 v51, v23;
	v57 =	vadd.f32 $1.000000000e+00, v56  }
0x880: {  	[tilespmem:s12+$0xD7B0] =	vst v20;
	v58 =	vsub.f32 $0.0e+00, v24  }
0x881: {  	v59 =	vld [tilespmem:s1+$0x0];
	v60 =	vsub.f32 $0.0e+00, v23;
	(erf) = vrcp.f32 v57;
	v62 =	vpop (erf)  }
0x882: {  	v61 =	vld [tilespmem:s12+$0x1740];
	v20 =	vmul.f32 $1.442695020e+00, v58;
	v22 =	vmul.f32 v62, v22;
	v33 =	vpop (erf)  }
0x883: {  	v63 =	vld [tilespmem:s12+$0x17C0];
	v26 =	vunpack.i.l.bf16.f32 v26;
	v28 =	vmul.f32 $1.442695020e+00, v60;
	v34 =	vmul.f32 v33, v25  }
0x884: {  	v1 =	vadd.f32 v1, v26;
	(erf) = vpow2.f32 v20;
	[tilespmem:s2+$0xD720] =	vst v22  }
0x885: {  	(erf) = vpow2.f32 v28;
	[tilespmem:s2+$0xD7A0] =	vst v34  }
0x886: {  	v36 =	vsub.f32 $0.0e+00, v1;
	v37 =	vpop (erf);
	v35 =	vunpack.i.l.bf16.f32 v59;
	v38 =	vld [tilespmem:s16+$0xFFFFFFF0]  }
0x887: {  	v41 =	vld [tilespmem:s2+$0x1730];
	v21 =	vunpack.i.u.bf16.f32 v59;
	v39 =	vadd.f32 $1.000000000e+00, v37;
	v40 =	vpop (erf);
	v22 =	vadd.f32 v61, v35  }
0x888: {  	v43 =	vld [tilespmem:s2+$0x17B0];
	v21 =	vadd.f32 v63, v21;
	v25 =	vadd.f32 $1.000000000e+00, v40  }
0x889: {  	v20 =	vmul.f32 $1.442695020e+00, v36;
	(erf) = vrcp.f32 v39;
	v42 =	vsub.f32 $0.0e+00, v22  }
0x88a: {  	v31 =	vsub.f32 $0.0e+00, v21;
	(erf) = vrcp.f32 v25  }
0x88b: {  	(erf) = vpow2.f32 v20;
	v44 =	vmul.f32 $1.442695020e+00, v42;
	v46 =	vunpack.i.l.bf16.f32 v38  }
0x88c: {  	v17 =	vpop (erf);
	v45 =	vmul.f32 $1.442695020e+00, v31;
	v26 =	vunpack.i.u.bf16.f32 v38;
	v20 =	vadd.f32 v41, v46  }
0x88d: {  	v18 =	vadd.f32 $1.000000000e+00, v18;
	(erf) = vpow2.f32 v44;
	v26 =	vadd.f32 v43, v26;
	v47 =	vpop (erf)  }
0x88e: {  	(erf) = vpow2.f32 v45;
	v25 =	vadd.f32 $1.000000000e+00, v47;
	v48 =	vpop (erf);
	v49 =	vsub.f32 $0.0e+00, v20  }
0x88f: {  	(erf) = vrcp.f32 v18;
	v50 =	vsub.f32 $0.0e+00, v26;
	v28 =	vadd.f32 $1.000000000e+00, v48  }
0x890: {  	(erf) = vrcp.f32 v25;
	v18 =	vmul.f32 $1.442695020e+00, v49  }
0x891: {  	v25 =	vmul.f32 $1.442695020e+00, v50;
	(erf) = vrcp.f32 v28  }
0x892: {  	v51 =	vpop (erf);
	(erf) = vpow2.f32 v18  }
0x893: {  	v53 =	vpop (erf);
	(erf) = vpow2.f32 v25;
	_ =	sdelay $0x1  }
0x894: {  	v52 =	vmul.f32 v51, v27;
	v25 =	vpop (erf)  }
0x895: {  	v19 =	vmul.f32 v53, v19;
	v54 =	vpop (erf)  }
0x896: {  	[tilespmem:s18+$0xD760] =	vst v52;
	v56 =	vpop (erf);
	v57 =	vadd.f32 $1.000000000e+00, v54  }
0x897: {  	[tilespmem:s18+$0xD7E0] =	vst v19;
	v18 =	vpop (erf);
	v28 =	vadd.f32 $1.000000000e+00, v56  }
0x898: {  	v58 =	vld [tilespmem:s22+$0x30];
	(erf) = vrcp.f32 v57;
	v59 =	vpop (erf)  }
0x899: {  	v55 =	vld [tilespmem:s18+$0x17F0];
	(erf) = vrcp.f32 v28;
	v60 =	vmul.f32 v59, v24;
	v61 =	vpop (erf)  }
0x89a: {  	v23 =	vmul.f32 v61, v23;
	v62 =	vpop (erf)  }
0x89b: {  	[tilespmem:s19+$0xD750] =	vst v60;
	v63 =	vadd.f32 $1.000000000e+00, v62;
	v32 =	vpop (erf)  }
0x89c: {  	[tilespmem:s19+$0xD7D0] =	vst v23;
	v35 =	vadd.f32 $1.000000000e+00, v32  }
0x89d: {  	v33 =	vunpack.i.u.bf16.f32 v58;
	v34 =	vld [tilespmem:s0+$0x20];
	(erf) = vrcp.f32 v63  }
0x89e: {  	v36 =	vld [tilespmem:s19+$0x1760];
	v19 =	vadd.f32 v55, v33;
	(erf) = vrcp.f32 v35  }
0x89f: {  	v37 =	vld [tilespmem:s19+$0x17E0]  }
0x8a0: {  	v27 =	vsub.f32 $0.0e+00, v19  }
0x8a1: {  	v38 =	vpop (erf)  }
0x8a2: {  	v27 =	vmul.f32 $1.442695020e+00, v27;
	v22 =	vmul.f32 v38, v22;
	v40 =	vpop (erf);
	v39 =	vunpack.i.l.bf16.f32 v34  }
0x8a3: {  	v28 =	vunpack.i.u.bf16.f32 v34;
	v21 =	vmul.f32 v40, v21;
	v24 =	vadd.f32 v36, v39  }
0x8a4: {  	(erf) = vpow2.f32 v27;
	v23 =	vadd.f32 v37, v28;
	[tilespmem:s12+$0xD740] =	vst v22  }
0x8a5: {  	[tilespmem:s12+$0xD7C0] =	vst v21;
	v41 =	vsub.f32 $0.0e+00, v24  }
0x8a6: {  	v42 =	vsub.f32 $0.0e+00, v23;
	v43 =	vld [tilespmem:s1+$0x10];
	v44 =	vpop (erf)  }
0x8a7: {  	v45 =	vld [tilespmem:s12+$0x1750];
	v22 =	vmul.f32 $1.442695020e+00, v41;
	v20 =	vmul.f32 v44, v20;
	v46 =	vpop (erf)  }
0x8a8: {  	v47 =	vld [tilespmem:s12+$0x17D0];
	v21 =	vmul.f32 $1.442695020e+00, v42;
	v48 =	vmul.f32 v46, v26  }
0x8a9: {  	(erf) = vpow2.f32 v22;
	[tilespmem:s2+$0xD730] =	vst v20  }
0x8aa: {  	(erf) = vpow2.f32 v21;
	[tilespmem:s2+$0xD7B0] =	vst v48  }
0x8ab: {  	v49 =	vunpack.i.l.bf16.f32 v43;
	v50 =	vld [tilespmem:s16+$0x0]  }
0x8ac: {  	v54 =	vld [tilespmem:s2+$0x1740];
	v52 =	vunpack.i.u.bf16.f32 v43;
	v53 =	vadd.f32 v45, v49  }
0x8ad: {  	v56 =	vld [tilespmem:s2+$0x17C0];
	v55 =	vpop (erf);
	v26 =	vadd.f32 v47, v52  }
0x8ae: {  	v51 =	vunpack.i.l.bf16.f32 v58;
	v22 =	vadd.f32 $1.000000000e+00, v55;
	v57 =	vsub.f32 $0.0e+00, v53  }
0x8af: {  	v4 =	vadd.f32 v4, v51;
	v31 =	vsub.f32 $0.0e+00, v26  }
0x8b0: {  	(erf) = vrcp.f32 v22;
	v59 =	vmul.f32 $1.442695020e+00, v57;
	v60 =	vunpack.i.l.bf16.f32 v50  }
0x8b1: {  	v31 =	vmul.f32 $1.442695020e+00, v31;
	v21 =	vunpack.i.u.bf16.f32 v50;
	v29 =	vadd.f32 v54, v60  }
0x8b2: {  	v58 =	vsub.f32 $0.0e+00, v4;
	(erf) = vpow2.f32 v59;
	v28 =	vadd.f32 v56, v21;
	v32 =	vpop (erf)  }
0x8b3: {  	(erf) = vpow2.f32 v31;
	v61 =	vadd.f32 $1.000000000e+00, v32;
	v62 =	vpop (erf);
	v33 =	vsub.f32 $0.0e+00, v29  }
0x8b4: {  	v30 =	vmul.f32 $1.442695020e+00, v58;
	v34 =	vsub.f32 $0.0e+00, v28;
	v63 =	vadd.f32 $1.000000000e+00, v62  }
0x8b5: {  	(erf) = vrcp.f32 v61;
	v35 =	vmul.f32 $1.442695020e+00, v33  }
0x8b6: {  	v20 =	vmul.f32 $1.442695020e+00, v34;
	(erf) = vrcp.f32 v63  }
0x8b7: {  	(erf) = vpow2.f32 v30  }
0x8b8: {  	(erf) = vpow2.f32 v35  }
0x8b9: {  	(erf) = vpow2.f32 v20  }
0x8ba: {  	v20 =	vpop (erf)  }
0x8bb: {  	v37 =	vadd.f32 $1.000000000e+00, v25;
	v36 =	vpop (erf)  }
0x8bc: {  	v38 =	vpop (erf);
	v21 =	vadd.f32 $1.000000000e+00, v36  }
0x8bd: {  	(erf) = vrcp.f32 v37;
	v25 =	vadd.f32 $1.000000000e+00, v38  }
0x8be: {  	(erf) = vrcp.f32 v21;
	v39 =	vpop (erf)  }
0x8bf: {  	(erf) = vrcp.f32 v25;
	v40 =	vpop (erf)  }
0x8c0: {  	v42 =	vpop (erf)  }
0x8c1: {  	v41 =	vmul.f32 v39, v24;
	v43 =	vpop (erf)  }
0x8c2: {  	v22 =	vmul.f32 v40, v23;
	v44 =	vadd.f32 $1.000000000e+00, v43;
	v45 =	vpop (erf)  }
0x8c3: {  	[tilespmem:s19+$0xD760] =	vst v41;
	v23 =	vadd.f32 $1.000000000e+00, v45  }
0x8c4: {  	[tilespmem:s19+$0xD7E0] =	vst v22;
	(erf) = vrcp.f32 v44  }
0x8c5: {  	v47 =	vld [tilespmem:s0+$0x30];
	(erf) = vrcp.f32 v23  }
0x8c6: {  	v46 =	vld [tilespmem:s19+$0x17F0];
	v21 =	vpop (erf)  }
0x8c7: {  	v48 =	vpop (erf)  }
0x8c8: {  	v49 =	vmul.f32 v48, v53;
	v50 =	vpop (erf)  }
0x8c9: {  	v26 =	vmul.f32 v50, v26  }
0x8ca: {  	v51 =	vunpack.i.u.bf16.f32 v47;
	[tilespmem:s12+$0xD750] =	vst v49  }
0x8cb: {  	v22 =	vadd.f32 v46, v51;
	[tilespmem:s12+$0xD7D0] =	vst v26  }
0x8cc: {  	v26 =	vld [tilespmem:s1+$0x20]  }
0x8cd: {  	v55 =	vld [tilespmem:s12+$0x1760];
	v52 =	vsub.f32 $0.0e+00, v22;
	v53 =	vpop (erf)  }
0x8ce: {  	v25 =	vmul.f32 v53, v29;
	v54 =	vpop (erf)  }
0x8cf: {  	v23 =	vmul.f32 $1.442695020e+00, v52;
	v27 =	vmul.f32 v54, v28  }
0x8d0: {  	v56 =	vld [tilespmem:s12+$0x17E0];
	[tilespmem:s2+$0xD740] =	vst v25  }
0x8d1: {  	(erf) = vpow2.f32 v23;
	v58 =	vunpack.i.l.bf16.f32 v26;
	[tilespmem:s2+$0xD7C0] =	vst v27  }
0x8d2: {  	v25 =	vadd.f32 v55, v58;
	v57 =	vld [tilespmem:s16+$0x10]  }
0x8d3: {  	v59 =	vld [tilespmem:s2+$0x1750]  }
0x8d4: {  	v60 =	vld [tilespmem:s2+$0x17D0];
	v26 =	vunpack.i.u.bf16.f32 v26;
	v61 =	vsub.f32 $0.0e+00, v25  }
0x8d5: {  	v26 =	vadd.f32 v56, v26  }
0x8d6: {  	v28 =	vmul.f32 $1.442695020e+00, v61  }
0x8d7: {  	v62 =	vsub.f32 $0.0e+00, v26;
	v63 =	vunpack.i.l.bf16.f32 v57  }
0x8d8: {  	v23 =	vunpack.i.u.bf16.f32 v57;
	(erf) = vpow2.f32 v28;
	v27 =	vadd.f32 v59, v63  }
0x8d9: {  	v31 =	vmul.f32 $1.442695020e+00, v62;
	v23 =	vadd.f32 v60, v23  }
0x8da: {  	v34 =	vpop (erf);
	v35 =	vsub.f32 $0.0e+00, v27  }
0x8db: {  	(erf) = vpow2.f32 v31;
	v28 =	vadd.f32 $1.000000000e+00, v34;
	v36 =	vsub.f32 $0.0e+00, v23  }
0x8dc: {  	v29 =	vmul.f32 $1.442695020e+00, v35  }
0x8dd: {  	(erf) = vrcp.f32 v28;
	v37 =	vmul.f32 $1.442695020e+00, v36  }
0x8de: {  	(erf) = vpow2.f32 v29  }
0x8df: {  	(erf) = vpow2.f32 v37;
	_ =	sdelay $0x1  }
0x8e0: {  	v38 =	vunpack.i.l.bf16.f32 v47;
	v39 =	vpop (erf)  }
0x8e1: {  	v5 =	vadd.f32 v5, v38;
	v28 =	vadd.f32 $1.000000000e+00, v39;
	_ =	sdelay $0x1  }
0x8e2: {  	v40 =	vsub.f32 $0.0e+00, v5;
	v41 =	vpop (erf)  }
0x8e3: {  	v30 =	vadd.f32 $1.000000000e+00, v41  }
0x8e4: {  	v29 =	vmul.f32 $1.442695020e+00, v40;
	(erf) = vrcp.f32 v28;
	v28 =	vpop (erf)  }
0x8e5: {  	v24 =	vadd.f32 $1.000000000e+00, v42;
	(erf) = vrcp.f32 v30;
	v42 =	vpop (erf)  }
0x8e6: {  	(erf) = vpow2.f32 v29;
	v43 =	vadd.f32 $1.000000000e+00, v42;
	v44 =	vpop (erf)  }
0x8e7: {  	(erf) = vrcp.f32 v24;
	v30 =	vadd.f32 $1.000000000e+00, v44  }
0x8e8: {  	(erf) = vrcp.f32 v43  }
0x8e9: {  	(erf) = vrcp.f32 v30;
	_ =	sdelay $0x3  }
0x8ea: {  	v45 =	vpop (erf)  }
0x8eb: {  	v46 =	vpop (erf)  }
0x8ec: {  	v47 =	vpop (erf)  }
0x8ed: {  	v24 =	vmul.f32 v45, v25;
	v30 =	vpop (erf)  }
0x8ee: {  	v26 =	vmul.f32 v46, v26;
	v48 =	vpop (erf)  }
0x8ef: {  	[tilespmem:s12+$0xD760] =	vst v24;
	v24 =	vmul.f32 v48, v27;
	v50 =	vpop (erf)  }
0x8f0: {  	[tilespmem:s12+$0xD7E0] =	vst v26;
	v23 =	vmul.f32 v50, v23  }
0x8f1: {  	v49 =	vld [tilespmem:s12+$0x17F0];
	[tilespmem:s2+$0xD750] =	vst v24  }
0x8f2: {  	v51 =	vld [tilespmem:s1+$0x30];
	[tilespmem:s2+$0xD7D0] =	vst v23  }
0x8f3: {  	v23 =	vld [tilespmem:s16+$0x20]  }
0x8f4: {  	v52 =	vld [tilespmem:s2+$0x1760]  }
0x8f5: {  	v53 =	vld [tilespmem:s2+$0x17E0];
	_ =	sdelay $0x1  }
0x8f6: {  	v54 =	vunpack.i.u.bf16.f32 v51  }
0x8f7: {  	v29 =	vadd.f32 v49, v54;
	v55 =	vunpack.i.l.bf16.f32 v23  }
0x8f8: {  	v23 =	vunpack.i.u.bf16.f32 v23;
	v26 =	vadd.f32 v52, v55  }
0x8f9: {  	v56 =	vsub.f32 $0.0e+00, v29;
	v23 =	vadd.f32 v53, v23  }
0x8fa: {  	v57 =	vsub.f32 $0.0e+00, v26  }
0x8fb: {  	v31 =	vmul.f32 $1.442695020e+00, v56;
	v58 =	vsub.f32 $0.0e+00, v23  }
0x8fc: {  	v27 =	vmul.f32 $1.442695020e+00, v57  }
0x8fd: {  	(erf) = vpow2.f32 v31;
	v59 =	vmul.f32 $1.442695020e+00, v58  }
0x8fe: {  	(erf) = vpow2.f32 v27  }
0x8ff: {  	(erf) = vpow2.f32 v59;
	_ =	sdelay $0x6  }
0x900: {  	v60 =	vpop (erf)  }
0x901: {  	v27 =	vadd.f32 $1.000000000e+00, v60;
	v61 =	vpop (erf)  }
0x902: {  	v31 =	vadd.f32 $1.000000000e+00, v61;
	v62 =	vpop (erf)  }
0x903: {  	(erf) = vrcp.f32 v27;
	v27 =	vadd.f32 $1.000000000e+00, v62  }
0x904: {  	(erf) = vrcp.f32 v31  }
0x905: {  	(erf) = vrcp.f32 v27;
	_ =	sdelay $0x6  }
0x906: {  	v63 =	vpop (erf)  }
0x907: {  	v31 =	vpop (erf)  }
0x908: {  	v26 =	vmul.f32 v31, v26;
	v33 =	vpop (erf)  }
0x909: {  	v23 =	vmul.f32 v33, v23  }
0x90a: {  	[tilespmem:s2+$0xD760] =	vst v26  }
0x90b: {  	[tilespmem:s2+$0xD7E0] =	vst v23  }
0x90c: {  	v23 =	vld [tilespmem:s16+$0x30]  }
0x90d: {  	v34 =	vld [tilespmem:s2+$0x17F0];
	_ =	sdelay $0x1  }
0x90e: {  	v24 =	vunpack.i.l.bf16.f32 v51  }
0x90f: {  	v7 =	vadd.f32 v7, v24  }
0x910: {  	v35 =	vunpack.i.u.bf16.f32 v23  }
0x911: {  	v36 =	vsub.f32 $0.0e+00, v7;
	v24 =	vadd.f32 v34, v35;
	_ =	sdelay $0x1  }
0x912: {  	v37 =	vmul.f32 $1.442695020e+00, v36;
	v38 =	vsub.f32 $0.0e+00, v24  }
0x913: {  	v25 =	vadd.f32 $1.000000000e+00, v47  }
0x914: {  	(erf) = vpow2.f32 v37;
	v39 =	vmul.f32 $1.442695020e+00, v38  }
0x915: {  	(erf) = vrcp.f32 v25  }
0x916: {  	(erf) = vpow2.f32 v39;
	_ =	sdelay $0x5  }
0x917: {  	v23 =	vunpack.i.l.bf16.f32 v23  }
0x918: {  	v40 =	vpop (erf);
	v10 =	vadd.f32 v10, v23  }
0x919: {  	v41 =	vpop (erf)  }
0x91a: {  	v42 =	vsub.f32 $0.0e+00, v10;
	v43 =	vpop (erf)  }
0x91b: {  	v31 =	vadd.f32 $1.000000000e+00, v43  }
0x91c: {  	v26 =	vmul.f32 $1.442695020e+00, v42  }
0x91d: {  	(erf) = vrcp.f32 v31  }
0x91e: {  	(erf) = vpow2.f32 v26;
	_ =	sdelay $0x6  }
0x91f: {  	v0 =	vmul.f32 v8, v0  }
0x920: {  	v44 =	vmul.f32 v11, v9;
	v45 =	vpop (erf)  }
0x921: {  	[tilespmem:s4+$0xD770] =	vst v0;
	v46 =	vmul.f32 v12, v6;
	v47 =	vadd.f32 $1.000000000e+00, v40;
	v48 =	vpop (erf)  }
0x922: {  	[tilespmem:s10+$0xD7F0] =	vst v44;
	v50 =	vmul.f32 v15, v2;
	v11 =	vadd.f32 $1.000000000e+00, v48  }
0x923: {  	[tilespmem:s8+$0xD770] =	vst v46;
	v51 =	vmul.f32 v17, v16;
	(erf) = vrcp.f32 v47  }
0x924: {  	v49 =	vmul.f32 v14, v13;
	[tilespmem:s10+$0xD770] =	vst v50;
	(erf) = vrcp.f32 v11  }
0x925: {  	v54 =	vmul.f32 v21, v1;
	[tilespmem:s15+$0xD7F0] =	vst v51  }
0x926: {  	[tilespmem:s14+$0xD7F0] =	vst v49;
	v56 =	vmul.f32 v30, v4  }
0x927: {  	[tilespmem:s15+$0xD770] =	vst v54;
	v52 =	vmul.f32 v18, v3  }
0x928: {  	[tilespmem:s18+$0xD770] =	vst v56;
	v53 =	vmul.f32 v20, v19  }
0x929: {  	v55 =	vmul.f32 v28, v22;
	[tilespmem:s14+$0xD770] =	vst v52  }
0x92a: {  	[tilespmem:s18+$0xD7F0] =	vst v53;
	v57 =	vmul.f32 v63, v29  }
0x92b: {  	[tilespmem:s19+$0xD7F0] =	vst v55;
	v58 =	vmul.f32 v41, v5  }
0x92c: {  	[tilespmem:s12+$0xD7F0] =	vst v57;
	v59 =	vmul.f32 v45, v24;
	v60 =	vpop (erf)  }
0x92d: {  	[tilespmem:s19+$0xD770] =	vst v58;
	v61 =	vmul.f32 v60, v7;
	v62 =	vpop (erf)  }
0x92e: {  	[tilespmem:s2+$0xD7F0] =	vst v59;
	v63 =	vmul.f32 v62, v10  }
0x92f: {  	[tilespmem:s12+$0xD770] =	vst v61  }
0x930: {  	[tilespmem:s2+$0xD770] =	vst v63  }
0x931: {  	s24 =	simm.s32 $0xD700;
	s23 =	rddreg [dreg:$0xf]  }
0x932: {  	[hbm4b:s23+s5] =	stream.linear.scatter [tilespmem:s24], [sflag:$0x5], $0x4000, $0x38;
	[tilespmem:$0x15700] =	vst v63  }
0x933: {  	_ =	swait.ge [sflag:s3], $0x80  }
0x934: {  	[sflag:s3] =	ssyncset.done $0x0  }
0x935: {  	[sflag:s3] =	ssyncadd.s32 $0xFFFFFF80  }
0x936: {  	_ =	swait.ge [sflag:s3], $0x80  }
0x937: {  	[sflag:s3] =	ssyncset.done $0x0  }
0x938: {  	[sflag:s3] =	ssyncadd.s32 $0xFFFFFF80  }
0x939: {  	_ =	swait.ge [sflag:s13], $0x2000  }
0x93a: {  	[sflag:s13] =	ssyncset.done $0x0  }
0x93b: {  	s28 =	simm.s32 $0x6;
	[sflag:s13] =	ssyncadd.s32 $0xFFFFE000  }
0x93c: {  	_ =	swait.ge [sflag:s28], $0x4000  }
0x93d: {  	[sflag:s28] =	ssyncset.done $0x0  }
0x93e: {  	[sflag:s28] =	ssyncadd.s32 $0xFFFFC000  }
0x93f: {  	_ =	swait.ge [sflag:s7], $0x4000  }
0x940: {  	s30 =	rddreg [dreg:$0x12]  }
0x941: {  	s31 =	rddreg [dreg:$0x10];
	s1 =	sadd.s32 $0x1, s30  }
0x942: {  	p0 =	sne.s32 s1, s31  }
.Ltmp7:
0x943: {  	_ = 	snop;
	(pc) =	sbr.rel @p0 .LBB2_1-.Ltmp7, $3  }
0x944: {  	_ =	sdelay $0x1  }
0x945: {  	[sflag:s7] =	ssyncset.done $0x0  }
0x946: {  	[sflag:s7] =	ssyncadd.s32 $0xFFFFC000  }
0x947: {  	_ =	sfence.sel $0x180000  }
0x948: {  	[bflag:$0x0] =	sbarrier.arrive $0xFFFF  }
0x949: {  	_ =	strace $0x90000047  }
0x94a: {  	s0 =	stileid.u32;
	[bflag:$0x2] =	sbarrier.arrive $0xFFFF  }
0x94b: {  	p0 =	sne.s32 s0, $0x0;
	s0 =	rddreg [dreg:$0x4]  }
0x94c: {  	s0 =	sadd.s32 @!p0 $0x100000, s0  }
0x94d: {  	[sflag:s0] =	ssyncadd.tile.s32 @!p0 $0x1;
	_ =	shalt  }
.Lfunc_end2:
_tile_overlayer_lowered:
.L_overlay_start_2:
0x94e: {  	(tag) =	ssettag $0x2  }
0x94f: {  	s0 =	rddreg [dreg:$0x0];
	s2 =	stileid.u32  }
0x950: {  	s1 =	rddreg [dreg:$0x1];
	p0 =	sne.s32 s2, $0x0  }
0x951: {  	s3 =	rddreg [dreg:$0x2];
	[bflag:$0x3] =	sbarrier.arrive $0xFFFF;
	s2 =	simm.s32 @!p0 $0x1C07  }
0x952: {  	[timem:s3], [sflag:s2] =	dma.local @!p0 [hbm:s0], s1  }
0x953: {  	s0 =	simm.s32 @!p0 $0x7  }
0x954: {  	_ =	swait.ge @!p0 [sflag:s0], s1  }
0x955: {  	s1 =	ssub.s32 @!p0 $0x0, s1;
	[sflag:s0] =	ssyncset.done @!p0 $0x0  }
0x956: {  	[sflag:s0] =	ssyncadd.s32 @!p0 s1  }
0x957: {  	[bflag:$0x3] =	sbarrier.arrive $0xFFFF  }
0x958: {  	_ =	shalt  }

</sc_bundles>
